<compile_context>
chip_gen: v7x
topology: tpu7x:2x2x1
jax: 0.10.2.dev20260603
libtpu: 0.0.44.dev20260713+nightly
codegen_flags: <defaults>
</compile_context>

<pallas_src>
import functools

import jax
import jax.numpy as jnp
from jax import lax
from jax.experimental import pallas as pl
from jax.experimental.pallas import tpu as pltpu
from jax.experimental.pallas import tpu_sc as plsc

N = 10000
E = 320000
D = 128
H = 256
HF = 128

CH = 125
ER = E // CH
NSUB = 16
NP = 10240
NROW = NP // NSUB
ER_S1 = ER // NSUB
ER_S0 = ER // (2 * NSUB)
KBS = 16

_mesh = plsc.VectorSubcoreMesh(core_axis_name="c", subcore_axis_name="s")


def _sc_degree_body(dst2d, ones80, zeros16, out0, out1, dst_v, ones_v, deg_s):
    c = lax.axis_index("c")
    s = lax.axis_index("s")
    r0 = s * NROW
    e0 = c * (ER // 2) + s * ER_S0
    pltpu.sync_copy(ones80, ones_v)
    pltpu.sync_copy(dst2d.at[pl.ds(e0, ER_S0)], dst_v)
    pltpu.sync_copy(zeros16.at[pl.ds(r0, NROW)], deg_s.at[pl.ds(r0, NROW)])
    plsc.subcore_barrier()

    def body(j, carry):
        pltpu.sync_copy(ones_v, deg_s.at[dst_v.at[j]], add=True)
        return carry

    lax.fori_loop(0, ER_S0, body, 0)
    plsc.subcore_barrier()

    @pl.when(c == 0)
    def _():
        pltpu.sync_copy(deg_s.at[pl.ds(r0, NROW)], out0.at[pl.ds(r0, NROW)])

    @pl.when(c == 1)
    def _():
        pltpu.sync_copy(deg_s.at[pl.ds(r0, NROW)], out1.at[pl.ds(r0, NROW)])


_sc_degree = functools.partial(
    pl.kernel,
    out_type=[jax.ShapeDtypeStruct((NP, 16), jnp.float32),
              jax.ShapeDtypeStruct((NP, 16), jnp.float32)],
    mesh=_mesh,
    scratch_types=[
        pltpu.VMEM((ER_S0, CH), jnp.int32),
        pltpu.VMEM((CH, 16), jnp.float32),
        pltpu.VMEM_SHARED((NP, 16), jnp.float32),
    ],
    compiler_params=pltpu.CompilerParams(use_tc_tiling_on_sc=False),
)(_sc_degree_body)


def _sc_scatter_body(hta, htb, src2d, dst2d, outa, outb,
                src_v0, dst_v0, src_v1, dst_v1, rows_v0, rows_v1,
                sem0, sem1, isem, agg_s):
    c = lax.axis_index("c")
    s = lax.axis_index("s")
    r0 = s * NROW
    NBLK = ER_S1 // KBS
    NSB = NBLK // 2

    def run(tbl, out):
        e_base = s * ER_S1
        pltpu.sync_copy(src2d.at[pl.ds(e_base, KBS)], src_v0)
        pltpu.sync_copy(dst2d.at[pl.ds(e_base, KBS)], dst_v0)
        pltpu.async_copy(tbl.at[src_v0.at[0]], rows_v0, sem0)
        pltpu.async_copy(tbl.at[src_v0.at[1]], rows_v1, sem1)
        pltpu.sync_copy(tbl.at[pl.ds(r0, NROW)], agg_s.at[pl.ds(r0, NROW)])
        plsc.subcore_barrier()

        def block(sv, dv, sv_next, dv_next, e_next, more):
            @pl.when(more)
            def _():
                pltpu.async_copy(src2d.at[pl.ds(e_next, KBS)], sv_next, isem)
                pltpu.async_copy(dst2d.at[pl.ds(e_next, KBS)], dv_next, isem)

            def pair(q, carry2):
                j0 = 2 * q
                pltpu.make_async_copy(tbl.at[sv.at[j0]], rows_v0, sem0).wait()
                pltpu.sync_copy(rows_v0, agg_s.at[dv.at[j0]], add=True)
                pltpu.async_copy(tbl.at[sv.at[j0 + 2]], rows_v0, sem0)
                pltpu.make_async_copy(tbl.at[sv.at[j0 + 1]], rows_v1, sem1).wait()
                pltpu.sync_copy(rows_v1, agg_s.at[dv.at[j0 + 1]], add=True)
                pltpu.async_copy(tbl.at[sv.at[j0 + 3]], rows_v1, sem1)
                return carry2

            lax.fori_loop(0, KBS // 2 - 1, pair, 0)

            @pl.when(more)
            def _():
                pltpu.make_async_copy(src2d.at[pl.ds(e_next, KBS)], sv_next,
                                      isem).wait()
                pltpu.make_async_copy(dst2d.at[pl.ds(e_next, KBS)], dv_next,
                                      isem).wait()
            pltpu.make_async_copy(tbl.at[sv.at[KBS - 2]], rows_v0, sem0).wait()
            pltpu.sync_copy(rows_v0, agg_s.at[dv.at[KBS - 2]], add=True)

            @pl.when(more)
            def _():
                pltpu.async_copy(tbl.at[sv_next.at[0]], rows_v0, sem0)
            pltpu.make_async_copy(tbl.at[sv.at[KBS - 1]], rows_v1, sem1).wait()
            pltpu.sync_copy(rows_v1, agg_s.at[dv.at[KBS - 1]], add=True)

            @pl.when(more)
            def _():
                pltpu.async_copy(tbl.at[sv_next.at[1]], rows_v1, sem1)

        def superblock(p, carry):
            eA = e_base + (2 * p) * KBS
            block(src_v0, dst_v0, src_v1, dst_v1, eA + KBS, True)
            block(src_v1, dst_v1, src_v0, dst_v0, eA + 2 * KBS, p < NSB - 1)
            return carry

        lax.fori_loop(0, NSB, superblock, 0)
        plsc.subcore_barrier()
        pltpu.sync_copy(agg_s.at[pl.ds(r0, NROW)], out.at[pl.ds(r0, NROW)])

    @pl.when(c == 0)
    def _():
        run(hta, outa)

    @pl.when(c == 1)
    def _():
        run(htb, outb)


_sc_scatter = functools.partial(
    pl.kernel,
    out_type=[jax.ShapeDtypeStruct((NP, HF), jnp.float32),
              jax.ShapeDtypeStruct((NP, HF), jnp.float32)],
    mesh=_mesh,
    scratch_types=[
        pltpu.VMEM((KBS, CH), jnp.int32),
        pltpu.VMEM((KBS, CH), jnp.int32),
        pltpu.VMEM((KBS, CH), jnp.int32),
        pltpu.VMEM((KBS, CH), jnp.int32),
        pltpu.VMEM((CH, HF), jnp.float32),
        pltpu.VMEM((CH, HF), jnp.float32),
        pltpu.SemaphoreType.DMA,
        pltpu.SemaphoreType.DMA,
        pltpu.SemaphoreType.DMA,
        pltpu.VMEM_SHARED((NP, HF), jnp.float32),
    ],
)(_sc_scatter_body)


RB = 512
GRID = NP // RB
RB3 = 400
GRID3 = N // RB3


def _dis_from(deg0_ref, deg1_ref):
    deg = deg0_ref[:, :1] + deg1_ref[:, :1] + 1.0
    return lax.rsqrt(deg)


def _t1_body(x_ref, w1_ref, deg0_ref, deg1_ref, hta_ref, htb_ref):
    dis = _dis_from(deg0_ref, deg1_ref)
    h = jnp.dot(x_ref[...], w1_ref[...], preferred_element_type=jnp.float32)
    ht = h * dis
    hta_ref[...] = ht[:, :HF]
    htb_ref[...] = ht[:, HF:]


def _t2_body(x_ref, agga_ref, aggb_ref, deg0_ref, deg1_ref,
             w2_ref, l1w_ref, l2w_ref, b1_ref, l1b_ref, g1_ref, be1_ref,
             rm1_ref, rv1_ref,
             h1_ref, ht2a_ref, ht2b_ref):
    dis = _dis_from(deg0_ref, deg1_ref)
    agg = jnp.concatenate([agga_ref[...], aggb_ref[...]], axis=1)
    gcn1 = dis * agg + b1_ref[...]
    pre = gcn1 + jnp.dot(x_ref[...], l1w_ref[...],
                         preferred_element_type=jnp.float32) + l1b_ref[...]
    scale1 = g1_ref[...] * lax.rsqrt(rv1_ref[...] + 1e-5)
    shift1 = be1_ref[...] - rm1_ref[...] * scale1
    h1 = jnp.maximum(pre * scale1 + shift1, 0.0)
    h1_ref[...] = h1
    ht2 = dis * jnp.dot(h1, w2_ref[...], preferred_element_type=jnp.float32)
    ht2a_ref[...] = ht2[:, :HF]
    ht2b_ref[...] = ht2[:, HF:]


def _t3_body(h1_ref, agga_ref, aggb_ref, l2w_ref,
             deg0_ref, deg1_ref, b2_ref, l2b_ref, g2_ref, be2_ref,
             rm2_ref, rv2_ref, out_ref):
    dis = _dis_from(deg0_ref, deg1_ref)
    agg = jnp.concatenate([agga_ref[...], aggb_ref[...]], axis=1)
    gcn2 = dis * agg + b2_ref[...]
    pre = gcn2 + jnp.dot(h1_ref[...], l2w_ref[...],
                         preferred_element_type=jnp.float32) + l2b_ref[...]
    scale2 = g2_ref[...] * lax.rsqrt(rv2_ref[...] + 1e-5)
    shift2 = be2_ref[...] - rm2_ref[...] * scale2
    out_ref[...] = h1_ref[...] + jnp.maximum(pre * scale2 + shift2, 0.0)


def _rows(width, rb=RB):
    return pl.BlockSpec((rb, width), lambda i: (i, 0))


def _full(r, cdim):
    return pl.BlockSpec((r, cdim), lambda i: (0, 0))


def kernel(x, edge_index, W1, b1, L1W, L1b, g1, be1, rm1, rv1,
           W2, b2, L2W, L2b, g2, be2, rm2, rv2):
    f32 = jnp.float32
    src2d = edge_index[0].reshape(ER, CH)
    dst2d = edge_index[1].reshape(ER, CH)
    zeros16 = jnp.zeros((NP, 16), f32)
    ones80 = jnp.ones((CH, 16), f32)
    xp = jnp.concatenate([x, jnp.zeros((NP - N, D), f32)], axis=0)
    row1 = lambda v: v.reshape(1, H)

    deg0, deg1 = _sc_degree(dst2d, ones80, zeros16)

    t1 = pl.pallas_call(
        _t1_body,
        grid=(GRID,),
        in_specs=[_rows(D), _full(D, H), _rows(16), _rows(16)],
        out_specs=[_rows(HF), _rows(HF)],
        out_shape=[jax.ShapeDtypeStruct((NP, HF), f32)] * 2,
    )
    hta, htb = t1(xp, W1, deg0, deg1)

    agg1a, agg1b = _sc_scatter(hta, htb, src2d, dst2d)

    t2 = pl.pallas_call(
        _t2_body,
        grid=(GRID,),
        in_specs=[_rows(D), _rows(HF), _rows(HF),
                  _rows(16), _rows(16),
                  _full(H, H), _full(D, H), _full(H, H)] + [_full(1, H)] * 6,
        out_specs=[_rows(H), _rows(HF), _rows(HF)],
        out_shape=[jax.ShapeDtypeStruct((NP, H), f32),
                   jax.ShapeDtypeStruct((NP, HF), f32),
                   jax.ShapeDtypeStruct((NP, HF), f32)],
    )
    h1, ht2a, ht2b = t2(xp, agg1a, agg1b, deg0, deg1,
                               W2, L1W, L2W, row1(b1), row1(L1b), row1(g1),
                               row1(be1), row1(rm1), row1(rv1))

    agg2a, agg2b = _sc_scatter(ht2a, ht2b, src2d, dst2d)

    t3 = pl.pallas_call(
        _t3_body,
        grid=(GRID3,),
        in_specs=[_rows(H, RB3), _rows(HF, RB3), _rows(HF, RB3), _full(H, H),
                  _rows(16, RB3), _rows(16, RB3)] + [_full(1, H)] * 6,
        out_specs=_rows(H, RB3),
        out_shape=jax.ShapeDtypeStruct((N, H), f32),
    )
    out = t3(h1, agg2a, agg2b, L2W, deg0, deg1,
             row1(b2), row1(L2b), row1(g2), row1(be2), row1(rm2), row1(rv2))
    return out

# --- scband reference (transcript-rebuilt; emitter-appended) ---
"""Pipeline reference for scband-py-g-gcnencoder-14130442403862 (READ-ONLY COPY).

The authoritative reference and input builder live on the scoring server;
editing this copy changes nothing except your own understanding.
"""

import jax, jax.numpy as jnp
import numpy as np

N = 10000
E = 320000
D = 128
H = 256


def setup_inputs(seed: int = 0) -> dict:
    key = jax.random.key(seed)
    ks = jax.random.split(key, 12)
    inp = {}
    inp["x"] = jax.random.normal(ks[0], (N, D), dtype=jnp.float32)
    inp["edge_index"] = jax.random.randint(ks[1], (2, E), 0, N, dtype=jnp.int32)
    # GCNConv layer 1 (in=128 -> out=256)
    inp["W1"] = jax.random.normal(ks[2], (D, H), dtype=jnp.float32) * (1.0 / np.sqrt(D))
    inp["b1"] = jnp.zeros((H,), dtype=jnp.float32)
    # Linear skip 1 (128 -> 256)
    inp["L1W"] = jax.random.normal(ks[3], (D, H), dtype=jnp.float32) * (1.0 / np.sqrt(D))
    inp["L1b"] = jnp.zeros((H,), dtype=jnp.float32)
    # BatchNorm 1 (eval mode: running stats)
    inp["g1"] = jnp.ones((H,), dtype=jnp.float32)
    inp["be1"] = jnp.zeros((H,), dtype=jnp.float32)
    inp["rm1"] = jnp.zeros((H,), dtype=jnp.float32)
    inp["rv1"] = jnp.ones((H,), dtype=jnp.float32)
    # GCNConv layer 2 (256 -> 256)
    inp["W2"] = jax.random.normal(ks[4], (H, H), dtype=jnp.float32) * (1.0 / np.sqrt(H))
    inp["b2"] = jnp.zeros((H,), dtype=jnp.float32)
    # Linear skip 2 (256 -> 256)
    inp["L2W"] = jax.random.normal(ks[5], (H, H), dtype=jnp.float32) * (1.0 / np.sqrt(H))
    inp["L2b"] = jnp.zeros((H,), dtype=jnp.float32)
    # BatchNorm 2
    inp["g2"] = jnp.ones((H,), dtype=jnp.float32)
    inp["be2"] = jnp.zeros((H,), dtype=jnp.float32)
    inp["rm2"] = jnp.zeros((H,), dtype=jnp.float32)
    inp["rv2"] = jnp.ones((H,), dtype=jnp.float32)
    return inp


def _gcn_conv(x, edge_index, W, b):
    # PyG GCNConv with normalize=True: add self-loops, sym-normalized scatter-add
    n = x.shape[0]
    src = edge_index[0]
    dst = edge_index[1]
    loop = jnp.arange(n, dtype=src.dtype)
    s = jnp.concatenate([src, loop])
    d = jnp.concatenate([dst, loop])
    deg = jnp.zeros((n,), dtype=x.dtype).at[d].add(1.0)
    deg_inv_sqrt = jnp.where(deg > 0, 1.0 / jnp.sqrt(deg), 0.0)
    norm = deg_inv_sqrt[s] * deg_inv_sqrt[d]
    h = x @ W
    msg = h[s] * norm[:, None]
    out = jnp.zeros((n, W.shape[1]), dtype=x.dtype).at[d].add(msg)
    return out + b


def _bn_eval(x, g, be, rm, rv, eps=1e-5):
    return (x - rm) * (g / jnp.sqrt(rv + eps)) + be


def reference(x, edge_index, W1, b1, L1W, L1b, g1, be1, rm1, rv1, W2, b2, L2W, L2b, g2, be2, rm2, rv2):
    # eval mode: dropout is identity
    h = _gcn_conv(x, edge_index, W1, b1) + x @ L1W + L1b
    h = jax.nn.relu(_bn_eval(h, g1, be1, rm1, rv1))
    x_local = h
    h2 = _gcn_conv(h, edge_index, W2, b2) + h @ L2W + L2b
    h2 = jax.nn.relu(_bn_eval(h2, g2, be2, rm2, rv2))
    x_local = x_local + h2
    return x_local


if False:  # reference __main__ guard neutralized (emitter)
    out = reference(**setup_inputs())
    print(out.shape, out.dtype)

if __name__ == "__main__":
    import jax
    _d = setup_inputs()
    print(jax.jit(kernel)(*tuple(_d.values())))

</pallas_src>

<mosaic_0001>
#map = affine_map<(d0, d1) -> (0, 0)>
module attributes {stable_mosaic.version = 14 : i64} {
  func.func @_sc_degree_body(%arg0: i32, %arg1: i32, %arg2: memref<2560x125xi32, #tpu.memory_space<hbm>>, %arg3: memref<125x16xf32, #tpu.memory_space<hbm>>, %arg4: memref<10240x16xf32, #tpu.memory_space<hbm>>, %arg5: memref<10240x16xf32, #tpu.memory_space<hbm>>, %arg6: memref<10240x16xf32, #tpu.memory_space<hbm>>, %arg7: memref<80x125xi32, #tpu.memory_space<vmem>>, %arg8: memref<125x16xf32, #tpu.memory_space<vmem>>, %arg9: memref<10240x16xf32, #tpu.memory_space<vmem_shared>>) attributes {dimension_semantics = [#tpu.dimension_semantics<core_parallel>, #tpu.dimension_semantics<subcore_parallel>], iteration_bounds = array<i64: 2, 16>, scalar_prefetch = 0 : i64, scratch_operands = 3 : i64, tpu.core_type = #tpu.core_type<sc_vector_subcore>, window_params = [{transform_indices = #map}, {transform_indices = #map}, {transform_indices = #map}, {transform_indices = #map}, {transform_indices = #map}]} {
    %mul3A = arith.constant 640 : i32
    %mul3A_0 = arith.muli %arg1, %mul3A : i32
    %mul3A_1 = arith.constant 1280 : i32
    %mul3A_2 = arith.muli %arg0, %mul3A_1 : i32
    %mul3A_3 = arith.constant 80 : i32
    %mul3A_4 = arith.muli %arg1, %mul3A_3 : i32
    %add3A = arith.addi %mul3A_2, %mul3A_4 : i32
    "tpu.region"() ({
      %run_scoped3A = tpu.sem_alloc : memref<!tpu.dma_semaphore, #tpu.memory_space<semaphore_mem>>
      tpu.enqueue_dma source(%arg3 : memref<125x16xf32, #tpu.memory_space<hbm>>) target(%arg8 : memref<125x16xf32, #tpu.memory_space<vmem>>) target_semaphore(%run_scoped3A : memref<!tpu.dma_semaphore, #tpu.memory_space<semaphore_mem>>)
      tpu.wait_dma2 semaphore(%run_scoped3A : memref<!tpu.dma_semaphore, #tpu.memory_space<semaphore_mem>>) src(%arg3 : memref<125x16xf32, #tpu.memory_space<hbm>>) dst(%arg8 : memref<125x16xf32, #tpu.memory_space<vmem>>)
      tpu.yield
    }) : () -> ()
    "tpu.region"() ({
      %run_scoped3A = tpu.sem_alloc : memref<!tpu.dma_semaphore, #tpu.memory_space<semaphore_mem>>
      %dma_start3A = arith.constant 0 : i32
      %dma_start3A_18 = tpu.memref_slice %arg2[%add3A, %dma_start3A] : memref<2560x125xi32, #tpu.memory_space<hbm>> -> memref<80x125xi32, #tpu.memory_space<hbm>>
      %dma_start3A_19 = arith.constant 0 : i32
      %dma_start3A_20 = tpu.memref_slice %arg2[%add3A, %dma_start3A_19] : memref<2560x125xi32, #tpu.memory_space<hbm>> -> memref<80x125xi32, #tpu.memory_space<hbm>>
      tpu.enqueue_dma source(%dma_start3A_20 : memref<80x125xi32, #tpu.memory_space<hbm>>) target(%arg7 : memref<80x125xi32, #tpu.memory_space<vmem>>) target_semaphore(%run_scoped3A : memref<!tpu.dma_semaphore, #tpu.memory_space<semaphore_mem>>)
      %dma_wait3A = arith.constant 0 : i32
      %dma_wait3A_21 = tpu.memref_slice %arg2[%add3A, %dma_wait3A] : memref<2560x125xi32, #tpu.memory_space<hbm>> -> memref<80x125xi32, #tpu.memory_space<hbm>>
      %dma_wait3A_22 = arith.constant 0 : i32
      %dma_wait3A_23 = tpu.memref_slice %arg2[%add3A, %dma_wait3A_22] : memref<2560x125xi32, #tpu.memory_space<hbm>> -> memref<80x125xi32, #tpu.memory_space<hbm>>
      tpu.wait_dma2 semaphore(%run_scoped3A : memref<!tpu.dma_semaphore, #tpu.memory_space<semaphore_mem>>) src(%dma_wait3A_23 : memref<80x125xi32, #tpu.memory_space<hbm>>) dst(%arg7 : memref<80x125xi32, #tpu.memory_space<vmem>>)
      tpu.yield
    }) : () -> ()
    "tpu.region"() ({
      %run_scoped3A = tpu.sem_alloc : memref<!tpu.dma_semaphore, #tpu.memory_space<semaphore_mem>>
      %dma_start3A = arith.constant 0 : i32
      %dma_start3A_18 = tpu.memref_slice %arg9[%mul3A_0, %dma_start3A] : memref<10240x16xf32, #tpu.memory_space<vmem_shared>> -> memref<640x16xf32, #tpu.memory_space<vmem_shared>>
      %dma_start3A_19 = arith.constant 0 : i32
      %dma_start3A_20 = tpu.memref_slice %arg4[%mul3A_0, %dma_start3A_19] : memref<10240x16xf32, #tpu.memory_space<hbm>> -> memref<640x16xf32, #tpu.memory_space<hbm>>
      tpu.enqueue_dma source(%dma_start3A_20 : memref<640x16xf32, #tpu.memory_space<hbm>>) target(%dma_start3A_18 : memref<640x16xf32, #tpu.memory_space<vmem_shared>>) target_semaphore(%run_scoped3A : memref<!tpu.dma_semaphore, #tpu.memory_space<semaphore_mem>>)
      %dma_wait3A = arith.constant 0 : i32
      %dma_wait3A_21 = tpu.memref_slice %arg9[%mul3A_0, %dma_wait3A] : memref<10240x16xf32, #tpu.memory_space<vmem_shared>> -> memref<640x16xf32, #tpu.memory_space<vmem_shared>>
      %dma_wait3A_22 = arith.constant 0 : i32
      %dma_wait3A_23 = tpu.memref_slice %arg4[%mul3A_0, %dma_wait3A_22] : memref<10240x16xf32, #tpu.memory_space<hbm>> -> memref<640x16xf32, #tpu.memory_space<hbm>>
      tpu.wait_dma2 semaphore(%run_scoped3A : memref<!tpu.dma_semaphore, #tpu.memory_space<semaphore_mem>>) src(%dma_wait3A_23 : memref<640x16xf32, #tpu.memory_space<hbm>>) dst(%dma_wait3A_21 : memref<640x16xf32, #tpu.memory_space<vmem_shared>>)
      tpu.yield
    }) : () -> ()
    %barrier3A = arith.constant 0 : index
    tpu.barrier barrier_id(%barrier3A)
    %scan3A = arith.constant 0 : i32
    %scan3A_5 = arith.constant 0 : i32
    %scan3A_6 = arith.constant 80 : i32
    %scan3A_7 = arith.addi %scan3A_5, %scan3A_6 : i32
    %scan3A_8 = arith.constant 1 : i32
    scf.for %scan3A_18 = %scan3A_5 to %scan3A_7 step %scan3A_8  : i32 {
      "tpu.region"() ({
        %run_scoped3A = tpu.sem_alloc : memref<!tpu.dma_semaphore, #tpu.memory_space<semaphore_mem>>
        %dma_start3A = arith.constant 0 : i32
        %dma_start3A_19 = tpu.memref_slice %arg7[%scan3A_18, %dma_start3A] : memref<80x125xi32, #tpu.memory_space<vmem>> -> memref<1x125xi32, #tpu.memory_space<vmem>>
        %dma_start3A_20 = tpu.memref_squeeze %dma_start3A_19 : memref<1x125xi32, #tpu.memory_space<vmem>> -> memref<125xi32, #tpu.memory_space<vmem>>
        %dma_start3A_21 = arith.constant 0 : i32
        %dma_start3A_22 = arith.constant 0 : i32
        %dma_start3A_23 = tpu.memref_slice %arg9[%dma_start3A_21, %dma_start3A_22] : memref<10240x16xf32, #tpu.memory_space<vmem_shared>> -> memref<10240x16xf32, #tpu.memory_space<vmem_shared>>
        tpu.enqueue_indirect_dma source(%arg8 : memref<125x16xf32, #tpu.memory_space<vmem>>) target(%dma_start3A_23 : memref<10240x16xf32, #tpu.memory_space<vmem_shared>>) offsets(%dma_start3A_20 : memref<125xi32, #tpu.memory_space<vmem>>) semaphore(%run_scoped3A : memref<!tpu.dma_semaphore, #tpu.memory_space<semaphore_mem>>) {add = true}
        %dma_wait3A = arith.constant 0 : i32
        %dma_wait3A_24 = tpu.memref_slice %arg7[%scan3A_18, %dma_wait3A] : memref<80x125xi32, #tpu.memory_space<vmem>> -> memref<1x125xi32, #tpu.memory_space<vmem>>
        %dma_wait3A_25 = tpu.memref_squeeze %dma_wait3A_24 : memref<1x125xi32, #tpu.memory_space<vmem>> -> memref<125xi32, #tpu.memory_space<vmem>>
        %dma_wait3A_26 = arith.constant 0 : i32
        %dma_wait3A_27 = arith.constant 0 : i32
        %dma_wait3A_28 = tpu.memref_slice %arg9[%dma_wait3A_26, %dma_wait3A_27] : memref<10240x16xf32, #tpu.memory_space<vmem_shared>> -> memref<10240x16xf32, #tpu.memory_space<vmem_shared>>
        tpu.wait_indirect_dma semaphore(%run_scoped3A : memref<!tpu.dma_semaphore, #tpu.memory_space<semaphore_mem>>) src(%arg8 : memref<125x16xf32, #tpu.memory_space<vmem>>) dst(%dma_wait3A_28 : memref<10240x16xf32, #tpu.memory_space<vmem_shared>>)
        tpu.yield
      }) : () -> ()
    }
    %scan3A_9 = arith.constant 80 : i32
    %barrier3A_10 = arith.constant 0 : index
    tpu.barrier barrier_id(%barrier3A_10)
    %eq3A = arith.constant 0 : i32
    %eq3A_11 = arith.cmpi eq, %arg0, %eq3A : i32
    %convert_element_type3A = arith.extui %eq3A_11 : i1 to i32
    %cond3A = arith.constant 0 : i32
    %cond3A_12 = arith.cmpi ne, %convert_element_type3A, %cond3A : i32
    scf.if %cond3A_12 {
      "tpu.region"() ({
        %run_scoped3A = tpu.sem_alloc : memref<!tpu.dma_semaphore, #tpu.memory_space<semaphore_mem>>
        %dma_start3A = arith.constant 0 : i32
        %dma_start3A_18 = tpu.memref_slice %arg5[%mul3A_0, %dma_start3A] : memref<10240x16xf32, #tpu.memory_space<hbm>> -> memref<640x16xf32, #tpu.memory_space<hbm>>
        %dma_start3A_19 = arith.constant 0 : i32
        %dma_start3A_20 = tpu.memref_slice %arg9[%mul3A_0, %dma_start3A_19] : memref<10240x16xf32, #tpu.memory_space<vmem_shared>> -> memref<640x16xf32, #tpu.memory_space<vmem_shared>>
        tpu.enqueue_dma source(%dma_start3A_20 : memref<640x16xf32, #tpu.memory_space<vmem_shared>>) target(%dma_start3A_18 : memref<640x16xf32, #tpu.memory_space<hbm>>) target_semaphore(%run_scoped3A : memref<!tpu.dma_semaphore, #tpu.memory_space<semaphore_mem>>)
        %dma_wait3A = arith.constant 0 : i32
        %dma_wait3A_21 = tpu.memref_slice %arg5[%mul3A_0, %dma_wait3A] : memref<10240x16xf32, #tpu.memory_space<hbm>> -> memref<640x16xf32, #tpu.memory_space<hbm>>
        %dma_wait3A_22 = arith.constant 0 : i32
        %dma_wait3A_23 = tpu.memref_slice %arg9[%mul3A_0, %dma_wait3A_22] : memref<10240x16xf32, #tpu.memory_space<vmem_shared>> -> memref<640x16xf32, #tpu.memory_space<vmem_shared>>
        tpu.wait_dma2 semaphore(%run_scoped3A : memref<!tpu.dma_semaphore, #tpu.memory_space<semaphore_mem>>) src(%dma_wait3A_23 : memref<640x16xf32, #tpu.memory_space<vmem_shared>>) dst(%dma_wait3A_21 : memref<640x16xf32, #tpu.memory_space<hbm>>)
        tpu.yield
      }) : () -> ()
    } else {
    }
    %eq3A_13 = arith.constant 1 : i32
    %eq3A_14 = arith.cmpi eq, %arg0, %eq3A_13 : i32
    %convert_element_type3A_15 = arith.extui %eq3A_14 : i1 to i32
    %cond3A_16 = arith.constant 0 : i32
    %cond3A_17 = arith.cmpi ne, %convert_element_type3A_15, %cond3A_16 : i32
    scf.if %cond3A_17 {
      "tpu.region"() ({
        %run_scoped3A = tpu.sem_alloc : memref<!tpu.dma_semaphore, #tpu.memory_space<semaphore_mem>>
        %dma_start3A = arith.constant 0 : i32
        %dma_start3A_18 = tpu.memref_slice %arg6[%mul3A_0, %dma_start3A] : memref<10240x16xf32, #tpu.memory_space<hbm>> -> memref<640x16xf32, #tpu.memory_space<hbm>>
        %dma_start3A_19 = arith.constant 0 : i32
        %dma_start3A_20 = tpu.memref_slice %arg9[%mul3A_0, %dma_start3A_19] : memref<10240x16xf32, #tpu.memory_space<vmem_shared>> -> memref<640x16xf32, #tpu.memory_space<vmem_shared>>
        tpu.enqueue_dma source(%dma_start3A_20 : memref<640x16xf32, #tpu.memory_space<vmem_shared>>) target(%dma_start3A_18 : memref<640x16xf32, #tpu.memory_space<hbm>>) target_semaphore(%run_scoped3A : memref<!tpu.dma_semaphore, #tpu.memory_space<semaphore_mem>>)
        %dma_wait3A = arith.constant 0 : i32
        %dma_wait3A_21 = tpu.memref_slice %arg6[%mul3A_0, %dma_wait3A] : memref<10240x16xf32, #tpu.memory_space<hbm>> -> memref<640x16xf32, #tpu.memory_space<hbm>>
        %dma_wait3A_22 = arith.constant 0 : i32
        %dma_wait3A_23 = tpu.memref_slice %arg9[%mul3A_0, %dma_wait3A_22] : memref<10240x16xf32, #tpu.memory_space<vmem_shared>> -> memref<640x16xf32, #tpu.memory_space<vmem_shared>>
        tpu.wait_dma2 semaphore(%run_scoped3A : memref<!tpu.dma_semaphore, #tpu.memory_space<semaphore_mem>>) src(%dma_wait3A_23 : memref<640x16xf32, #tpu.memory_space<vmem_shared>>) dst(%dma_wait3A_21 : memref<640x16xf32, #tpu.memory_space<hbm>>)
        tpu.yield
      }) : () -> ()
    } else {
    }
    return
  }
}

#map = affine_map<(d0, d1) -> (0, 0)>
module attributes {stable_mosaic.version = 14 : i64} {
  func.func @_sc_scatter_body(%arg0: i32, %arg1: i32, %arg2: memref<10240x128xf32, #tpu.memory_space<hbm>>, %arg3: memref<10240x128xf32, #tpu.memory_space<hbm>>, %arg4: memref<2560x125xi32, #tpu.memory_space<hbm>>, %arg5: memref<2560x125xi32, #tpu.memory_space<hbm>>, %arg6: memref<10240x128xf32, #tpu.memory_space<hbm>>, %arg7: memref<10240x128xf32, #tpu.memory_space<hbm>>, %arg8: memref<16x125xi32, #tpu.memory_space<vmem>>, %arg9: memref<16x125xi32, #tpu.memory_space<vmem>>, %arg10: memref<16x125xi32, #tpu.memory_space<vmem>>, %arg11: memref<16x125xi32, #tpu.memory_space<vmem>>, %arg12: memref<125x128xf32, #tpu.memory_space<vmem>>, %arg13: memref<125x128xf32, #tpu.memory_space<vmem>>, %arg14: memref<!tpu.dma_semaphore, #tpu.memory_space<semaphore_mem>>, %arg15: memref<!tpu.dma_semaphore, #tpu.memory_space<semaphore_mem>>, %arg16: memref<!tpu.dma_semaphore, #tpu.memory_space<semaphore_mem>>, %arg17: memref<10240x128xf32, #tpu.memory_space<vmem_shared>>) attributes {dimension_semantics = [#tpu.dimension_semantics<core_parallel>, #tpu.dimension_semantics<subcore_parallel>], iteration_bounds = array<i64: 2, 16>, scalar_prefetch = 0 : i64, scratch_operands = 10 : i64, tpu.core_type = #tpu.core_type<sc_vector_subcore>, window_params = [{transform_indices = #map}, {transform_indices = #map}, {transform_indices = #map}, {transform_indices = #map}, {transform_indices = #map}, {transform_indices = #map}]} {
    %mul3A = arith.constant 640 : i32
    %mul3A_0 = arith.muli %arg1, %mul3A : i32
    %eq3A = arith.constant 0 : i32
    %eq3A_1 = arith.cmpi eq, %arg0, %eq3A : i32
    %convert_element_type3A = arith.extui %eq3A_1 : i1 to i32
    %cond3A = arith.constant 0 : i32
    %cond3A_2 = arith.cmpi ne, %convert_element_type3A, %cond3A : i32
    scf.if %cond3A_2 {
      %mul3A_8 = arith.constant 160 : i32
      %mul3A_9 = arith.muli %arg1, %mul3A_8 : i32
      "tpu.region"() ({
        %run_scoped3A = tpu.sem_alloc : memref<!tpu.dma_semaphore, #tpu.memory_space<semaphore_mem>>
        %dma_start3A_29 = arith.constant 0 : i32
        %dma_start3A_30 = tpu.memref_slice %arg4[%mul3A_9, %dma_start3A_29] : memref<2560x125xi32, #tpu.memory_space<hbm>> -> memref<16x125xi32, #tpu.memory_space<hbm>>
        %dma_start3A_31 = arith.constant 0 : i32
        %dma_start3A_32 = tpu.memref_slice %arg4[%mul3A_9, %dma_start3A_31] : memref<2560x125xi32, #tpu.memory_space<hbm>> -> memref<16x125xi32, #tpu.memory_space<hbm>>
        tpu.enqueue_dma source(%dma_start3A_32 : memref<16x125xi32, #tpu.memory_space<hbm>>) target(%arg8 : memref<16x125xi32, #tpu.memory_space<vmem>>) target_semaphore(%run_scoped3A : memref<!tpu.dma_semaphore, #tpu.memory_space<semaphore_mem>>)
        %dma_wait3A = arith.constant 0 : i32
        %dma_wait3A_33 = tpu.memref_slice %arg4[%mul3A_9, %dma_wait3A] : memref<2560x125xi32, #tpu.memory_space<hbm>> -> memref<16x125xi32, #tpu.memory_space<hbm>>
        %dma_wait3A_34 = arith.constant 0 : i32
        %dma_wait3A_35 = tpu.memref_slice %arg4[%mul3A_9, %dma_wait3A_34] : memref<2560x125xi32, #tpu.memory_space<hbm>> -> memref<16x125xi32, #tpu.memory_space<hbm>>
        tpu.wait_dma2 semaphore(%run_scoped3A : memref<!tpu.dma_semaphore, #tpu.memory_space<semaphore_mem>>) src(%dma_wait3A_35 : memref<16x125xi32, #tpu.memory_space<hbm>>) dst(%arg8 : memref<16x125xi32, #tpu.memory_space<vmem>>)
        tpu.yield
      }) : () -> ()
      "tpu.region"() ({
        %run_scoped3A = tpu.sem_alloc : memref<!tpu.dma_semaphore, #tpu.memory_space<semaphore_mem>>
        %dma_start3A_29 = arith.constant 0 : i32
        %dma_start3A_30 = tpu.memref_slice %arg5[%mul3A_9, %dma_start3A_29] : memref<2560x125xi32, #tpu.memory_space<hbm>> -> memref<16x125xi32, #tpu.memory_space<hbm>>
        %dma_start3A_31 = arith.constant 0 : i32
        %dma_start3A_32 = tpu.memref_slice %arg5[%mul3A_9, %dma_start3A_31] : memref<2560x125xi32, #tpu.memory_space<hbm>> -> memref<16x125xi32, #tpu.memory_space<hbm>>
        tpu.enqueue_dma source(%dma_start3A_32 : memref<16x125xi32, #tpu.memory_space<hbm>>) target(%arg9 : memref<16x125xi32, #tpu.memory_space<vmem>>) target_semaphore(%run_scoped3A : memref<!tpu.dma_semaphore, #tpu.memory_space<semaphore_mem>>)
        %dma_wait3A = arith.constant 0 : i32
        %dma_wait3A_33 = tpu.memref_slice %arg5[%mul3A_9, %dma_wait3A] : memref<2560x125xi32, #tpu.memory_space<hbm>> -> memref<16x125xi32, #tpu.memory_space<hbm>>
        %dma_wait3A_34 = arith.constant 0 : i32
        %dma_wait3A_35 = tpu.memref_slice %arg5[%mul3A_9, %dma_wait3A_34] : memref<2560x125xi32, #tpu.memory_space<hbm>> -> memref<16x125xi32, #tpu.memory_space<hbm>>
        tpu.wait_dma2 semaphore(%run_scoped3A : memref<!tpu.dma_semaphore, #tpu.memory_space<semaphore_mem>>) src(%dma_wait3A_35 : memref<16x125xi32, #tpu.memory_space<hbm>>) dst(%arg9 : memref<16x125xi32, #tpu.memory_space<vmem>>)
        tpu.yield
      }) : () -> ()
      %dma_start3A = arith.constant 0 : i32
      %dma_start3A_10 = arith.constant 0 : i32
      %dma_start3A_11 = tpu.memref_slice %arg8[%dma_start3A, %dma_start3A_10] : memref<16x125xi32, #tpu.memory_space<vmem>> -> memref<1x125xi32, #tpu.memory_space<vmem>>
      %dma_start3A_12 = tpu.memref_squeeze %dma_start3A_11 : memref<1x125xi32, #tpu.memory_space<vmem>> -> memref<125xi32, #tpu.memory_space<vmem>>
      %dma_start3A_13 = arith.constant 0 : i32
      %dma_start3A_14 = arith.constant 0 : i32
      %dma_start3A_15 = tpu.memref_slice %arg2[%dma_start3A_13, %dma_start3A_14] : memref<10240x128xf32, #tpu.memory_space<hbm>> -> memref<10240x128xf32, #tpu.memory_space<hbm>>
      tpu.enqueue_indirect_dma source(%dma_start3A_15 : memref<10240x128xf32, #tpu.memory_space<hbm>>) target(%arg12 : memref<125x128xf32, #tpu.memory_space<vmem>>) offsets(%dma_start3A_12 : memref<125xi32, #tpu.memory_space<vmem>>) semaphore(%arg14 : memref<!tpu.dma_semaphore, #tpu.memory_space<semaphore_mem>>)
      %dma_start3A_16 = arith.constant 1 : i32
      %dma_start3A_17 = arith.constant 0 : i32
      %dma_start3A_18 = tpu.memref_slice %arg8[%dma_start3A_16, %dma_start3A_17] : memref<16x125xi32, #tpu.memory_space<vmem>> -> memref<1x125xi32, #tpu.memory_space<vmem>>
      %dma_start3A_19 = tpu.memref_squeeze %dma_start3A_18 : memref<1x125xi32, #tpu.memory_space<vmem>> -> memref<125xi32, #tpu.memory_space<vmem>>
      %dma_start3A_20 = arith.constant 0 : i32
      %dma_start3A_21 = arith.constant 0 : i32
      %dma_start3A_22 = tpu.memref_slice %arg2[%dma_start3A_20, %dma_start3A_21] : memref<10240x128xf32, #tpu.memory_space<hbm>> -> memref<10240x128xf32, #tpu.memory_space<hbm>>
      tpu.enqueue_indirect_dma source(%dma_start3A_22 : memref<10240x128xf32, #tpu.memory_space<hbm>>) target(%arg13 : memref<125x128xf32, #tpu.memory_space<vmem>>) offsets(%dma_start3A_19 : memref<125xi32, #tpu.memory_space<vmem>>) semaphore(%arg15 : memref<!tpu.dma_semaphore, #tpu.memory_space<semaphore_mem>>)
      "tpu.region"() ({
        %run_scoped3A = tpu.sem_alloc : memref<!tpu.dma_semaphore, #tpu.memory_space<semaphore_mem>>
        %dma_start3A_29 = arith.constant 0 : i32
        %dma_start3A_30 = tpu.memref_slice %arg17[%mul3A_0, %dma_start3A_29] : memref<10240x128xf32, #tpu.memory_space<vmem_shared>> -> memref<640x128xf32, #tpu.memory_space<vmem_shared>>
        %dma_start3A_31 = arith.constant 0 : i32
        %dma_start3A_32 = tpu.memref_slice %arg2[%mul3A_0, %dma_start3A_31] : memref<10240x128xf32, #tpu.memory_space<hbm>> -> memref<640x128xf32, #tpu.memory_space<hbm>>
        tpu.enqueue_dma source(%dma_start3A_32 : memref<640x128xf32, #tpu.memory_space<hbm>>) target(%dma_start3A_30 : memref<640x128xf32, #tpu.memory_space<vmem_shared>>) target_semaphore(%run_scoped3A : memref<!tpu.dma_semaphore, #tpu.memory_space<semaphore_mem>>)
        %dma_wait3A = arith.constant 0 : i32
        %dma_wait3A_33 = tpu.memref_slice %arg17[%mul3A_0, %dma_wait3A] : memref<10240x128xf32, #tpu.memory_space<vmem_shared>> -> memref<640x128xf32, #tpu.memory_space<vmem_shared>>
        %dma_wait3A_34 = arith.constant 0 : i32
        %dma_wait3A_35 = tpu.memref_slice %arg2[%mul3A_0, %dma_wait3A_34] : memref<10240x128xf32, #tpu.memory_space<hbm>> -> memref<640x128xf32, #tpu.memory_space<hbm>>
        tpu.wait_dma2 semaphore(%run_scoped3A : memref<!tpu.dma_semaphore, #tpu.memory_space<semaphore_mem>>) src(%dma_wait3A_35 : memref<640x128xf32, #tpu.memory_space<hbm>>) dst(%dma_wait3A_33 : memref<640x128xf32, #tpu.memory_space<vmem_shared>>)
        tpu.yield
      }) : () -> ()
      %barrier3A = arith.constant 0 : index
      tpu.barrier barrier_id(%barrier3A)
      %scan3A = arith.constant 0 : i32
      %scan3A_23 = arith.constant 0 : i32
      %scan3A_24 = arith.constant 5 : i32
      %scan3A_25 = arith.addi %scan3A_23, %scan3A_24 : i32
      %scan3A_26 = arith.constant 1 : i32
      scf.for %scan3A_29 = %scan3A_23 to %scan3A_25 step %scan3A_26  : i32 {
        %mul3A_30 = arith.constant 2 : i32
        %mul3A_31 = arith.muli %mul3A_30, %scan3A_29 : i32
        %mul3A_32 = arith.constant 16 : i32
        %mul3A_33 = arith.muli %mul3A_31, %mul3A_32 : i32
        %add3A = arith.addi %mul3A_9, %mul3A_33 : i32
        %add3A_34 = arith.constant 16 : i32
        %add3A_35 = arith.addi %add3A, %add3A_34 : i32
        %dma_start3A_36 = arith.constant 0 : i32
        %dma_start3A_37 = tpu.memref_slice %arg4[%add3A_35, %dma_start3A_36] : memref<2560x125xi32, #tpu.memory_space<hbm>> -> memref<16x125xi32, #tpu.memory_space<hbm>>
        %dma_start3A_38 = arith.constant 0 : i32
        %dma_start3A_39 = tpu.memref_slice %arg4[%add3A_35, %dma_start3A_38] : memref<2560x125xi32, #tpu.memory_space<hbm>> -> memref<16x125xi32, #tpu.memory_space<hbm>>
        tpu.enqueue_dma source(%dma_start3A_39 : memref<16x125xi32, #tpu.memory_space<hbm>>) target(%arg10 : memref<16x125xi32, #tpu.memory_space<vmem>>) target_semaphore(%arg16 : memref<!tpu.dma_semaphore, #tpu.memory_space<semaphore_mem>>)
        %dma_start3A_40 = arith.constant 0 : i32
        %dma_start3A_41 = tpu.memref_slice %arg5[%add3A_35, %dma_start3A_40] : memref<2560x125xi32, #tpu.memory_space<hbm>> -> memref<16x125xi32, #tpu.memory_space<hbm>>
        %dma_start3A_42 = arith.constant 0 : i32
        %dma_start3A_43 = tpu.memref_slice %arg5[%add3A_35, %dma_start3A_42] : memref<2560x125xi32, #tpu.memory_space<hbm>> -> memref<16x125xi32, #tpu.memory_space<hbm>>
        tpu.enqueue_dma source(%dma_start3A_43 : memref<16x125xi32, #tpu.memory_space<hbm>>) target(%arg11 : memref<16x125xi32, #tpu.memory_space<vmem>>) target_semaphore(%arg16 : memref<!tpu.dma_semaphore, #tpu.memory_space<semaphore_mem>>)
        %scan3A_44 = arith.constant 0 : i32
        %scan3A_45 = arith.constant 0 : i32
        %scan3A_46 = arith.constant 7 : i32
        %scan3A_47 = arith.addi %scan3A_45, %scan3A_46 : i32
        %scan3A_48 = arith.constant 1 : i32
        scf.for %scan3A_123 = %scan3A_45 to %scan3A_47 step %scan3A_48  : i32 {
          %mul3A_124 = arith.constant 2 : i32
          %mul3A_125 = arith.muli %mul3A_124, %scan3A_123 : i32
          %dma_wait3A_126 = arith.constant 0 : i32
          %dma_wait3A_127 = tpu.memref_slice %arg8[%mul3A_125, %dma_wait3A_126] : memref<16x125xi32, #tpu.memory_space<vmem>> -> memref<1x125xi32, #tpu.memory_space<vmem>>
          %dma_wait3A_128 = tpu.memref_squeeze %dma_wait3A_127 : memref<1x125xi32, #tpu.memory_space<vmem>> -> memref<125xi32, #tpu.memory_space<vmem>>
          %dma_wait3A_129 = arith.constant 0 : i32
          %dma_wait3A_130 = arith.constant 0 : i32
          %dma_wait3A_131 = tpu.memref_slice %arg2[%dma_wait3A_129, %dma_wait3A_130] : memref<10240x128xf32, #tpu.memory_space<hbm>> -> memref<10240x128xf32, #tpu.memory_space<hbm>>
          tpu.wait_indirect_dma semaphore(%arg14 : memref<!tpu.dma_semaphore, #tpu.memory_space<semaphore_mem>>) src(%dma_wait3A_131 : memref<10240x128xf32, #tpu.memory_space<hbm>>) dst(%arg12 : memref<125x128xf32, #tpu.memory_space<vmem>>)
          "tpu.region"() ({
            %run_scoped3A_158 = tpu.sem_alloc : memref<!tpu.dma_semaphore, #tpu.memory_space<semaphore_mem>>
            %dma_start3A_159 = arith.constant 0 : i32
            %dma_start3A_160 = tpu.memref_slice %arg9[%mul3A_125, %dma_start3A_159] : memref<16x125xi32, #tpu.memory_space<vmem>> -> memref<1x125xi32, #tpu.memory_space<vmem>>
            %dma_start3A_161 = tpu.memref_squeeze %dma_start3A_160 : memref<1x125xi32, #tpu.memory_space<vmem>> -> memref<125xi32, #tpu.memory_space<vmem>>
            %dma_start3A_162 = arith.constant 0 : i32
            %dma_start3A_163 = arith.constant 0 : i32
            %dma_start3A_164 = tpu.memref_slice %arg17[%dma_start3A_162, %dma_start3A_163] : memref<10240x128xf32, #tpu.memory_space<vmem_shared>> -> memref<10240x128xf32, #tpu.memory_space<vmem_shared>>
            tpu.enqueue_indirect_dma source(%arg12 : memref<125x128xf32, #tpu.memory_space<vmem>>) target(%dma_start3A_164 : memref<10240x128xf32, #tpu.memory_space<vmem_shared>>) offsets(%dma_start3A_161 : memref<125xi32, #tpu.memory_space<vmem>>) semaphore(%run_scoped3A_158 : memref<!tpu.dma_semaphore, #tpu.memory_space<semaphore_mem>>) {add = true}
            %dma_wait3A_165 = arith.constant 0 : i32
            %dma_wait3A_166 = tpu.memref_slice %arg9[%mul3A_125, %dma_wait3A_165] : memref<16x125xi32, #tpu.memory_space<vmem>> -> memref<1x125xi32, #tpu.memory_space<vmem>>
            %dma_wait3A_167 = tpu.memref_squeeze %dma_wait3A_166 : memref<1x125xi32, #tpu.memory_space<vmem>> -> memref<125xi32, #tpu.memory_space<vmem>>
            %dma_wait3A_168 = arith.constant 0 : i32
            %dma_wait3A_169 = arith.constant 0 : i32
            %dma_wait3A_170 = tpu.memref_slice %arg17[%dma_wait3A_168, %dma_wait3A_169] : memref<10240x128xf32, #tpu.memory_space<vmem_shared>> -> memref<10240x128xf32, #tpu.memory_space<vmem_shared>>
            tpu.wait_indirect_dma semaphore(%run_scoped3A_158 : memref<!tpu.dma_semaphore, #tpu.memory_space<semaphore_mem>>) src(%arg12 : memref<125x128xf32, #tpu.memory_space<vmem>>) dst(%dma_wait3A_170 : memref<10240x128xf32, #tpu.memory_space<vmem_shared>>)
            tpu.yield
          }) : () -> ()
          %add3A_132 = arith.constant 2 : i32
          %add3A_133 = arith.addi %mul3A_125, %add3A_132 : i32
          %dma_start3A_134 = arith.constant 0 : i32
          %dma_start3A_135 = tpu.memref_slice %arg8[%add3A_133, %dma_start3A_134] : memref<16x125xi32, #tpu.memory_space<vmem>> -> memref<1x125xi32, #tpu.memory_space<vmem>>
          %dma_start3A_136 = tpu.memref_squeeze %dma_start3A_135 : memref<1x125xi32, #tpu.memory_space<vmem>> -> memref<125xi32, #tpu.memory_space<vmem>>
          %dma_start3A_137 = arith.constant 0 : i32
          %dma_start3A_138 = arith.constant 0 : i32
          %dma_start3A_139 = tpu.memref_slice %arg2[%dma_start3A_137, %dma_start3A_138] : memref<10240x128xf32, #tpu.memory_space<hbm>> -> memref<10240x128xf32, #tpu.memory_space<hbm>>
          tpu.enqueue_indirect_dma source(%dma_start3A_139 : memref<10240x128xf32, #tpu.memory_space<hbm>>) target(%arg12 : memref<125x128xf32, #tpu.memory_space<vmem>>) offsets(%dma_start3A_136 : memref<125xi32, #tpu.memory_space<vmem>>) semaphore(%arg14 : memref<!tpu.dma_semaphore, #tpu.memory_space<semaphore_mem>>)
          %add3A_140 = arith.constant 1 : i32
          %add3A_141 = arith.addi %mul3A_125, %add3A_140 : i32
          %dma_wait3A_142 = arith.constant 0 : i32
          %dma_wait3A_143 = tpu.memref_slice %arg8[%add3A_141, %dma_wait3A_142] : memref<16x125xi32, #tpu.memory_space<vmem>> -> memref<1x125xi32, #tpu.memory_space<vmem>>
          %dma_wait3A_144 = tpu.memref_squeeze %dma_wait3A_143 : memref<1x125xi32, #tpu.memory_space<vmem>> -> memref<125xi32, #tpu.memory_space<vmem>>
          %dma_wait3A_145 = arith.constant 0 : i32
          %dma_wait3A_146 = arith.constant 0 : i32
          %dma_wait3A_147 = tpu.memref_slice %arg2[%dma_wait3A_145, %dma_wait3A_146] : memref<10240x128xf32, #tpu.memory_space<hbm>> -> memref<10240x128xf32, #tpu.memory_space<hbm>>
          tpu.wait_indirect_dma semaphore(%arg15 : memref<!tpu.dma_semaphore, #tpu.memory_space<semaphore_mem>>) src(%dma_wait3A_147 : memref<10240x128xf32, #tpu.memory_space<hbm>>) dst(%arg13 : memref<125x128xf32, #tpu.memory_space<vmem>>)
          %add3A_148 = arith.constant 1 : i32
          %add3A_149 = arith.addi %mul3A_125, %add3A_148 : i32
          "tpu.region"() ({
            %run_scoped3A_158 = tpu.sem_alloc : memref<!tpu.dma_semaphore, #tpu.memory_space<semaphore_mem>>
            %dma_start3A_159 = arith.constant 0 : i32
            %dma_start3A_160 = tpu.memref_slice %arg9[%add3A_149, %dma_start3A_159] : memref<16x125xi32, #tpu.memory_space<vmem>> -> memref<1x125xi32, #tpu.memory_space<vmem>>
            %dma_start3A_161 = tpu.memref_squeeze %dma_start3A_160 : memref<1x125xi32, #tpu.memory_space<vmem>> -> memref<125xi32, #tpu.memory_space<vmem>>
            %dma_start3A_162 = arith.constant 0 : i32
            %dma_start3A_163 = arith.constant 0 : i32
            %dma_start3A_164 = tpu.memref_slice %arg17[%dma_start3A_162, %dma_start3A_163] : memref<10240x128xf32, #tpu.memory_space<vmem_shared>> -> memref<10240x128xf32, #tpu.memory_space<vmem_shared>>
            tpu.enqueue_indirect_dma source(%arg13 : memref<125x128xf32, #tpu.memory_space<vmem>>) target(%dma_start3A_164 : memref<10240x128xf32, #tpu.memory_space<vmem_shared>>) offsets(%dma_start3A_161 : memref<125xi32, #tpu.memory_space<vmem>>) semaphore(%run_scoped3A_158 : memref<!tpu.dma_semaphore, #tpu.memory_space<semaphore_mem>>) {add = true}
            %dma_wait3A_165 = arith.constant 0 : i32
            %dma_wait3A_166 = tpu.memref_slice %arg9[%add3A_149, %dma_wait3A_165] : memref<16x125xi32, #tpu.memory_space<vmem>> -> memref<1x125xi32, #tpu.memory_space<vmem>>
            %dma_wait3A_167 = tpu.memref_squeeze %dma_wait3A_166 : memref<1x125xi32, #tpu.memory_space<vmem>> -> memref<125xi32, #tpu.memory_space<vmem>>
            %dma_wait3A_168 = arith.constant 0 : i32
            %dma_wait3A_169 = arith.constant 0 : i32
            %dma_wait3A_170 = tpu.memref_slice %arg17[%dma_wait3A_168, %dma_wait3A_169] : memref<10240x128xf32, #tpu.memory_space<vmem_shared>> -> memref<10240x128xf32, #tpu.memory_space<vmem_shared>>
            tpu.wait_indirect_dma semaphore(%run_scoped3A_158 : memref<!tpu.dma_semaphore, #tpu.memory_space<semaphore_mem>>) src(%arg13 : memref<125x128xf32, #tpu.memory_space<vmem>>) dst(%dma_wait3A_170 : memref<10240x128xf32, #tpu.memory_space<vmem_shared>>)
            tpu.yield
          }) : () -> ()
          %add3A_150 = arith.constant 3 : i32
          %add3A_151 = arith.addi %mul3A_125, %add3A_150 : i32
          %dma_start3A_152 = arith.constant 0 : i32
          %dma_start3A_153 = tpu.memref_slice %arg8[%add3A_151, %dma_start3A_152] : memref<16x125xi32, #tpu.memory_space<vmem>> -> memref<1x125xi32, #tpu.memory_space<vmem>>
          %dma_start3A_154 = tpu.memref_squeeze %dma_start3A_153 : memref<1x125xi32, #tpu.memory_space<vmem>> -> memref<125xi32, #tpu.memory_space<vmem>>
          %dma_start3A_155 = arith.constant 0 : i32
          %dma_start3A_156 = arith.constant 0 : i32
          %dma_start3A_157 = tpu.memref_slice %arg2[%dma_start3A_155, %dma_start3A_156] : memref<10240x128xf32, #tpu.memory_space<hbm>> -> memref<10240x128xf32, #tpu.memory_space<hbm>>
          tpu.enqueue_indirect_dma source(%dma_start3A_157 : memref<10240x128xf32, #tpu.memory_space<hbm>>) target(%arg13 : memref<125x128xf32, #tpu.memory_space<vmem>>) offsets(%dma_start3A_154 : memref<125xi32, #tpu.memory_space<vmem>>) semaphore(%arg15 : memref<!tpu.dma_semaphore, #tpu.memory_space<semaphore_mem>>)
        }
        %scan3A_49 = arith.constant 7 : i32
        %dma_wait3A = arith.constant 0 : i32
        %dma_wait3A_50 = tpu.memref_slice %arg4[%add3A_35, %dma_wait3A] : memref<2560x125xi32, #tpu.memory_space<hbm>> -> memref<16x125xi32, #tpu.memory_space<hbm>>
        %dma_wait3A_51 = arith.constant 0 : i32
        %dma_wait3A_52 = tpu.memref_slice %arg4[%add3A_35, %dma_wait3A_51] : memref<2560x125xi32, #tpu.memory_space<hbm>> -> memref<16x125xi32, #tpu.memory_space<hbm>>
        tpu.wait_dma2 semaphore(%arg16 : memref<!tpu.dma_semaphore, #tpu.memory_space<semaphore_mem>>) src(%dma_wait3A_52 : memref<16x125xi32, #tpu.memory_space<hbm>>) dst(%arg10 : memref<16x125xi32, #tpu.memory_space<vmem>>)
        %dma_wait3A_53 = arith.constant 0 : i32
        %dma_wait3A_54 = tpu.memref_slice %arg5[%add3A_35, %dma_wait3A_53] : memref<2560x125xi32, #tpu.memory_space<hbm>> -> memref<16x125xi32, #tpu.memory_space<hbm>>
        %dma_wait3A_55 = arith.constant 0 : i32
        %dma_wait3A_56 = tpu.memref_slice %arg5[%add3A_35, %dma_wait3A_55] : memref<2560x125xi32, #tpu.memory_space<hbm>> -> memref<16x125xi32, #tpu.memory_space<hbm>>
        tpu.wait_dma2 semaphore(%arg16 : memref<!tpu.dma_semaphore, #tpu.memory_space<semaphore_mem>>) src(%dma_wait3A_56 : memref<16x125xi32, #tpu.memory_space<hbm>>) dst(%arg11 : memref<16x125xi32, #tpu.memory_space<vmem>>)
        %dma_wait3A_57 = arith.constant 14 : i32
        %dma_wait3A_58 = arith.constant 0 : i32
        %dma_wait3A_59 = tpu.memref_slice %arg8[%dma_wait3A_57, %dma_wait3A_58] : memref<16x125xi32, #tpu.memory_space<vmem>> -> memref<1x125xi32, #tpu.memory_space<vmem>>
        %dma_wait3A_60 = tpu.memref_squeeze %dma_wait3A_59 : memref<1x125xi32, #tpu.memory_space<vmem>> -> memref<125xi32, #tpu.memory_space<vmem>>
        %dma_wait3A_61 = arith.constant 0 : i32
        %dma_wait3A_62 = arith.constant 0 : i32
        %dma_wait3A_63 = tpu.memref_slice %arg2[%dma_wait3A_61, %dma_wait3A_62] : memref<10240x128xf32, #tpu.memory_space<hbm>> -> memref<10240x128xf32, #tpu.memory_space<hbm>>
        tpu.wait_indirect_dma semaphore(%arg14 : memref<!tpu.dma_semaphore, #tpu.memory_space<semaphore_mem>>) src(%dma_wait3A_63 : memref<10240x128xf32, #tpu.memory_space<hbm>>) dst(%arg12 : memref<125x128xf32, #tpu.memory_space<vmem>>)
        %run_scoped3A = arith.constant 14 : i32
        "tpu.region"() ({
          %run_scoped3A_123 = tpu.sem_alloc : memref<!tpu.dma_semaphore, #tpu.memory_space<semaphore_mem>>
          %dma_start3A_124 = arith.constant 0 : i32
          %dma_start3A_125 = tpu.memref_slice %arg9[%run_scoped3A, %dma_start3A_124] : memref<16x125xi32, #tpu.memory_space<vmem>> -> memref<1x125xi32, #tpu.memory_space<vmem>>
          %dma_start3A_126 = tpu.memref_squeeze %dma_start3A_125 : memref<1x125xi32, #tpu.memory_space<vmem>> -> memref<125xi32, #tpu.memory_space<vmem>>
          %dma_start3A_127 = arith.constant 0 : i32
          %dma_start3A_128 = arith.constant 0 : i32
          %dma_start3A_129 = tpu.memref_slice %arg17[%dma_start3A_127, %dma_start3A_128] : memref<10240x128xf32, #tpu.memory_space<vmem_shared>> -> memref<10240x128xf32, #tpu.memory_space<vmem_shared>>
          tpu.enqueue_indirect_dma source(%arg12 : memref<125x128xf32, #tpu.memory_space<vmem>>) target(%dma_start3A_129 : memref<10240x128xf32, #tpu.memory_space<vmem_shared>>) offsets(%dma_start3A_126 : memref<125xi32, #tpu.memory_space<vmem>>) semaphore(%run_scoped3A_123 : memref<!tpu.dma_semaphore, #tpu.memory_space<semaphore_mem>>) {add = true}
          %dma_wait3A_130 = arith.constant 0 : i32
          %dma_wait3A_131 = tpu.memref_slice %arg9[%run_scoped3A, %dma_wait3A_130] : memref<16x125xi32, #tpu.memory_space<vmem>> -> memref<1x125xi32, #tpu.memory_space<vmem>>
          %dma_wait3A_132 = tpu.memref_squeeze %dma_wait3A_131 : memref<1x125xi32, #tpu.memory_space<vmem>> -> memref<125xi32, #tpu.memory_space<vmem>>
          %dma_wait3A_133 = arith.constant 0 : i32
          %dma_wait3A_134 = arith.constant 0 : i32
          %dma_wait3A_135 = tpu.memref_slice %arg17[%dma_wait3A_133, %dma_wait3A_134] : memref<10240x128xf32, #tpu.memory_space<vmem_shared>> -> memref<10240x128xf32, #tpu.memory_space<vmem_shared>>
          tpu.wait_indirect_dma semaphore(%run_scoped3A_123 : memref<!tpu.dma_semaphore, #tpu.memory_space<semaphore_mem>>) src(%arg12 : memref<125x128xf32, #tpu.memory_space<vmem>>) dst(%dma_wait3A_135 : memref<10240x128xf32, #tpu.memory_space<vmem_shared>>)
          tpu.yield
        }) : () -> ()
        %dma_start3A_64 = arith.constant 0 : i32
        %dma_start3A_65 = arith.constant 0 : i32
        %dma_start3A_66 = tpu.memref_slice %arg10[%dma_start3A_64, %dma_start3A_65] : memref<16x125xi32, #tpu.memory_space<vmem>> -> memref<1x125xi32, #tpu.memory_space<vmem>>
        %dma_start3A_67 = tpu.memref_squeeze %dma_start3A_66 : memref<1x125xi32, #tpu.memory_space<vmem>> -> memref<125xi32, #tpu.memory_space<vmem>>
        %dma_start3A_68 = arith.constant 0 : i32
        %dma_start3A_69 = arith.constant 0 : i32
        %dma_start3A_70 = tpu.memref_slice %arg2[%dma_start3A_68, %dma_start3A_69] : memref<10240x128xf32, #tpu.memory_space<hbm>> -> memref<10240x128xf32, #tpu.memory_space<hbm>>
        tpu.enqueue_indirect_dma source(%dma_start3A_70 : memref<10240x128xf32, #tpu.memory_space<hbm>>) target(%arg12 : memref<125x128xf32, #tpu.memory_space<vmem>>) offsets(%dma_start3A_67 : memref<125xi32, #tpu.memory_space<vmem>>) semaphore(%arg14 : memref<!tpu.dma_semaphore, #tpu.memory_space<semaphore_mem>>)
        %dma_wait3A_71 = arith.constant 15 : i32
        %dma_wait3A_72 = arith.constant 0 : i32
        %dma_wait3A_73 = tpu.memref_slice %arg8[%dma_wait3A_71, %dma_wait3A_72] : memref<16x125xi32, #tpu.memory_space<vmem>> -> memref<1x125xi32, #tpu.memory_space<vmem>>
        %dma_wait3A_74 = tpu.memref_squeeze %dma_wait3A_73 : memref<1x125xi32, #tpu.memory_space<vmem>> -> memref<125xi32, #tpu.memory_space<vmem>>
        %dma_wait3A_75 = arith.constant 0 : i32
        %dma_wait3A_76 = arith.constant 0 : i32
        %dma_wait3A_77 = tpu.memref_slice %arg2[%dma_wait3A_75, %dma_wait3A_76] : memref<10240x128xf32, #tpu.memory_space<hbm>> -> memref<10240x128xf32, #tpu.memory_space<hbm>>
        tpu.wait_indirect_dma semaphore(%arg15 : memref<!tpu.dma_semaphore, #tpu.memory_space<semaphore_mem>>) src(%dma_wait3A_77 : memref<10240x128xf32, #tpu.memory_space<hbm>>) dst(%arg13 : memref<125x128xf32, #tpu.memory_space<vmem>>)
        %run_scoped3A_78 = arith.constant 15 : i32
        "tpu.region"() ({
          %run_scoped3A_123 = tpu.sem_alloc : memref<!tpu.dma_semaphore, #tpu.memory_space<semaphore_mem>>
          %dma_start3A_124 = arith.constant 0 : i32
          %dma_start3A_125 = tpu.memref_slice %arg9[%run_scoped3A_78, %dma_start3A_124] : memref<16x125xi32, #tpu.memory_space<vmem>> -> memref<1x125xi32, #tpu.memory_space<vmem>>
          %dma_start3A_126 = tpu.memref_squeeze %dma_start3A_125 : memref<1x125xi32, #tpu.memory_space<vmem>> -> memref<125xi32, #tpu.memory_space<vmem>>
          %dma_start3A_127 = arith.constant 0 : i32
          %dma_start3A_128 = arith.constant 0 : i32
          %dma_start3A_129 = tpu.memref_slice %arg17[%dma_start3A_127, %dma_start3A_128] : memref<10240x128xf32, #tpu.memory_space<vmem_shared>> -> memref<10240x128xf32, #tpu.memory_space<vmem_shared>>
          tpu.enqueue_indirect_dma source(%arg13 : memref<125x128xf32, #tpu.memory_space<vmem>>) target(%dma_start3A_129 : memref<10240x128xf32, #tpu.memory_space<vmem_shared>>) offsets(%dma_start3A_126 : memref<125xi32, #tpu.memory_space<vmem>>) semaphore(%run_scoped3A_123 : memref<!tpu.dma_semaphore, #tpu.memory_space<semaphore_mem>>) {add = true}
          %dma_wait3A_130 = arith.constant 0 : i32
          %dma_wait3A_131 = tpu.memref_slice %arg9[%run_scoped3A_78, %dma_wait3A_130] : memref<16x125xi32, #tpu.memory_space<vmem>> -> memref<1x125xi32, #tpu.memory_space<vmem>>
          %dma_wait3A_132 = tpu.memref_squeeze %dma_wait3A_131 : memref<1x125xi32, #tpu.memory_space<vmem>> -> memref<125xi32, #tpu.memory_space<vmem>>
          %dma_wait3A_133 = arith.constant 0 : i32
          %dma_wait3A_134 = arith.constant 0 : i32
          %dma_wait3A_135 = tpu.memref_slice %arg17[%dma_wait3A_133, %dma_wait3A_134] : memref<10240x128xf32, #tpu.memory_space<vmem_shared>> -> memref<10240x128xf32, #tpu.memory_space<vmem_shared>>
          tpu.wait_indirect_dma semaphore(%run_scoped3A_123 : memref<!tpu.dma_semaphore, #tpu.memory_space<semaphore_mem>>) src(%arg13 : memref<125x128xf32, #tpu.memory_space<vmem>>) dst(%dma_wait3A_135 : memref<10240x128xf32, #tpu.memory_space<vmem_shared>>)
          tpu.yield
        }) : () -> ()
        %dma_start3A_79 = arith.constant 1 : i32
        %dma_start3A_80 = arith.constant 0 : i32
        %dma_start3A_81 = tpu.memref_slice %arg10[%dma_start3A_79, %dma_start3A_80] : memref<16x125xi32, #tpu.memory_space<vmem>> -> memref<1x125xi32, #tpu.memory_space<vmem>>
        %dma_start3A_82 = tpu.memref_squeeze %dma_start3A_81 : memref<1x125xi32, #tpu.memory_space<vmem>> -> memref<125xi32, #tpu.memory_space<vmem>>
        %dma_start3A_83 = arith.constant 0 : i32
        %dma_start3A_84 = arith.constant 0 : i32
        %dma_start3A_85 = tpu.memref_slice %arg2[%dma_start3A_83, %dma_start3A_84] : memref<10240x128xf32, #tpu.memory_space<hbm>> -> memref<10240x128xf32, #tpu.memory_space<hbm>>
        tpu.enqueue_indirect_dma source(%dma_start3A_85 : memref<10240x128xf32, #tpu.memory_space<hbm>>) target(%arg13 : memref<125x128xf32, #tpu.memory_space<vmem>>) offsets(%dma_start3A_82 : memref<125xi32, #tpu.memory_space<vmem>>) semaphore(%arg15 : memref<!tpu.dma_semaphore, #tpu.memory_space<semaphore_mem>>)
        %add3A_86 = arith.constant 32 : i32
        %add3A_87 = arith.addi %add3A, %add3A_86 : i32
        %lt3A = arith.constant 4 : i32
        %lt3A_88 = arith.cmpi slt, %scan3A_29, %lt3A : i32
        %convert_element_type3A_89 = arith.extui %lt3A_88 : i1 to i32
        %cond3A_90 = arith.constant 0 : i32
        %cond3A_91 = arith.cmpi ne, %convert_element_type3A_89, %cond3A_90 : i32
        scf.if %cond3A_91 {
          %dma_start3A_123 = arith.constant 0 : i32
          %dma_start3A_124 = tpu.memref_slice %arg4[%add3A_87, %dma_start3A_123] : memref<2560x125xi32, #tpu.memory_space<hbm>> -> memref<16x125xi32, #tpu.memory_space<hbm>>
          %dma_start3A_125 = arith.constant 0 : i32
          %dma_start3A_126 = tpu.memref_slice %arg4[%add3A_87, %dma_start3A_125] : memref<2560x125xi32, #tpu.memory_space<hbm>> -> memref<16x125xi32, #tpu.memory_space<hbm>>
          tpu.enqueue_dma source(%dma_start3A_126 : memref<16x125xi32, #tpu.memory_space<hbm>>) target(%arg8 : memref<16x125xi32, #tpu.memory_space<vmem>>) target_semaphore(%arg16 : memref<!tpu.dma_semaphore, #tpu.memory_space<semaphore_mem>>)
          %dma_start3A_127 = arith.constant 0 : i32
          %dma_start3A_128 = tpu.memref_slice %arg5[%add3A_87, %dma_start3A_127] : memref<2560x125xi32, #tpu.memory_space<hbm>> -> memref<16x125xi32, #tpu.memory_space<hbm>>
          %dma_start3A_129 = arith.constant 0 : i32
          %dma_start3A_130 = tpu.memref_slice %arg5[%add3A_87, %dma_start3A_129] : memref<2560x125xi32, #tpu.memory_space<hbm>> -> memref<16x125xi32, #tpu.memory_space<hbm>>
          tpu.enqueue_dma source(%dma_start3A_130 : memref<16x125xi32, #tpu.memory_space<hbm>>) target(%arg9 : memref<16x125xi32, #tpu.memory_space<vmem>>) target_semaphore(%arg16 : memref<!tpu.dma_semaphore, #tpu.memory_space<semaphore_mem>>)
        } else {
        }
        %scan3A_92 = arith.constant 0 : i32
        %scan3A_93 = arith.constant 0 : i32
        %scan3A_94 = arith.constant 7 : i32
        %scan3A_95 = arith.addi %scan3A_93, %scan3A_94 : i32
        %scan3A_96 = arith.constant 1 : i32
        scf.for %scan3A_123 = %scan3A_93 to %scan3A_95 step %scan3A_96  : i32 {
          %mul3A_124 = arith.constant 2 : i32
          %mul3A_125 = arith.muli %mul3A_124, %scan3A_123 : i32
          %dma_wait3A_126 = arith.constant 0 : i32
          %dma_wait3A_127 = tpu.memref_slice %arg10[%mul3A_125, %dma_wait3A_126] : memref<16x125xi32, #tpu.memory_space<vmem>> -> memref<1x125xi32, #tpu.memory_space<vmem>>
          %dma_wait3A_128 = tpu.memref_squeeze %dma_wait3A_127 : memref<1x125xi32, #tpu.memory_space<vmem>> -> memref<125xi32, #tpu.memory_space<vmem>>
          %dma_wait3A_129 = arith.constant 0 : i32
          %dma_wait3A_130 = arith.constant 0 : i32
          %dma_wait3A_131 = tpu.memref_slice %arg2[%dma_wait3A_129, %dma_wait3A_130] : memref<10240x128xf32, #tpu.memory_space<hbm>> -> memref<10240x128xf32, #tpu.memory_space<hbm>>
          tpu.wait_indirect_dma semaphore(%arg14 : memref<!tpu.dma_semaphore, #tpu.memory_space<semaphore_mem>>) src(%dma_wait3A_131 : memref<10240x128xf32, #tpu.memory_space<hbm>>) dst(%arg12 : memref<125x128xf32, #tpu.memory_space<vmem>>)
          "tpu.region"() ({
            %run_scoped3A_158 = tpu.sem_alloc : memref<!tpu.dma_semaphore, #tpu.memory_space<semaphore_mem>>
            %dma_start3A_159 = arith.constant 0 : i32
            %dma_start3A_160 = tpu.memref_slice %arg11[%mul3A_125, %dma_start3A_159] : memref<16x125xi32, #tpu.memory_space<vmem>> -> memref<1x125xi32, #tpu.memory_space<vmem>>
            %dma_start3A_161 = tpu.memref_squeeze %dma_start3A_160 : memref<1x125xi32, #tpu.memory_space<vmem>> -> memref<125xi32, #tpu.memory_space<vmem>>
            %dma_start3A_162 = arith.constant 0 : i32
            %dma_start3A_163 = arith.constant 0 : i32
            %dma_start3A_164 = tpu.memref_slice %arg17[%dma_start3A_162, %dma_start3A_163] : memref<10240x128xf32, #tpu.memory_space<vmem_shared>> -> memref<10240x128xf32, #tpu.memory_space<vmem_shared>>
            tpu.enqueue_indirect_dma source(%arg12 : memref<125x128xf32, #tpu.memory_space<vmem>>) target(%dma_start3A_164 : memref<10240x128xf32, #tpu.memory_space<vmem_shared>>) offsets(%dma_start3A_161 : memref<125xi32, #tpu.memory_space<vmem>>) semaphore(%run_scoped3A_158 : memref<!tpu.dma_semaphore, #tpu.memory_space<semaphore_mem>>) {add = true}
            %dma_wait3A_165 = arith.constant 0 : i32
            %dma_wait3A_166 = tpu.memref_slice %arg11[%mul3A_125, %dma_wait3A_165] : memref<16x125xi32, #tpu.memory_space<vmem>> -> memref<1x125xi32, #tpu.memory_space<vmem>>
            %dma_wait3A_167 = tpu.memref_squeeze %dma_wait3A_166 : memref<1x125xi32, #tpu.memory_space<vmem>> -> memref<125xi32, #tpu.memory_space<vmem>>
            %dma_wait3A_168 = arith.constant 0 : i32
            %dma_wait3A_169 = arith.constant 0 : i32
            %dma_wait3A_170 = tpu.memref_slice %arg17[%dma_wait3A_168, %dma_wait3A_169] : memref<10240x128xf32, #tpu.memory_space<vmem_shared>> -> memref<10240x128xf32, #tpu.memory_space<vmem_shared>>
            tpu.wait_indirect_dma semaphore(%run_scoped3A_158 : memref<!tpu.dma_semaphore, #tpu.memory_space<semaphore_mem>>) src(%arg12 : memref<125x128xf32, #tpu.memory_space<vmem>>) dst(%dma_wait3A_170 : memref<10240x128xf32, #tpu.memory_space<vmem_shared>>)
            tpu.yield
          }) : () -> ()
          %add3A_132 = arith.constant 2 : i32
          %add3A_133 = arith.addi %mul3A_125, %add3A_132 : i32
          %dma_start3A_134 = arith.constant 0 : i32
          %dma_start3A_135 = tpu.memref_slice %arg10[%add3A_133, %dma_start3A_134] : memref<16x125xi32, #tpu.memory_space<vmem>> -> memref<1x125xi32, #tpu.memory_space<vmem>>
          %dma_start3A_136 = tpu.memref_squeeze %dma_start3A_135 : memref<1x125xi32, #tpu.memory_space<vmem>> -> memref<125xi32, #tpu.memory_space<vmem>>
          %dma_start3A_137 = arith.constant 0 : i32
          %dma_start3A_138 = arith.constant 0 : i32
          %dma_start3A_139 = tpu.memref_slice %arg2[%dma_start3A_137, %dma_start3A_138] : memref<10240x128xf32, #tpu.memory_space<hbm>> -> memref<10240x128xf32, #tpu.memory_space<hbm>>
          tpu.enqueue_indirect_dma source(%dma_start3A_139 : memref<10240x128xf32, #tpu.memory_space<hbm>>) target(%arg12 : memref<125x128xf32, #tpu.memory_space<vmem>>) offsets(%dma_start3A_136 : memref<125xi32, #tpu.memory_space<vmem>>) semaphore(%arg14 : memref<!tpu.dma_semaphore, #tpu.memory_space<semaphore_mem>>)
          %add3A_140 = arith.constant 1 : i32
          %add3A_141 = arith.addi %mul3A_125, %add3A_140 : i32
          %dma_wait3A_142 = arith.constant 0 : i32
          %dma_wait3A_143 = tpu.memref_slice %arg10[%add3A_141, %dma_wait3A_142] : memref<16x125xi32, #tpu.memory_space<vmem>> -> memref<1x125xi32, #tpu.memory_space<vmem>>
          %dma_wait3A_144 = tpu.memref_squeeze %dma_wait3A_143 : memref<1x125xi32, #tpu.memory_space<vmem>> -> memref<125xi32, #tpu.memory_space<vmem>>
          %dma_wait3A_145 = arith.constant 0 : i32
          %dma_wait3A_146 = arith.constant 0 : i32
          %dma_wait3A_147 = tpu.memref_slice %arg2[%dma_wait3A_145, %dma_wait3A_146] : memref<10240x128xf32, #tpu.memory_space<hbm>> -> memref<10240x128xf32, #tpu.memory_space<hbm>>
          tpu.wait_indirect_dma semaphore(%arg15 : memref<!tpu.dma_semaphore, #tpu.memory_space<semaphore_mem>>) src(%dma_wait3A_147 : memref<10240x128xf32, #tpu.memory_space<hbm>>) dst(%arg13 : memref<125x128xf32, #tpu.memory_space<vmem>>)
          %add3A_148 = arith.constant 1 : i32
          %add3A_149 = arith.addi %mul3A_125, %add3A_148 : i32
          "tpu.region"() ({
            %run_scoped3A_158 = tpu.sem_alloc : memref<!tpu.dma_semaphore, #tpu.memory_space<semaphore_mem>>
            %dma_start3A_159 = arith.constant 0 : i32
            %dma_start3A_160 = tpu.memref_slice %arg11[%add3A_149, %dma_start3A_159] : memref<16x125xi32, #tpu.memory_space<vmem>> -> memref<1x125xi32, #tpu.memory_space<vmem>>
            %dma_start3A_161 = tpu.memref_squeeze %dma_start3A_160 : memref<1x125xi32, #tpu.memory_space<vmem>> -> memref<125xi32, #tpu.memory_space<vmem>>
            %dma_start3A_162 = arith.constant 0 : i32
            %dma_start3A_163 = arith.constant 0 : i32
            %dma_start3A_164 = tpu.memref_slice %arg17[%dma_start3A_162, %dma_start3A_163] : memref<10240x128xf32, #tpu.memory_space<vmem_shared>> -> memref<10240x128xf32, #tpu.memory_space<vmem_shared>>
            tpu.enqueue_indirect_dma source(%arg13 : memref<125x128xf32, #tpu.memory_space<vmem>>) target(%dma_start3A_164 : memref<10240x128xf32, #tpu.memory_space<vmem_shared>>) offsets(%dma_start3A_161 : memref<125xi32, #tpu.memory_space<vmem>>) semaphore(%run_scoped3A_158 : memref<!tpu.dma_semaphore, #tpu.memory_space<semaphore_mem>>) {add = true}
            %dma_wait3A_165 = arith.constant 0 : i32
            %dma_wait3A_166 = tpu.memref_slice %arg11[%add3A_149, %dma_wait3A_165] : memref<16x125xi32, #tpu.memory_space<vmem>> -> memref<1x125xi32, #tpu.memory_space<vmem>>
            %dma_wait3A_167 = tpu.memref_squeeze %dma_wait3A_166 : memref<1x125xi32, #tpu.memory_space<vmem>> -> memref<125xi32, #tpu.memory_space<vmem>>
            %dma_wait3A_168 = arith.constant 0 : i32
            %dma_wait3A_169 = arith.constant 0 : i32
            %dma_wait3A_170 = tpu.memref_slice %arg17[%dma_wait3A_168, %dma_wait3A_169] : memref<10240x128xf32, #tpu.memory_space<vmem_shared>> -> memref<10240x128xf32, #tpu.memory_space<vmem_shared>>
            tpu.wait_indirect_dma semaphore(%run_scoped3A_158 : memref<!tpu.dma_semaphore, #tpu.memory_space<semaphore_mem>>) src(%arg13 : memref<125x128xf32, #tpu.memory_space<vmem>>) dst(%dma_wait3A_170 : memref<10240x128xf32, #tpu.memory_space<vmem_shared>>)
            tpu.yield
          }) : () -> ()
          %add3A_150 = arith.constant 3 : i32
          %add3A_151 = arith.addi %mul3A_125, %add3A_150 : i32
          %dma_start3A_152 = arith.constant 0 : i32
          %dma_start3A_153 = tpu.memref_slice %arg10[%add3A_151, %dma_start3A_152] : memref<16x125xi32, #tpu.memory_space<vmem>> -> memref<1x125xi32, #tpu.memory_space<vmem>>
          %dma_start3A_154 = tpu.memref_squeeze %dma_start3A_153 : memref<1x125xi32, #tpu.memory_space<vmem>> -> memref<125xi32, #tpu.memory_space<vmem>>
          %dma_start3A_155 = arith.constant 0 : i32
          %dma_start3A_156 = arith.constant 0 : i32
          %dma_start3A_157 = tpu.memref_slice %arg2[%dma_start3A_155, %dma_start3A_156] : memref<10240x128xf32, #tpu.memory_space<hbm>> -> memref<10240x128xf32, #tpu.memory_space<hbm>>
          tpu.enqueue_indirect_dma source(%dma_start3A_157 : memref<10240x128xf32, #tpu.memory_space<hbm>>) target(%arg13 : memref<125x128xf32, #tpu.memory_space<vmem>>) offsets(%dma_start3A_154 : memref<125xi32, #tpu.memory_space<vmem>>) semaphore(%arg15 : memref<!tpu.dma_semaphore, #tpu.memory_space<semaphore_mem>>)
        }
        %scan3A_97 = arith.constant 7 : i32
        %convert_element_type3A_98 = arith.extui %lt3A_88 : i1 to i32
        %cond3A_99 = arith.constant 0 : i32
        %cond3A_100 = arith.cmpi ne, %convert_element_type3A_98, %cond3A_99 : i32
        scf.if %cond3A_100 {
          %dma_wait3A_123 = arith.constant 0 : i32
          %dma_wait3A_124 = tpu.memref_slice %arg4[%add3A_87, %dma_wait3A_123] : memref<2560x125xi32, #tpu.memory_space<hbm>> -> memref<16x125xi32, #tpu.memory_space<hbm>>
          %dma_wait3A_125 = arith.constant 0 : i32
          %dma_wait3A_126 = tpu.memref_slice %arg4[%add3A_87, %dma_wait3A_125] : memref<2560x125xi32, #tpu.memory_space<hbm>> -> memref<16x125xi32, #tpu.memory_space<hbm>>
          tpu.wait_dma2 semaphore(%arg16 : memref<!tpu.dma_semaphore, #tpu.memory_space<semaphore_mem>>) src(%dma_wait3A_126 : memref<16x125xi32, #tpu.memory_space<hbm>>) dst(%arg8 : memref<16x125xi32, #tpu.memory_space<vmem>>)
          %dma_wait3A_127 = arith.constant 0 : i32
          %dma_wait3A_128 = tpu.memref_slice %arg5[%add3A_87, %dma_wait3A_127] : memref<2560x125xi32, #tpu.memory_space<hbm>> -> memref<16x125xi32, #tpu.memory_space<hbm>>
          %dma_wait3A_129 = arith.constant 0 : i32
          %dma_wait3A_130 = tpu.memref_slice %arg5[%add3A_87, %dma_wait3A_129] : memref<2560x125xi32, #tpu.memory_space<hbm>> -> memref<16x125xi32, #tpu.memory_space<hbm>>
          tpu.wait_dma2 semaphore(%arg16 : memref<!tpu.dma_semaphore, #tpu.memory_space<semaphore_mem>>) src(%dma_wait3A_130 : memref<16x125xi32, #tpu.memory_space<hbm>>) dst(%arg9 : memref<16x125xi32, #tpu.memory_space<vmem>>)
        } else {
        }
        %dma_wait3A_101 = arith.constant 14 : i32
        %dma_wait3A_102 = arith.constant 0 : i32
        %dma_wait3A_103 = tpu.memref_slice %arg10[%dma_wait3A_101, %dma_wait3A_102] : memref<16x125xi32, #tpu.memory_space<vmem>> -> memref<1x125xi32, #tpu.memory_space<vmem>>
        %dma_wait3A_104 = tpu.memref_squeeze %dma_wait3A_103 : memref<1x125xi32, #tpu.memory_space<vmem>> -> memref<125xi32, #tpu.memory_space<vmem>>
        %dma_wait3A_105 = arith.constant 0 : i32
        %dma_wait3A_106 = arith.constant 0 : i32
        %dma_wait3A_107 = tpu.memref_slice %arg2[%dma_wait3A_105, %dma_wait3A_106] : memref<10240x128xf32, #tpu.memory_space<hbm>> -> memref<10240x128xf32, #tpu.memory_space<hbm>>
        tpu.wait_indirect_dma semaphore(%arg14 : memref<!tpu.dma_semaphore, #tpu.memory_space<semaphore_mem>>) src(%dma_wait3A_107 : memref<10240x128xf32, #tpu.memory_space<hbm>>) dst(%arg12 : memref<125x128xf32, #tpu.memory_space<vmem>>)
        %run_scoped3A_108 = arith.constant 14 : i32
        "tpu.region"() ({
          %run_scoped3A_123 = tpu.sem_alloc : memref<!tpu.dma_semaphore, #tpu.memory_space<semaphore_mem>>
          %dma_start3A_124 = arith.constant 0 : i32
          %dma_start3A_125 = tpu.memref_slice %arg11[%run_scoped3A_108, %dma_start3A_124] : memref<16x125xi32, #tpu.memory_space<vmem>> -> memref<1x125xi32, #tpu.memory_space<vmem>>
          %dma_start3A_126 = tpu.memref_squeeze %dma_start3A_125 : memref<1x125xi32, #tpu.memory_space<vmem>> -> memref<125xi32, #tpu.memory_space<vmem>>
          %dma_start3A_127 = arith.constant 0 : i32
          %dma_start3A_128 = arith.constant 0 : i32
          %dma_start3A_129 = tpu.memref_slice %arg17[%dma_start3A_127, %dma_start3A_128] : memref<10240x128xf32, #tpu.memory_space<vmem_shared>> -> memref<10240x128xf32, #tpu.memory_space<vmem_shared>>
          tpu.enqueue_indirect_dma source(%arg12 : memref<125x128xf32, #tpu.memory_space<vmem>>) target(%dma_start3A_129 : memref<10240x128xf32, #tpu.memory_space<vmem_shared>>) offsets(%dma_start3A_126 : memref<125xi32, #tpu.memory_space<vmem>>) semaphore(%run_scoped3A_123 : memref<!tpu.dma_semaphore, #tpu.memory_space<semaphore_mem>>) {add = true}
          %dma_wait3A_130 = arith.constant 0 : i32
          %dma_wait3A_131 = tpu.memref_slice %arg11[%run_scoped3A_108, %dma_wait3A_130] : memref<16x125xi32, #tpu.memory_space<vmem>> -> memref<1x125xi32, #tpu.memory_space<vmem>>
          %dma_wait3A_132 = tpu.memref_squeeze %dma_wait3A_131 : memref<1x125xi32, #tpu.memory_space<vmem>> -> memref<125xi32, #tpu.memory_space<vmem>>
          %dma_wait3A_133 = arith.constant 0 : i32
          %dma_wait3A_134 = arith.constant 0 : i32
          %dma_wait3A_135 = tpu.memref_slice %arg17[%dma_wait3A_133, %dma_wait3A_134] : memref<10240x128xf32, #tpu.memory_space<vmem_shared>> -> memref<10240x128xf32, #tpu.memory_space<vmem_shared>>
          tpu.wait_indirect_dma semaphore(%run_scoped3A_123 : memref<!tpu.dma_semaphore, #tpu.memory_space<semaphore_mem>>) src(%arg12 : memref<125x128xf32, #tpu.memory_space<vmem>>) dst(%dma_wait3A_135 : memref<10240x128xf32, #tpu.memory_space<vmem_shared>>)
          tpu.yield
        }) : () -> ()
        %convert_element_type3A_109 = arith.extui %lt3A_88 : i1 to i32
        %cond3A_110 = arith.constant 0 : i32
        %cond3A_111 = arith.cmpi ne, %convert_element_type3A_109, %cond3A_110 : i32
        scf.if %cond3A_111 {
          %dma_start3A_123 = arith.constant 0 : i32
          %dma_start3A_124 = arith.constant 0 : i32
          %dma_start3A_125 = tpu.memref_slice %arg8[%dma_start3A_123, %dma_start3A_124] : memref<16x125xi32, #tpu.memory_space<vmem>> -> memref<1x125xi32, #tpu.memory_space<vmem>>
          %dma_start3A_126 = tpu.memref_squeeze %dma_start3A_125 : memref<1x125xi32, #tpu.memory_space<vmem>> -> memref<125xi32, #tpu.memory_space<vmem>>
          %dma_start3A_127 = arith.constant 0 : i32
          %dma_start3A_128 = arith.constant 0 : i32
          %dma_start3A_129 = tpu.memref_slice %arg2[%dma_start3A_127, %dma_start3A_128] : memref<10240x128xf32, #tpu.memory_space<hbm>> -> memref<10240x128xf32, #tpu.memory_space<hbm>>
          tpu.enqueue_indirect_dma source(%dma_start3A_129 : memref<10240x128xf32, #tpu.memory_space<hbm>>) target(%arg12 : memref<125x128xf32, #tpu.memory_space<vmem>>) offsets(%dma_start3A_126 : memref<125xi32, #tpu.memory_space<vmem>>) semaphore(%arg14 : memref<!tpu.dma_semaphore, #tpu.memory_space<semaphore_mem>>)
        } else {
        }
        %dma_wait3A_112 = arith.constant 15 : i32
        %dma_wait3A_113 = arith.constant 0 : i32
        %dma_wait3A_114 = tpu.memref_slice %arg10[%dma_wait3A_112, %dma_wait3A_113] : memref<16x125xi32, #tpu.memory_space<vmem>> -> memref<1x125xi32, #tpu.memory_space<vmem>>
        %dma_wait3A_115 = tpu.memref_squeeze %dma_wait3A_114 : memref<1x125xi32, #tpu.memory_space<vmem>> -> memref<125xi32, #tpu.memory_space<vmem>>
        %dma_wait3A_116 = arith.constant 0 : i32
        %dma_wait3A_117 = arith.constant 0 : i32
        %dma_wait3A_118 = tpu.memref_slice %arg2[%dma_wait3A_116, %dma_wait3A_117] : memref<10240x128xf32, #tpu.memory_space<hbm>> -> memref<10240x128xf32, #tpu.memory_space<hbm>>
        tpu.wait_indirect_dma semaphore(%arg15 : memref<!tpu.dma_semaphore, #tpu.memory_space<semaphore_mem>>) src(%dma_wait3A_118 : memref<10240x128xf32, #tpu.memory_space<hbm>>) dst(%arg13 : memref<125x128xf32, #tpu.memory_space<vmem>>)
        %run_scoped3A_119 = arith.constant 15 : i32
        "tpu.region"() ({
          %run_scoped3A_123 = tpu.sem_alloc : memref<!tpu.dma_semaphore, #tpu.memory_space<semaphore_mem>>
          %dma_start3A_124 = arith.constant 0 : i32
          %dma_start3A_125 = tpu.memref_slice %arg11[%run_scoped3A_119, %dma_start3A_124] : memref<16x125xi32, #tpu.memory_space<vmem>> -> memref<1x125xi32, #tpu.memory_space<vmem>>
          %dma_start3A_126 = tpu.memref_squeeze %dma_start3A_125 : memref<1x125xi32, #tpu.memory_space<vmem>> -> memref<125xi32, #tpu.memory_space<vmem>>
          %dma_start3A_127 = arith.constant 0 : i32
          %dma_start3A_128 = arith.constant 0 : i32
          %dma_start3A_129 = tpu.memref_slice %arg17[%dma_start3A_127, %dma_start3A_128] : memref<10240x128xf32, #tpu.memory_space<vmem_shared>> -> memref<10240x128xf32, #tpu.memory_space<vmem_shared>>
          tpu.enqueue_indirect_dma source(%arg13 : memref<125x128xf32, #tpu.memory_space<vmem>>) target(%dma_start3A_129 : memref<10240x128xf32, #tpu.memory_space<vmem_shared>>) offsets(%dma_start3A_126 : memref<125xi32, #tpu.memory_space<vmem>>) semaphore(%run_scoped3A_123 : memref<!tpu.dma_semaphore, #tpu.memory_space<semaphore_mem>>) {add = true}
          %dma_wait3A_130 = arith.constant 0 : i32
          %dma_wait3A_131 = tpu.memref_slice %arg11[%run_scoped3A_119, %dma_wait3A_130] : memref<16x125xi32, #tpu.memory_space<vmem>> -> memref<1x125xi32, #tpu.memory_space<vmem>>
          %dma_wait3A_132 = tpu.memref_squeeze %dma_wait3A_131 : memref<1x125xi32, #tpu.memory_space<vmem>> -> memref<125xi32, #tpu.memory_space<vmem>>
          %dma_wait3A_133 = arith.constant 0 : i32
          %dma_wait3A_134 = arith.constant 0 : i32
          %dma_wait3A_135 = tpu.memref_slice %arg17[%dma_wait3A_133, %dma_wait3A_134] : memref<10240x128xf32, #tpu.memory_space<vmem_shared>> -> memref<10240x128xf32, #tpu.memory_space<vmem_shared>>
          tpu.wait_indirect_dma semaphore(%run_scoped3A_123 : memref<!tpu.dma_semaphore, #tpu.memory_space<semaphore_mem>>) src(%arg13 : memref<125x128xf32, #tpu.memory_space<vmem>>) dst(%dma_wait3A_135 : memref<10240x128xf32, #tpu.memory_space<vmem_shared>>)
          tpu.yield
        }) : () -> ()
        %convert_element_type3A_120 = arith.extui %lt3A_88 : i1 to i32
        %cond3A_121 = arith.constant 0 : i32
        %cond3A_122 = arith.cmpi ne, %convert_element_type3A_120, %cond3A_121 : i32
        scf.if %cond3A_122 {
          %dma_start3A_123 = arith.constant 1 : i32
          %dma_start3A_124 = arith.constant 0 : i32
          %dma_start3A_125 = tpu.memref_slice %arg8[%dma_start3A_123, %dma_start3A_124] : memref<16x125xi32, #tpu.memory_space<vmem>> -> memref<1x125xi32, #tpu.memory_space<vmem>>
          %dma_start3A_126 = tpu.memref_squeeze %dma_start3A_125 : memref<1x125xi32, #tpu.memory_space<vmem>> -> memref<125xi32, #tpu.memory_space<vmem>>
          %dma_start3A_127 = arith.constant 0 : i32
          %dma_start3A_128 = arith.constant 0 : i32
          %dma_start3A_129 = tpu.memref_slice %arg2[%dma_start3A_127, %dma_start3A_128] : memref<10240x128xf32, #tpu.memory_space<hbm>> -> memref<10240x128xf32, #tpu.memory_space<hbm>>
          tpu.enqueue_indirect_dma source(%dma_start3A_129 : memref<10240x128xf32, #tpu.memory_space<hbm>>) target(%arg13 : memref<125x128xf32, #tpu.memory_space<vmem>>) offsets(%dma_start3A_126 : memref<125xi32, #tpu.memory_space<vmem>>) semaphore(%arg15 : memref<!tpu.dma_semaphore, #tpu.memory_space<semaphore_mem>>)
        } else {
        }
      }
      %scan3A_27 = arith.constant 5 : i32
      %barrier3A_28 = arith.constant 0 : index
      tpu.barrier barrier_id(%barrier3A_28)
      "tpu.region"() ({
        %run_scoped3A = tpu.sem_alloc : memref<!tpu.dma_semaphore, #tpu.memory_space<semaphore_mem>>
        %dma_start3A_29 = arith.constant 0 : i32
        %dma_start3A_30 = tpu.memref_slice %arg6[%mul3A_0, %dma_start3A_29] : memref<10240x128xf32, #tpu.memory_space<hbm>> -> memref<640x128xf32, #tpu.memory_space<hbm>>
        %dma_start3A_31 = arith.constant 0 : i32
        %dma_start3A_32 = tpu.memref_slice %arg17[%mul3A_0, %dma_start3A_31] : memref<10240x128xf32, #tpu.memory_space<vmem_shared>> -> memref<640x128xf32, #tpu.memory_space<vmem_shared>>
        tpu.enqueue_dma source(%dma_start3A_32 : memref<640x128xf32, #tpu.memory_space<vmem_shared>>) target(%dma_start3A_30 : memref<640x128xf32, #tpu.memory_space<hbm>>) target_semaphore(%run_scoped3A : memref<!tpu.dma_semaphore, #tpu.memory_space<semaphore_mem>>)
        %dma_wait3A = arith.constant 0 : i32
        %dma_wait3A_33 = tpu.memref_slice %arg6[%mul3A_0, %dma_wait3A] : memref<10240x128xf32, #tpu.memory_space<hbm>> -> memref<640x128xf32, #tpu.memory_space<hbm>>
        %dma_wait3A_34 = arith.constant 0 : i32
        %dma_wait3A_35 = tpu.memref_slice %arg17[%mul3A_0, %dma_wait3A_34] : memref<10240x128xf32, #tpu.memory_space<vmem_shared>> -> memref<640x128xf32, #tpu.memory_space<vmem_shared>>
        tpu.wait_dma2 semaphore(%run_scoped3A : memref<!tpu.dma_semaphore, #tpu.memory_space<semaphore_mem>>) src(%dma_wait3A_35 : memref<640x128xf32, #tpu.memory_space<vmem_shared>>) dst(%dma_wait3A_33 : memref<640x128xf32, #tpu.memory_space<hbm>>)
        tpu.yield
      }) : () -> ()
    } else {
    }
    %eq3A_3 = arith.constant 1 : i32
    %eq3A_4 = arith.cmpi eq, %arg0, %eq3A_3 : i32
    %convert_element_type3A_5 = arith.extui %eq3A_4 : i1 to i32
    %cond3A_6 = arith.constant 0 : i32
    %cond3A_7 = arith.cmpi ne, %convert_element_type3A_5, %cond3A_6 : i32
    scf.if %cond3A_7 {
      %mul3A_8 = arith.constant 160 : i32
      %mul3A_9 = arith.muli %arg1, %mul3A_8 : i32
      "tpu.region"() ({
        %run_scoped3A = tpu.sem_alloc : memref<!tpu.dma_semaphore, #tpu.memory_space<semaphore_mem>>
        %dma_start3A_29 = arith.constant 0 : i32
        %dma_start3A_30 = tpu.memref_slice %arg4[%mul3A_9, %dma_start3A_29] : memref<2560x125xi32, #tpu.memory_space<hbm>> -> memref<16x125xi32, #tpu.memory_space<hbm>>
        %dma_start3A_31 = arith.constant 0 : i32
        %dma_start3A_32 = tpu.memref_slice %arg4[%mul3A_9, %dma_start3A_31] : memref<2560x125xi32, #tpu.memory_space<hbm>> -> memref<16x125xi32, #tpu.memory_space<hbm>>
        tpu.enqueue_dma source(%dma_start3A_32 : memref<16x125xi32, #tpu.memory_space<hbm>>) target(%arg8 : memref<16x125xi32, #tpu.memory_space<vmem>>) target_semaphore(%run_scoped3A : memref<!tpu.dma_semaphore, #tpu.memory_space<semaphore_mem>>)
        %dma_wait3A = arith.constant 0 : i32
        %dma_wait3A_33 = tpu.memref_slice %arg4[%mul3A_9, %dma_wait3A] : memref<2560x125xi32, #tpu.memory_space<hbm>> -> memref<16x125xi32, #tpu.memory_space<hbm>>
        %dma_wait3A_34 = arith.constant 0 : i32
        %dma_wait3A_35 = tpu.memref_slice %arg4[%mul3A_9, %dma_wait3A_34] : memref<2560x125xi32, #tpu.memory_space<hbm>> -> memref<16x125xi32, #tpu.memory_space<hbm>>
        tpu.wait_dma2 semaphore(%run_scoped3A : memref<!tpu.dma_semaphore, #tpu.memory_space<semaphore_mem>>) src(%dma_wait3A_35 : memref<16x125xi32, #tpu.memory_space<hbm>>) dst(%arg8 : memref<16x125xi32, #tpu.memory_space<vmem>>)
        tpu.yield
      }) : () -> ()
      "tpu.region"() ({
        %run_scoped3A = tpu.sem_alloc : memref<!tpu.dma_semaphore, #tpu.memory_space<semaphore_mem>>
        %dma_start3A_29 = arith.constant 0 : i32
        %dma_start3A_30 = tpu.memref_slice %arg5[%mul3A_9, %dma_start3A_29] : memref<2560x125xi32, #tpu.memory_space<hbm>> -> memref<16x125xi32, #tpu.memory_space<hbm>>
        %dma_start3A_31 = arith.constant 0 : i32
        %dma_start3A_32 = tpu.memref_slice %arg5[%mul3A_9, %dma_start3A_31] : memref<2560x125xi32, #tpu.memory_space<hbm>> -> memref<16x125xi32, #tpu.memory_space<hbm>>
        tpu.enqueue_dma source(%dma_start3A_32 : memref<16x125xi32, #tpu.memory_space<hbm>>) target(%arg9 : memref<16x125xi32, #tpu.memory_space<vmem>>) target_semaphore(%run_scoped3A : memref<!tpu.dma_semaphore, #tpu.memory_space<semaphore_mem>>)
        %dma_wait3A = arith.constant 0 : i32
        %dma_wait3A_33 = tpu.memref_slice %arg5[%mul3A_9, %dma_wait3A] : memref<2560x125xi32, #tpu.memory_space<hbm>> -> memref<16x125xi32, #tpu.memory_space<hbm>>
        %dma_wait3A_34 = arith.constant 0 : i32
        %dma_wait3A_35 = tpu.memref_slice %arg5[%mul3A_9, %dma_wait3A_34] : memref<2560x125xi32, #tpu.memory_space<hbm>> -> memref<16x125xi32, #tpu.memory_space<hbm>>
        tpu.wait_dma2 semaphore(%run_scoped3A : memref<!tpu.dma_semaphore, #tpu.memory_space<semaphore_mem>>) src(%dma_wait3A_35 : memref<16x125xi32, #tpu.memory_space<hbm>>) dst(%arg9 : memref<16x125xi32, #tpu.memory_space<vmem>>)
        tpu.yield
      }) : () -> ()
      %dma_start3A = arith.constant 0 : i32
      %dma_start3A_10 = arith.constant 0 : i32
      %dma_start3A_11 = tpu.memref_slice %arg8[%dma_start3A, %dma_start3A_10] : memref<16x125xi32, #tpu.memory_space<vmem>> -> memref<1x125xi32, #tpu.memory_space<vmem>>
      %dma_start3A_12 = tpu.memref_squeeze %dma_start3A_11 : memref<1x125xi32, #tpu.memory_space<vmem>> -> memref<125xi32, #tpu.memory_space<vmem>>
      %dma_start3A_13 = arith.constant 0 : i32
      %dma_start3A_14 = arith.constant 0 : i32
      %dma_start3A_15 = tpu.memref_slice %arg3[%dma_start3A_13, %dma_start3A_14] : memref<10240x128xf32, #tpu.memory_space<hbm>> -> memref<10240x128xf32, #tpu.memory_space<hbm>>
      tpu.enqueue_indirect_dma source(%dma_start3A_15 : memref<10240x128xf32, #tpu.memory_space<hbm>>) target(%arg12 : memref<125x128xf32, #tpu.memory_space<vmem>>) offsets(%dma_start3A_12 : memref<125xi32, #tpu.memory_space<vmem>>) semaphore(%arg14 : memref<!tpu.dma_semaphore, #tpu.memory_space<semaphore_mem>>)
      %dma_start3A_16 = arith.constant 1 : i32
      %dma_start3A_17 = arith.constant 0 : i32
      %dma_start3A_18 = tpu.memref_slice %arg8[%dma_start3A_16, %dma_start3A_17] : memref<16x125xi32, #tpu.memory_space<vmem>> -> memref<1x125xi32, #tpu.memory_space<vmem>>
      %dma_start3A_19 = tpu.memref_squeeze %dma_start3A_18 : memref<1x125xi32, #tpu.memory_space<vmem>> -> memref<125xi32, #tpu.memory_space<vmem>>
      %dma_start3A_20 = arith.constant 0 : i32
      %dma_start3A_21 = arith.constant 0 : i32
      %dma_start3A_22 = tpu.memref_slice %arg3[%dma_start3A_20, %dma_start3A_21] : memref<10240x128xf32, #tpu.memory_space<hbm>> -> memref<10240x128xf32, #tpu.memory_space<hbm>>
      tpu.enqueue_indirect_dma source(%dma_start3A_22 : memref<10240x128xf32, #tpu.memory_space<hbm>>) target(%arg13 : memref<125x128xf32, #tpu.memory_space<vmem>>) offsets(%dma_start3A_19 : memref<125xi32, #tpu.memory_space<vmem>>) semaphore(%arg15 : memref<!tpu.dma_semaphore, #tpu.memory_space<semaphore_mem>>)
      "tpu.region"() ({
        %run_scoped3A = tpu.sem_alloc : memref<!tpu.dma_semaphore, #tpu.memory_space<semaphore_mem>>
        %dma_start3A_29 = arith.constant 0 : i32
        %dma_start3A_30 = tpu.memref_slice %arg17[%mul3A_0, %dma_start3A_29] : memref<10240x128xf32, #tpu.memory_space<vmem_shared>> -> memref<640x128xf32, #tpu.memory_space<vmem_shared>>
        %dma_start3A_31 = arith.constant 0 : i32
        %dma_start3A_32 = tpu.memref_slice %arg3[%mul3A_0, %dma_start3A_31] : memref<10240x128xf32, #tpu.memory_space<hbm>> -> memref<640x128xf32, #tpu.memory_space<hbm>>
        tpu.enqueue_dma source(%dma_start3A_32 : memref<640x128xf32, #tpu.memory_space<hbm>>) target(%dma_start3A_30 : memref<640x128xf32, #tpu.memory_space<vmem_shared>>) target_semaphore(%run_scoped3A : memref<!tpu.dma_semaphore, #tpu.memory_space<semaphore_mem>>)
        %dma_wait3A = arith.constant 0 : i32
        %dma_wait3A_33 = tpu.memref_slice %arg17[%mul3A_0, %dma_wait3A] : memref<10240x128xf32, #tpu.memory_space<vmem_shared>> -> memref<640x128xf32, #tpu.memory_space<vmem_shared>>
        %dma_wait3A_34 = arith.constant 0 : i32
        %dma_wait3A_35 = tpu.memref_slice %arg3[%mul3A_0, %dma_wait3A_34] : memref<10240x128xf32, #tpu.memory_space<hbm>> -> memref<640x128xf32, #tpu.memory_space<hbm>>
        tpu.wait_dma2 semaphore(%run_scoped3A : memref<!tpu.dma_semaphore, #tpu.memory_space<semaphore_mem>>) src(%dma_wait3A_35 : memref<640x128xf32, #tpu.memory_space<hbm>>) dst(%dma_wait3A_33 : memref<640x128xf32, #tpu.memory_space<vmem_shared>>)
        tpu.yield
      }) : () -> ()
      %barrier3A = arith.constant 0 : index
      tpu.barrier barrier_id(%barrier3A)
      %scan3A = arith.constant 0 : i32
      %scan3A_23 = arith.constant 0 : i32
      %scan3A_24 = arith.constant 5 : i32
      %scan3A_25 = arith.addi %scan3A_23, %scan3A_24 : i32
      %scan3A_26 = arith.constant 1 : i32
      scf.for %scan3A_29 = %scan3A_23 to %scan3A_25 step %scan3A_26  : i32 {
        %mul3A_30 = arith.constant 2 : i32
        %mul3A_31 = arith.muli %mul3A_30, %scan3A_29 : i32
        %mul3A_32 = arith.constant 16 : i32
        %mul3A_33 = arith.muli %mul3A_31, %mul3A_32 : i32
        %add3A = arith.addi %mul3A_9, %mul3A_33 : i32
        %add3A_34 = arith.constant 16 : i32
        %add3A_35 = arith.addi %add3A, %add3A_34 : i32
        %dma_start3A_36 = arith.constant 0 : i32
        %dma_start3A_37 = tpu.memref_slice %arg4[%add3A_35, %dma_start3A_36] : memref<2560x125xi32, #tpu.memory_space<hbm>> -> memref<16x125xi32, #tpu.memory_space<hbm>>
        %dma_start3A_38 = arith.constant 0 : i32
        %dma_start3A_39 = tpu.memref_slice %arg4[%add3A_35, %dma_start3A_38] : memref<2560x125xi32, #tpu.memory_space<hbm>> -> memref<16x125xi32, #tpu.memory_space<hbm>>
        tpu.enqueue_dma source(%dma_start3A_39 : memref<16x125xi32, #tpu.memory_space<hbm>>) target(%arg10 : memref<16x125xi32, #tpu.memory_space<vmem>>) target_semaphore(%arg16 : memref<!tpu.dma_semaphore, #tpu.memory_space<semaphore_mem>>)
        %dma_start3A_40 = arith.constant 0 : i32
        %dma_start3A_41 = tpu.memref_slice %arg5[%add3A_35, %dma_start3A_40] : memref<2560x125xi32, #tpu.memory_space<hbm>> -> memref<16x125xi32, #tpu.memory_space<hbm>>
        %dma_start3A_42 = arith.constant 0 : i32
        %dma_start3A_43 = tpu.memref_slice %arg5[%add3A_35, %dma_start3A_42] : memref<2560x125xi32, #tpu.memory_space<hbm>> -> memref<16x125xi32, #tpu.memory_space<hbm>>
        tpu.enqueue_dma source(%dma_start3A_43 : memref<16x125xi32, #tpu.memory_space<hbm>>) target(%arg11 : memref<16x125xi32, #tpu.memory_space<vmem>>) target_semaphore(%arg16 : memref<!tpu.dma_semaphore, #tpu.memory_space<semaphore_mem>>)
        %scan3A_44 = arith.constant 0 : i32
        %scan3A_45 = arith.constant 0 : i32
        %scan3A_46 = arith.constant 7 : i32
        %scan3A_47 = arith.addi %scan3A_45, %scan3A_46 : i32
        %scan3A_48 = arith.constant 1 : i32
        scf.for %scan3A_123 = %scan3A_45 to %scan3A_47 step %scan3A_48  : i32 {
          %mul3A_124 = arith.constant 2 : i32
          %mul3A_125 = arith.muli %mul3A_124, %scan3A_123 : i32
          %dma_wait3A_126 = arith.constant 0 : i32
          %dma_wait3A_127 = tpu.memref_slice %arg8[%mul3A_125, %dma_wait3A_126] : memref<16x125xi32, #tpu.memory_space<vmem>> -> memref<1x125xi32, #tpu.memory_space<vmem>>
          %dma_wait3A_128 = tpu.memref_squeeze %dma_wait3A_127 : memref<1x125xi32, #tpu.memory_space<vmem>> -> memref<125xi32, #tpu.memory_space<vmem>>
          %dma_wait3A_129 = arith.constant 0 : i32
          %dma_wait3A_130 = arith.constant 0 : i32
          %dma_wait3A_131 = tpu.memref_slice %arg3[%dma_wait3A_129, %dma_wait3A_130] : memref<10240x128xf32, #tpu.memory_space<hbm>> -> memref<10240x128xf32, #tpu.memory_space<hbm>>
          tpu.wait_indirect_dma semaphore(%arg14 : memref<!tpu.dma_semaphore, #tpu.memory_space<semaphore_mem>>) src(%dma_wait3A_131 : memref<10240x128xf32, #tpu.memory_space<hbm>>) dst(%arg12 : memref<125x128xf32, #tpu.memory_space<vmem>>)
          "tpu.region"() ({
            %run_scoped3A_158 = tpu.sem_alloc : memref<!tpu.dma_semaphore, #tpu.memory_space<semaphore_mem>>
            %dma_start3A_159 = arith.constant 0 : i32
            %dma_start3A_160 = tpu.memref_slice %arg9[%mul3A_125, %dma_start3A_159] : memref<16x125xi32, #tpu.memory_space<vmem>> -> memref<1x125xi32, #tpu.memory_space<vmem>>
            %dma_start3A_161 = tpu.memref_squeeze %dma_start3A_160 : memref<1x125xi32, #tpu.memory_space<vmem>> -> memref<125xi32, #tpu.memory_space<vmem>>
            %dma_start3A_162 = arith.constant 0 : i32
            %dma_start3A_163 = arith.constant 0 : i32
            %dma_start3A_164 = tpu.memref_slice %arg17[%dma_start3A_162, %dma_start3A_163] : memref<10240x128xf32, #tpu.memory_space<vmem_shared>> -> memref<10240x128xf32, #tpu.memory_space<vmem_shared>>
            tpu.enqueue_indirect_dma source(%arg12 : memref<125x128xf32, #tpu.memory_space<vmem>>) target(%dma_start3A_164 : memref<10240x128xf32, #tpu.memory_space<vmem_shared>>) offsets(%dma_start3A_161 : memref<125xi32, #tpu.memory_space<vmem>>) semaphore(%run_scoped3A_158 : memref<!tpu.dma_semaphore, #tpu.memory_space<semaphore_mem>>) {add = true}
            %dma_wait3A_165 = arith.constant 0 : i32
            %dma_wait3A_166 = tpu.memref_slice %arg9[%mul3A_125, %dma_wait3A_165] : memref<16x125xi32, #tpu.memory_space<vmem>> -> memref<1x125xi32, #tpu.memory_space<vmem>>
            %dma_wait3A_167 = tpu.memref_squeeze %dma_wait3A_166 : memref<1x125xi32, #tpu.memory_space<vmem>> -> memref<125xi32, #tpu.memory_space<vmem>>
            %dma_wait3A_168 = arith.constant 0 : i32
            %dma_wait3A_169 = arith.constant 0 : i32
            %dma_wait3A_170 = tpu.memref_slice %arg17[%dma_wait3A_168, %dma_wait3A_169] : memref<10240x128xf32, #tpu.memory_space<vmem_shared>> -> memref<10240x128xf32, #tpu.memory_space<vmem_shared>>
            tpu.wait_indirect_dma semaphore(%run_scoped3A_158 : memref<!tpu.dma_semaphore, #tpu.memory_space<semaphore_mem>>) src(%arg12 : memref<125x128xf32, #tpu.memory_space<vmem>>) dst(%dma_wait3A_170 : memref<10240x128xf32, #tpu.memory_space<vmem_shared>>)
            tpu.yield
          }) : () -> ()
          %add3A_132 = arith.constant 2 : i32
          %add3A_133 = arith.addi %mul3A_125, %add3A_132 : i32
          %dma_start3A_134 = arith.constant 0 : i32
          %dma_start3A_135 = tpu.memref_slice %arg8[%add3A_133, %dma_start3A_134] : memref<16x125xi32, #tpu.memory_space<vmem>> -> memref<1x125xi32, #tpu.memory_space<vmem>>
          %dma_start3A_136 = tpu.memref_squeeze %dma_start3A_135 : memref<1x125xi32, #tpu.memory_space<vmem>> -> memref<125xi32, #tpu.memory_space<vmem>>
          %dma_start3A_137 = arith.constant 0 : i32
          %dma_start3A_138 = arith.constant 0 : i32
          %dma_start3A_139 = tpu.memref_slice %arg3[%dma_start3A_137, %dma_start3A_138] : memref<10240x128xf32, #tpu.memory_space<hbm>> -> memref<10240x128xf32, #tpu.memory_space<hbm>>
          tpu.enqueue_indirect_dma source(%dma_start3A_139 : memref<10240x128xf32, #tpu.memory_space<hbm>>) target(%arg12 : memref<125x128xf32, #tpu.memory_space<vmem>>) offsets(%dma_start3A_136 : memref<125xi32, #tpu.memory_space<vmem>>) semaphore(%arg14 : memref<!tpu.dma_semaphore, #tpu.memory_space<semaphore_mem>>)
          %add3A_140 = arith.constant 1 : i32
          %add3A_141 = arith.addi %mul3A_125, %add3A_140 : i32
          %dma_wait3A_142 = arith.constant 0 : i32
          %dma_wait3A_143 = tpu.memref_slice %arg8[%add3A_141, %dma_wait3A_142] : memref<16x125xi32, #tpu.memory_space<vmem>> -> memref<1x125xi32, #tpu.memory_space<vmem>>
          %dma_wait3A_144 = tpu.memref_squeeze %dma_wait3A_143 : memref<1x125xi32, #tpu.memory_space<vmem>> -> memref<125xi32, #tpu.memory_space<vmem>>
          %dma_wait3A_145 = arith.constant 0 : i32
          %dma_wait3A_146 = arith.constant 0 : i32
          %dma_wait3A_147 = tpu.memref_slice %arg3[%dma_wait3A_145, %dma_wait3A_146] : memref<10240x128xf32, #tpu.memory_space<hbm>> -> memref<10240x128xf32, #tpu.memory_space<hbm>>
          tpu.wait_indirect_dma semaphore(%arg15 : memref<!tpu.dma_semaphore, #tpu.memory_space<semaphore_mem>>) src(%dma_wait3A_147 : memref<10240x128xf32, #tpu.memory_space<hbm>>) dst(%arg13 : memref<125x128xf32, #tpu.memory_space<vmem>>)
          %add3A_148 = arith.constant 1 : i32
          %add3A_149 = arith.addi %mul3A_125, %add3A_148 : i32
          "tpu.region"() ({
            %run_scoped3A_158 = tpu.sem_alloc : memref<!tpu.dma_semaphore, #tpu.memory_space<semaphore_mem>>
            %dma_start3A_159 = arith.constant 0 : i32
            %dma_start3A_160 = tpu.memref_slice %arg9[%add3A_149, %dma_start3A_159] : memref<16x125xi32, #tpu.memory_space<vmem>> -> memref<1x125xi32, #tpu.memory_space<vmem>>
            %dma_start3A_161 = tpu.memref_squeeze %dma_start3A_160 : memref<1x125xi32, #tpu.memory_space<vmem>> -> memref<125xi32, #tpu.memory_space<vmem>>
            %dma_start3A_162 = arith.constant 0 : i32
            %dma_start3A_163 = arith.constant 0 : i32
            %dma_start3A_164 = tpu.memref_slice %arg17[%dma_start3A_162, %dma_start3A_163] : memref<10240x128xf32, #tpu.memory_space<vmem_shared>> -> memref<10240x128xf32, #tpu.memory_space<vmem_shared>>
            tpu.enqueue_indirect_dma source(%arg13 : memref<125x128xf32, #tpu.memory_space<vmem>>) target(%dma_start3A_164 : memref<10240x128xf32, #tpu.memory_space<vmem_shared>>) offsets(%dma_start3A_161 : memref<125xi32, #tpu.memory_space<vmem>>) semaphore(%run_scoped3A_158 : memref<!tpu.dma_semaphore, #tpu.memory_space<semaphore_mem>>) {add = true}
            %dma_wait3A_165 = arith.constant 0 : i32
            %dma_wait3A_166 = tpu.memref_slice %arg9[%add3A_149, %dma_wait3A_165] : memref<16x125xi32, #tpu.memory_space<vmem>> -> memref<1x125xi32, #tpu.memory_space<vmem>>
            %dma_wait3A_167 = tpu.memref_squeeze %dma_wait3A_166 : memref<1x125xi32, #tpu.memory_space<vmem>> -> memref<125xi32, #tpu.memory_space<vmem>>
            %dma_wait3A_168 = arith.constant 0 : i32
            %dma_wait3A_169 = arith.constant 0 : i32
            %dma_wait3A_170 = tpu.memref_slice %arg17[%dma_wait3A_168, %dma_wait3A_169] : memref<10240x128xf32, #tpu.memory_space<vmem_shared>> -> memref<10240x128xf32, #tpu.memory_space<vmem_shared>>
            tpu.wait_indirect_dma semaphore(%run_scoped3A_158 : memref<!tpu.dma_semaphore, #tpu.memory_space<semaphore_mem>>) src(%arg13 : memref<125x128xf32, #tpu.memory_space<vmem>>) dst(%dma_wait3A_170 : memref<10240x128xf32, #tpu.memory_space<vmem_shared>>)
            tpu.yield
          }) : () -> ()
          %add3A_150 = arith.constant 3 : i32
          %add3A_151 = arith.addi %mul3A_125, %add3A_150 : i32
          %dma_start3A_152 = arith.constant 0 : i32
          %dma_start3A_153 = tpu.memref_slice %arg8[%add3A_151, %dma_start3A_152] : memref<16x125xi32, #tpu.memory_space<vmem>> -> memref<1x125xi32, #tpu.memory_space<vmem>>
          %dma_start3A_154 = tpu.memref_squeeze %dma_start3A_153 : memref<1x125xi32, #tpu.memory_space<vmem>> -> memref<125xi32, #tpu.memory_space<vmem>>
          %dma_start3A_155 = arith.constant 0 : i32
          %dma_start3A_156 = arith.constant 0 : i32
          %dma_start3A_157 = tpu.memref_slice %arg3[%dma_start3A_155, %dma_start3A_156] : memref<10240x128xf32, #tpu.memory_space<hbm>> -> memref<10240x128xf32, #tpu.memory_space<hbm>>
          tpu.enqueue_indirect_dma source(%dma_start3A_157 : memref<10240x128xf32, #tpu.memory_space<hbm>>) target(%arg13 : memref<125x128xf32, #tpu.memory_space<vmem>>) offsets(%dma_start3A_154 : memref<125xi32, #tpu.memory_space<vmem>>) semaphore(%arg15 : memref<!tpu.dma_semaphore, #tpu.memory_space<semaphore_mem>>)
        }
        %scan3A_49 = arith.constant 7 : i32
        %dma_wait3A = arith.constant 0 : i32
        %dma_wait3A_50 = tpu.memref_slice %arg4[%add3A_35, %dma_wait3A] : memref<2560x125xi32, #tpu.memory_space<hbm>> -> memref<16x125xi32, #tpu.memory_space<hbm>>
        %dma_wait3A_51 = arith.constant 0 : i32
        %dma_wait3A_52 = tpu.memref_slice %arg4[%add3A_35, %dma_wait3A_51] : memref<2560x125xi32, #tpu.memory_space<hbm>> -> memref<16x125xi32, #tpu.memory_space<hbm>>
        tpu.wait_dma2 semaphore(%arg16 : memref<!tpu.dma_semaphore, #tpu.memory_space<semaphore_mem>>) src(%dma_wait3A_52 : memref<16x125xi32, #tpu.memory_space<hbm>>) dst(%arg10 : memref<16x125xi32, #tpu.memory_space<vmem>>)
        %dma_wait3A_53 = arith.constant 0 : i32
        %dma_wait3A_54 = tpu.memref_slice %arg5[%add3A_35, %dma_wait3A_53] : memref<2560x125xi32, #tpu.memory_space<hbm>> -> memref<16x125xi32, #tpu.memory_space<hbm>>
        %dma_wait3A_55 = arith.constant 0 : i32
        %dma_wait3A_56 = tpu.memref_slice %arg5[%add3A_35, %dma_wait3A_55] : memref<2560x125xi32, #tpu.memory_space<hbm>> -> memref<16x125xi32, #tpu.memory_space<hbm>>
        tpu.wait_dma2 semaphore(%arg16 : memref<!tpu.dma_semaphore, #tpu.memory_space<semaphore_mem>>) src(%dma_wait3A_56 : memref<16x125xi32, #tpu.memory_space<hbm>>) dst(%arg11 : memref<16x125xi32, #tpu.memory_space<vmem>>)
        %dma_wait3A_57 = arith.constant 14 : i32
        %dma_wait3A_58 = arith.constant 0 : i32
        %dma_wait3A_59 = tpu.memref_slice %arg8[%dma_wait3A_57, %dma_wait3A_58] : memref<16x125xi32, #tpu.memory_space<vmem>> -> memref<1x125xi32, #tpu.memory_space<vmem>>
        %dma_wait3A_60 = tpu.memref_squeeze %dma_wait3A_59 : memref<1x125xi32, #tpu.memory_space<vmem>> -> memref<125xi32, #tpu.memory_space<vmem>>
        %dma_wait3A_61 = arith.constant 0 : i32
        %dma_wait3A_62 = arith.constant 0 : i32
        %dma_wait3A_63 = tpu.memref_slice %arg3[%dma_wait3A_61, %dma_wait3A_62] : memref<10240x128xf32, #tpu.memory_space<hbm>> -> memref<10240x128xf32, #tpu.memory_space<hbm>>
        tpu.wait_indirect_dma semaphore(%arg14 : memref<!tpu.dma_semaphore, #tpu.memory_space<semaphore_mem>>) src(%dma_wait3A_63 : memref<10240x128xf32, #tpu.memory_space<hbm>>) dst(%arg12 : memref<125x128xf32, #tpu.memory_space<vmem>>)
        %run_scoped3A = arith.constant 14 : i32
        "tpu.region"() ({
          %run_scoped3A_123 = tpu.sem_alloc : memref<!tpu.dma_semaphore, #tpu.memory_space<semaphore_mem>>
          %dma_start3A_124 = arith.constant 0 : i32
          %dma_start3A_125 = tpu.memref_slice %arg9[%run_scoped3A, %dma_start3A_124] : memref<16x125xi32, #tpu.memory_space<vmem>> -> memref<1x125xi32, #tpu.memory_space<vmem>>
          %dma_start3A_126 = tpu.memref_squeeze %dma_start3A_125 : memref<1x125xi32, #tpu.memory_space<vmem>> -> memref<125xi32, #tpu.memory_space<vmem>>
          %dma_start3A_127 = arith.constant 0 : i32
          %dma_start3A_128 = arith.constant 0 : i32
          %dma_start3A_129 = tpu.memref_slice %arg17[%dma_start3A_127, %dma_start3A_128] : memref<10240x128xf32, #tpu.memory_space<vmem_shared>> -> memref<10240x128xf32, #tpu.memory_space<vmem_shared>>
          tpu.enqueue_indirect_dma source(%arg12 : memref<125x128xf32, #tpu.memory_space<vmem>>) target(%dma_start3A_129 : memref<10240x128xf32, #tpu.memory_space<vmem_shared>>) offsets(%dma_start3A_126 : memref<125xi32, #tpu.memory_space<vmem>>) semaphore(%run_scoped3A_123 : memref<!tpu.dma_semaphore, #tpu.memory_space<semaphore_mem>>) {add = true}
          %dma_wait3A_130 = arith.constant 0 : i32
          %dma_wait3A_131 = tpu.memref_slice %arg9[%run_scoped3A, %dma_wait3A_130] : memref<16x125xi32, #tpu.memory_space<vmem>> -> memref<1x125xi32, #tpu.memory_space<vmem>>
          %dma_wait3A_132 = tpu.memref_squeeze %dma_wait3A_131 : memref<1x125xi32, #tpu.memory_space<vmem>> -> memref<125xi32, #tpu.memory_space<vmem>>
          %dma_wait3A_133 = arith.constant 0 : i32
          %dma_wait3A_134 = arith.constant 0 : i32
          %dma_wait3A_135 = tpu.memref_slice %arg17[%dma_wait3A_133, %dma_wait3A_134] : memref<10240x128xf32, #tpu.memory_space<vmem_shared>> -> memref<10240x128xf32, #tpu.memory_space<vmem_shared>>
          tpu.wait_indirect_dma semaphore(%run_scoped3A_123 : memref<!tpu.dma_semaphore, #tpu.memory_space<semaphore_mem>>) src(%arg12 : memref<125x128xf32, #tpu.memory_space<vmem>>) dst(%dma_wait3A_135 : memref<10240x128xf32, #tpu.memory_space<vmem_shared>>)
          tpu.yield
        }) : () -> ()
        %dma_start3A_64 = arith.constant 0 : i32
        %dma_start3A_65 = arith.constant 0 : i32
        %dma_start3A_66 = tpu.memref_slice %arg10[%dma_start3A_64, %dma_start3A_65] : memref<16x125xi32, #tpu.memory_space<vmem>> -> memref<1x125xi32, #tpu.memory_space<vmem>>
        %dma_start3A_67 = tpu.memref_squeeze %dma_start3A_66 : memref<1x125xi32, #tpu.memory_space<vmem>> -> memref<125xi32, #tpu.memory_space<vmem>>
        %dma_start3A_68 = arith.constant 0 : i32
        %dma_start3A_69 = arith.constant 0 : i32
        %dma_start3A_70 = tpu.memref_slice %arg3[%dma_start3A_68, %dma_start3A_69] : memref<10240x128xf32, #tpu.memory_space<hbm>> -> memref<10240x128xf32, #tpu.memory_space<hbm>>
        tpu.enqueue_indirect_dma source(%dma_start3A_70 : memref<10240x128xf32, #tpu.memory_space<hbm>>) target(%arg12 : memref<125x128xf32, #tpu.memory_space<vmem>>) offsets(%dma_start3A_67 : memref<125xi32, #tpu.memory_space<vmem>>) semaphore(%arg14 : memref<!tpu.dma_semaphore, #tpu.memory_space<semaphore_mem>>)
        %dma_wait3A_71 = arith.constant 15 : i32
        %dma_wait3A_72 = arith.constant 0 : i32
        %dma_wait3A_73 = tpu.memref_slice %arg8[%dma_wait3A_71, %dma_wait3A_72] : memref<16x125xi32, #tpu.memory_space<vmem>> -> memref<1x125xi32, #tpu.memory_space<vmem>>
        %dma_wait3A_74 = tpu.memref_squeeze %dma_wait3A_73 : memref<1x125xi32, #tpu.memory_space<vmem>> -> memref<125xi32, #tpu.memory_space<vmem>>
        %dma_wait3A_75 = arith.constant 0 : i32
        %dma_wait3A_76 = arith.constant 0 : i32
        %dma_wait3A_77 = tpu.memref_slice %arg3[%dma_wait3A_75, %dma_wait3A_76] : memref<10240x128xf32, #tpu.memory_space<hbm>> -> memref<10240x128xf32, #tpu.memory_space<hbm>>
        tpu.wait_indirect_dma semaphore(%arg15 : memref<!tpu.dma_semaphore, #tpu.memory_space<semaphore_mem>>) src(%dma_wait3A_77 : memref<10240x128xf32, #tpu.memory_space<hbm>>) dst(%arg13 : memref<125x128xf32, #tpu.memory_space<vmem>>)
        %run_scoped3A_78 = arith.constant 15 : i32
        "tpu.region"() ({
          %run_scoped3A_123 = tpu.sem_alloc : memref<!tpu.dma_semaphore, #tpu.memory_space<semaphore_mem>>
          %dma_start3A_124 = arith.constant 0 : i32
          %dma_start3A_125 = tpu.memref_slice %arg9[%run_scoped3A_78, %dma_start3A_124] : memref<16x125xi32, #tpu.memory_space<vmem>> -> memref<1x125xi32, #tpu.memory_space<vmem>>
          %dma_start3A_126 = tpu.memref_squeeze %dma_start3A_125 : memref<1x125xi32, #tpu.memory_space<vmem>> -> memref<125xi32, #tpu.memory_space<vmem>>
          %dma_start3A_127 = arith.constant 0 : i32
          %dma_start3A_128 = arith.constant 0 : i32
          %dma_start3A_129 = tpu.memref_slice %arg17[%dma_start3A_127, %dma_start3A_128] : memref<10240x128xf32, #tpu.memory_space<vmem_shared>> -> memref<10240x128xf32, #tpu.memory_space<vmem_shared>>
          tpu.enqueue_indirect_dma source(%arg13 : memref<125x128xf32, #tpu.memory_space<vmem>>) target(%dma_start3A_129 : memref<10240x128xf32, #tpu.memory_space<vmem_shared>>) offsets(%dma_start3A_126 : memref<125xi32, #tpu.memory_space<vmem>>) semaphore(%run_scoped3A_123 : memref<!tpu.dma_semaphore, #tpu.memory_space<semaphore_mem>>) {add = true}
          %dma_wait3A_130 = arith.constant 0 : i32
          %dma_wait3A_131 = tpu.memref_slice %arg9[%run_scoped3A_78, %dma_wait3A_130] : memref<16x125xi32, #tpu.memory_space<vmem>> -> memref<1x125xi32, #tpu.memory_space<vmem>>
          %dma_wait3A_132 = tpu.memref_squeeze %dma_wait3A_131 : memref<1x125xi32, #tpu.memory_space<vmem>> -> memref<125xi32, #tpu.memory_space<vmem>>
          %dma_wait3A_133 = arith.constant 0 : i32
          %dma_wait3A_134 = arith.constant 0 : i32
          %dma_wait3A_135 = tpu.memref_slice %arg17[%dma_wait3A_133, %dma_wait3A_134] : memref<10240x128xf32, #tpu.memory_space<vmem_shared>> -> memref<10240x128xf32, #tpu.memory_space<vmem_shared>>
          tpu.wait_indirect_dma semaphore(%run_scoped3A_123 : memref<!tpu.dma_semaphore, #tpu.memory_space<semaphore_mem>>) src(%arg13 : memref<125x128xf32, #tpu.memory_space<vmem>>) dst(%dma_wait3A_135 : memref<10240x128xf32, #tpu.memory_space<vmem_shared>>)
          tpu.yield
        }) : () -> ()
        %dma_start3A_79 = arith.constant 1 : i32
        %dma_start3A_80 = arith.constant 0 : i32
        %dma_start3A_81 = tpu.memref_slice %arg10[%dma_start3A_79, %dma_start3A_80] : memref<16x125xi32, #tpu.memory_space<vmem>> -> memref<1x125xi32, #tpu.memory_space<vmem>>
        %dma_start3A_82 = tpu.memref_squeeze %dma_start3A_81 : memref<1x125xi32, #tpu.memory_space<vmem>> -> memref<125xi32, #tpu.memory_space<vmem>>
        %dma_start3A_83 = arith.constant 0 : i32
        %dma_start3A_84 = arith.constant 0 : i32
        %dma_start3A_85 = tpu.memref_slice %arg3[%dma_start3A_83, %dma_start3A_84] : memref<10240x128xf32, #tpu.memory_space<hbm>> -> memref<10240x128xf32, #tpu.memory_space<hbm>>
        tpu.enqueue_indirect_dma source(%dma_start3A_85 : memref<10240x128xf32, #tpu.memory_space<hbm>>) target(%arg13 : memref<125x128xf32, #tpu.memory_space<vmem>>) offsets(%dma_start3A_82 : memref<125xi32, #tpu.memory_space<vmem>>) semaphore(%arg15 : memref<!tpu.dma_semaphore, #tpu.memory_space<semaphore_mem>>)
        %add3A_86 = arith.constant 32 : i32
        %add3A_87 = arith.addi %add3A, %add3A_86 : i32
        %lt3A = arith.constant 4 : i32
        %lt3A_88 = arith.cmpi slt, %scan3A_29, %lt3A : i32
        %convert_element_type3A_89 = arith.extui %lt3A_88 : i1 to i32
        %cond3A_90 = arith.constant 0 : i32
        %cond3A_91 = arith.cmpi ne, %convert_element_type3A_89, %cond3A_90 : i32
        scf.if %cond3A_91 {
          %dma_start3A_123 = arith.constant 0 : i32
          %dma_start3A_124 = tpu.memref_slice %arg4[%add3A_87, %dma_start3A_123] : memref<2560x125xi32, #tpu.memory_space<hbm>> -> memref<16x125xi32, #tpu.memory_space<hbm>>
          %dma_start3A_125 = arith.constant 0 : i32
          %dma_start3A_126 = tpu.memref_slice %arg4[%add3A_87, %dma_start3A_125] : memref<2560x125xi32, #tpu.memory_space<hbm>> -> memref<16x125xi32, #tpu.memory_space<hbm>>
          tpu.enqueue_dma source(%dma_start3A_126 : memref<16x125xi32, #tpu.memory_space<hbm>>) target(%arg8 : memref<16x125xi32, #tpu.memory_space<vmem>>) target_semaphore(%arg16 : memref<!tpu.dma_semaphore, #tpu.memory_space<semaphore_mem>>)
          %dma_start3A_127 = arith.constant 0 : i32
          %dma_start3A_128 = tpu.memref_slice %arg5[%add3A_87, %dma_start3A_127] : memref<2560x125xi32, #tpu.memory_space<hbm>> -> memref<16x125xi32, #tpu.memory_space<hbm>>
          %dma_start3A_129 = arith.constant 0 : i32
          %dma_start3A_130 = tpu.memref_slice %arg5[%add3A_87, %dma_start3A_129] : memref<2560x125xi32, #tpu.memory_space<hbm>> -> memref<16x125xi32, #tpu.memory_space<hbm>>
          tpu.enqueue_dma source(%dma_start3A_130 : memref<16x125xi32, #tpu.memory_space<hbm>>) target(%arg9 : memref<16x125xi32, #tpu.memory_space<vmem>>) target_semaphore(%arg16 : memref<!tpu.dma_semaphore, #tpu.memory_space<semaphore_mem>>)
        } else {
        }
        %scan3A_92 = arith.constant 0 : i32
        %scan3A_93 = arith.constant 0 : i32
        %scan3A_94 = arith.constant 7 : i32
        %scan3A_95 = arith.addi %scan3A_93, %scan3A_94 : i32
        %scan3A_96 = arith.constant 1 : i32
        scf.for %scan3A_123 = %scan3A_93 to %scan3A_95 step %scan3A_96  : i32 {
          %mul3A_124 = arith.constant 2 : i32
          %mul3A_125 = arith.muli %mul3A_124, %scan3A_123 : i32
          %dma_wait3A_126 = arith.constant 0 : i32
          %dma_wait3A_127 = tpu.memref_slice %arg10[%mul3A_125, %dma_wait3A_126] : memref<16x125xi32, #tpu.memory_space<vmem>> -> memref<1x125xi32, #tpu.memory_space<vmem>>
          %dma_wait3A_128 = tpu.memref_squeeze %dma_wait3A_127 : memref<1x125xi32, #tpu.memory_space<vmem>> -> memref<125xi32, #tpu.memory_space<vmem>>
          %dma_wait3A_129 = arith.constant 0 : i32
          %dma_wait3A_130 = arith.constant 0 : i32
          %dma_wait3A_131 = tpu.memref_slice %arg3[%dma_wait3A_129, %dma_wait3A_130] : memref<10240x128xf32, #tpu.memory_space<hbm>> -> memref<10240x128xf32, #tpu.memory_space<hbm>>
          tpu.wait_indirect_dma semaphore(%arg14 : memref<!tpu.dma_semaphore, #tpu.memory_space<semaphore_mem>>) src(%dma_wait3A_131 : memref<10240x128xf32, #tpu.memory_space<hbm>>) dst(%arg12 : memref<125x128xf32, #tpu.memory_space<vmem>>)
          "tpu.region"() ({
            %run_scoped3A_158 = tpu.sem_alloc : memref<!tpu.dma_semaphore, #tpu.memory_space<semaphore_mem>>
            %dma_start3A_159 = arith.constant 0 : i32
            %dma_start3A_160 = tpu.memref_slice %arg11[%mul3A_125, %dma_start3A_159] : memref<16x125xi32, #tpu.memory_space<vmem>> -> memref<1x125xi32, #tpu.memory_space<vmem>>
            %dma_start3A_161 = tpu.memref_squeeze %dma_start3A_160 : memref<1x125xi32, #tpu.memory_space<vmem>> -> memref<125xi32, #tpu.memory_space<vmem>>
            %dma_start3A_162 = arith.constant 0 : i32
            %dma_start3A_163 = arith.constant 0 : i32
            %dma_start3A_164 = tpu.memref_slice %arg17[%dma_start3A_162, %dma_start3A_163] : memref<10240x128xf32, #tpu.memory_space<vmem_shared>> -> memref<10240x128xf32, #tpu.memory_space<vmem_shared>>
            tpu.enqueue_indirect_dma source(%arg12 : memref<125x128xf32, #tpu.memory_space<vmem>>) target(%dma_start3A_164 : memref<10240x128xf32, #tpu.memory_space<vmem_shared>>) offsets(%dma_start3A_161 : memref<125xi32, #tpu.memory_space<vmem>>) semaphore(%run_scoped3A_158 : memref<!tpu.dma_semaphore, #tpu.memory_space<semaphore_mem>>) {add = true}
            %dma_wait3A_165 = arith.constant 0 : i32
            %dma_wait3A_166 = tpu.memref_slice %arg11[%mul3A_125, %dma_wait3A_165] : memref<16x125xi32, #tpu.memory_space<vmem>> -> memref<1x125xi32, #tpu.memory_space<vmem>>
            %dma_wait3A_167 = tpu.memref_squeeze %dma_wait3A_166 : memref<1x125xi32, #tpu.memory_space<vmem>> -> memref<125xi32, #tpu.memory_space<vmem>>
            %dma_wait3A_168 = arith.constant 0 : i32
            %dma_wait3A_169 = arith.constant 0 : i32
            %dma_wait3A_170 = tpu.memref_slice %arg17[%dma_wait3A_168, %dma_wait3A_169] : memref<10240x128xf32, #tpu.memory_space<vmem_shared>> -> memref<10240x128xf32, #tpu.memory_space<vmem_shared>>
            tpu.wait_indirect_dma semaphore(%run_scoped3A_158 : memref<!tpu.dma_semaphore, #tpu.memory_space<semaphore_mem>>) src(%arg12 : memref<125x128xf32, #tpu.memory_space<vmem>>) dst(%dma_wait3A_170 : memref<10240x128xf32, #tpu.memory_space<vmem_shared>>)
            tpu.yield
          }) : () -> ()
          %add3A_132 = arith.constant 2 : i32
          %add3A_133 = arith.addi %mul3A_125, %add3A_132 : i32
          %dma_start3A_134 = arith.constant 0 : i32
          %dma_start3A_135 = tpu.memref_slice %arg10[%add3A_133, %dma_start3A_134] : memref<16x125xi32, #tpu.memory_space<vmem>> -> memref<1x125xi32, #tpu.memory_space<vmem>>
          %dma_start3A_136 = tpu.memref_squeeze %dma_start3A_135 : memref<1x125xi32, #tpu.memory_space<vmem>> -> memref<125xi32, #tpu.memory_space<vmem>>
          %dma_start3A_137 = arith.constant 0 : i32
          %dma_start3A_138 = arith.constant 0 : i32
          %dma_start3A_139 = tpu.memref_slice %arg3[%dma_start3A_137, %dma_start3A_138] : memref<10240x128xf32, #tpu.memory_space<hbm>> -> memref<10240x128xf32, #tpu.memory_space<hbm>>
          tpu.enqueue_indirect_dma source(%dma_start3A_139 : memref<10240x128xf32, #tpu.memory_space<hbm>>) target(%arg12 : memref<125x128xf32, #tpu.memory_space<vmem>>) offsets(%dma_start3A_136 : memref<125xi32, #tpu.memory_space<vmem>>) semaphore(%arg14 : memref<!tpu.dma_semaphore, #tpu.memory_space<semaphore_mem>>)
          %add3A_140 = arith.constant 1 : i32
          %add3A_141 = arith.addi %mul3A_125, %add3A_140 : i32
          %dma_wait3A_142 = arith.constant 0 : i32
          %dma_wait3A_143 = tpu.memref_slice %arg10[%add3A_141, %dma_wait3A_142] : memref<16x125xi32, #tpu.memory_space<vmem>> -> memref<1x125xi32, #tpu.memory_space<vmem>>
          %dma_wait3A_144 = tpu.memref_squeeze %dma_wait3A_143 : memref<1x125xi32, #tpu.memory_space<vmem>> -> memref<125xi32, #tpu.memory_space<vmem>>
          %dma_wait3A_145 = arith.constant 0 : i32
          %dma_wait3A_146 = arith.constant 0 : i32
          %dma_wait3A_147 = tpu.memref_slice %arg3[%dma_wait3A_145, %dma_wait3A_146] : memref<10240x128xf32, #tpu.memory_space<hbm>> -> memref<10240x128xf32, #tpu.memory_space<hbm>>
          tpu.wait_indirect_dma semaphore(%arg15 : memref<!tpu.dma_semaphore, #tpu.memory_space<semaphore_mem>>) src(%dma_wait3A_147 : memref<10240x128xf32, #tpu.memory_space<hbm>>) dst(%arg13 : memref<125x128xf32, #tpu.memory_space<vmem>>)
          %add3A_148 = arith.constant 1 : i32
          %add3A_149 = arith.addi %mul3A_125, %add3A_148 : i32
          "tpu.region"() ({
            %run_scoped3A_158 = tpu.sem_alloc : memref<!tpu.dma_semaphore, #tpu.memory_space<semaphore_mem>>
            %dma_start3A_159 = arith.constant 0 : i32
            %dma_start3A_160 = tpu.memref_slice %arg11[%add3A_149, %dma_start3A_159] : memref<16x125xi32, #tpu.memory_space<vmem>> -> memref<1x125xi32, #tpu.memory_space<vmem>>
            %dma_start3A_161 = tpu.memref_squeeze %dma_start3A_160 : memref<1x125xi32, #tpu.memory_space<vmem>> -> memref<125xi32, #tpu.memory_space<vmem>>
            %dma_start3A_162 = arith.constant 0 : i32
            %dma_start3A_163 = arith.constant 0 : i32
            %dma_start3A_164 = tpu.memref_slice %arg17[%dma_start3A_162, %dma_start3A_163] : memref<10240x128xf32, #tpu.memory_space<vmem_shared>> -> memref<10240x128xf32, #tpu.memory_space<vmem_shared>>
            tpu.enqueue_indirect_dma source(%arg13 : memref<125x128xf32, #tpu.memory_space<vmem>>) target(%dma_start3A_164 : memref<10240x128xf32, #tpu.memory_space<vmem_shared>>) offsets(%dma_start3A_161 : memref<125xi32, #tpu.memory_space<vmem>>) semaphore(%run_scoped3A_158 : memref<!tpu.dma_semaphore, #tpu.memory_space<semaphore_mem>>) {add = true}
            %dma_wait3A_165 = arith.constant 0 : i32
            %dma_wait3A_166 = tpu.memref_slice %arg11[%add3A_149, %dma_wait3A_165] : memref<16x125xi32, #tpu.memory_space<vmem>> -> memref<1x125xi32, #tpu.memory_space<vmem>>
            %dma_wait3A_167 = tpu.memref_squeeze %dma_wait3A_166 : memref<1x125xi32, #tpu.memory_space<vmem>> -> memref<125xi32, #tpu.memory_space<vmem>>
            %dma_wait3A_168 = arith.constant 0 : i32
            %dma_wait3A_169 = arith.constant 0 : i32
            %dma_wait3A_170 = tpu.memref_slice %arg17[%dma_wait3A_168, %dma_wait3A_169] : memref<10240x128xf32, #tpu.memory_space<vmem_shared>> -> memref<10240x128xf32, #tpu.memory_space<vmem_shared>>
            tpu.wait_indirect_dma semaphore(%run_scoped3A_158 : memref<!tpu.dma_semaphore, #tpu.memory_space<semaphore_mem>>) src(%arg13 : memref<125x128xf32, #tpu.memory_space<vmem>>) dst(%dma_wait3A_170 : memref<10240x128xf32, #tpu.memory_space<vmem_shared>>)
            tpu.yield
          }) : () -> ()
          %add3A_150 = arith.constant 3 : i32
          %add3A_151 = arith.addi %mul3A_125, %add3A_150 : i32
          %dma_start3A_152 = arith.constant 0 : i32
          %dma_start3A_153 = tpu.memref_slice %arg10[%add3A_151, %dma_start3A_152] : memref<16x125xi32, #tpu.memory_space<vmem>> -> memref<1x125xi32, #tpu.memory_space<vmem>>
          %dma_start3A_154 = tpu.memref_squeeze %dma_start3A_153 : memref<1x125xi32, #tpu.memory_space<vmem>> -> memref<125xi32, #tpu.memory_space<vmem>>
          %dma_start3A_155 = arith.constant 0 : i32
          %dma_start3A_156 = arith.constant 0 : i32
          %dma_start3A_157 = tpu.memref_slice %arg3[%dma_start3A_155, %dma_start3A_156] : memref<10240x128xf32, #tpu.memory_space<hbm>> -> memref<10240x128xf32, #tpu.memory_space<hbm>>
          tpu.enqueue_indirect_dma source(%dma_start3A_157 : memref<10240x128xf32, #tpu.memory_space<hbm>>) target(%arg13 : memref<125x128xf32, #tpu.memory_space<vmem>>) offsets(%dma_start3A_154 : memref<125xi32, #tpu.memory_space<vmem>>) semaphore(%arg15 : memref<!tpu.dma_semaphore, #tpu.memory_space<semaphore_mem>>)
        }
        %scan3A_97 = arith.constant 7 : i32
        %convert_element_type3A_98 = arith.extui %lt3A_88 : i1 to i32
        %cond3A_99 = arith.constant 0 : i32
        %cond3A_100 = arith.cmpi ne, %convert_element_type3A_98, %cond3A_99 : i32
        scf.if %cond3A_100 {
          %dma_wait3A_123 = arith.constant 0 : i32
          %dma_wait3A_124 = tpu.memref_slice %arg4[%add3A_87, %dma_wait3A_123] : memref<2560x125xi32, #tpu.memory_space<hbm>> -> memref<16x125xi32, #tpu.memory_space<hbm>>
          %dma_wait3A_125 = arith.constant 0 : i32
          %dma_wait3A_126 = tpu.memref_slice %arg4[%add3A_87, %dma_wait3A_125] : memref<2560x125xi32, #tpu.memory_space<hbm>> -> memref<16x125xi32, #tpu.memory_space<hbm>>
          tpu.wait_dma2 semaphore(%arg16 : memref<!tpu.dma_semaphore, #tpu.memory_space<semaphore_mem>>) src(%dma_wait3A_126 : memref<16x125xi32, #tpu.memory_space<hbm>>) dst(%arg8 : memref<16x125xi32, #tpu.memory_space<vmem>>)
          %dma_wait3A_127 = arith.constant 0 : i32
          %dma_wait3A_128 = tpu.memref_slice %arg5[%add3A_87, %dma_wait3A_127] : memref<2560x125xi32, #tpu.memory_space<hbm>> -> memref<16x125xi32, #tpu.memory_space<hbm>>
          %dma_wait3A_129 = arith.constant 0 : i32
          %dma_wait3A_130 = tpu.memref_slice %arg5[%add3A_87, %dma_wait3A_129] : memref<2560x125xi32, #tpu.memory_space<hbm>> -> memref<16x125xi32, #tpu.memory_space<hbm>>
          tpu.wait_dma2 semaphore(%arg16 : memref<!tpu.dma_semaphore, #tpu.memory_space<semaphore_mem>>) src(%dma_wait3A_130 : memref<16x125xi32, #tpu.memory_space<hbm>>) dst(%arg9 : memref<16x125xi32, #tpu.memory_space<vmem>>)
        } else {
        }
        %dma_wait3A_101 = arith.constant 14 : i32
        %dma_wait3A_102 = arith.constant 0 : i32
        %dma_wait3A_103 = tpu.memref_slice %arg10[%dma_wait3A_101, %dma_wait3A_102] : memref<16x125xi32, #tpu.memory_space<vmem>> -> memref<1x125xi32, #tpu.memory_space<vmem>>
        %dma_wait3A_104 = tpu.memref_squeeze %dma_wait3A_103 : memref<1x125xi32, #tpu.memory_space<vmem>> -> memref<125xi32, #tpu.memory_space<vmem>>
        %dma_wait3A_105 = arith.constant 0 : i32
        %dma_wait3A_106 = arith.constant 0 : i32
        %dma_wait3A_107 = tpu.memref_slice %arg3[%dma_wait3A_105, %dma_wait3A_106] : memref<10240x128xf32, #tpu.memory_space<hbm>> -> memref<10240x128xf32, #tpu.memory_space<hbm>>
        tpu.wait_indirect_dma semaphore(%arg14 : memref<!tpu.dma_semaphore, #tpu.memory_space<semaphore_mem>>) src(%dma_wait3A_107 : memref<10240x128xf32, #tpu.memory_space<hbm>>) dst(%arg12 : memref<125x128xf32, #tpu.memory_space<vmem>>)
        %run_scoped3A_108 = arith.constant 14 : i32
        "tpu.region"() ({
          %run_scoped3A_123 = tpu.sem_alloc : memref<!tpu.dma_semaphore, #tpu.memory_space<semaphore_mem>>
          %dma_start3A_124 = arith.constant 0 : i32
          %dma_start3A_125 = tpu.memref_slice %arg11[%run_scoped3A_108, %dma_start3A_124] : memref<16x125xi32, #tpu.memory_space<vmem>> -> memref<1x125xi32, #tpu.memory_space<vmem>>
          %dma_start3A_126 = tpu.memref_squeeze %dma_start3A_125 : memref<1x125xi32, #tpu.memory_space<vmem>> -> memref<125xi32, #tpu.memory_space<vmem>>
          %dma_start3A_127 = arith.constant 0 : i32
          %dma_start3A_128 = arith.constant 0 : i32
          %dma_start3A_129 = tpu.memref_slice %arg17[%dma_start3A_127, %dma_start3A_128] : memref<10240x128xf32, #tpu.memory_space<vmem_shared>> -> memref<10240x128xf32, #tpu.memory_space<vmem_shared>>
          tpu.enqueue_indirect_dma source(%arg12 : memref<125x128xf32, #tpu.memory_space<vmem>>) target(%dma_start3A_129 : memref<10240x128xf32, #tpu.memory_space<vmem_shared>>) offsets(%dma_start3A_126 : memref<125xi32, #tpu.memory_space<vmem>>) semaphore(%run_scoped3A_123 : memref<!tpu.dma_semaphore, #tpu.memory_space<semaphore_mem>>) {add = true}
          %dma_wait3A_130 = arith.constant 0 : i32
          %dma_wait3A_131 = tpu.memref_slice %arg11[%run_scoped3A_108, %dma_wait3A_130] : memref<16x125xi32, #tpu.memory_space<vmem>> -> memref<1x125xi32, #tpu.memory_space<vmem>>
          %dma_wait3A_132 = tpu.memref_squeeze %dma_wait3A_131 : memref<1x125xi32, #tpu.memory_space<vmem>> -> memref<125xi32, #tpu.memory_space<vmem>>
          %dma_wait3A_133 = arith.constant 0 : i32
          %dma_wait3A_134 = arith.constant 0 : i32
          %dma_wait3A_135 = tpu.memref_slice %arg17[%dma_wait3A_133, %dma_wait3A_134] : memref<10240x128xf32, #tpu.memory_space<vmem_shared>> -> memref<10240x128xf32, #tpu.memory_space<vmem_shared>>
          tpu.wait_indirect_dma semaphore(%run_scoped3A_123 : memref<!tpu.dma_semaphore, #tpu.memory_space<semaphore_mem>>) src(%arg12 : memref<125x128xf32, #tpu.memory_space<vmem>>) dst(%dma_wait3A_135 : memref<10240x128xf32, #tpu.memory_space<vmem_shared>>)
          tpu.yield
        }) : () -> ()
        %convert_element_type3A_109 = arith.extui %lt3A_88 : i1 to i32
        %cond3A_110 = arith.constant 0 : i32
        %cond3A_111 = arith.cmpi ne, %convert_element_type3A_109, %cond3A_110 : i32
        scf.if %cond3A_111 {
          %dma_start3A_123 = arith.constant 0 : i32
          %dma_start3A_124 = arith.constant 0 : i32
          %dma_start3A_125 = tpu.memref_slice %arg8[%dma_start3A_123, %dma_start3A_124] : memref<16x125xi32, #tpu.memory_space<vmem>> -> memref<1x125xi32, #tpu.memory_space<vmem>>
          %dma_start3A_126 = tpu.memref_squeeze %dma_start3A_125 : memref<1x125xi32, #tpu.memory_space<vmem>> -> memref<125xi32, #tpu.memory_space<vmem>>
          %dma_start3A_127 = arith.constant 0 : i32
          %dma_start3A_128 = arith.constant 0 : i32
          %dma_start3A_129 = tpu.memref_slice %arg3[%dma_start3A_127, %dma_start3A_128] : memref<10240x128xf32, #tpu.memory_space<hbm>> -> memref<10240x128xf32, #tpu.memory_space<hbm>>
          tpu.enqueue_indirect_dma source(%dma_start3A_129 : memref<10240x128xf32, #tpu.memory_space<hbm>>) target(%arg12 : memref<125x128xf32, #tpu.memory_space<vmem>>) offsets(%dma_start3A_126 : memref<125xi32, #tpu.memory_space<vmem>>) semaphore(%arg14 : memref<!tpu.dma_semaphore, #tpu.memory_space<semaphore_mem>>)
        } else {
        }
        %dma_wait3A_112 = arith.constant 15 : i32
        %dma_wait3A_113 = arith.constant 0 : i32
        %dma_wait3A_114 = tpu.memref_slice %arg10[%dma_wait3A_112, %dma_wait3A_113] : memref<16x125xi32, #tpu.memory_space<vmem>> -> memref<1x125xi32, #tpu.memory_space<vmem>>
        %dma_wait3A_115 = tpu.memref_squeeze %dma_wait3A_114 : memref<1x125xi32, #tpu.memory_space<vmem>> -> memref<125xi32, #tpu.memory_space<vmem>>
        %dma_wait3A_116 = arith.constant 0 : i32
        %dma_wait3A_117 = arith.constant 0 : i32
        %dma_wait3A_118 = tpu.memref_slice %arg3[%dma_wait3A_116, %dma_wait3A_117] : memref<10240x128xf32, #tpu.memory_space<hbm>> -> memref<10240x128xf32, #tpu.memory_space<hbm>>
        tpu.wait_indirect_dma semaphore(%arg15 : memref<!tpu.dma_semaphore, #tpu.memory_space<semaphore_mem>>) src(%dma_wait3A_118 : memref<10240x128xf32, #tpu.memory_space<hbm>>) dst(%arg13 : memref<125x128xf32, #tpu.memory_space<vmem>>)
        %run_scoped3A_119 = arith.constant 15 : i32
        "tpu.region"() ({
          %run_scoped3A_123 = tpu.sem_alloc : memref<!tpu.dma_semaphore, #tpu.memory_space<semaphore_mem>>
          %dma_start3A_124 = arith.constant 0 : i32
          %dma_start3A_125 = tpu.memref_slice %arg11[%run_scoped3A_119, %dma_start3A_124] : memref<16x125xi32, #tpu.memory_space<vmem>> -> memref<1x125xi32, #tpu.memory_space<vmem>>
          %dma_start3A_126 = tpu.memref_squeeze %dma_start3A_125 : memref<1x125xi32, #tpu.memory_space<vmem>> -> memref<125xi32, #tpu.memory_space<vmem>>
          %dma_start3A_127 = arith.constant 0 : i32
          %dma_start3A_128 = arith.constant 0 : i32
          %dma_start3A_129 = tpu.memref_slice %arg17[%dma_start3A_127, %dma_start3A_128] : memref<10240x128xf32, #tpu.memory_space<vmem_shared>> -> memref<10240x128xf32, #tpu.memory_space<vmem_shared>>
          tpu.enqueue_indirect_dma source(%arg13 : memref<125x128xf32, #tpu.memory_space<vmem>>) target(%dma_start3A_129 : memref<10240x128xf32, #tpu.memory_space<vmem_shared>>) offsets(%dma_start3A_126 : memref<125xi32, #tpu.memory_space<vmem>>) semaphore(%run_scoped3A_123 : memref<!tpu.dma_semaphore, #tpu.memory_space<semaphore_mem>>) {add = true}
          %dma_wait3A_130 = arith.constant 0 : i32
          %dma_wait3A_131 = tpu.memref_slice %arg11[%run_scoped3A_119, %dma_wait3A_130] : memref<16x125xi32, #tpu.memory_space<vmem>> -> memref<1x125xi32, #tpu.memory_space<vmem>>
          %dma_wait3A_132 = tpu.memref_squeeze %dma_wait3A_131 : memref<1x125xi32, #tpu.memory_space<vmem>> -> memref<125xi32, #tpu.memory_space<vmem>>
          %dma_wait3A_133 = arith.constant 0 : i32
          %dma_wait3A_134 = arith.constant 0 : i32
          %dma_wait3A_135 = tpu.memref_slice %arg17[%dma_wait3A_133, %dma_wait3A_134] : memref<10240x128xf32, #tpu.memory_space<vmem_shared>> -> memref<10240x128xf32, #tpu.memory_space<vmem_shared>>
          tpu.wait_indirect_dma semaphore(%run_scoped3A_123 : memref<!tpu.dma_semaphore, #tpu.memory_space<semaphore_mem>>) src(%arg13 : memref<125x128xf32, #tpu.memory_space<vmem>>) dst(%dma_wait3A_135 : memref<10240x128xf32, #tpu.memory_space<vmem_shared>>)
          tpu.yield
        }) : () -> ()
        %convert_element_type3A_120 = arith.extui %lt3A_88 : i1 to i32
        %cond3A_121 = arith.constant 0 : i32
        %cond3A_122 = arith.cmpi ne, %convert_element_type3A_120, %cond3A_121 : i32
        scf.if %cond3A_122 {
          %dma_start3A_123 = arith.constant 1 : i32
          %dma_start3A_124 = arith.constant 0 : i32
          %dma_start3A_125 = tpu.memref_slice %arg8[%dma_start3A_123, %dma_start3A_124] : memref<16x125xi32, #tpu.memory_space<vmem>> -> memref<1x125xi32, #tpu.memory_space<vmem>>
          %dma_start3A_126 = tpu.memref_squeeze %dma_start3A_125 : memref<1x125xi32, #tpu.memory_space<vmem>> -> memref<125xi32, #tpu.memory_space<vmem>>
          %dma_start3A_127 = arith.constant 0 : i32
          %dma_start3A_128 = arith.constant 0 : i32
          %dma_start3A_129 = tpu.memref_slice %arg3[%dma_start3A_127, %dma_start3A_128] : memref<10240x128xf32, #tpu.memory_space<hbm>> -> memref<10240x128xf32, #tpu.memory_space<hbm>>
          tpu.enqueue_indirect_dma source(%dma_start3A_129 : memref<10240x128xf32, #tpu.memory_space<hbm>>) target(%arg13 : memref<125x128xf32, #tpu.memory_space<vmem>>) offsets(%dma_start3A_126 : memref<125xi32, #tpu.memory_space<vmem>>) semaphore(%arg15 : memref<!tpu.dma_semaphore, #tpu.memory_space<semaphore_mem>>)
        } else {
        }
      }
      %scan3A_27 = arith.constant 5 : i32
      %barrier3A_28 = arith.constant 0 : index
      tpu.barrier barrier_id(%barrier3A_28)
      "tpu.region"() ({
        %run_scoped3A = tpu.sem_alloc : memref<!tpu.dma_semaphore, #tpu.memory_space<semaphore_mem>>
        %dma_start3A_29 = arith.constant 0 : i32
        %dma_start3A_30 = tpu.memref_slice %arg7[%mul3A_0, %dma_start3A_29] : memref<10240x128xf32, #tpu.memory_space<hbm>> -> memref<640x128xf32, #tpu.memory_space<hbm>>
        %dma_start3A_31 = arith.constant 0 : i32
        %dma_start3A_32 = tpu.memref_slice %arg17[%mul3A_0, %dma_start3A_31] : memref<10240x128xf32, #tpu.memory_space<vmem_shared>> -> memref<640x128xf32, #tpu.memory_space<vmem_shared>>
        tpu.enqueue_dma source(%dma_start3A_32 : memref<640x128xf32, #tpu.memory_space<vmem_shared>>) target(%dma_start3A_30 : memref<640x128xf32, #tpu.memory_space<hbm>>) target_semaphore(%run_scoped3A : memref<!tpu.dma_semaphore, #tpu.memory_space<semaphore_mem>>)
        %dma_wait3A = arith.constant 0 : i32
        %dma_wait3A_33 = tpu.memref_slice %arg7[%mul3A_0, %dma_wait3A] : memref<10240x128xf32, #tpu.memory_space<hbm>> -> memref<640x128xf32, #tpu.memory_space<hbm>>
        %dma_wait3A_34 = arith.constant 0 : i32
        %dma_wait3A_35 = tpu.memref_slice %arg17[%mul3A_0, %dma_wait3A_34] : memref<10240x128xf32, #tpu.memory_space<vmem_shared>> -> memref<640x128xf32, #tpu.memory_space<vmem_shared>>
        tpu.wait_dma2 semaphore(%run_scoped3A : memref<!tpu.dma_semaphore, #tpu.memory_space<semaphore_mem>>) src(%dma_wait3A_35 : memref<640x128xf32, #tpu.memory_space<vmem_shared>>) dst(%dma_wait3A_33 : memref<640x128xf32, #tpu.memory_space<hbm>>)
        tpu.yield
      }) : () -> ()
    } else {
    }
    return
  }
}

#map = affine_map<(d0, d1) -> (0, 0)>
module attributes {stable_mosaic.version = 14 : i64} {
  func.func @_sc_scatter_body(%arg0: i32, %arg1: i32, %arg2: memref<10240x128xf32, #tpu.memory_space<hbm>>, %arg3: memref<10240x128xf32, #tpu.memory_space<hbm>>, %arg4: memref<2560x125xi32, #tpu.memory_space<hbm>>, %arg5: memref<2560x125xi32, #tpu.memory_space<hbm>>, %arg6: memref<10240x128xf32, #tpu.memory_space<hbm>>, %arg7: memref<10240x128xf32, #tpu.memory_space<hbm>>, %arg8: memref<16x125xi32, #tpu.memory_space<vmem>>, %arg9: memref<16x125xi32, #tpu.memory_space<vmem>>, %arg10: memref<16x125xi32, #tpu.memory_space<vmem>>, %arg11: memref<16x125xi32, #tpu.memory_space<vmem>>, %arg12: memref<125x128xf32, #tpu.memory_space<vmem>>, %arg13: memref<125x128xf32, #tpu.memory_space<vmem>>, %arg14: memref<!tpu.dma_semaphore, #tpu.memory_space<semaphore_mem>>, %arg15: memref<!tpu.dma_semaphore, #tpu.memory_space<semaphore_mem>>, %arg16: memref<!tpu.dma_semaphore, #tpu.memory_space<semaphore_mem>>, %arg17: memref<10240x128xf32, #tpu.memory_space<vmem_shared>>) attributes {dimension_semantics = [#tpu.dimension_semantics<core_parallel>, #tpu.dimension_semantics<subcore_parallel>], iteration_bounds = array<i64: 2, 16>, scalar_prefetch = 0 : i64, scratch_operands = 10 : i64, tpu.core_type = #tpu.core_type<sc_vector_subcore>, window_params = [{transform_indices = #map}, {transform_indices = #map}, {transform_indices = #map}, {transform_indices = #map}, {transform_indices = #map}, {transform_indices = #map}]} {
    %mul3A = arith.constant 640 : i32
    %mul3A_0 = arith.muli %arg1, %mul3A : i32
    %eq3A = arith.constant 0 : i32
    %eq3A_1 = arith.cmpi eq, %arg0, %eq3A : i32
    %convert_element_type3A = arith.extui %eq3A_1 : i1 to i32
    %cond3A = arith.constant 0 : i32
    %cond3A_2 = arith.cmpi ne, %convert_element_type3A, %cond3A : i32
    scf.if %cond3A_2 {
      %mul3A_8 = arith.constant 160 : i32
      %mul3A_9 = arith.muli %arg1, %mul3A_8 : i32
      "tpu.region"() ({
        %run_scoped3A = tpu.sem_alloc : memref<!tpu.dma_semaphore, #tpu.memory_space<semaphore_mem>>
        %dma_start3A_29 = arith.constant 0 : i32
        %dma_start3A_30 = tpu.memref_slice %arg4[%mul3A_9, %dma_start3A_29] : memref<2560x125xi32, #tpu.memory_space<hbm>> -> memref<16x125xi32, #tpu.memory_space<hbm>>
        %dma_start3A_31 = arith.constant 0 : i32
        %dma_start3A_32 = tpu.memref_slice %arg4[%mul3A_9, %dma_start3A_31] : memref<2560x125xi32, #tpu.memory_space<hbm>> -> memref<16x125xi32, #tpu.memory_space<hbm>>
        tpu.enqueue_dma source(%dma_start3A_32 : memref<16x125xi32, #tpu.memory_space<hbm>>) target(%arg8 : memref<16x125xi32, #tpu.memory_space<vmem>>) target_semaphore(%run_scoped3A : memref<!tpu.dma_semaphore, #tpu.memory_space<semaphore_mem>>)
        %dma_wait3A = arith.constant 0 : i32
        %dma_wait3A_33 = tpu.memref_slice %arg4[%mul3A_9, %dma_wait3A] : memref<2560x125xi32, #tpu.memory_space<hbm>> -> memref<16x125xi32, #tpu.memory_space<hbm>>
        %dma_wait3A_34 = arith.constant 0 : i32
        %dma_wait3A_35 = tpu.memref_slice %arg4[%mul3A_9, %dma_wait3A_34] : memref<2560x125xi32, #tpu.memory_space<hbm>> -> memref<16x125xi32, #tpu.memory_space<hbm>>
        tpu.wait_dma2 semaphore(%run_scoped3A : memref<!tpu.dma_semaphore, #tpu.memory_space<semaphore_mem>>) src(%dma_wait3A_35 : memref<16x125xi32, #tpu.memory_space<hbm>>) dst(%arg8 : memref<16x125xi32, #tpu.memory_space<vmem>>)
        tpu.yield
      }) : () -> ()
      "tpu.region"() ({
        %run_scoped3A = tpu.sem_alloc : memref<!tpu.dma_semaphore, #tpu.memory_space<semaphore_mem>>
        %dma_start3A_29 = arith.constant 0 : i32
        %dma_start3A_30 = tpu.memref_slice %arg5[%mul3A_9, %dma_start3A_29] : memref<2560x125xi32, #tpu.memory_space<hbm>> -> memref<16x125xi32, #tpu.memory_space<hbm>>
        %dma_start3A_31 = arith.constant 0 : i32
        %dma_start3A_32 = tpu.memref_slice %arg5[%mul3A_9, %dma_start3A_31] : memref<2560x125xi32, #tpu.memory_space<hbm>> -> memref<16x125xi32, #tpu.memory_space<hbm>>
        tpu.enqueue_dma source(%dma_start3A_32 : memref<16x125xi32, #tpu.memory_space<hbm>>) target(%arg9 : memref<16x125xi32, #tpu.memory_space<vmem>>) target_semaphore(%run_scoped3A : memref<!tpu.dma_semaphore, #tpu.memory_space<semaphore_mem>>)
        %dma_wait3A = arith.constant 0 : i32
        %dma_wait3A_33 = tpu.memref_slice %arg5[%mul3A_9, %dma_wait3A] : memref<2560x125xi32, #tpu.memory_space<hbm>> -> memref<16x125xi32, #tpu.memory_space<hbm>>
        %dma_wait3A_34 = arith.constant 0 : i32
        %dma_wait3A_35 = tpu.memref_slice %arg5[%mul3A_9, %dma_wait3A_34] : memref<2560x125xi32, #tpu.memory_space<hbm>> -> memref<16x125xi32, #tpu.memory_space<hbm>>
        tpu.wait_dma2 semaphore(%run_scoped3A : memref<!tpu.dma_semaphore, #tpu.memory_space<semaphore_mem>>) src(%dma_wait3A_35 : memref<16x125xi32, #tpu.memory_space<hbm>>) dst(%arg9 : memref<16x125xi32, #tpu.memory_space<vmem>>)
        tpu.yield
      }) : () -> ()
      %dma_start3A = arith.constant 0 : i32
      %dma_start3A_10 = arith.constant 0 : i32
      %dma_start3A_11 = tpu.memref_slice %arg8[%dma_start3A, %dma_start3A_10] : memref<16x125xi32, #tpu.memory_space<vmem>> -> memref<1x125xi32, #tpu.memory_space<vmem>>
      %dma_start3A_12 = tpu.memref_squeeze %dma_start3A_11 : memref<1x125xi32, #tpu.memory_space<vmem>> -> memref<125xi32, #tpu.memory_space<vmem>>
      %dma_start3A_13 = arith.constant 0 : i32
      %dma_start3A_14 = arith.constant 0 : i32
      %dma_start3A_15 = tpu.memref_slice %arg2[%dma_start3A_13, %dma_start3A_14] : memref<10240x128xf32, #tpu.memory_space<hbm>> -> memref<10240x128xf32, #tpu.memory_space<hbm>>
      tpu.enqueue_indirect_dma source(%dma_start3A_15 : memref<10240x128xf32, #tpu.memory_space<hbm>>) target(%arg12 : memref<125x128xf32, #tpu.memory_space<vmem>>) offsets(%dma_start3A_12 : memref<125xi32, #tpu.memory_space<vmem>>) semaphore(%arg14 : memref<!tpu.dma_semaphore, #tpu.memory_space<semaphore_mem>>)
      %dma_start3A_16 = arith.constant 1 : i32
      %dma_start3A_17 = arith.constant 0 : i32
      %dma_start3A_18 = tpu.memref_slice %arg8[%dma_start3A_16, %dma_start3A_17] : memref<16x125xi32, #tpu.memory_space<vmem>> -> memref<1x125xi32, #tpu.memory_space<vmem>>
      %dma_start3A_19 = tpu.memref_squeeze %dma_start3A_18 : memref<1x125xi32, #tpu.memory_space<vmem>> -> memref<125xi32, #tpu.memory_space<vmem>>
      %dma_start3A_20 = arith.constant 0 : i32
      %dma_start3A_21 = arith.constant 0 : i32
      %dma_start3A_22 = tpu.memref_slice %arg2[%dma_start3A_20, %dma_start3A_21] : memref<10240x128xf32, #tpu.memory_space<hbm>> -> memref<10240x128xf32, #tpu.memory_space<hbm>>
      tpu.enqueue_indirect_dma source(%dma_start3A_22 : memref<10240x128xf32, #tpu.memory_space<hbm>>) target(%arg13 : memref<125x128xf32, #tpu.memory_space<vmem>>) offsets(%dma_start3A_19 : memref<125xi32, #tpu.memory_space<vmem>>) semaphore(%arg15 : memref<!tpu.dma_semaphore, #tpu.memory_space<semaphore_mem>>)
      "tpu.region"() ({
        %run_scoped3A = tpu.sem_alloc : memref<!tpu.dma_semaphore, #tpu.memory_space<semaphore_mem>>
        %dma_start3A_29 = arith.constant 0 : i32
        %dma_start3A_30 = tpu.memref_slice %arg17[%mul3A_0, %dma_start3A_29] : memref<10240x128xf32, #tpu.memory_space<vmem_shared>> -> memref<640x128xf32, #tpu.memory_space<vmem_shared>>
        %dma_start3A_31 = arith.constant 0 : i32
        %dma_start3A_32 = tpu.memref_slice %arg2[%mul3A_0, %dma_start3A_31] : memref<10240x128xf32, #tpu.memory_space<hbm>> -> memref<640x128xf32, #tpu.memory_space<hbm>>
        tpu.enqueue_dma source(%dma_start3A_32 : memref<640x128xf32, #tpu.memory_space<hbm>>) target(%dma_start3A_30 : memref<640x128xf32, #tpu.memory_space<vmem_shared>>) target_semaphore(%run_scoped3A : memref<!tpu.dma_semaphore, #tpu.memory_space<semaphore_mem>>)
        %dma_wait3A = arith.constant 0 : i32
        %dma_wait3A_33 = tpu.memref_slice %arg17[%mul3A_0, %dma_wait3A] : memref<10240x128xf32, #tpu.memory_space<vmem_shared>> -> memref<640x128xf32, #tpu.memory_space<vmem_shared>>
        %dma_wait3A_34 = arith.constant 0 : i32
        %dma_wait3A_35 = tpu.memref_slice %arg2[%mul3A_0, %dma_wait3A_34] : memref<10240x128xf32, #tpu.memory_space<hbm>> -> memref<640x128xf32, #tpu.memory_space<hbm>>
        tpu.wait_dma2 semaphore(%run_scoped3A : memref<!tpu.dma_semaphore, #tpu.memory_space<semaphore_mem>>) src(%dma_wait3A_35 : memref<640x128xf32, #tpu.memory_space<hbm>>) dst(%dma_wait3A_33 : memref<640x128xf32, #tpu.memory_space<vmem_shared>>)
        tpu.yield
      }) : () -> ()
      %barrier3A = arith.constant 0 : index
      tpu.barrier barrier_id(%barrier3A)
      %scan3A = arith.constant 0 : i32
      %scan3A_23 = arith.constant 0 : i32
      %scan3A_24 = arith.constant 5 : i32
      %scan3A_25 = arith.addi %scan3A_23, %scan3A_24 : i32
      %scan3A_26 = arith.constant 1 : i32
      scf.for %scan3A_29 = %scan3A_23 to %scan3A_25 step %scan3A_26  : i32 {
        %mul3A_30 = arith.constant 2 : i32
        %mul3A_31 = arith.muli %mul3A_30, %scan3A_29 : i32
        %mul3A_32 = arith.constant 16 : i32
        %mul3A_33 = arith.muli %mul3A_31, %mul3A_32 : i32
        %add3A = arith.addi %mul3A_9, %mul3A_33 : i32
        %add3A_34 = arith.constant 16 : i32
        %add3A_35 = arith.addi %add3A, %add3A_34 : i32
        %dma_start3A_36 = arith.constant 0 : i32
        %dma_start3A_37 = tpu.memref_slice %arg4[%add3A_35, %dma_start3A_36] : memref<2560x125xi32, #tpu.memory_space<hbm>> -> memref<16x125xi32, #tpu.memory_space<hbm>>
        %dma_start3A_38 = arith.constant 0 : i32
        %dma_start3A_39 = tpu.memref_slice %arg4[%add3A_35, %dma_start3A_38] : memref<2560x125xi32, #tpu.memory_space<hbm>> -> memref<16x125xi32, #tpu.memory_space<hbm>>
        tpu.enqueue_dma source(%dma_start3A_39 : memref<16x125xi32, #tpu.memory_space<hbm>>) target(%arg10 : memref<16x125xi32, #tpu.memory_space<vmem>>) target_semaphore(%arg16 : memref<!tpu.dma_semaphore, #tpu.memory_space<semaphore_mem>>)
        %dma_start3A_40 = arith.constant 0 : i32
        %dma_start3A_41 = tpu.memref_slice %arg5[%add3A_35, %dma_start3A_40] : memref<2560x125xi32, #tpu.memory_space<hbm>> -> memref<16x125xi32, #tpu.memory_space<hbm>>
        %dma_start3A_42 = arith.constant 0 : i32
        %dma_start3A_43 = tpu.memref_slice %arg5[%add3A_35, %dma_start3A_42] : memref<2560x125xi32, #tpu.memory_space<hbm>> -> memref<16x125xi32, #tpu.memory_space<hbm>>
        tpu.enqueue_dma source(%dma_start3A_43 : memref<16x125xi32, #tpu.memory_space<hbm>>) target(%arg11 : memref<16x125xi32, #tpu.memory_space<vmem>>) target_semaphore(%arg16 : memref<!tpu.dma_semaphore, #tpu.memory_space<semaphore_mem>>)
        %scan3A_44 = arith.constant 0 : i32
        %scan3A_45 = arith.constant 0 : i32
        %scan3A_46 = arith.constant 7 : i32
        %scan3A_47 = arith.addi %scan3A_45, %scan3A_46 : i32
        %scan3A_48 = arith.constant 1 : i32
        scf.for %scan3A_123 = %scan3A_45 to %scan3A_47 step %scan3A_48  : i32 {
          %mul3A_124 = arith.constant 2 : i32
          %mul3A_125 = arith.muli %mul3A_124, %scan3A_123 : i32
          %dma_wait3A_126 = arith.constant 0 : i32
          %dma_wait3A_127 = tpu.memref_slice %arg8[%mul3A_125, %dma_wait3A_126] : memref<16x125xi32, #tpu.memory_space<vmem>> -> memref<1x125xi32, #tpu.memory_space<vmem>>
          %dma_wait3A_128 = tpu.memref_squeeze %dma_wait3A_127 : memref<1x125xi32, #tpu.memory_space<vmem>> -> memref<125xi32, #tpu.memory_space<vmem>>
          %dma_wait3A_129 = arith.constant 0 : i32
          %dma_wait3A_130 = arith.constant 0 : i32
          %dma_wait3A_131 = tpu.memref_slice %arg2[%dma_wait3A_129, %dma_wait3A_130] : memref<10240x128xf32, #tpu.memory_space<hbm>> -> memref<10240x128xf32, #tpu.memory_space<hbm>>
          tpu.wait_indirect_dma semaphore(%arg14 : memref<!tpu.dma_semaphore, #tpu.memory_space<semaphore_mem>>) src(%dma_wait3A_131 : memref<10240x128xf32, #tpu.memory_space<hbm>>) dst(%arg12 : memref<125x128xf32, #tpu.memory_space<vmem>>)
          "tpu.region"() ({
            %run_scoped3A_158 = tpu.sem_alloc : memref<!tpu.dma_semaphore, #tpu.memory_space<semaphore_mem>>
            %dma_start3A_159 = arith.constant 0 : i32
            %dma_start3A_160 = tpu.memref_slice %arg9[%mul3A_125, %dma_start3A_159] : memref<16x125xi32, #tpu.memory_space<vmem>> -> memref<1x125xi32, #tpu.memory_space<vmem>>
            %dma_start3A_161 = tpu.memref_squeeze %dma_start3A_160 : memref<1x125xi32, #tpu.memory_space<vmem>> -> memref<125xi32, #tpu.memory_space<vmem>>
            %dma_start3A_162 = arith.constant 0 : i32
            %dma_start3A_163 = arith.constant 0 : i32
            %dma_start3A_164 = tpu.memref_slice %arg17[%dma_start3A_162, %dma_start3A_163] : memref<10240x128xf32, #tpu.memory_space<vmem_shared>> -> memref<10240x128xf32, #tpu.memory_space<vmem_shared>>
            tpu.enqueue_indirect_dma source(%arg12 : memref<125x128xf32, #tpu.memory_space<vmem>>) target(%dma_start3A_164 : memref<10240x128xf32, #tpu.memory_space<vmem_shared>>) offsets(%dma_start3A_161 : memref<125xi32, #tpu.memory_space<vmem>>) semaphore(%run_scoped3A_158 : memref<!tpu.dma_semaphore, #tpu.memory_space<semaphore_mem>>) {add = true}
            %dma_wait3A_165 = arith.constant 0 : i32
            %dma_wait3A_166 = tpu.memref_slice %arg9[%mul3A_125, %dma_wait3A_165] : memref<16x125xi32, #tpu.memory_space<vmem>> -> memref<1x125xi32, #tpu.memory_space<vmem>>
            %dma_wait3A_167 = tpu.memref_squeeze %dma_wait3A_166 : memref<1x125xi32, #tpu.memory_space<vmem>> -> memref<125xi32, #tpu.memory_space<vmem>>
            %dma_wait3A_168 = arith.constant 0 : i32
            %dma_wait3A_169 = arith.constant 0 : i32
            %dma_wait3A_170 = tpu.memref_slice %arg17[%dma_wait3A_168, %dma_wait3A_169] : memref<10240x128xf32, #tpu.memory_space<vmem_shared>> -> memref<10240x128xf32, #tpu.memory_space<vmem_shared>>
            tpu.wait_indirect_dma semaphore(%run_scoped3A_158 : memref<!tpu.dma_semaphore, #tpu.memory_space<semaphore_mem>>) src(%arg12 : memref<125x128xf32, #tpu.memory_space<vmem>>) dst(%dma_wait3A_170 : memref<10240x128xf32, #tpu.memory_space<vmem_shared>>)
            tpu.yield
          }) : () -> ()
          %add3A_132 = arith.constant 2 : i32
          %add3A_133 = arith.addi %mul3A_125, %add3A_132 : i32
          %dma_start3A_134 = arith.constant 0 : i32
          %dma_start3A_135 = tpu.memref_slice %arg8[%add3A_133, %dma_start3A_134] : memref<16x125xi32, #tpu.memory_space<vmem>> -> memref<1x125xi32, #tpu.memory_space<vmem>>
          %dma_start3A_136 = tpu.memref_squeeze %dma_start3A_135 : memref<1x125xi32, #tpu.memory_space<vmem>> -> memref<125xi32, #tpu.memory_space<vmem>>
          %dma_start3A_137 = arith.constant 0 : i32
          %dma_start3A_138 = arith.constant 0 : i32
          %dma_start3A_139 = tpu.memref_slice %arg2[%dma_start3A_137, %dma_start3A_138] : memref<10240x128xf32, #tpu.memory_space<hbm>> -> memref<10240x128xf32, #tpu.memory_space<hbm>>
          tpu.enqueue_indirect_dma source(%dma_start3A_139 : memref<10240x128xf32, #tpu.memory_space<hbm>>) target(%arg12 : memref<125x128xf32, #tpu.memory_space<vmem>>) offsets(%dma_start3A_136 : memref<125xi32, #tpu.memory_space<vmem>>) semaphore(%arg14 : memref<!tpu.dma_semaphore, #tpu.memory_space<semaphore_mem>>)
          %add3A_140 = arith.constant 1 : i32
          %add3A_141 = arith.addi %mul3A_125, %add3A_140 : i32
          %dma_wait3A_142 = arith.constant 0 : i32
          %dma_wait3A_143 = tpu.memref_slice %arg8[%add3A_141, %dma_wait3A_142] : memref<16x125xi32, #tpu.memory_space<vmem>> -> memref<1x125xi32, #tpu.memory_space<vmem>>
          %dma_wait3A_144 = tpu.memref_squeeze %dma_wait3A_143 : memref<1x125xi32, #tpu.memory_space<vmem>> -> memref<125xi32, #tpu.memory_space<vmem>>
          %dma_wait3A_145 = arith.constant 0 : i32
          %dma_wait3A_146 = arith.constant 0 : i32
          %dma_wait3A_147 = tpu.memref_slice %arg2[%dma_wait3A_145, %dma_wait3A_146] : memref<10240x128xf32, #tpu.memory_space<hbm>> -> memref<10240x128xf32, #tpu.memory_space<hbm>>
          tpu.wait_indirect_dma semaphore(%arg15 : memref<!tpu.dma_semaphore, #tpu.memory_space<semaphore_mem>>) src(%dma_wait3A_147 : memref<10240x128xf32, #tpu.memory_space<hbm>>) dst(%arg13 : memref<125x128xf32, #tpu.memory_space<vmem>>)
          %add3A_148 = arith.constant 1 : i32
          %add3A_149 = arith.addi %mul3A_125, %add3A_148 : i32
          "tpu.region"() ({
            %run_scoped3A_158 = tpu.sem_alloc : memref<!tpu.dma_semaphore, #tpu.memory_space<semaphore_mem>>
            %dma_start3A_159 = arith.constant 0 : i32
            %dma_start3A_160 = tpu.memref_slice %arg9[%add3A_149, %dma_start3A_159] : memref<16x125xi32, #tpu.memory_space<vmem>> -> memref<1x125xi32, #tpu.memory_space<vmem>>
            %dma_start3A_161 = tpu.memref_squeeze %dma_start3A_160 : memref<1x125xi32, #tpu.memory_space<vmem>> -> memref<125xi32, #tpu.memory_space<vmem>>
            %dma_start3A_162 = arith.constant 0 : i32
            %dma_start3A_163 = arith.constant 0 : i32
            %dma_start3A_164 = tpu.memref_slice %arg17[%dma_start3A_162, %dma_start3A_163] : memref<10240x128xf32, #tpu.memory_space<vmem_shared>> -> memref<10240x128xf32, #tpu.memory_space<vmem_shared>>
            tpu.enqueue_indirect_dma source(%arg13 : memref<125x128xf32, #tpu.memory_space<vmem>>) target(%dma_start3A_164 : memref<10240x128xf32, #tpu.memory_space<vmem_shared>>) offsets(%dma_start3A_161 : memref<125xi32, #tpu.memory_space<vmem>>) semaphore(%run_scoped3A_158 : memref<!tpu.dma_semaphore, #tpu.memory_space<semaphore_mem>>) {add = true}
            %dma_wait3A_165 = arith.constant 0 : i32
            %dma_wait3A_166 = tpu.memref_slice %arg9[%add3A_149, %dma_wait3A_165] : memref<16x125xi32, #tpu.memory_space<vmem>> -> memref<1x125xi32, #tpu.memory_space<vmem>>
            %dma_wait3A_167 = tpu.memref_squeeze %dma_wait3A_166 : memref<1x125xi32, #tpu.memory_space<vmem>> -> memref<125xi32, #tpu.memory_space<vmem>>
            %dma_wait3A_168 = arith.constant 0 : i32
            %dma_wait3A_169 = arith.constant 0 : i32
            %dma_wait3A_170 = tpu.memref_slice %arg17[%dma_wait3A_168, %dma_wait3A_169] : memref<10240x128xf32, #tpu.memory_space<vmem_shared>> -> memref<10240x128xf32, #tpu.memory_space<vmem_shared>>
            tpu.wait_indirect_dma semaphore(%run_scoped3A_158 : memref<!tpu.dma_semaphore, #tpu.memory_space<semaphore_mem>>) src(%arg13 : memref<125x128xf32, #tpu.memory_space<vmem>>) dst(%dma_wait3A_170 : memref<10240x128xf32, #tpu.memory_space<vmem_shared>>)
            tpu.yield
          }) : () -> ()
          %add3A_150 = arith.constant 3 : i32
          %add3A_151 = arith.addi %mul3A_125, %add3A_150 : i32
          %dma_start3A_152 = arith.constant 0 : i32
          %dma_start3A_153 = tpu.memref_slice %arg8[%add3A_151, %dma_start3A_152] : memref<16x125xi32, #tpu.memory_space<vmem>> -> memref<1x125xi32, #tpu.memory_space<vmem>>
          %dma_start3A_154 = tpu.memref_squeeze %dma_start3A_153 : memref<1x125xi32, #tpu.memory_space<vmem>> -> memref<125xi32, #tpu.memory_space<vmem>>
          %dma_start3A_155 = arith.constant 0 : i32
          %dma_start3A_156 = arith.constant 0 : i32
          %dma_start3A_157 = tpu.memref_slice %arg2[%dma_start3A_155, %dma_start3A_156] : memref<10240x128xf32, #tpu.memory_space<hbm>> -> memref<10240x128xf32, #tpu.memory_space<hbm>>
          tpu.enqueue_indirect_dma source(%dma_start3A_157 : memref<10240x128xf32, #tpu.memory_space<hbm>>) target(%arg13 : memref<125x128xf32, #tpu.memory_space<vmem>>) offsets(%dma_start3A_154 : memref<125xi32, #tpu.memory_space<vmem>>) semaphore(%arg15 : memref<!tpu.dma_semaphore, #tpu.memory_space<semaphore_mem>>)
        }
        %scan3A_49 = arith.constant 7 : i32
        %dma_wait3A = arith.constant 0 : i32
        %dma_wait3A_50 = tpu.memref_slice %arg4[%add3A_35, %dma_wait3A] : memref<2560x125xi32, #tpu.memory_space<hbm>> -> memref<16x125xi32, #tpu.memory_space<hbm>>
        %dma_wait3A_51 = arith.constant 0 : i32
        %dma_wait3A_52 = tpu.memref_slice %arg4[%add3A_35, %dma_wait3A_51] : memref<2560x125xi32, #tpu.memory_space<hbm>> -> memref<16x125xi32, #tpu.memory_space<hbm>>
        tpu.wait_dma2 semaphore(%arg16 : memref<!tpu.dma_semaphore, #tpu.memory_space<semaphore_mem>>) src(%dma_wait3A_52 : memref<16x125xi32, #tpu.memory_space<hbm>>) dst(%arg10 : memref<16x125xi32, #tpu.memory_space<vmem>>)
        %dma_wait3A_53 = arith.constant 0 : i32
        %dma_wait3A_54 = tpu.memref_slice %arg5[%add3A_35, %dma_wait3A_53] : memref<2560x125xi32, #tpu.memory_space<hbm>> -> memref<16x125xi32, #tpu.memory_space<hbm>>
        %dma_wait3A_55 = arith.constant 0 : i32
        %dma_wait3A_56 = tpu.memref_slice %arg5[%add3A_35, %dma_wait3A_55] : memref<2560x125xi32, #tpu.memory_space<hbm>> -> memref<16x125xi32, #tpu.memory_space<hbm>>
        tpu.wait_dma2 semaphore(%arg16 : memref<!tpu.dma_semaphore, #tpu.memory_space<semaphore_mem>>) src(%dma_wait3A_56 : memref<16x125xi32, #tpu.memory_space<hbm>>) dst(%arg11 : memref<16x125xi32, #tpu.memory_space<vmem>>)
        %dma_wait3A_57 = arith.constant 14 : i32
        %dma_wait3A_58 = arith.constant 0 : i32
        %dma_wait3A_59 = tpu.memref_slice %arg8[%dma_wait3A_57, %dma_wait3A_58] : memref<16x125xi32, #tpu.memory_space<vmem>> -> memref<1x125xi32, #tpu.memory_space<vmem>>
        %dma_wait3A_60 = tpu.memref_squeeze %dma_wait3A_59 : memref<1x125xi32, #tpu.memory_space<vmem>> -> memref<125xi32, #tpu.memory_space<vmem>>
        %dma_wait3A_61 = arith.constant 0 : i32
        %dma_wait3A_62 = arith.constant 0 : i32
        %dma_wait3A_63 = tpu.memref_slice %arg2[%dma_wait3A_61, %dma_wait3A_62] : memref<10240x128xf32, #tpu.memory_space<hbm>> -> memref<10240x128xf32, #tpu.memory_space<hbm>>
        tpu.wait_indirect_dma semaphore(%arg14 : memref<!tpu.dma_semaphore, #tpu.memory_space<semaphore_mem>>) src(%dma_wait3A_63 : memref<10240x128xf32, #tpu.memory_space<hbm>>) dst(%arg12 : memref<125x128xf32, #tpu.memory_space<vmem>>)
        %run_scoped3A = arith.constant 14 : i32
        "tpu.region"() ({
          %run_scoped3A_123 = tpu.sem_alloc : memref<!tpu.dma_semaphore, #tpu.memory_space<semaphore_mem>>
          %dma_start3A_124 = arith.constant 0 : i32
          %dma_start3A_125 = tpu.memref_slice %arg9[%run_scoped3A, %dma_start3A_124] : memref<16x125xi32, #tpu.memory_space<vmem>> -> memref<1x125xi32, #tpu.memory_space<vmem>>
          %dma_start3A_126 = tpu.memref_squeeze %dma_start3A_125 : memref<1x125xi32, #tpu.memory_space<vmem>> -> memref<125xi32, #tpu.memory_space<vmem>>
          %dma_start3A_127 = arith.constant 0 : i32
          %dma_start3A_128 = arith.constant 0 : i32
          %dma_start3A_129 = tpu.memref_slice %arg17[%dma_start3A_127, %dma_start3A_128] : memref<10240x128xf32, #tpu.memory_space<vmem_shared>> -> memref<10240x128xf32, #tpu.memory_space<vmem_shared>>
          tpu.enqueue_indirect_dma source(%arg12 : memref<125x128xf32, #tpu.memory_space<vmem>>) target(%dma_start3A_129 : memref<10240x128xf32, #tpu.memory_space<vmem_shared>>) offsets(%dma_start3A_126 : memref<125xi32, #tpu.memory_space<vmem>>) semaphore(%run_scoped3A_123 : memref<!tpu.dma_semaphore, #tpu.memory_space<semaphore_mem>>) {add = true}
          %dma_wait3A_130 = arith.constant 0 : i32
          %dma_wait3A_131 = tpu.memref_slice %arg9[%run_scoped3A, %dma_wait3A_130] : memref<16x125xi32, #tpu.memory_space<vmem>> -> memref<1x125xi32, #tpu.memory_space<vmem>>
          %dma_wait3A_132 = tpu.memref_squeeze %dma_wait3A_131 : memref<1x125xi32, #tpu.memory_space<vmem>> -> memref<125xi32, #tpu.memory_space<vmem>>
          %dma_wait3A_133 = arith.constant 0 : i32
          %dma_wait3A_134 = arith.constant 0 : i32
          %dma_wait3A_135 = tpu.memref_slice %arg17[%dma_wait3A_133, %dma_wait3A_134] : memref<10240x128xf32, #tpu.memory_space<vmem_shared>> -> memref<10240x128xf32, #tpu.memory_space<vmem_shared>>
          tpu.wait_indirect_dma semaphore(%run_scoped3A_123 : memref<!tpu.dma_semaphore, #tpu.memory_space<semaphore_mem>>) src(%arg12 : memref<125x128xf32, #tpu.memory_space<vmem>>) dst(%dma_wait3A_135 : memref<10240x128xf32, #tpu.memory_space<vmem_shared>>)
          tpu.yield
        }) : () -> ()
        %dma_start3A_64 = arith.constant 0 : i32
        %dma_start3A_65 = arith.constant 0 : i32
        %dma_start3A_66 = tpu.memref_slice %arg10[%dma_start3A_64, %dma_start3A_65] : memref<16x125xi32, #tpu.memory_space<vmem>> -> memref<1x125xi32, #tpu.memory_space<vmem>>
        %dma_start3A_67 = tpu.memref_squeeze %dma_start3A_66 : memref<1x125xi32, #tpu.memory_space<vmem>> -> memref<125xi32, #tpu.memory_space<vmem>>
        %dma_start3A_68 = arith.constant 0 : i32
        %dma_start3A_69 = arith.constant 0 : i32
        %dma_start3A_70 = tpu.memref_slice %arg2[%dma_start3A_68, %dma_start3A_69] : memref<10240x128xf32, #tpu.memory_space<hbm>> -> memref<10240x128xf32, #tpu.memory_space<hbm>>
        tpu.enqueue_indirect_dma source(%dma_start3A_70 : memref<10240x128xf32, #tpu.memory_space<hbm>>) target(%arg12 : memref<125x128xf32, #tpu.memory_space<vmem>>) offsets(%dma_start3A_67 : memref<125xi32, #tpu.memory_space<vmem>>) semaphore(%arg14 : memref<!tpu.dma_semaphore, #tpu.memory_space<semaphore_mem>>)
        %dma_wait3A_71 = arith.constant 15 : i32
        %dma_wait3A_72 = arith.constant 0 : i32
        %dma_wait3A_73 = tpu.memref_slice %arg8[%dma_wait3A_71, %dma_wait3A_72] : memref<16x125xi32, #tpu.memory_space<vmem>> -> memref<1x125xi32, #tpu.memory_space<vmem>>
        %dma_wait3A_74 = tpu.memref_squeeze %dma_wait3A_73 : memref<1x125xi32, #tpu.memory_space<vmem>> -> memref<125xi32, #tpu.memory_space<vmem>>
        %dma_wait3A_75 = arith.constant 0 : i32
        %dma_wait3A_76 = arith.constant 0 : i32
        %dma_wait3A_77 = tpu.memref_slice %arg2[%dma_wait3A_75, %dma_wait3A_76] : memref<10240x128xf32, #tpu.memory_space<hbm>> -> memref<10240x128xf32, #tpu.memory_space<hbm>>
        tpu.wait_indirect_dma semaphore(%arg15 : memref<!tpu.dma_semaphore, #tpu.memory_space<semaphore_mem>>) src(%dma_wait3A_77 : memref<10240x128xf32, #tpu.memory_space<hbm>>) dst(%arg13 : memref<125x128xf32, #tpu.memory_space<vmem>>)
        %run_scoped3A_78 = arith.constant 15 : i32
        "tpu.region"() ({
          %run_scoped3A_123 = tpu.sem_alloc : memref<!tpu.dma_semaphore, #tpu.memory_space<semaphore_mem>>
          %dma_start3A_124 = arith.constant 0 : i32
          %dma_start3A_125 = tpu.memref_slice %arg9[%run_scoped3A_78, %dma_start3A_124] : memref<16x125xi32, #tpu.memory_space<vmem>> -> memref<1x125xi32, #tpu.memory_space<vmem>>
          %dma_start3A_126 = tpu.memref_squeeze %dma_start3A_125 : memref<1x125xi32, #tpu.memory_space<vmem>> -> memref<125xi32, #tpu.memory_space<vmem>>
          %dma_start3A_127 = arith.constant 0 : i32
          %dma_start3A_128 = arith.constant 0 : i32
          %dma_start3A_129 = tpu.memref_slice %arg17[%dma_start3A_127, %dma_start3A_128] : memref<10240x128xf32, #tpu.memory_space<vmem_shared>> -> memref<10240x128xf32, #tpu.memory_space<vmem_shared>>
          tpu.enqueue_indirect_dma source(%arg13 : memref<125x128xf32, #tpu.memory_space<vmem>>) target(%dma_start3A_129 : memref<10240x128xf32, #tpu.memory_space<vmem_shared>>) offsets(%dma_start3A_126 : memref<125xi32, #tpu.memory_space<vmem>>) semaphore(%run_scoped3A_123 : memref<!tpu.dma_semaphore, #tpu.memory_space<semaphore_mem>>) {add = true}
          %dma_wait3A_130 = arith.constant 0 : i32
          %dma_wait3A_131 = tpu.memref_slice %arg9[%run_scoped3A_78, %dma_wait3A_130] : memref<16x125xi32, #tpu.memory_space<vmem>> -> memref<1x125xi32, #tpu.memory_space<vmem>>
          %dma_wait3A_132 = tpu.memref_squeeze %dma_wait3A_131 : memref<1x125xi32, #tpu.memory_space<vmem>> -> memref<125xi32, #tpu.memory_space<vmem>>
          %dma_wait3A_133 = arith.constant 0 : i32
          %dma_wait3A_134 = arith.constant 0 : i32
          %dma_wait3A_135 = tpu.memref_slice %arg17[%dma_wait3A_133, %dma_wait3A_134] : memref<10240x128xf32, #tpu.memory_space<vmem_shared>> -> memref<10240x128xf32, #tpu.memory_space<vmem_shared>>
          tpu.wait_indirect_dma semaphore(%run_scoped3A_123 : memref<!tpu.dma_semaphore, #tpu.memory_space<semaphore_mem>>) src(%arg13 : memref<125x128xf32, #tpu.memory_space<vmem>>) dst(%dma_wait3A_135 : memref<10240x128xf32, #tpu.memory_space<vmem_shared>>)
          tpu.yield
        }) : () -> ()
        %dma_start3A_79 = arith.constant 1 : i32
        %dma_start3A_80 = arith.constant 0 : i32
        %dma_start3A_81 = tpu.memref_slice %arg10[%dma_start3A_79, %dma_start3A_80] : memref<16x125xi32, #tpu.memory_space<vmem>> -> memref<1x125xi32, #tpu.memory_space<vmem>>
        %dma_start3A_82 = tpu.memref_squeeze %dma_start3A_81 : memref<1x125xi32, #tpu.memory_space<vmem>> -> memref<125xi32, #tpu.memory_space<vmem>>
        %dma_start3A_83 = arith.constant 0 : i32
        %dma_start3A_84 = arith.constant 0 : i32
        %dma_start3A_85 = tpu.memref_slice %arg2[%dma_start3A_83, %dma_start3A_84] : memref<10240x128xf32, #tpu.memory_space<hbm>> -> memref<10240x128xf32, #tpu.memory_space<hbm>>
        tpu.enqueue_indirect_dma source(%dma_start3A_85 : memref<10240x128xf32, #tpu.memory_space<hbm>>) target(%arg13 : memref<125x128xf32, #tpu.memory_space<vmem>>) offsets(%dma_start3A_82 : memref<125xi32, #tpu.memory_space<vmem>>) semaphore(%arg15 : memref<!tpu.dma_semaphore, #tpu.memory_space<semaphore_mem>>)
        %add3A_86 = arith.constant 32 : i32
        %add3A_87 = arith.addi %add3A, %add3A_86 : i32
        %lt3A = arith.constant 4 : i32
        %lt3A_88 = arith.cmpi slt, %scan3A_29, %lt3A : i32
        %convert_element_type3A_89 = arith.extui %lt3A_88 : i1 to i32
        %cond3A_90 = arith.constant 0 : i32
        %cond3A_91 = arith.cmpi ne, %convert_element_type3A_89, %cond3A_90 : i32
        scf.if %cond3A_91 {
          %dma_start3A_123 = arith.constant 0 : i32
          %dma_start3A_124 = tpu.memref_slice %arg4[%add3A_87, %dma_start3A_123] : memref<2560x125xi32, #tpu.memory_space<hbm>> -> memref<16x125xi32, #tpu.memory_space<hbm>>
          %dma_start3A_125 = arith.constant 0 : i32
          %dma_start3A_126 = tpu.memref_slice %arg4[%add3A_87, %dma_start3A_125] : memref<2560x125xi32, #tpu.memory_space<hbm>> -> memref<16x125xi32, #tpu.memory_space<hbm>>
          tpu.enqueue_dma source(%dma_start3A_126 : memref<16x125xi32, #tpu.memory_space<hbm>>) target(%arg8 : memref<16x125xi32, #tpu.memory_space<vmem>>) target_semaphore(%arg16 : memref<!tpu.dma_semaphore, #tpu.memory_space<semaphore_mem>>)
          %dma_start3A_127 = arith.constant 0 : i32
          %dma_start3A_128 = tpu.memref_slice %arg5[%add3A_87, %dma_start3A_127] : memref<2560x125xi32, #tpu.memory_space<hbm>> -> memref<16x125xi32, #tpu.memory_space<hbm>>
          %dma_start3A_129 = arith.constant 0 : i32
          %dma_start3A_130 = tpu.memref_slice %arg5[%add3A_87, %dma_start3A_129] : memref<2560x125xi32, #tpu.memory_space<hbm>> -> memref<16x125xi32, #tpu.memory_space<hbm>>
          tpu.enqueue_dma source(%dma_start3A_130 : memref<16x125xi32, #tpu.memory_space<hbm>>) target(%arg9 : memref<16x125xi32, #tpu.memory_space<vmem>>) target_semaphore(%arg16 : memref<!tpu.dma_semaphore, #tpu.memory_space<semaphore_mem>>)
        } else {
        }
        %scan3A_92 = arith.constant 0 : i32
        %scan3A_93 = arith.constant 0 : i32
        %scan3A_94 = arith.constant 7 : i32
        %scan3A_95 = arith.addi %scan3A_93, %scan3A_94 : i32
        %scan3A_96 = arith.constant 1 : i32
        scf.for %scan3A_123 = %scan3A_93 to %scan3A_95 step %scan3A_96  : i32 {
          %mul3A_124 = arith.constant 2 : i32
          %mul3A_125 = arith.muli %mul3A_124, %scan3A_123 : i32
          %dma_wait3A_126 = arith.constant 0 : i32
          %dma_wait3A_127 = tpu.memref_slice %arg10[%mul3A_125, %dma_wait3A_126] : memref<16x125xi32, #tpu.memory_space<vmem>> -> memref<1x125xi32, #tpu.memory_space<vmem>>
          %dma_wait3A_128 = tpu.memref_squeeze %dma_wait3A_127 : memref<1x125xi32, #tpu.memory_space<vmem>> -> memref<125xi32, #tpu.memory_space<vmem>>
          %dma_wait3A_129 = arith.constant 0 : i32
          %dma_wait3A_130 = arith.constant 0 : i32
          %dma_wait3A_131 = tpu.memref_slice %arg2[%dma_wait3A_129, %dma_wait3A_130] : memref<10240x128xf32, #tpu.memory_space<hbm>> -> memref<10240x128xf32, #tpu.memory_space<hbm>>
          tpu.wait_indirect_dma semaphore(%arg14 : memref<!tpu.dma_semaphore, #tpu.memory_space<semaphore_mem>>) src(%dma_wait3A_131 : memref<10240x128xf32, #tpu.memory_space<hbm>>) dst(%arg12 : memref<125x128xf32, #tpu.memory_space<vmem>>)
          "tpu.region"() ({
            %run_scoped3A_158 = tpu.sem_alloc : memref<!tpu.dma_semaphore, #tpu.memory_space<semaphore_mem>>
            %dma_start3A_159 = arith.constant 0 : i32
            %dma_start3A_160 = tpu.memref_slice %arg11[%mul3A_125, %dma_start3A_159] : memref<16x125xi32, #tpu.memory_space<vmem>> -> memref<1x125xi32, #tpu.memory_space<vmem>>
            %dma_start3A_161 = tpu.memref_squeeze %dma_start3A_160 : memref<1x125xi32, #tpu.memory_space<vmem>> -> memref<125xi32, #tpu.memory_space<vmem>>
            %dma_start3A_162 = arith.constant 0 : i32
            %dma_start3A_163 = arith.constant 0 : i32
            %dma_start3A_164 = tpu.memref_slice %arg17[%dma_start3A_162, %dma_start3A_163] : memref<10240x128xf32, #tpu.memory_space<vmem_shared>> -> memref<10240x128xf32, #tpu.memory_space<vmem_shared>>
            tpu.enqueue_indirect_dma source(%arg12 : memref<125x128xf32, #tpu.memory_space<vmem>>) target(%dma_start3A_164 : memref<10240x128xf32, #tpu.memory_space<vmem_shared>>) offsets(%dma_start3A_161 : memref<125xi32, #tpu.memory_space<vmem>>) semaphore(%run_scoped3A_158 : memref<!tpu.dma_semaphore, #tpu.memory_space<semaphore_mem>>) {add = true}
            %dma_wait3A_165 = arith.constant 0 : i32
            %dma_wait3A_166 = tpu.memref_slice %arg11[%mul3A_125, %dma_wait3A_165] : memref<16x125xi32, #tpu.memory_space<vmem>> -> memref<1x125xi32, #tpu.memory_space<vmem>>
            %dma_wait3A_167 = tpu.memref_squeeze %dma_wait3A_166 : memref<1x125xi32, #tpu.memory_space<vmem>> -> memref<125xi32, #tpu.memory_space<vmem>>
            %dma_wait3A_168 = arith.constant 0 : i32
            %dma_wait3A_169 = arith.constant 0 : i32
            %dma_wait3A_170 = tpu.memref_slice %arg17[%dma_wait3A_168, %dma_wait3A_169] : memref<10240x128xf32, #tpu.memory_space<vmem_shared>> -> memref<10240x128xf32, #tpu.memory_space<vmem_shared>>
            tpu.wait_indirect_dma semaphore(%run_scoped3A_158 : memref<!tpu.dma_semaphore, #tpu.memory_space<semaphore_mem>>) src(%arg12 : memref<125x128xf32, #tpu.memory_space<vmem>>) dst(%dma_wait3A_170 : memref<10240x128xf32, #tpu.memory_space<vmem_shared>>)
            tpu.yield
          }) : () -> ()
          %add3A_132 = arith.constant 2 : i32
          %add3A_133 = arith.addi %mul3A_125, %add3A_132 : i32
          %dma_start3A_134 = arith.constant 0 : i32
          %dma_start3A_135 = tpu.memref_slice %arg10[%add3A_133, %dma_start3A_134] : memref<16x125xi32, #tpu.memory_space<vmem>> -> memref<1x125xi32, #tpu.memory_space<vmem>>
          %dma_start3A_136 = tpu.memref_squeeze %dma_start3A_135 : memref<1x125xi32, #tpu.memory_space<vmem>> -> memref<125xi32, #tpu.memory_space<vmem>>
          %dma_start3A_137 = arith.constant 0 : i32
          %dma_start3A_138 = arith.constant 0 : i32
          %dma_start3A_139 = tpu.memref_slice %arg2[%dma_start3A_137, %dma_start3A_138] : memref<10240x128xf32, #tpu.memory_space<hbm>> -> memref<10240x128xf32, #tpu.memory_space<hbm>>
          tpu.enqueue_indirect_dma source(%dma_start3A_139 : memref<10240x128xf32, #tpu.memory_space<hbm>>) target(%arg12 : memref<125x128xf32, #tpu.memory_space<vmem>>) offsets(%dma_start3A_136 : memref<125xi32, #tpu.memory_space<vmem>>) semaphore(%arg14 : memref<!tpu.dma_semaphore, #tpu.memory_space<semaphore_mem>>)
          %add3A_140 = arith.constant 1 : i32
          %add3A_141 = arith.addi %mul3A_125, %add3A_140 : i32
          %dma_wait3A_142 = arith.constant 0 : i32
          %dma_wait3A_143 = tpu.memref_slice %arg10[%add3A_141, %dma_wait3A_142] : memref<16x125xi32, #tpu.memory_space<vmem>> -> memref<1x125xi32, #tpu.memory_space<vmem>>
          %dma_wait3A_144 = tpu.memref_squeeze %dma_wait3A_143 : memref<1x125xi32, #tpu.memory_space<vmem>> -> memref<125xi32, #tpu.memory_space<vmem>>
          %dma_wait3A_145 = arith.constant 0 : i32
          %dma_wait3A_146 = arith.constant 0 : i32
          %dma_wait3A_147 = tpu.memref_slice %arg2[%dma_wait3A_145, %dma_wait3A_146] : memref<10240x128xf32, #tpu.memory_space<hbm>> -> memref<10240x128xf32, #tpu.memory_space<hbm>>
          tpu.wait_indirect_dma semaphore(%arg15 : memref<!tpu.dma_semaphore, #tpu.memory_space<semaphore_mem>>) src(%dma_wait3A_147 : memref<10240x128xf32, #tpu.memory_space<hbm>>) dst(%arg13 : memref<125x128xf32, #tpu.memory_space<vmem>>)
          %add3A_148 = arith.constant 1 : i32
          %add3A_149 = arith.addi %mul3A_125, %add3A_148 : i32
          "tpu.region"() ({
            %run_scoped3A_158 = tpu.sem_alloc : memref<!tpu.dma_semaphore, #tpu.memory_space<semaphore_mem>>
            %dma_start3A_159 = arith.constant 0 : i32
            %dma_start3A_160 = tpu.memref_slice %arg11[%add3A_149, %dma_start3A_159] : memref<16x125xi32, #tpu.memory_space<vmem>> -> memref<1x125xi32, #tpu.memory_space<vmem>>
            %dma_start3A_161 = tpu.memref_squeeze %dma_start3A_160 : memref<1x125xi32, #tpu.memory_space<vmem>> -> memref<125xi32, #tpu.memory_space<vmem>>
            %dma_start3A_162 = arith.constant 0 : i32
            %dma_start3A_163 = arith.constant 0 : i32
            %dma_start3A_164 = tpu.memref_slice %arg17[%dma_start3A_162, %dma_start3A_163] : memref<10240x128xf32, #tpu.memory_space<vmem_shared>> -> memref<10240x128xf32, #tpu.memory_space<vmem_shared>>
            tpu.enqueue_indirect_dma source(%arg13 : memref<125x128xf32, #tpu.memory_space<vmem>>) target(%dma_start3A_164 : memref<10240x128xf32, #tpu.memory_space<vmem_shared>>) offsets(%dma_start3A_161 : memref<125xi32, #tpu.memory_space<vmem>>) semaphore(%run_scoped3A_158 : memref<!tpu.dma_semaphore, #tpu.memory_space<semaphore_mem>>) {add = true}
            %dma_wait3A_165 = arith.constant 0 : i32
            %dma_wait3A_166 = tpu.memref_slice %arg11[%add3A_149, %dma_wait3A_165] : memref<16x125xi32, #tpu.memory_space<vmem>> -> memref<1x125xi32, #tpu.memory_space<vmem>>
            %dma_wait3A_167 = tpu.memref_squeeze %dma_wait3A_166 : memref<1x125xi32, #tpu.memory_space<vmem>> -> memref<125xi32, #tpu.memory_space<vmem>>
            %dma_wait3A_168 = arith.constant 0 : i32
            %dma_wait3A_169 = arith.constant 0 : i32
            %dma_wait3A_170 = tpu.memref_slice %arg17[%dma_wait3A_168, %dma_wait3A_169] : memref<10240x128xf32, #tpu.memory_space<vmem_shared>> -> memref<10240x128xf32, #tpu.memory_space<vmem_shared>>
            tpu.wait_indirect_dma semaphore(%run_scoped3A_158 : memref<!tpu.dma_semaphore, #tpu.memory_space<semaphore_mem>>) src(%arg13 : memref<125x128xf32, #tpu.memory_space<vmem>>) dst(%dma_wait3A_170 : memref<10240x128xf32, #tpu.memory_space<vmem_shared>>)
            tpu.yield
          }) : () -> ()
          %add3A_150 = arith.constant 3 : i32
          %add3A_151 = arith.addi %mul3A_125, %add3A_150 : i32
          %dma_start3A_152 = arith.constant 0 : i32
          %dma_start3A_153 = tpu.memref_slice %arg10[%add3A_151, %dma_start3A_152] : memref<16x125xi32, #tpu.memory_space<vmem>> -> memref<1x125xi32, #tpu.memory_space<vmem>>
          %dma_start3A_154 = tpu.memref_squeeze %dma_start3A_153 : memref<1x125xi32, #tpu.memory_space<vmem>> -> memref<125xi32, #tpu.memory_space<vmem>>
          %dma_start3A_155 = arith.constant 0 : i32
          %dma_start3A_156 = arith.constant 0 : i32
          %dma_start3A_157 = tpu.memref_slice %arg2[%dma_start3A_155, %dma_start3A_156] : memref<10240x128xf32, #tpu.memory_space<hbm>> -> memref<10240x128xf32, #tpu.memory_space<hbm>>
          tpu.enqueue_indirect_dma source(%dma_start3A_157 : memref<10240x128xf32, #tpu.memory_space<hbm>>) target(%arg13 : memref<125x128xf32, #tpu.memory_space<vmem>>) offsets(%dma_start3A_154 : memref<125xi32, #tpu.memory_space<vmem>>) semaphore(%arg15 : memref<!tpu.dma_semaphore, #tpu.memory_space<semaphore_mem>>)
        }
        %scan3A_97 = arith.constant 7 : i32
        %convert_element_type3A_98 = arith.extui %lt3A_88 : i1 to i32
        %cond3A_99 = arith.constant 0 : i32
        %cond3A_100 = arith.cmpi ne, %convert_element_type3A_98, %cond3A_99 : i32
        scf.if %cond3A_100 {
          %dma_wait3A_123 = arith.constant 0 : i32
          %dma_wait3A_124 = tpu.memref_slice %arg4[%add3A_87, %dma_wait3A_123] : memref<2560x125xi32, #tpu.memory_space<hbm>> -> memref<16x125xi32, #tpu.memory_space<hbm>>
          %dma_wait3A_125 = arith.constant 0 : i32
          %dma_wait3A_126 = tpu.memref_slice %arg4[%add3A_87, %dma_wait3A_125] : memref<2560x125xi32, #tpu.memory_space<hbm>> -> memref<16x125xi32, #tpu.memory_space<hbm>>
          tpu.wait_dma2 semaphore(%arg16 : memref<!tpu.dma_semaphore, #tpu.memory_space<semaphore_mem>>) src(%dma_wait3A_126 : memref<16x125xi32, #tpu.memory_space<hbm>>) dst(%arg8 : memref<16x125xi32, #tpu.memory_space<vmem>>)
          %dma_wait3A_127 = arith.constant 0 : i32
          %dma_wait3A_128 = tpu.memref_slice %arg5[%add3A_87, %dma_wait3A_127] : memref<2560x125xi32, #tpu.memory_space<hbm>> -> memref<16x125xi32, #tpu.memory_space<hbm>>
          %dma_wait3A_129 = arith.constant 0 : i32
          %dma_wait3A_130 = tpu.memref_slice %arg5[%add3A_87, %dma_wait3A_129] : memref<2560x125xi32, #tpu.memory_space<hbm>> -> memref<16x125xi32, #tpu.memory_space<hbm>>
          tpu.wait_dma2 semaphore(%arg16 : memref<!tpu.dma_semaphore, #tpu.memory_space<semaphore_mem>>) src(%dma_wait3A_130 : memref<16x125xi32, #tpu.memory_space<hbm>>) dst(%arg9 : memref<16x125xi32, #tpu.memory_space<vmem>>)
        } else {
        }
        %dma_wait3A_101 = arith.constant 14 : i32
        %dma_wait3A_102 = arith.constant 0 : i32
        %dma_wait3A_103 = tpu.memref_slice %arg10[%dma_wait3A_101, %dma_wait3A_102] : memref<16x125xi32, #tpu.memory_space<vmem>> -> memref<1x125xi32, #tpu.memory_space<vmem>>
        %dma_wait3A_104 = tpu.memref_squeeze %dma_wait3A_103 : memref<1x125xi32, #tpu.memory_space<vmem>> -> memref<125xi32, #tpu.memory_space<vmem>>
        %dma_wait3A_105 = arith.constant 0 : i32
        %dma_wait3A_106 = arith.constant 0 : i32
        %dma_wait3A_107 = tpu.memref_slice %arg2[%dma_wait3A_105, %dma_wait3A_106] : memref<10240x128xf32, #tpu.memory_space<hbm>> -> memref<10240x128xf32, #tpu.memory_space<hbm>>
        tpu.wait_indirect_dma semaphore(%arg14 : memref<!tpu.dma_semaphore, #tpu.memory_space<semaphore_mem>>) src(%dma_wait3A_107 : memref<10240x128xf32, #tpu.memory_space<hbm>>) dst(%arg12 : memref<125x128xf32, #tpu.memory_space<vmem>>)
        %run_scoped3A_108 = arith.constant 14 : i32
        "tpu.region"() ({
          %run_scoped3A_123 = tpu.sem_alloc : memref<!tpu.dma_semaphore, #tpu.memory_space<semaphore_mem>>
          %dma_start3A_124 = arith.constant 0 : i32
          %dma_start3A_125 = tpu.memref_slice %arg11[%run_scoped3A_108, %dma_start3A_124] : memref<16x125xi32, #tpu.memory_space<vmem>> -> memref<1x125xi32, #tpu.memory_space<vmem>>
          %dma_start3A_126 = tpu.memref_squeeze %dma_start3A_125 : memref<1x125xi32, #tpu.memory_space<vmem>> -> memref<125xi32, #tpu.memory_space<vmem>>
          %dma_start3A_127 = arith.constant 0 : i32
          %dma_start3A_128 = arith.constant 0 : i32
          %dma_start3A_129 = tpu.memref_slice %arg17[%dma_start3A_127, %dma_start3A_128] : memref<10240x128xf32, #tpu.memory_space<vmem_shared>> -> memref<10240x128xf32, #tpu.memory_space<vmem_shared>>
          tpu.enqueue_indirect_dma source(%arg12 : memref<125x128xf32, #tpu.memory_space<vmem>>) target(%dma_start3A_129 : memref<10240x128xf32, #tpu.memory_space<vmem_shared>>) offsets(%dma_start3A_126 : memref<125xi32, #tpu.memory_space<vmem>>) semaphore(%run_scoped3A_123 : memref<!tpu.dma_semaphore, #tpu.memory_space<semaphore_mem>>) {add = true}
          %dma_wait3A_130 = arith.constant 0 : i32
          %dma_wait3A_131 = tpu.memref_slice %arg11[%run_scoped3A_108, %dma_wait3A_130] : memref<16x125xi32, #tpu.memory_space<vmem>> -> memref<1x125xi32, #tpu.memory_space<vmem>>
          %dma_wait3A_132 = tpu.memref_squeeze %dma_wait3A_131 : memref<1x125xi32, #tpu.memory_space<vmem>> -> memref<125xi32, #tpu.memory_space<vmem>>
          %dma_wait3A_133 = arith.constant 0 : i32
          %dma_wait3A_134 = arith.constant 0 : i32
          %dma_wait3A_135 = tpu.memref_slice %arg17[%dma_wait3A_133, %dma_wait3A_134] : memref<10240x128xf32, #tpu.memory_space<vmem_shared>> -> memref<10240x128xf32, #tpu.memory_space<vmem_shared>>
          tpu.wait_indirect_dma semaphore(%run_scoped3A_123 : memref<!tpu.dma_semaphore, #tpu.memory_space<semaphore_mem>>) src(%arg12 : memref<125x128xf32, #tpu.memory_space<vmem>>) dst(%dma_wait3A_135 : memref<10240x128xf32, #tpu.memory_space<vmem_shared>>)
          tpu.yield
        }) : () -> ()
        %convert_element_type3A_109 = arith.extui %lt3A_88 : i1 to i32
        %cond3A_110 = arith.constant 0 : i32
        %cond3A_111 = arith.cmpi ne, %convert_element_type3A_109, %cond3A_110 : i32
        scf.if %cond3A_111 {
          %dma_start3A_123 = arith.constant 0 : i32
          %dma_start3A_124 = arith.constant 0 : i32
          %dma_start3A_125 = tpu.memref_slice %arg8[%dma_start3A_123, %dma_start3A_124] : memref<16x125xi32, #tpu.memory_space<vmem>> -> memref<1x125xi32, #tpu.memory_space<vmem>>
          %dma_start3A_126 = tpu.memref_squeeze %dma_start3A_125 : memref<1x125xi32, #tpu.memory_space<vmem>> -> memref<125xi32, #tpu.memory_space<vmem>>
          %dma_start3A_127 = arith.constant 0 : i32
          %dma_start3A_128 = arith.constant 0 : i32
          %dma_start3A_129 = tpu.memref_slice %arg2[%dma_start3A_127, %dma_start3A_128] : memref<10240x128xf32, #tpu.memory_space<hbm>> -> memref<10240x128xf32, #tpu.memory_space<hbm>>
          tpu.enqueue_indirect_dma source(%dma_start3A_129 : memref<10240x128xf32, #tpu.memory_space<hbm>>) target(%arg12 : memref<125x128xf32, #tpu.memory_space<vmem>>) offsets(%dma_start3A_126 : memref<125xi32, #tpu.memory_space<vmem>>) semaphore(%arg14 : memref<!tpu.dma_semaphore, #tpu.memory_space<semaphore_mem>>)
        } else {
        }
        %dma_wait3A_112 = arith.constant 15 : i32
        %dma_wait3A_113 = arith.constant 0 : i32
        %dma_wait3A_114 = tpu.memref_slice %arg10[%dma_wait3A_112, %dma_wait3A_113] : memref<16x125xi32, #tpu.memory_space<vmem>> -> memref<1x125xi32, #tpu.memory_space<vmem>>
        %dma_wait3A_115 = tpu.memref_squeeze %dma_wait3A_114 : memref<1x125xi32, #tpu.memory_space<vmem>> -> memref<125xi32, #tpu.memory_space<vmem>>
        %dma_wait3A_116 = arith.constant 0 : i32
        %dma_wait3A_117 = arith.constant 0 : i32
        %dma_wait3A_118 = tpu.memref_slice %arg2[%dma_wait3A_116, %dma_wait3A_117] : memref<10240x128xf32, #tpu.memory_space<hbm>> -> memref<10240x128xf32, #tpu.memory_space<hbm>>
        tpu.wait_indirect_dma semaphore(%arg15 : memref<!tpu.dma_semaphore, #tpu.memory_space<semaphore_mem>>) src(%dma_wait3A_118 : memref<10240x128xf32, #tpu.memory_space<hbm>>) dst(%arg13 : memref<125x128xf32, #tpu.memory_space<vmem>>)
        %run_scoped3A_119 = arith.constant 15 : i32
        "tpu.region"() ({
          %run_scoped3A_123 = tpu.sem_alloc : memref<!tpu.dma_semaphore, #tpu.memory_space<semaphore_mem>>
          %dma_start3A_124 = arith.constant 0 : i32
          %dma_start3A_125 = tpu.memref_slice %arg11[%run_scoped3A_119, %dma_start3A_124] : memref<16x125xi32, #tpu.memory_space<vmem>> -> memref<1x125xi32, #tpu.memory_space<vmem>>
          %dma_start3A_126 = tpu.memref_squeeze %dma_start3A_125 : memref<1x125xi32, #tpu.memory_space<vmem>> -> memref<125xi32, #tpu.memory_space<vmem>>
          %dma_start3A_127 = arith.constant 0 : i32
          %dma_start3A_128 = arith.constant 0 : i32
          %dma_start3A_129 = tpu.memref_slice %arg17[%dma_start3A_127, %dma_start3A_128] : memref<10240x128xf32, #tpu.memory_space<vmem_shared>> -> memref<10240x128xf32, #tpu.memory_space<vmem_shared>>
          tpu.enqueue_indirect_dma source(%arg13 : memref<125x128xf32, #tpu.memory_space<vmem>>) target(%dma_start3A_129 : memref<10240x128xf32, #tpu.memory_space<vmem_shared>>) offsets(%dma_start3A_126 : memref<125xi32, #tpu.memory_space<vmem>>) semaphore(%run_scoped3A_123 : memref<!tpu.dma_semaphore, #tpu.memory_space<semaphore_mem>>) {add = true}
          %dma_wait3A_130 = arith.constant 0 : i32
          %dma_wait3A_131 = tpu.memref_slice %arg11[%run_scoped3A_119, %dma_wait3A_130] : memref<16x125xi32, #tpu.memory_space<vmem>> -> memref<1x125xi32, #tpu.memory_space<vmem>>
          %dma_wait3A_132 = tpu.memref_squeeze %dma_wait3A_131 : memref<1x125xi32, #tpu.memory_space<vmem>> -> memref<125xi32, #tpu.memory_space<vmem>>
          %dma_wait3A_133 = arith.constant 0 : i32
          %dma_wait3A_134 = arith.constant 0 : i32
          %dma_wait3A_135 = tpu.memref_slice %arg17[%dma_wait3A_133, %dma_wait3A_134] : memref<10240x128xf32, #tpu.memory_space<vmem_shared>> -> memref<10240x128xf32, #tpu.memory_space<vmem_shared>>
          tpu.wait_indirect_dma semaphore(%run_scoped3A_123 : memref<!tpu.dma_semaphore, #tpu.memory_space<semaphore_mem>>) src(%arg13 : memref<125x128xf32, #tpu.memory_space<vmem>>) dst(%dma_wait3A_135 : memref<10240x128xf32, #tpu.memory_space<vmem_shared>>)
          tpu.yield
        }) : () -> ()
        %convert_element_type3A_120 = arith.extui %lt3A_88 : i1 to i32
        %cond3A_121 = arith.constant 0 : i32
        %cond3A_122 = arith.cmpi ne, %convert_element_type3A_120, %cond3A_121 : i32
        scf.if %cond3A_122 {
          %dma_start3A_123 = arith.constant 1 : i32
          %dma_start3A_124 = arith.constant 0 : i32
          %dma_start3A_125 = tpu.memref_slice %arg8[%dma_start3A_123, %dma_start3A_124] : memref<16x125xi32, #tpu.memory_space<vmem>> -> memref<1x125xi32, #tpu.memory_space<vmem>>
          %dma_start3A_126 = tpu.memref_squeeze %dma_start3A_125 : memref<1x125xi32, #tpu.memory_space<vmem>> -> memref<125xi32, #tpu.memory_space<vmem>>
          %dma_start3A_127 = arith.constant 0 : i32
          %dma_start3A_128 = arith.constant 0 : i32
          %dma_start3A_129 = tpu.memref_slice %arg2[%dma_start3A_127, %dma_start3A_128] : memref<10240x128xf32, #tpu.memory_space<hbm>> -> memref<10240x128xf32, #tpu.memory_space<hbm>>
          tpu.enqueue_indirect_dma source(%dma_start3A_129 : memref<10240x128xf32, #tpu.memory_space<hbm>>) target(%arg13 : memref<125x128xf32, #tpu.memory_space<vmem>>) offsets(%dma_start3A_126 : memref<125xi32, #tpu.memory_space<vmem>>) semaphore(%arg15 : memref<!tpu.dma_semaphore, #tpu.memory_space<semaphore_mem>>)
        } else {
        }
      }
      %scan3A_27 = arith.constant 5 : i32
      %barrier3A_28 = arith.constant 0 : index
      tpu.barrier barrier_id(%barrier3A_28)
      "tpu.region"() ({
        %run_scoped3A = tpu.sem_alloc : memref<!tpu.dma_semaphore, #tpu.memory_space<semaphore_mem>>
        %dma_start3A_29 = arith.constant 0 : i32
        %dma_start3A_30 = tpu.memref_slice %arg6[%mul3A_0, %dma_start3A_29] : memref<10240x128xf32, #tpu.memory_space<hbm>> -> memref<640x128xf32, #tpu.memory_space<hbm>>
        %dma_start3A_31 = arith.constant 0 : i32
        %dma_start3A_32 = tpu.memref_slice %arg17[%mul3A_0, %dma_start3A_31] : memref<10240x128xf32, #tpu.memory_space<vmem_shared>> -> memref<640x128xf32, #tpu.memory_space<vmem_shared>>
        tpu.enqueue_dma source(%dma_start3A_32 : memref<640x128xf32, #tpu.memory_space<vmem_shared>>) target(%dma_start3A_30 : memref<640x128xf32, #tpu.memory_space<hbm>>) target_semaphore(%run_scoped3A : memref<!tpu.dma_semaphore, #tpu.memory_space<semaphore_mem>>)
        %dma_wait3A = arith.constant 0 : i32
        %dma_wait3A_33 = tpu.memref_slice %arg6[%mul3A_0, %dma_wait3A] : memref<10240x128xf32, #tpu.memory_space<hbm>> -> memref<640x128xf32, #tpu.memory_space<hbm>>
        %dma_wait3A_34 = arith.constant 0 : i32
        %dma_wait3A_35 = tpu.memref_slice %arg17[%mul3A_0, %dma_wait3A_34] : memref<10240x128xf32, #tpu.memory_space<vmem_shared>> -> memref<640x128xf32, #tpu.memory_space<vmem_shared>>
        tpu.wait_dma2 semaphore(%run_scoped3A : memref<!tpu.dma_semaphore, #tpu.memory_space<semaphore_mem>>) src(%dma_wait3A_35 : memref<640x128xf32, #tpu.memory_space<vmem_shared>>) dst(%dma_wait3A_33 : memref<640x128xf32, #tpu.memory_space<hbm>>)
        tpu.yield
      }) : () -> ()
    } else {
    }
    %eq3A_3 = arith.constant 1 : i32
    %eq3A_4 = arith.cmpi eq, %arg0, %eq3A_3 : i32
    %convert_element_type3A_5 = arith.extui %eq3A_4 : i1 to i32
    %cond3A_6 = arith.constant 0 : i32
    %cond3A_7 = arith.cmpi ne, %convert_element_type3A_5, %cond3A_6 : i32
    scf.if %cond3A_7 {
      %mul3A_8 = arith.constant 160 : i32
      %mul3A_9 = arith.muli %arg1, %mul3A_8 : i32
      "tpu.region"() ({
        %run_scoped3A = tpu.sem_alloc : memref<!tpu.dma_semaphore, #tpu.memory_space<semaphore_mem>>
        %dma_start3A_29 = arith.constant 0 : i32
        %dma_start3A_30 = tpu.memref_slice %arg4[%mul3A_9, %dma_start3A_29] : memref<2560x125xi32, #tpu.memory_space<hbm>> -> memref<16x125xi32, #tpu.memory_space<hbm>>
        %dma_start3A_31 = arith.constant 0 : i32
        %dma_start3A_32 = tpu.memref_slice %arg4[%mul3A_9, %dma_start3A_31] : memref<2560x125xi32, #tpu.memory_space<hbm>> -> memref<16x125xi32, #tpu.memory_space<hbm>>
        tpu.enqueue_dma source(%dma_start3A_32 : memref<16x125xi32, #tpu.memory_space<hbm>>) target(%arg8 : memref<16x125xi32, #tpu.memory_space<vmem>>) target_semaphore(%run_scoped3A : memref<!tpu.dma_semaphore, #tpu.memory_space<semaphore_mem>>)
        %dma_wait3A = arith.constant 0 : i32
        %dma_wait3A_33 = tpu.memref_slice %arg4[%mul3A_9, %dma_wait3A] : memref<2560x125xi32, #tpu.memory_space<hbm>> -> memref<16x125xi32, #tpu.memory_space<hbm>>
        %dma_wait3A_34 = arith.constant 0 : i32
        %dma_wait3A_35 = tpu.memref_slice %arg4[%mul3A_9, %dma_wait3A_34] : memref<2560x125xi32, #tpu.memory_space<hbm>> -> memref<16x125xi32, #tpu.memory_space<hbm>>
        tpu.wait_dma2 semaphore(%run_scoped3A : memref<!tpu.dma_semaphore, #tpu.memory_space<semaphore_mem>>) src(%dma_wait3A_35 : memref<16x125xi32, #tpu.memory_space<hbm>>) dst(%arg8 : memref<16x125xi32, #tpu.memory_space<vmem>>)
        tpu.yield
      }) : () -> ()
      "tpu.region"() ({
        %run_scoped3A = tpu.sem_alloc : memref<!tpu.dma_semaphore, #tpu.memory_space<semaphore_mem>>
        %dma_start3A_29 = arith.constant 0 : i32
        %dma_start3A_30 = tpu.memref_slice %arg5[%mul3A_9, %dma_start3A_29] : memref<2560x125xi32, #tpu.memory_space<hbm>> -> memref<16x125xi32, #tpu.memory_space<hbm>>
        %dma_start3A_31 = arith.constant 0 : i32
        %dma_start3A_32 = tpu.memref_slice %arg5[%mul3A_9, %dma_start3A_31] : memref<2560x125xi32, #tpu.memory_space<hbm>> -> memref<16x125xi32, #tpu.memory_space<hbm>>
        tpu.enqueue_dma source(%dma_start3A_32 : memref<16x125xi32, #tpu.memory_space<hbm>>) target(%arg9 : memref<16x125xi32, #tpu.memory_space<vmem>>) target_semaphore(%run_scoped3A : memref<!tpu.dma_semaphore, #tpu.memory_space<semaphore_mem>>)
        %dma_wait3A = arith.constant 0 : i32
        %dma_wait3A_33 = tpu.memref_slice %arg5[%mul3A_9, %dma_wait3A] : memref<2560x125xi32, #tpu.memory_space<hbm>> -> memref<16x125xi32, #tpu.memory_space<hbm>>
        %dma_wait3A_34 = arith.constant 0 : i32
        %dma_wait3A_35 = tpu.memref_slice %arg5[%mul3A_9, %dma_wait3A_34] : memref<2560x125xi32, #tpu.memory_space<hbm>> -> memref<16x125xi32, #tpu.memory_space<hbm>>
        tpu.wait_dma2 semaphore(%run_scoped3A : memref<!tpu.dma_semaphore, #tpu.memory_space<semaphore_mem>>) src(%dma_wait3A_35 : memref<16x125xi32, #tpu.memory_space<hbm>>) dst(%arg9 : memref<16x125xi32, #tpu.memory_space<vmem>>)
        tpu.yield
      }) : () -> ()
      %dma_start3A = arith.constant 0 : i32
      %dma_start3A_10 = arith.constant 0 : i32
      %dma_start3A_11 = tpu.memref_slice %arg8[%dma_start3A, %dma_start3A_10] : memref<16x125xi32, #tpu.memory_space<vmem>> -> memref<1x125xi32, #tpu.memory_space<vmem>>
      %dma_start3A_12 = tpu.memref_squeeze %dma_start3A_11 : memref<1x125xi32, #tpu.memory_space<vmem>> -> memref<125xi32, #tpu.memory_space<vmem>>
      %dma_start3A_13 = arith.constant 0 : i32
      %dma_start3A_14 = arith.constant 0 : i32
      %dma_start3A_15 = tpu.memref_slice %arg3[%dma_start3A_13, %dma_start3A_14] : memref<10240x128xf32, #tpu.memory_space<hbm>> -> memref<10240x128xf32, #tpu.memory_space<hbm>>
      tpu.enqueue_indirect_dma source(%dma_start3A_15 : memref<10240x128xf32, #tpu.memory_space<hbm>>) target(%arg12 : memref<125x128xf32, #tpu.memory_space<vmem>>) offsets(%dma_start3A_12 : memref<125xi32, #tpu.memory_space<vmem>>) semaphore(%arg14 : memref<!tpu.dma_semaphore, #tpu.memory_space<semaphore_mem>>)
      %dma_start3A_16 = arith.constant 1 : i32
      %dma_start3A_17 = arith.constant 0 : i32
      %dma_start3A_18 = tpu.memref_slice %arg8[%dma_start3A_16, %dma_start3A_17] : memref<16x125xi32, #tpu.memory_space<vmem>> -> memref<1x125xi32, #tpu.memory_space<vmem>>
      %dma_start3A_19 = tpu.memref_squeeze %dma_start3A_18 : memref<1x125xi32, #tpu.memory_space<vmem>> -> memref<125xi32, #tpu.memory_space<vmem>>
      %dma_start3A_20 = arith.constant 0 : i32
      %dma_start3A_21 = arith.constant 0 : i32
      %dma_start3A_22 = tpu.memref_slice %arg3[%dma_start3A_20, %dma_start3A_21] : memref<10240x128xf32, #tpu.memory_space<hbm>> -> memref<10240x128xf32, #tpu.memory_space<hbm>>
      tpu.enqueue_indirect_dma source(%dma_start3A_22 : memref<10240x128xf32, #tpu.memory_space<hbm>>) target(%arg13 : memref<125x128xf32, #tpu.memory_space<vmem>>) offsets(%dma_start3A_19 : memref<125xi32, #tpu.memory_space<vmem>>) semaphore(%arg15 : memref<!tpu.dma_semaphore, #tpu.memory_space<semaphore_mem>>)
      "tpu.region"() ({
        %run_scoped3A = tpu.sem_alloc : memref<!tpu.dma_semaphore, #tpu.memory_space<semaphore_mem>>
        %dma_start3A_29 = arith.constant 0 : i32
        %dma_start3A_30 = tpu.memref_slice %arg17[%mul3A_0, %dma_start3A_29] : memref<10240x128xf32, #tpu.memory_space<vmem_shared>> -> memref<640x128xf32, #tpu.memory_space<vmem_shared>>
        %dma_start3A_31 = arith.constant 0 : i32
        %dma_start3A_32 = tpu.memref_slice %arg3[%mul3A_0, %dma_start3A_31] : memref<10240x128xf32, #tpu.memory_space<hbm>> -> memref<640x128xf32, #tpu.memory_space<hbm>>
        tpu.enqueue_dma source(%dma_start3A_32 : memref<640x128xf32, #tpu.memory_space<hbm>>) target(%dma_start3A_30 : memref<640x128xf32, #tpu.memory_space<vmem_shared>>) target_semaphore(%run_scoped3A : memref<!tpu.dma_semaphore, #tpu.memory_space<semaphore_mem>>)
        %dma_wait3A = arith.constant 0 : i32
        %dma_wait3A_33 = tpu.memref_slice %arg17[%mul3A_0, %dma_wait3A] : memref<10240x128xf32, #tpu.memory_space<vmem_shared>> -> memref<640x128xf32, #tpu.memory_space<vmem_shared>>
        %dma_wait3A_34 = arith.constant 0 : i32
        %dma_wait3A_35 = tpu.memref_slice %arg3[%mul3A_0, %dma_wait3A_34] : memref<10240x128xf32, #tpu.memory_space<hbm>> -> memref<640x128xf32, #tpu.memory_space<hbm>>
        tpu.wait_dma2 semaphore(%run_scoped3A : memref<!tpu.dma_semaphore, #tpu.memory_space<semaphore_mem>>) src(%dma_wait3A_35 : memref<640x128xf32, #tpu.memory_space<hbm>>) dst(%dma_wait3A_33 : memref<640x128xf32, #tpu.memory_space<vmem_shared>>)
        tpu.yield
      }) : () -> ()
      %barrier3A = arith.constant 0 : index
      tpu.barrier barrier_id(%barrier3A)
      %scan3A = arith.constant 0 : i32
      %scan3A_23 = arith.constant 0 : i32
      %scan3A_24 = arith.constant 5 : i32
      %scan3A_25 = arith.addi %scan3A_23, %scan3A_24 : i32
      %scan3A_26 = arith.constant 1 : i32
      scf.for %scan3A_29 = %scan3A_23 to %scan3A_25 step %scan3A_26  : i32 {
        %mul3A_30 = arith.constant 2 : i32
        %mul3A_31 = arith.muli %mul3A_30, %scan3A_29 : i32
        %mul3A_32 = arith.constant 16 : i32
        %mul3A_33 = arith.muli %mul3A_31, %mul3A_32 : i32
        %add3A = arith.addi %mul3A_9, %mul3A_33 : i32
        %add3A_34 = arith.constant 16 : i32
        %add3A_35 = arith.addi %add3A, %add3A_34 : i32
        %dma_start3A_36 = arith.constant 0 : i32
        %dma_start3A_37 = tpu.memref_slice %arg4[%add3A_35, %dma_start3A_36] : memref<2560x125xi32, #tpu.memory_space<hbm>> -> memref<16x125xi32, #tpu.memory_space<hbm>>
        %dma_start3A_38 = arith.constant 0 : i32
        %dma_start3A_39 = tpu.memref_slice %arg4[%add3A_35, %dma_start3A_38] : memref<2560x125xi32, #tpu.memory_space<hbm>> -> memref<16x125xi32, #tpu.memory_space<hbm>>
        tpu.enqueue_dma source(%dma_start3A_39 : memref<16x125xi32, #tpu.memory_space<hbm>>) target(%arg10 : memref<16x125xi32, #tpu.memory_space<vmem>>) target_semaphore(%arg16 : memref<!tpu.dma_semaphore, #tpu.memory_space<semaphore_mem>>)
        %dma_start3A_40 = arith.constant 0 : i32
        %dma_start3A_41 = tpu.memref_slice %arg5[%add3A_35, %dma_start3A_40] : memref<2560x125xi32, #tpu.memory_space<hbm>> -> memref<16x125xi32, #tpu.memory_space<hbm>>
        %dma_start3A_42 = arith.constant 0 : i32
        %dma_start3A_43 = tpu.memref_slice %arg5[%add3A_35, %dma_start3A_42] : memref<2560x125xi32, #tpu.memory_space<hbm>> -> memref<16x125xi32, #tpu.memory_space<hbm>>
        tpu.enqueue_dma source(%dma_start3A_43 : memref<16x125xi32, #tpu.memory_space<hbm>>) target(%arg11 : memref<16x125xi32, #tpu.memory_space<vmem>>) target_semaphore(%arg16 : memref<!tpu.dma_semaphore, #tpu.memory_space<semaphore_mem>>)
        %scan3A_44 = arith.constant 0 : i32
        %scan3A_45 = arith.constant 0 : i32
        %scan3A_46 = arith.constant 7 : i32
        %scan3A_47 = arith.addi %scan3A_45, %scan3A_46 : i32
        %scan3A_48 = arith.constant 1 : i32
        scf.for %scan3A_123 = %scan3A_45 to %scan3A_47 step %scan3A_48  : i32 {
          %mul3A_124 = arith.constant 2 : i32
          %mul3A_125 = arith.muli %mul3A_124, %scan3A_123 : i32
          %dma_wait3A_126 = arith.constant 0 : i32
          %dma_wait3A_127 = tpu.memref_slice %arg8[%mul3A_125, %dma_wait3A_126] : memref<16x125xi32, #tpu.memory_space<vmem>> -> memref<1x125xi32, #tpu.memory_space<vmem>>
          %dma_wait3A_128 = tpu.memref_squeeze %dma_wait3A_127 : memref<1x125xi32, #tpu.memory_space<vmem>> -> memref<125xi32, #tpu.memory_space<vmem>>
          %dma_wait3A_129 = arith.constant 0 : i32
          %dma_wait3A_130 = arith.constant 0 : i32
          %dma_wait3A_131 = tpu.memref_slice %arg3[%dma_wait3A_129, %dma_wait3A_130] : memref<10240x128xf32, #tpu.memory_space<hbm>> -> memref<10240x128xf32, #tpu.memory_space<hbm>>
          tpu.wait_indirect_dma semaphore(%arg14 : memref<!tpu.dma_semaphore, #tpu.memory_space<semaphore_mem>>) src(%dma_wait3A_131 : memref<10240x128xf32, #tpu.memory_space<hbm>>) dst(%arg12 : memref<125x128xf32, #tpu.memory_space<vmem>>)
          "tpu.region"() ({
            %run_scoped3A_158 = tpu.sem_alloc : memref<!tpu.dma_semaphore, #tpu.memory_space<semaphore_mem>>
            %dma_start3A_159 = arith.constant 0 : i32
            %dma_start3A_160 = tpu.memref_slice %arg9[%mul3A_125, %dma_start3A_159] : memref<16x125xi32, #tpu.memory_space<vmem>> -> memref<1x125xi32, #tpu.memory_space<vmem>>
            %dma_start3A_161 = tpu.memref_squeeze %dma_start3A_160 : memref<1x125xi32, #tpu.memory_space<vmem>> -> memref<125xi32, #tpu.memory_space<vmem>>
            %dma_start3A_162 = arith.constant 0 : i32
            %dma_start3A_163 = arith.constant 0 : i32
            %dma_start3A_164 = tpu.memref_slice %arg17[%dma_start3A_162, %dma_start3A_163] : memref<10240x128xf32, #tpu.memory_space<vmem_shared>> -> memref<10240x128xf32, #tpu.memory_space<vmem_shared>>
            tpu.enqueue_indirect_dma source(%arg12 : memref<125x128xf32, #tpu.memory_space<vmem>>) target(%dma_start3A_164 : memref<10240x128xf32, #tpu.memory_space<vmem_shared>>) offsets(%dma_start3A_161 : memref<125xi32, #tpu.memory_space<vmem>>) semaphore(%run_scoped3A_158 : memref<!tpu.dma_semaphore, #tpu.memory_space<semaphore_mem>>) {add = true}
            %dma_wait3A_165 = arith.constant 0 : i32
            %dma_wait3A_166 = tpu.memref_slice %arg9[%mul3A_125, %dma_wait3A_165] : memref<16x125xi32, #tpu.memory_space<vmem>> -> memref<1x125xi32, #tpu.memory_space<vmem>>
            %dma_wait3A_167 = tpu.memref_squeeze %dma_wait3A_166 : memref<1x125xi32, #tpu.memory_space<vmem>> -> memref<125xi32, #tpu.memory_space<vmem>>
            %dma_wait3A_168 = arith.constant 0 : i32
            %dma_wait3A_169 = arith.constant 0 : i32
            %dma_wait3A_170 = tpu.memref_slice %arg17[%dma_wait3A_168, %dma_wait3A_169] : memref<10240x128xf32, #tpu.memory_space<vmem_shared>> -> memref<10240x128xf32, #tpu.memory_space<vmem_shared>>
            tpu.wait_indirect_dma semaphore(%run_scoped3A_158 : memref<!tpu.dma_semaphore, #tpu.memory_space<semaphore_mem>>) src(%arg12 : memref<125x128xf32, #tpu.memory_space<vmem>>) dst(%dma_wait3A_170 : memref<10240x128xf32, #tpu.memory_space<vmem_shared>>)
            tpu.yield
          }) : () -> ()
          %add3A_132 = arith.constant 2 : i32
          %add3A_133 = arith.addi %mul3A_125, %add3A_132 : i32
          %dma_start3A_134 = arith.constant 0 : i32
          %dma_start3A_135 = tpu.memref_slice %arg8[%add3A_133, %dma_start3A_134] : memref<16x125xi32, #tpu.memory_space<vmem>> -> memref<1x125xi32, #tpu.memory_space<vmem>>
          %dma_start3A_136 = tpu.memref_squeeze %dma_start3A_135 : memref<1x125xi32, #tpu.memory_space<vmem>> -> memref<125xi32, #tpu.memory_space<vmem>>
          %dma_start3A_137 = arith.constant 0 : i32
          %dma_start3A_138 = arith.constant 0 : i32
          %dma_start3A_139 = tpu.memref_slice %arg3[%dma_start3A_137, %dma_start3A_138] : memref<10240x128xf32, #tpu.memory_space<hbm>> -> memref<10240x128xf32, #tpu.memory_space<hbm>>
          tpu.enqueue_indirect_dma source(%dma_start3A_139 : memref<10240x128xf32, #tpu.memory_space<hbm>>) target(%arg12 : memref<125x128xf32, #tpu.memory_space<vmem>>) offsets(%dma_start3A_136 : memref<125xi32, #tpu.memory_space<vmem>>) semaphore(%arg14 : memref<!tpu.dma_semaphore, #tpu.memory_space<semaphore_mem>>)
          %add3A_140 = arith.constant 1 : i32
          %add3A_141 = arith.addi %mul3A_125, %add3A_140 : i32
          %dma_wait3A_142 = arith.constant 0 : i32
          %dma_wait3A_143 = tpu.memref_slice %arg8[%add3A_141, %dma_wait3A_142] : memref<16x125xi32, #tpu.memory_space<vmem>> -> memref<1x125xi32, #tpu.memory_space<vmem>>
          %dma_wait3A_144 = tpu.memref_squeeze %dma_wait3A_143 : memref<1x125xi32, #tpu.memory_space<vmem>> -> memref<125xi32, #tpu.memory_space<vmem>>
          %dma_wait3A_145 = arith.constant 0 : i32
          %dma_wait3A_146 = arith.constant 0 : i32
          %dma_wait3A_147 = tpu.memref_slice %arg3[%dma_wait3A_145, %dma_wait3A_146] : memref<10240x128xf32, #tpu.memory_space<hbm>> -> memref<10240x128xf32, #tpu.memory_space<hbm>>
          tpu.wait_indirect_dma semaphore(%arg15 : memref<!tpu.dma_semaphore, #tpu.memory_space<semaphore_mem>>) src(%dma_wait3A_147 : memref<10240x128xf32, #tpu.memory_space<hbm>>) dst(%arg13 : memref<125x128xf32, #tpu.memory_space<vmem>>)
          %add3A_148 = arith.constant 1 : i32
          %add3A_149 = arith.addi %mul3A_125, %add3A_148 : i32
          "tpu.region"() ({
            %run_scoped3A_158 = tpu.sem_alloc : memref<!tpu.dma_semaphore, #tpu.memory_space<semaphore_mem>>
            %dma_start3A_159 = arith.constant 0 : i32
            %dma_start3A_160 = tpu.memref_slice %arg9[%add3A_149, %dma_start3A_159] : memref<16x125xi32, #tpu.memory_space<vmem>> -> memref<1x125xi32, #tpu.memory_space<vmem>>
            %dma_start3A_161 = tpu.memref_squeeze %dma_start3A_160 : memref<1x125xi32, #tpu.memory_space<vmem>> -> memref<125xi32, #tpu.memory_space<vmem>>
            %dma_start3A_162 = arith.constant 0 : i32
            %dma_start3A_163 = arith.constant 0 : i32
            %dma_start3A_164 = tpu.memref_slice %arg17[%dma_start3A_162, %dma_start3A_163] : memref<10240x128xf32, #tpu.memory_space<vmem_shared>> -> memref<10240x128xf32, #tpu.memory_space<vmem_shared>>
            tpu.enqueue_indirect_dma source(%arg13 : memref<125x128xf32, #tpu.memory_space<vmem>>) target(%dma_start3A_164 : memref<10240x128xf32, #tpu.memory_space<vmem_shared>>) offsets(%dma_start3A_161 : memref<125xi32, #tpu.memory_space<vmem>>) semaphore(%run_scoped3A_158 : memref<!tpu.dma_semaphore, #tpu.memory_space<semaphore_mem>>) {add = true}
            %dma_wait3A_165 = arith.constant 0 : i32
            %dma_wait3A_166 = tpu.memref_slice %arg9[%add3A_149, %dma_wait3A_165] : memref<16x125xi32, #tpu.memory_space<vmem>> -> memref<1x125xi32, #tpu.memory_space<vmem>>
            %dma_wait3A_167 = tpu.memref_squeeze %dma_wait3A_166 : memref<1x125xi32, #tpu.memory_space<vmem>> -> memref<125xi32, #tpu.memory_space<vmem>>
            %dma_wait3A_168 = arith.constant 0 : i32
            %dma_wait3A_169 = arith.constant 0 : i32
            %dma_wait3A_170 = tpu.memref_slice %arg17[%dma_wait3A_168, %dma_wait3A_169] : memref<10240x128xf32, #tpu.memory_space<vmem_shared>> -> memref<10240x128xf32, #tpu.memory_space<vmem_shared>>
            tpu.wait_indirect_dma semaphore(%run_scoped3A_158 : memref<!tpu.dma_semaphore, #tpu.memory_space<semaphore_mem>>) src(%arg13 : memref<125x128xf32, #tpu.memory_space<vmem>>) dst(%dma_wait3A_170 : memref<10240x128xf32, #tpu.memory_space<vmem_shared>>)
            tpu.yield
          }) : () -> ()
          %add3A_150 = arith.constant 3 : i32
          %add3A_151 = arith.addi %mul3A_125, %add3A_150 : i32
          %dma_start3A_152 = arith.constant 0 : i32
          %dma_start3A_153 = tpu.memref_slice %arg8[%add3A_151, %dma_start3A_152] : memref<16x125xi32, #tpu.memory_space<vmem>> -> memref<1x125xi32, #tpu.memory_space<vmem>>
          %dma_start3A_154 = tpu.memref_squeeze %dma_start3A_153 : memref<1x125xi32, #tpu.memory_space<vmem>> -> memref<125xi32, #tpu.memory_space<vmem>>
          %dma_start3A_155 = arith.constant 0 : i32
          %dma_start3A_156 = arith.constant 0 : i32
          %dma_start3A_157 = tpu.memref_slice %arg3[%dma_start3A_155, %dma_start3A_156] : memref<10240x128xf32, #tpu.memory_space<hbm>> -> memref<10240x128xf32, #tpu.memory_space<hbm>>
          tpu.enqueue_indirect_dma source(%dma_start3A_157 : memref<10240x128xf32, #tpu.memory_space<hbm>>) target(%arg13 : memref<125x128xf32, #tpu.memory_space<vmem>>) offsets(%dma_start3A_154 : memref<125xi32, #tpu.memory_space<vmem>>) semaphore(%arg15 : memref<!tpu.dma_semaphore, #tpu.memory_space<semaphore_mem>>)
        }
        %scan3A_49 = arith.constant 7 : i32
        %dma_wait3A = arith.constant 0 : i32
        %dma_wait3A_50 = tpu.memref_slice %arg4[%add3A_35, %dma_wait3A] : memref<2560x125xi32, #tpu.memory_space<hbm>> -> memref<16x125xi32, #tpu.memory_space<hbm>>
        %dma_wait3A_51 = arith.constant 0 : i32
        %dma_wait3A_52 = tpu.memref_slice %arg4[%add3A_35, %dma_wait3A_51] : memref<2560x125xi32, #tpu.memory_space<hbm>> -> memref<16x125xi32, #tpu.memory_space<hbm>>
        tpu.wait_dma2 semaphore(%arg16 : memref<!tpu.dma_semaphore, #tpu.memory_space<semaphore_mem>>) src(%dma_wait3A_52 : memref<16x125xi32, #tpu.memory_space<hbm>>) dst(%arg10 : memref<16x125xi32, #tpu.memory_space<vmem>>)
        %dma_wait3A_53 = arith.constant 0 : i32
        %dma_wait3A_54 = tpu.memref_slice %arg5[%add3A_35, %dma_wait3A_53] : memref<2560x125xi32, #tpu.memory_space<hbm>> -> memref<16x125xi32, #tpu.memory_space<hbm>>
        %dma_wait3A_55 = arith.constant 0 : i32
        %dma_wait3A_56 = tpu.memref_slice %arg5[%add3A_35, %dma_wait3A_55] : memref<2560x125xi32, #tpu.memory_space<hbm>> -> memref<16x125xi32, #tpu.memory_space<hbm>>
        tpu.wait_dma2 semaphore(%arg16 : memref<!tpu.dma_semaphore, #tpu.memory_space<semaphore_mem>>) src(%dma_wait3A_56 : memref<16x125xi32, #tpu.memory_space<hbm>>) dst(%arg11 : memref<16x125xi32, #tpu.memory_space<vmem>>)
        %dma_wait3A_57 = arith.constant 14 : i32
        %dma_wait3A_58 = arith.constant 0 : i32
        %dma_wait3A_59 = tpu.memref_slice %arg8[%dma_wait3A_57, %dma_wait3A_58] : memref<16x125xi32, #tpu.memory_space<vmem>> -> memref<1x125xi32, #tpu.memory_space<vmem>>
        %dma_wait3A_60 = tpu.memref_squeeze %dma_wait3A_59 : memref<1x125xi32, #tpu.memory_space<vmem>> -> memref<125xi32, #tpu.memory_space<vmem>>
        %dma_wait3A_61 = arith.constant 0 : i32
        %dma_wait3A_62 = arith.constant 0 : i32
        %dma_wait3A_63 = tpu.memref_slice %arg3[%dma_wait3A_61, %dma_wait3A_62] : memref<10240x128xf32, #tpu.memory_space<hbm>> -> memref<10240x128xf32, #tpu.memory_space<hbm>>
        tpu.wait_indirect_dma semaphore(%arg14 : memref<!tpu.dma_semaphore, #tpu.memory_space<semaphore_mem>>) src(%dma_wait3A_63 : memref<10240x128xf32, #tpu.memory_space<hbm>>) dst(%arg12 : memref<125x128xf32, #tpu.memory_space<vmem>>)
        %run_scoped3A = arith.constant 14 : i32
        "tpu.region"() ({
          %run_scoped3A_123 = tpu.sem_alloc : memref<!tpu.dma_semaphore, #tpu.memory_space<semaphore_mem>>
          %dma_start3A_124 = arith.constant 0 : i32
          %dma_start3A_125 = tpu.memref_slice %arg9[%run_scoped3A, %dma_start3A_124] : memref<16x125xi32, #tpu.memory_space<vmem>> -> memref<1x125xi32, #tpu.memory_space<vmem>>
          %dma_start3A_126 = tpu.memref_squeeze %dma_start3A_125 : memref<1x125xi32, #tpu.memory_space<vmem>> -> memref<125xi32, #tpu.memory_space<vmem>>
          %dma_start3A_127 = arith.constant 0 : i32
          %dma_start3A_128 = arith.constant 0 : i32
          %dma_start3A_129 = tpu.memref_slice %arg17[%dma_start3A_127, %dma_start3A_128] : memref<10240x128xf32, #tpu.memory_space<vmem_shared>> -> memref<10240x128xf32, #tpu.memory_space<vmem_shared>>
          tpu.enqueue_indirect_dma source(%arg12 : memref<125x128xf32, #tpu.memory_space<vmem>>) target(%dma_start3A_129 : memref<10240x128xf32, #tpu.memory_space<vmem_shared>>) offsets(%dma_start3A_126 : memref<125xi32, #tpu.memory_space<vmem>>) semaphore(%run_scoped3A_123 : memref<!tpu.dma_semaphore, #tpu.memory_space<semaphore_mem>>) {add = true}
          %dma_wait3A_130 = arith.constant 0 : i32
          %dma_wait3A_131 = tpu.memref_slice %arg9[%run_scoped3A, %dma_wait3A_130] : memref<16x125xi32, #tpu.memory_space<vmem>> -> memref<1x125xi32, #tpu.memory_space<vmem>>
          %dma_wait3A_132 = tpu.memref_squeeze %dma_wait3A_131 : memref<1x125xi32, #tpu.memory_space<vmem>> -> memref<125xi32, #tpu.memory_space<vmem>>
          %dma_wait3A_133 = arith.constant 0 : i32
          %dma_wait3A_134 = arith.constant 0 : i32
          %dma_wait3A_135 = tpu.memref_slice %arg17[%dma_wait3A_133, %dma_wait3A_134] : memref<10240x128xf32, #tpu.memory_space<vmem_shared>> -> memref<10240x128xf32, #tpu.memory_space<vmem_shared>>
          tpu.wait_indirect_dma semaphore(%run_scoped3A_123 : memref<!tpu.dma_semaphore, #tpu.memory_space<semaphore_mem>>) src(%arg12 : memref<125x128xf32, #tpu.memory_space<vmem>>) dst(%dma_wait3A_135 : memref<10240x128xf32, #tpu.memory_space<vmem_shared>>)
          tpu.yield
        }) : () -> ()
        %dma_start3A_64 = arith.constant 0 : i32
        %dma_start3A_65 = arith.constant 0 : i32
        %dma_start3A_66 = tpu.memref_slice %arg10[%dma_start3A_64, %dma_start3A_65] : memref<16x125xi32, #tpu.memory_space<vmem>> -> memref<1x125xi32, #tpu.memory_space<vmem>>
        %dma_start3A_67 = tpu.memref_squeeze %dma_start3A_66 : memref<1x125xi32, #tpu.memory_space<vmem>> -> memref<125xi32, #tpu.memory_space<vmem>>
        %dma_start3A_68 = arith.constant 0 : i32
        %dma_start3A_69 = arith.constant 0 : i32
        %dma_start3A_70 = tpu.memref_slice %arg3[%dma_start3A_68, %dma_start3A_69] : memref<10240x128xf32, #tpu.memory_space<hbm>> -> memref<10240x128xf32, #tpu.memory_space<hbm>>
        tpu.enqueue_indirect_dma source(%dma_start3A_70 : memref<10240x128xf32, #tpu.memory_space<hbm>>) target(%arg12 : memref<125x128xf32, #tpu.memory_space<vmem>>) offsets(%dma_start3A_67 : memref<125xi32, #tpu.memory_space<vmem>>) semaphore(%arg14 : memref<!tpu.dma_semaphore, #tpu.memory_space<semaphore_mem>>)
        %dma_wait3A_71 = arith.constant 15 : i32
        %dma_wait3A_72 = arith.constant 0 : i32
        %dma_wait3A_73 = tpu.memref_slice %arg8[%dma_wait3A_71, %dma_wait3A_72] : memref<16x125xi32, #tpu.memory_space<vmem>> -> memref<1x125xi32, #tpu.memory_space<vmem>>
        %dma_wait3A_74 = tpu.memref_squeeze %dma_wait3A_73 : memref<1x125xi32, #tpu.memory_space<vmem>> -> memref<125xi32, #tpu.memory_space<vmem>>
        %dma_wait3A_75 = arith.constant 0 : i32
        %dma_wait3A_76 = arith.constant 0 : i32
        %dma_wait3A_77 = tpu.memref_slice %arg3[%dma_wait3A_75, %dma_wait3A_76] : memref<10240x128xf32, #tpu.memory_space<hbm>> -> memref<10240x128xf32, #tpu.memory_space<hbm>>
        tpu.wait_indirect_dma semaphore(%arg15 : memref<!tpu.dma_semaphore, #tpu.memory_space<semaphore_mem>>) src(%dma_wait3A_77 : memref<10240x128xf32, #tpu.memory_space<hbm>>) dst(%arg13 : memref<125x128xf32, #tpu.memory_space<vmem>>)
        %run_scoped3A_78 = arith.constant 15 : i32
        "tpu.region"() ({
          %run_scoped3A_123 = tpu.sem_alloc : memref<!tpu.dma_semaphore, #tpu.memory_space<semaphore_mem>>
          %dma_start3A_124 = arith.constant 0 : i32
          %dma_start3A_125 = tpu.memref_slice %arg9[%run_scoped3A_78, %dma_start3A_124] : memref<16x125xi32, #tpu.memory_space<vmem>> -> memref<1x125xi32, #tpu.memory_space<vmem>>
          %dma_start3A_126 = tpu.memref_squeeze %dma_start3A_125 : memref<1x125xi32, #tpu.memory_space<vmem>> -> memref<125xi32, #tpu.memory_space<vmem>>
          %dma_start3A_127 = arith.constant 0 : i32
          %dma_start3A_128 = arith.constant 0 : i32
          %dma_start3A_129 = tpu.memref_slice %arg17[%dma_start3A_127, %dma_start3A_128] : memref<10240x128xf32, #tpu.memory_space<vmem_shared>> -> memref<10240x128xf32, #tpu.memory_space<vmem_shared>>
          tpu.enqueue_indirect_dma source(%arg13 : memref<125x128xf32, #tpu.memory_space<vmem>>) target(%dma_start3A_129 : memref<10240x128xf32, #tpu.memory_space<vmem_shared>>) offsets(%dma_start3A_126 : memref<125xi32, #tpu.memory_space<vmem>>) semaphore(%run_scoped3A_123 : memref<!tpu.dma_semaphore, #tpu.memory_space<semaphore_mem>>) {add = true}
          %dma_wait3A_130 = arith.constant 0 : i32
          %dma_wait3A_131 = tpu.memref_slice %arg9[%run_scoped3A_78, %dma_wait3A_130] : memref<16x125xi32, #tpu.memory_space<vmem>> -> memref<1x125xi32, #tpu.memory_space<vmem>>
          %dma_wait3A_132 = tpu.memref_squeeze %dma_wait3A_131 : memref<1x125xi32, #tpu.memory_space<vmem>> -> memref<125xi32, #tpu.memory_space<vmem>>
          %dma_wait3A_133 = arith.constant 0 : i32
          %dma_wait3A_134 = arith.constant 0 : i32
          %dma_wait3A_135 = tpu.memref_slice %arg17[%dma_wait3A_133, %dma_wait3A_134] : memref<10240x128xf32, #tpu.memory_space<vmem_shared>> -> memref<10240x128xf32, #tpu.memory_space<vmem_shared>>
          tpu.wait_indirect_dma semaphore(%run_scoped3A_123 : memref<!tpu.dma_semaphore, #tpu.memory_space<semaphore_mem>>) src(%arg13 : memref<125x128xf32, #tpu.memory_space<vmem>>) dst(%dma_wait3A_135 : memref<10240x128xf32, #tpu.memory_space<vmem_shared>>)
          tpu.yield
        }) : () -> ()
        %dma_start3A_79 = arith.constant 1 : i32
        %dma_start3A_80 = arith.constant 0 : i32
        %dma_start3A_81 = tpu.memref_slice %arg10[%dma_start3A_79, %dma_start3A_80] : memref<16x125xi32, #tpu.memory_space<vmem>> -> memref<1x125xi32, #tpu.memory_space<vmem>>
        %dma_start3A_82 = tpu.memref_squeeze %dma_start3A_81 : memref<1x125xi32, #tpu.memory_space<vmem>> -> memref<125xi32, #tpu.memory_space<vmem>>
        %dma_start3A_83 = arith.constant 0 : i32
        %dma_start3A_84 = arith.constant 0 : i32
        %dma_start3A_85 = tpu.memref_slice %arg3[%dma_start3A_83, %dma_start3A_84] : memref<10240x128xf32, #tpu.memory_space<hbm>> -> memref<10240x128xf32, #tpu.memory_space<hbm>>
        tpu.enqueue_indirect_dma source(%dma_start3A_85 : memref<10240x128xf32, #tpu.memory_space<hbm>>) target(%arg13 : memref<125x128xf32, #tpu.memory_space<vmem>>) offsets(%dma_start3A_82 : memref<125xi32, #tpu.memory_space<vmem>>) semaphore(%arg15 : memref<!tpu.dma_semaphore, #tpu.memory_space<semaphore_mem>>)
        %add3A_86 = arith.constant 32 : i32
        %add3A_87 = arith.addi %add3A, %add3A_86 : i32
        %lt3A = arith.constant 4 : i32
        %lt3A_88 = arith.cmpi slt, %scan3A_29, %lt3A : i32
        %convert_element_type3A_89 = arith.extui %lt3A_88 : i1 to i32
        %cond3A_90 = arith.constant 0 : i32
        %cond3A_91 = arith.cmpi ne, %convert_element_type3A_89, %cond3A_90 : i32
        scf.if %cond3A_91 {
          %dma_start3A_123 = arith.constant 0 : i32
          %dma_start3A_124 = tpu.memref_slice %arg4[%add3A_87, %dma_start3A_123] : memref<2560x125xi32, #tpu.memory_space<hbm>> -> memref<16x125xi32, #tpu.memory_space<hbm>>
          %dma_start3A_125 = arith.constant 0 : i32
          %dma_start3A_126 = tpu.memref_slice %arg4[%add3A_87, %dma_start3A_125] : memref<2560x125xi32, #tpu.memory_space<hbm>> -> memref<16x125xi32, #tpu.memory_space<hbm>>
          tpu.enqueue_dma source(%dma_start3A_126 : memref<16x125xi32, #tpu.memory_space<hbm>>) target(%arg8 : memref<16x125xi32, #tpu.memory_space<vmem>>) target_semaphore(%arg16 : memref<!tpu.dma_semaphore, #tpu.memory_space<semaphore_mem>>)
          %dma_start3A_127 = arith.constant 0 : i32
          %dma_start3A_128 = tpu.memref_slice %arg5[%add3A_87, %dma_start3A_127] : memref<2560x125xi32, #tpu.memory_space<hbm>> -> memref<16x125xi32, #tpu.memory_space<hbm>>
          %dma_start3A_129 = arith.constant 0 : i32
          %dma_start3A_130 = tpu.memref_slice %arg5[%add3A_87, %dma_start3A_129] : memref<2560x125xi32, #tpu.memory_space<hbm>> -> memref<16x125xi32, #tpu.memory_space<hbm>>
          tpu.enqueue_dma source(%dma_start3A_130 : memref<16x125xi32, #tpu.memory_space<hbm>>) target(%arg9 : memref<16x125xi32, #tpu.memory_space<vmem>>) target_semaphore(%arg16 : memref<!tpu.dma_semaphore, #tpu.memory_space<semaphore_mem>>)
        } else {
        }
        %scan3A_92 = arith.constant 0 : i32
        %scan3A_93 = arith.constant 0 : i32
        %scan3A_94 = arith.constant 7 : i32
        %scan3A_95 = arith.addi %scan3A_93, %scan3A_94 : i32
        %scan3A_96 = arith.constant 1 : i32
        scf.for %scan3A_123 = %scan3A_93 to %scan3A_95 step %scan3A_96  : i32 {
          %mul3A_124 = arith.constant 2 : i32
          %mul3A_125 = arith.muli %mul3A_124, %scan3A_123 : i32
          %dma_wait3A_126 = arith.constant 0 : i32
          %dma_wait3A_127 = tpu.memref_slice %arg10[%mul3A_125, %dma_wait3A_126] : memref<16x125xi32, #tpu.memory_space<vmem>> -> memref<1x125xi32, #tpu.memory_space<vmem>>
          %dma_wait3A_128 = tpu.memref_squeeze %dma_wait3A_127 : memref<1x125xi32, #tpu.memory_space<vmem>> -> memref<125xi32, #tpu.memory_space<vmem>>
          %dma_wait3A_129 = arith.constant 0 : i32
          %dma_wait3A_130 = arith.constant 0 : i32
          %dma_wait3A_131 = tpu.memref_slice %arg3[%dma_wait3A_129, %dma_wait3A_130] : memref<10240x128xf32, #tpu.memory_space<hbm>> -> memref<10240x128xf32, #tpu.memory_space<hbm>>
          tpu.wait_indirect_dma semaphore(%arg14 : memref<!tpu.dma_semaphore, #tpu.memory_space<semaphore_mem>>) src(%dma_wait3A_131 : memref<10240x128xf32, #tpu.memory_space<hbm>>) dst(%arg12 : memref<125x128xf32, #tpu.memory_space<vmem>>)
          "tpu.region"() ({
            %run_scoped3A_158 = tpu.sem_alloc : memref<!tpu.dma_semaphore, #tpu.memory_space<semaphore_mem>>
            %dma_start3A_159 = arith.constant 0 : i32
            %dma_start3A_160 = tpu.memref_slice %arg11[%mul3A_125, %dma_start3A_159] : memref<16x125xi32, #tpu.memory_space<vmem>> -> memref<1x125xi32, #tpu.memory_space<vmem>>
            %dma_start3A_161 = tpu.memref_squeeze %dma_start3A_160 : memref<1x125xi32, #tpu.memory_space<vmem>> -> memref<125xi32, #tpu.memory_space<vmem>>
            %dma_start3A_162 = arith.constant 0 : i32
            %dma_start3A_163 = arith.constant 0 : i32
            %dma_start3A_164 = tpu.memref_slice %arg17[%dma_start3A_162, %dma_start3A_163] : memref<10240x128xf32, #tpu.memory_space<vmem_shared>> -> memref<10240x128xf32, #tpu.memory_space<vmem_shared>>
            tpu.enqueue_indirect_dma source(%arg12 : memref<125x128xf32, #tpu.memory_space<vmem>>) target(%dma_start3A_164 : memref<10240x128xf32, #tpu.memory_space<vmem_shared>>) offsets(%dma_start3A_161 : memref<125xi32, #tpu.memory_space<vmem>>) semaphore(%run_scoped3A_158 : memref<!tpu.dma_semaphore, #tpu.memory_space<semaphore_mem>>) {add = true}
            %dma_wait3A_165 = arith.constant 0 : i32
            %dma_wait3A_166 = tpu.memref_slice %arg11[%mul3A_125, %dma_wait3A_165] : memref<16x125xi32, #tpu.memory_space<vmem>> -> memref<1x125xi32, #tpu.memory_space<vmem>>
            %dma_wait3A_167 = tpu.memref_squeeze %dma_wait3A_166 : memref<1x125xi32, #tpu.memory_space<vmem>> -> memref<125xi32, #tpu.memory_space<vmem>>
            %dma_wait3A_168 = arith.constant 0 : i32
            %dma_wait3A_169 = arith.constant 0 : i32
            %dma_wait3A_170 = tpu.memref_slice %arg17[%dma_wait3A_168, %dma_wait3A_169] : memref<10240x128xf32, #tpu.memory_space<vmem_shared>> -> memref<10240x128xf32, #tpu.memory_space<vmem_shared>>
            tpu.wait_indirect_dma semaphore(%run_scoped3A_158 : memref<!tpu.dma_semaphore, #tpu.memory_space<semaphore_mem>>) src(%arg12 : memref<125x128xf32, #tpu.memory_space<vmem>>) dst(%dma_wait3A_170 : memref<10240x128xf32, #tpu.memory_space<vmem_shared>>)
            tpu.yield
          }) : () -> ()
          %add3A_132 = arith.constant 2 : i32
          %add3A_133 = arith.addi %mul3A_125, %add3A_132 : i32
          %dma_start3A_134 = arith.constant 0 : i32
          %dma_start3A_135 = tpu.memref_slice %arg10[%add3A_133, %dma_start3A_134] : memref<16x125xi32, #tpu.memory_space<vmem>> -> memref<1x125xi32, #tpu.memory_space<vmem>>
          %dma_start3A_136 = tpu.memref_squeeze %dma_start3A_135 : memref<1x125xi32, #tpu.memory_space<vmem>> -> memref<125xi32, #tpu.memory_space<vmem>>
          %dma_start3A_137 = arith.constant 0 : i32
          %dma_start3A_138 = arith.constant 0 : i32
          %dma_start3A_139 = tpu.memref_slice %arg3[%dma_start3A_137, %dma_start3A_138] : memref<10240x128xf32, #tpu.memory_space<hbm>> -> memref<10240x128xf32, #tpu.memory_space<hbm>>
          tpu.enqueue_indirect_dma source(%dma_start3A_139 : memref<10240x128xf32, #tpu.memory_space<hbm>>) target(%arg12 : memref<125x128xf32, #tpu.memory_space<vmem>>) offsets(%dma_start3A_136 : memref<125xi32, #tpu.memory_space<vmem>>) semaphore(%arg14 : memref<!tpu.dma_semaphore, #tpu.memory_space<semaphore_mem>>)
          %add3A_140 = arith.constant 1 : i32
          %add3A_141 = arith.addi %mul3A_125, %add3A_140 : i32
          %dma_wait3A_142 = arith.constant 0 : i32
          %dma_wait3A_143 = tpu.memref_slice %arg10[%add3A_141, %dma_wait3A_142] : memref<16x125xi32, #tpu.memory_space<vmem>> -> memref<1x125xi32, #tpu.memory_space<vmem>>
          %dma_wait3A_144 = tpu.memref_squeeze %dma_wait3A_143 : memref<1x125xi32, #tpu.memory_space<vmem>> -> memref<125xi32, #tpu.memory_space<vmem>>
          %dma_wait3A_145 = arith.constant 0 : i32
          %dma_wait3A_146 = arith.constant 0 : i32
          %dma_wait3A_147 = tpu.memref_slice %arg3[%dma_wait3A_145, %dma_wait3A_146] : memref<10240x128xf32, #tpu.memory_space<hbm>> -> memref<10240x128xf32, #tpu.memory_space<hbm>>
          tpu.wait_indirect_dma semaphore(%arg15 : memref<!tpu.dma_semaphore, #tpu.memory_space<semaphore_mem>>) src(%dma_wait3A_147 : memref<10240x128xf32, #tpu.memory_space<hbm>>) dst(%arg13 : memref<125x128xf32, #tpu.memory_space<vmem>>)
          %add3A_148 = arith.constant 1 : i32
          %add3A_149 = arith.addi %mul3A_125, %add3A_148 : i32
          "tpu.region"() ({
            %run_scoped3A_158 = tpu.sem_alloc : memref<!tpu.dma_semaphore, #tpu.memory_space<semaphore_mem>>
            %dma_start3A_159 = arith.constant 0 : i32
            %dma_start3A_160 = tpu.memref_slice %arg11[%add3A_149, %dma_start3A_159] : memref<16x125xi32, #tpu.memory_space<vmem>> -> memref<1x125xi32, #tpu.memory_space<vmem>>
            %dma_start3A_161 = tpu.memref_squeeze %dma_start3A_160 : memref<1x125xi32, #tpu.memory_space<vmem>> -> memref<125xi32, #tpu.memory_space<vmem>>
            %dma_start3A_162 = arith.constant 0 : i32
            %dma_start3A_163 = arith.constant 0 : i32
            %dma_start3A_164 = tpu.memref_slice %arg17[%dma_start3A_162, %dma_start3A_163] : memref<10240x128xf32, #tpu.memory_space<vmem_shared>> -> memref<10240x128xf32, #tpu.memory_space<vmem_shared>>
            tpu.enqueue_indirect_dma source(%arg13 : memref<125x128xf32, #tpu.memory_space<vmem>>) target(%dma_start3A_164 : memref<10240x128xf32, #tpu.memory_space<vmem_shared>>) offsets(%dma_start3A_161 : memref<125xi32, #tpu.memory_space<vmem>>) semaphore(%run_scoped3A_158 : memref<!tpu.dma_semaphore, #tpu.memory_space<semaphore_mem>>) {add = true}
            %dma_wait3A_165 = arith.constant 0 : i32
            %dma_wait3A_166 = tpu.memref_slice %arg11[%add3A_149, %dma_wait3A_165] : memref<16x125xi32, #tpu.memory_space<vmem>> -> memref<1x125xi32, #tpu.memory_space<vmem>>
            %dma_wait3A_167 = tpu.memref_squeeze %dma_wait3A_166 : memref<1x125xi32, #tpu.memory_space<vmem>> -> memref<125xi32, #tpu.memory_space<vmem>>
            %dma_wait3A_168 = arith.constant 0 : i32
            %dma_wait3A_169 = arith.constant 0 : i32
            %dma_wait3A_170 = tpu.memref_slice %arg17[%dma_wait3A_168, %dma_wait3A_169] : memref<10240x128xf32, #tpu.memory_space<vmem_shared>> -> memref<10240x128xf32, #tpu.memory_space<vmem_shared>>
            tpu.wait_indirect_dma semaphore(%run_scoped3A_158 : memref<!tpu.dma_semaphore, #tpu.memory_space<semaphore_mem>>) src(%arg13 : memref<125x128xf32, #tpu.memory_space<vmem>>) dst(%dma_wait3A_170 : memref<10240x128xf32, #tpu.memory_space<vmem_shared>>)
            tpu.yield
          }) : () -> ()
          %add3A_150 = arith.constant 3 : i32
          %add3A_151 = arith.addi %mul3A_125, %add3A_150 : i32
          %dma_start3A_152 = arith.constant 0 : i32
          %dma_start3A_153 = tpu.memref_slice %arg10[%add3A_151, %dma_start3A_152] : memref<16x125xi32, #tpu.memory_space<vmem>> -> memref<1x125xi32, #tpu.memory_space<vmem>>
          %dma_start3A_154 = tpu.memref_squeeze %dma_start3A_153 : memref<1x125xi32, #tpu.memory_space<vmem>> -> memref<125xi32, #tpu.memory_space<vmem>>
          %dma_start3A_155 = arith.constant 0 : i32
          %dma_start3A_156 = arith.constant 0 : i32
          %dma_start3A_157 = tpu.memref_slice %arg3[%dma_start3A_155, %dma_start3A_156] : memref<10240x128xf32, #tpu.memory_space<hbm>> -> memref<10240x128xf32, #tpu.memory_space<hbm>>
          tpu.enqueue_indirect_dma source(%dma_start3A_157 : memref<10240x128xf32, #tpu.memory_space<hbm>>) target(%arg13 : memref<125x128xf32, #tpu.memory_space<vmem>>) offsets(%dma_start3A_154 : memref<125xi32, #tpu.memory_space<vmem>>) semaphore(%arg15 : memref<!tpu.dma_semaphore, #tpu.memory_space<semaphore_mem>>)
        }
        %scan3A_97 = arith.constant 7 : i32
        %convert_element_type3A_98 = arith.extui %lt3A_88 : i1 to i32
        %cond3A_99 = arith.constant 0 : i32
        %cond3A_100 = arith.cmpi ne, %convert_element_type3A_98, %cond3A_99 : i32
        scf.if %cond3A_100 {
          %dma_wait3A_123 = arith.constant 0 : i32
          %dma_wait3A_124 = tpu.memref_slice %arg4[%add3A_87, %dma_wait3A_123] : memref<2560x125xi32, #tpu.memory_space<hbm>> -> memref<16x125xi32, #tpu.memory_space<hbm>>
          %dma_wait3A_125 = arith.constant 0 : i32
          %dma_wait3A_126 = tpu.memref_slice %arg4[%add3A_87, %dma_wait3A_125] : memref<2560x125xi32, #tpu.memory_space<hbm>> -> memref<16x125xi32, #tpu.memory_space<hbm>>
          tpu.wait_dma2 semaphore(%arg16 : memref<!tpu.dma_semaphore, #tpu.memory_space<semaphore_mem>>) src(%dma_wait3A_126 : memref<16x125xi32, #tpu.memory_space<hbm>>) dst(%arg8 : memref<16x125xi32, #tpu.memory_space<vmem>>)
          %dma_wait3A_127 = arith.constant 0 : i32
          %dma_wait3A_128 = tpu.memref_slice %arg5[%add3A_87, %dma_wait3A_127] : memref<2560x125xi32, #tpu.memory_space<hbm>> -> memref<16x125xi32, #tpu.memory_space<hbm>>
          %dma_wait3A_129 = arith.constant 0 : i32
          %dma_wait3A_130 = tpu.memref_slice %arg5[%add3A_87, %dma_wait3A_129] : memref<2560x125xi32, #tpu.memory_space<hbm>> -> memref<16x125xi32, #tpu.memory_space<hbm>>
          tpu.wait_dma2 semaphore(%arg16 : memref<!tpu.dma_semaphore, #tpu.memory_space<semaphore_mem>>) src(%dma_wait3A_130 : memref<16x125xi32, #tpu.memory_space<hbm>>) dst(%arg9 : memref<16x125xi32, #tpu.memory_space<vmem>>)
        } else {
        }
        %dma_wait3A_101 = arith.constant 14 : i32
        %dma_wait3A_102 = arith.constant 0 : i32
        %dma_wait3A_103 = tpu.memref_slice %arg10[%dma_wait3A_101, %dma_wait3A_102] : memref<16x125xi32, #tpu.memory_space<vmem>> -> memref<1x125xi32, #tpu.memory_space<vmem>>
        %dma_wait3A_104 = tpu.memref_squeeze %dma_wait3A_103 : memref<1x125xi32, #tpu.memory_space<vmem>> -> memref<125xi32, #tpu.memory_space<vmem>>
        %dma_wait3A_105 = arith.constant 0 : i32
        %dma_wait3A_106 = arith.constant 0 : i32
        %dma_wait3A_107 = tpu.memref_slice %arg3[%dma_wait3A_105, %dma_wait3A_106] : memref<10240x128xf32, #tpu.memory_space<hbm>> -> memref<10240x128xf32, #tpu.memory_space<hbm>>
        tpu.wait_indirect_dma semaphore(%arg14 : memref<!tpu.dma_semaphore, #tpu.memory_space<semaphore_mem>>) src(%dma_wait3A_107 : memref<10240x128xf32, #tpu.memory_space<hbm>>) dst(%arg12 : memref<125x128xf32, #tpu.memory_space<vmem>>)
        %run_scoped3A_108 = arith.constant 14 : i32
        "tpu.region"() ({
          %run_scoped3A_123 = tpu.sem_alloc : memref<!tpu.dma_semaphore, #tpu.memory_space<semaphore_mem>>
          %dma_start3A_124 = arith.constant 0 : i32
          %dma_start3A_125 = tpu.memref_slice %arg11[%run_scoped3A_108, %dma_start3A_124] : memref<16x125xi32, #tpu.memory_space<vmem>> -> memref<1x125xi32, #tpu.memory_space<vmem>>
          %dma_start3A_126 = tpu.memref_squeeze %dma_start3A_125 : memref<1x125xi32, #tpu.memory_space<vmem>> -> memref<125xi32, #tpu.memory_space<vmem>>
          %dma_start3A_127 = arith.constant 0 : i32
          %dma_start3A_128 = arith.constant 0 : i32
          %dma_start3A_129 = tpu.memref_slice %arg17[%dma_start3A_127, %dma_start3A_128] : memref<10240x128xf32, #tpu.memory_space<vmem_shared>> -> memref<10240x128xf32, #tpu.memory_space<vmem_shared>>
          tpu.enqueue_indirect_dma source(%arg12 : memref<125x128xf32, #tpu.memory_space<vmem>>) target(%dma_start3A_129 : memref<10240x128xf32, #tpu.memory_space<vmem_shared>>) offsets(%dma_start3A_126 : memref<125xi32, #tpu.memory_space<vmem>>) semaphore(%run_scoped3A_123 : memref<!tpu.dma_semaphore, #tpu.memory_space<semaphore_mem>>) {add = true}
          %dma_wait3A_130 = arith.constant 0 : i32
          %dma_wait3A_131 = tpu.memref_slice %arg11[%run_scoped3A_108, %dma_wait3A_130] : memref<16x125xi32, #tpu.memory_space<vmem>> -> memref<1x125xi32, #tpu.memory_space<vmem>>
          %dma_wait3A_132 = tpu.memref_squeeze %dma_wait3A_131 : memref<1x125xi32, #tpu.memory_space<vmem>> -> memref<125xi32, #tpu.memory_space<vmem>>
          %dma_wait3A_133 = arith.constant 0 : i32
          %dma_wait3A_134 = arith.constant 0 : i32
          %dma_wait3A_135 = tpu.memref_slice %arg17[%dma_wait3A_133, %dma_wait3A_134] : memref<10240x128xf32, #tpu.memory_space<vmem_shared>> -> memref<10240x128xf32, #tpu.memory_space<vmem_shared>>
          tpu.wait_indirect_dma semaphore(%run_scoped3A_123 : memref<!tpu.dma_semaphore, #tpu.memory_space<semaphore_mem>>) src(%arg12 : memref<125x128xf32, #tpu.memory_space<vmem>>) dst(%dma_wait3A_135 : memref<10240x128xf32, #tpu.memory_space<vmem_shared>>)
          tpu.yield
        }) : () -> ()
        %convert_element_type3A_109 = arith.extui %lt3A_88 : i1 to i32
        %cond3A_110 = arith.constant 0 : i32
        %cond3A_111 = arith.cmpi ne, %convert_element_type3A_109, %cond3A_110 : i32
        scf.if %cond3A_111 {
          %dma_start3A_123 = arith.constant 0 : i32
          %dma_start3A_124 = arith.constant 0 : i32
          %dma_start3A_125 = tpu.memref_slice %arg8[%dma_start3A_123, %dma_start3A_124] : memref<16x125xi32, #tpu.memory_space<vmem>> -> memref<1x125xi32, #tpu.memory_space<vmem>>
          %dma_start3A_126 = tpu.memref_squeeze %dma_start3A_125 : memref<1x125xi32, #tpu.memory_space<vmem>> -> memref<125xi32, #tpu.memory_space<vmem>>
          %dma_start3A_127 = arith.constant 0 : i32
          %dma_start3A_128 = arith.constant 0 : i32
          %dma_start3A_129 = tpu.memref_slice %arg3[%dma_start3A_127, %dma_start3A_128] : memref<10240x128xf32, #tpu.memory_space<hbm>> -> memref<10240x128xf32, #tpu.memory_space<hbm>>
          tpu.enqueue_indirect_dma source(%dma_start3A_129 : memref<10240x128xf32, #tpu.memory_space<hbm>>) target(%arg12 : memref<125x128xf32, #tpu.memory_space<vmem>>) offsets(%dma_start3A_126 : memref<125xi32, #tpu.memory_space<vmem>>) semaphore(%arg14 : memref<!tpu.dma_semaphore, #tpu.memory_space<semaphore_mem>>)
        } else {
        }
        %dma_wait3A_112 = arith.constant 15 : i32
        %dma_wait3A_113 = arith.constant 0 : i32
        %dma_wait3A_114 = tpu.memref_slice %arg10[%dma_wait3A_112, %dma_wait3A_113] : memref<16x125xi32, #tpu.memory_space<vmem>> -> memref<1x125xi32, #tpu.memory_space<vmem>>
        %dma_wait3A_115 = tpu.memref_squeeze %dma_wait3A_114 : memref<1x125xi32, #tpu.memory_space<vmem>> -> memref<125xi32, #tpu.memory_space<vmem>>
        %dma_wait3A_116 = arith.constant 0 : i32
        %dma_wait3A_117 = arith.constant 0 : i32
        %dma_wait3A_118 = tpu.memref_slice %arg3[%dma_wait3A_116, %dma_wait3A_117] : memref<10240x128xf32, #tpu.memory_space<hbm>> -> memref<10240x128xf32, #tpu.memory_space<hbm>>
        tpu.wait_indirect_dma semaphore(%arg15 : memref<!tpu.dma_semaphore, #tpu.memory_space<semaphore_mem>>) src(%dma_wait3A_118 : memref<10240x128xf32, #tpu.memory_space<hbm>>) dst(%arg13 : memref<125x128xf32, #tpu.memory_space<vmem>>)
        %run_scoped3A_119 = arith.constant 15 : i32
        "tpu.region"() ({
          %run_scoped3A_123 = tpu.sem_alloc : memref<!tpu.dma_semaphore, #tpu.memory_space<semaphore_mem>>
          %dma_start3A_124 = arith.constant 0 : i32
          %dma_start3A_125 = tpu.memref_slice %arg11[%run_scoped3A_119, %dma_start3A_124] : memref<16x125xi32, #tpu.memory_space<vmem>> -> memref<1x125xi32, #tpu.memory_space<vmem>>
          %dma_start3A_126 = tpu.memref_squeeze %dma_start3A_125 : memref<1x125xi32, #tpu.memory_space<vmem>> -> memref<125xi32, #tpu.memory_space<vmem>>
          %dma_start3A_127 = arith.constant 0 : i32
          %dma_start3A_128 = arith.constant 0 : i32
          %dma_start3A_129 = tpu.memref_slice %arg17[%dma_start3A_127, %dma_start3A_128] : memref<10240x128xf32, #tpu.memory_space<vmem_shared>> -> memref<10240x128xf32, #tpu.memory_space<vmem_shared>>
          tpu.enqueue_indirect_dma source(%arg13 : memref<125x128xf32, #tpu.memory_space<vmem>>) target(%dma_start3A_129 : memref<10240x128xf32, #tpu.memory_space<vmem_shared>>) offsets(%dma_start3A_126 : memref<125xi32, #tpu.memory_space<vmem>>) semaphore(%run_scoped3A_123 : memref<!tpu.dma_semaphore, #tpu.memory_space<semaphore_mem>>) {add = true}
          %dma_wait3A_130 = arith.constant 0 : i32
          %dma_wait3A_131 = tpu.memref_slice %arg11[%run_scoped3A_119, %dma_wait3A_130] : memref<16x125xi32, #tpu.memory_space<vmem>> -> memref<1x125xi32, #tpu.memory_space<vmem>>
          %dma_wait3A_132 = tpu.memref_squeeze %dma_wait3A_131 : memref<1x125xi32, #tpu.memory_space<vmem>> -> memref<125xi32, #tpu.memory_space<vmem>>
          %dma_wait3A_133 = arith.constant 0 : i32
          %dma_wait3A_134 = arith.constant 0 : i32
          %dma_wait3A_135 = tpu.memref_slice %arg17[%dma_wait3A_133, %dma_wait3A_134] : memref<10240x128xf32, #tpu.memory_space<vmem_shared>> -> memref<10240x128xf32, #tpu.memory_space<vmem_shared>>
          tpu.wait_indirect_dma semaphore(%run_scoped3A_123 : memref<!tpu.dma_semaphore, #tpu.memory_space<semaphore_mem>>) src(%arg13 : memref<125x128xf32, #tpu.memory_space<vmem>>) dst(%dma_wait3A_135 : memref<10240x128xf32, #tpu.memory_space<vmem_shared>>)
          tpu.yield
        }) : () -> ()
        %convert_element_type3A_120 = arith.extui %lt3A_88 : i1 to i32
        %cond3A_121 = arith.constant 0 : i32
        %cond3A_122 = arith.cmpi ne, %convert_element_type3A_120, %cond3A_121 : i32
        scf.if %cond3A_122 {
          %dma_start3A_123 = arith.constant 1 : i32
          %dma_start3A_124 = arith.constant 0 : i32
          %dma_start3A_125 = tpu.memref_slice %arg8[%dma_start3A_123, %dma_start3A_124] : memref<16x125xi32, #tpu.memory_space<vmem>> -> memref<1x125xi32, #tpu.memory_space<vmem>>
          %dma_start3A_126 = tpu.memref_squeeze %dma_start3A_125 : memref<1x125xi32, #tpu.memory_space<vmem>> -> memref<125xi32, #tpu.memory_space<vmem>>
          %dma_start3A_127 = arith.constant 0 : i32
          %dma_start3A_128 = arith.constant 0 : i32
          %dma_start3A_129 = tpu.memref_slice %arg3[%dma_start3A_127, %dma_start3A_128] : memref<10240x128xf32, #tpu.memory_space<hbm>> -> memref<10240x128xf32, #tpu.memory_space<hbm>>
          tpu.enqueue_indirect_dma source(%dma_start3A_129 : memref<10240x128xf32, #tpu.memory_space<hbm>>) target(%arg13 : memref<125x128xf32, #tpu.memory_space<vmem>>) offsets(%dma_start3A_126 : memref<125xi32, #tpu.memory_space<vmem>>) semaphore(%arg15 : memref<!tpu.dma_semaphore, #tpu.memory_space<semaphore_mem>>)
        } else {
        }
      }
      %scan3A_27 = arith.constant 5 : i32
      %barrier3A_28 = arith.constant 0 : index
      tpu.barrier barrier_id(%barrier3A_28)
      "tpu.region"() ({
        %run_scoped3A = tpu.sem_alloc : memref<!tpu.dma_semaphore, #tpu.memory_space<semaphore_mem>>
        %dma_start3A_29 = arith.constant 0 : i32
        %dma_start3A_30 = tpu.memref_slice %arg7[%mul3A_0, %dma_start3A_29] : memref<10240x128xf32, #tpu.memory_space<hbm>> -> memref<640x128xf32, #tpu.memory_space<hbm>>
        %dma_start3A_31 = arith.constant 0 : i32
        %dma_start3A_32 = tpu.memref_slice %arg17[%mul3A_0, %dma_start3A_31] : memref<10240x128xf32, #tpu.memory_space<vmem_shared>> -> memref<640x128xf32, #tpu.memory_space<vmem_shared>>
        tpu.enqueue_dma source(%dma_start3A_32 : memref<640x128xf32, #tpu.memory_space<vmem_shared>>) target(%dma_start3A_30 : memref<640x128xf32, #tpu.memory_space<hbm>>) target_semaphore(%run_scoped3A : memref<!tpu.dma_semaphore, #tpu.memory_space<semaphore_mem>>)
        %dma_wait3A = arith.constant 0 : i32
        %dma_wait3A_33 = tpu.memref_slice %arg7[%mul3A_0, %dma_wait3A] : memref<10240x128xf32, #tpu.memory_space<hbm>> -> memref<640x128xf32, #tpu.memory_space<hbm>>
        %dma_wait3A_34 = arith.constant 0 : i32
        %dma_wait3A_35 = tpu.memref_slice %arg17[%mul3A_0, %dma_wait3A_34] : memref<10240x128xf32, #tpu.memory_space<vmem_shared>> -> memref<640x128xf32, #tpu.memory_space<vmem_shared>>
        tpu.wait_dma2 semaphore(%run_scoped3A : memref<!tpu.dma_semaphore, #tpu.memory_space<semaphore_mem>>) src(%dma_wait3A_35 : memref<640x128xf32, #tpu.memory_space<vmem_shared>>) dst(%dma_wait3A_33 : memref<640x128xf32, #tpu.memory_space<hbm>>)
        tpu.yield
      }) : () -> ()
    } else {
    }
    return
  }
}

module attributes {stable_mosaic.version = 14 : i64} {
  func.func @_t1_body(%arg0: i32, %arg1: memref<512x128xf32, #tpu.memory_space<vmem>>, %arg2: memref<128x256xf32, #tpu.memory_space<vmem>>, %arg3: memref<512x16xf32, #tpu.memory_space<vmem>>, %arg4: memref<512x16xf32, #tpu.memory_space<vmem>>, %arg5: memref<512x128xf32, #tpu.memory_space<vmem>>, %arg6: memref<512x128xf32, #tpu.memory_space<vmem>>) attributes {dimension_semantics = [#tpu.dimension_semantics<arbitrary>], iteration_bounds = array<i64: 20>, scalar_prefetch = 0 : i64, scratch_operands = 0 : i64, tpu.core_type = #tpu.core_type<tc>, window_params = [{transform_indices = @transform_0, window_bounds = array<i64: 512, 128>}, {pipeline_mode = #tpu.pipeline_mode<synchronous>, transform_indices = @transform_1, window_bounds = array<i64: 128, 256>}, {transform_indices = @transform_2, window_bounds = array<i64: 512, 16>}, {transform_indices = @transform_3, window_bounds = array<i64: 512, 16>}, {transform_indices = @transform_4, window_bounds = array<i64: 512, 128>}, {transform_indices = @transform_5, window_bounds = array<i64: 512, 128>}]} {
    %get3A = arith.constant 0 : index
    %get3A_0 = arith.constant 0 : index
    %get3A_1 = vector.load %arg3[%get3A, %get3A_0] : memref<512x16xf32, #tpu.memory_space<vmem>>, vector<512x1xf32>
    %get3A_2 = arith.constant 0 : index
    %get3A_3 = arith.constant 0 : index
    %get3A_4 = vector.load %arg4[%get3A_2, %get3A_3] : memref<512x16xf32, #tpu.memory_space<vmem>>, vector<512x1xf32>
    %add3A = arith.addf %get3A_1, %get3A_4 : vector<512x1xf32>
    %add3A_5 = arith.constant 1.000000e+00 : f32
    %add3A_6 = vector.broadcast %add3A_5 : f32 to vector<512x1xf32>
    %add3A_7 = arith.addf %add3A, %add3A_6 : vector<512x1xf32>
    %rsqrt3A = math.rsqrt %add3A_7 : vector<512x1xf32>
    %get3A_8 = arith.constant 0 : index
    %get3A_9 = arith.constant 0 : index
    %get3A_10 = vector.load %arg1[%get3A_8, %get3A_9] : memref<512x128xf32, #tpu.memory_space<vmem>>, vector<512x128xf32>
    %get3A_11 = arith.constant 0 : index
    %get3A_12 = arith.constant 0 : index
    %get3A_13 = vector.load %arg2[%get3A_11, %get3A_12] : memref<128x256xf32, #tpu.memory_space<vmem>>, vector<128x256xf32>
    %dot_general3A = arith.constant dense<0.000000e+00> : vector<512x256xf32>
    %dot_general3A_14 = tpu.matmul %get3A_10, %get3A_13, %dot_general3A {dimension_numbers = #tpu.dot_dimension_numbers<[1], [0], [0], [1], [0, 0, 1, 1], [], []>, transpose_lhs_hint = false} : vector<512x128xf32>, vector<128x256xf32>, vector<512x256xf32> -> vector<512x256xf32>
    %mul3A = vector.broadcast %rsqrt3A : vector<512x1xf32> to vector<512x256xf32>
    %mul3A_15 = arith.mulf %dot_general3A_14, %mul3A : vector<512x256xf32>
    %slice3A = vector.extract_strided_slice %mul3A_15 {offsets = [0, 0], sizes = [512, 128], strides = [1, 1]} : vector<512x256xf32> to vector<512x128xf32>
    %swap3A = arith.constant 0 : index
    %swap3A_16 = arith.constant 0 : index
    %swap3A_17 = vector.load %arg5[%swap3A, %swap3A_16] : memref<512x128xf32, #tpu.memory_space<vmem>>, vector<512x128xf32>
    tpu.vector_store %arg5[%swap3A, %swap3A_16], %slice3A {strides = array<i32>} : memref<512x128xf32, #tpu.memory_space<vmem>>, vector<512x128xf32>,
    %slice3A_18 = vector.extract_strided_slice %mul3A_15 {offsets = [0, 128], sizes = [512, 128], strides = [1, 1]} : vector<512x256xf32> to vector<512x128xf32>
    %swap3A_19 = arith.constant 0 : index
    %swap3A_20 = arith.constant 0 : index
    %swap3A_21 = vector.load %arg6[%swap3A_19, %swap3A_20] : memref<512x128xf32, #tpu.memory_space<vmem>>, vector<512x128xf32>
    tpu.vector_store %arg6[%swap3A_19, %swap3A_20], %slice3A_18 {strides = array<i32>} : memref<512x128xf32, #tpu.memory_space<vmem>>, vector<512x128xf32>,
    return
  }
  func.func @transform_0(%arg0: i32) -> (i32, i32) {
    %c0_i32 = arith.constant 0 : i32
    %c0_i32_0 = arith.constant 0 : i32
    return %arg0, %c0_i32 : i32, i32
  }
  func.func @transform_1(%arg0: i32) -> (i32, i32) {
    %c0_i32 = arith.constant 0 : i32
    %c0_i32_0 = arith.constant 0 : i32
    %c0_i32_1 = arith.constant 0 : i32
    return %c0_i32, %c0_i32_0 : i32, i32
  }
  func.func @transform_2(%arg0: i32) -> (i32, i32) {
    %c0_i32 = arith.constant 0 : i32
    %c0_i32_0 = arith.constant 0 : i32
    return %arg0, %c0_i32 : i32, i32
  }
  func.func @transform_3(%arg0: i32) -> (i32, i32) {
    %c0_i32 = arith.constant 0 : i32
    %c0_i32_0 = arith.constant 0 : i32
    return %arg0, %c0_i32 : i32, i32
  }
  func.func @transform_4(%arg0: i32) -> (i32, i32) {
    %c0_i32 = arith.constant 0 : i32
    %c0_i32_0 = arith.constant 0 : i32
    return %arg0, %c0_i32 : i32, i32
  }
  func.func @transform_5(%arg0: i32) -> (i32, i32) {
    %c0_i32 = arith.constant 0 : i32
    %c0_i32_0 = arith.constant 0 : i32
    return %arg0, %c0_i32 : i32, i32
  }
}

module attributes {stable_mosaic.version = 14 : i64} {
  func.func @_t2_body(%arg0: i32, %arg1: memref<512x128xf32, #tpu.memory_space<vmem>>, %arg2: memref<512x128xf32, #tpu.memory_space<vmem>>, %arg3: memref<512x128xf32, #tpu.memory_space<vmem>>, %arg4: memref<512x16xf32, #tpu.memory_space<vmem>>, %arg5: memref<512x16xf32, #tpu.memory_space<vmem>>, %arg6: memref<256x256xf32, #tpu.memory_space<vmem>>, %arg7: memref<128x256xf32, #tpu.memory_space<vmem>>, %arg8: memref<256x256xf32, #tpu.memory_space<vmem>>, %arg9: memref<1x256xf32, #tpu.memory_space<vmem>>, %arg10: memref<1x256xf32, #tpu.memory_space<vmem>>, %arg11: memref<1x256xf32, #tpu.memory_space<vmem>>, %arg12: memref<1x256xf32, #tpu.memory_space<vmem>>, %arg13: memref<1x256xf32, #tpu.memory_space<vmem>>, %arg14: memref<1x256xf32, #tpu.memory_space<vmem>>, %arg15: memref<512x256xf32, #tpu.memory_space<vmem>>, %arg16: memref<512x128xf32, #tpu.memory_space<vmem>>, %arg17: memref<512x128xf32, #tpu.memory_space<vmem>>) attributes {dimension_semantics = [#tpu.dimension_semantics<arbitrary>], iteration_bounds = array<i64: 20>, scalar_prefetch = 0 : i64, scratch_operands = 0 : i64, tpu.core_type = #tpu.core_type<tc>, window_params = [{transform_indices = @transform_0, window_bounds = array<i64: 512, 128>}, {transform_indices = @transform_1, window_bounds = array<i64: 512, 128>}, {transform_indices = @transform_2, window_bounds = array<i64: 512, 128>}, {transform_indices = @transform_3, window_bounds = array<i64: 512, 16>}, {transform_indices = @transform_4, window_bounds = array<i64: 512, 16>}, {pipeline_mode = #tpu.pipeline_mode<synchronous>, transform_indices = @transform_5, window_bounds = array<i64: 256, 256>}, {pipeline_mode = #tpu.pipeline_mode<synchronous>, transform_indices = @transform_6, window_bounds = array<i64: 128, 256>}, {pipeline_mode = #tpu.pipeline_mode<synchronous>, transform_indices = @transform_7, window_bounds = array<i64: 256, 256>}, {pipeline_mode = #tpu.pipeline_mode<synchronous>, transform_indices = @transform_8, window_bounds = array<i64: 1, 256>}, {pipeline_mode = #tpu.pipeline_mode<synchronous>, transform_indices = @transform_9, window_bounds = array<i64: 1, 256>}, {pipeline_mode = #tpu.pipeline_mode<synchronous>, transform_indices = @transform_10, window_bounds = array<i64: 1, 256>}, {pipeline_mode = #tpu.pipeline_mode<synchronous>, transform_indices = @transform_11, window_bounds = array<i64: 1, 256>}, {pipeline_mode = #tpu.pipeline_mode<synchronous>, transform_indices = @transform_12, window_bounds = array<i64: 1, 256>}, {pipeline_mode = #tpu.pipeline_mode<synchronous>, transform_indices = @transform_13, window_bounds = array<i64: 1, 256>}, {transform_indices = @transform_14, window_bounds = array<i64: 512, 256>}, {transform_indices = @transform_15, window_bounds = array<i64: 512, 128>}, {transform_indices = @transform_16, window_bounds = array<i64: 512, 128>}]} {
    %get3A = arith.constant 0 : index
    %get3A_0 = arith.constant 0 : index
    %get3A_1 = vector.load %arg4[%get3A, %get3A_0] : memref<512x16xf32, #tpu.memory_space<vmem>>, vector<512x1xf32>
    %get3A_2 = arith.constant 0 : index
    %get3A_3 = arith.constant 0 : index
    %get3A_4 = vector.load %arg5[%get3A_2, %get3A_3] : memref<512x16xf32, #tpu.memory_space<vmem>>, vector<512x1xf32>
    %add3A = arith.addf %get3A_1, %get3A_4 : vector<512x1xf32>
    %add3A_5 = arith.constant 1.000000e+00 : f32
    %add3A_6 = vector.broadcast %add3A_5 : f32 to vector<512x1xf32>
    %add3A_7 = arith.addf %add3A, %add3A_6 : vector<512x1xf32>
    %rsqrt3A = math.rsqrt %add3A_7 : vector<512x1xf32>
    %get3A_8 = arith.constant 0 : index
    %get3A_9 = arith.constant 0 : index
    %get3A_10 = vector.load %arg2[%get3A_8, %get3A_9] : memref<512x128xf32, #tpu.memory_space<vmem>>, vector<512x128xf32>
    %get3A_11 = arith.constant 0 : index
    %get3A_12 = arith.constant 0 : index
    %get3A_13 = vector.load %arg3[%get3A_11, %get3A_12] : memref<512x128xf32, #tpu.memory_space<vmem>>, vector<512x128xf32>
    %concatenate3A = tpu.concatenate %get3A_10, %get3A_13 in 1 : vector<512x128xf32>, vector<512x128xf32> -> vector<512x256xf32>
    %mul3A = vector.broadcast %rsqrt3A : vector<512x1xf32> to vector<512x256xf32>
    %mul3A_14 = arith.mulf %mul3A, %concatenate3A : vector<512x256xf32>
    %get3A_15 = arith.constant 0 : index
    %get3A_16 = arith.constant 0 : index
    %get3A_17 = vector.load %arg9[%get3A_15, %get3A_16] : memref<1x256xf32, #tpu.memory_space<vmem>>, vector<1x256xf32>
    %add3A_18 = vector.broadcast %get3A_17 : vector<1x256xf32> to vector<512x256xf32>
    %add3A_19 = arith.addf %mul3A_14, %add3A_18 : vector<512x256xf32>
    %get3A_20 = arith.constant 0 : index
    %get3A_21 = arith.constant 0 : index
    %get3A_22 = vector.load %arg1[%get3A_20, %get3A_21] : memref<512x128xf32, #tpu.memory_space<vmem>>, vector<512x128xf32>
    %get3A_23 = arith.constant 0 : index
    %get3A_24 = arith.constant 0 : index
    %get3A_25 = vector.load %arg7[%get3A_23, %get3A_24] : memref<128x256xf32, #tpu.memory_space<vmem>>, vector<128x256xf32>
    %dot_general3A = arith.constant dense<0.000000e+00> : vector<512x256xf32>
    %dot_general3A_26 = tpu.matmul %get3A_22, %get3A_25, %dot_general3A {dimension_numbers = #tpu.dot_dimension_numbers<[1], [0], [0], [1], [0, 0, 1, 1], [], []>, transpose_lhs_hint = false} : vector<512x128xf32>, vector<128x256xf32>, vector<512x256xf32> -> vector<512x256xf32>
    %add3A_27 = arith.addf %add3A_19, %dot_general3A_26 : vector<512x256xf32>
    %get3A_28 = arith.constant 0 : index
    %get3A_29 = arith.constant 0 : index
    %get3A_30 = vector.load %arg10[%get3A_28, %get3A_29] : memref<1x256xf32, #tpu.memory_space<vmem>>, vector<1x256xf32>
    %add3A_31 = vector.broadcast %get3A_30 : vector<1x256xf32> to vector<512x256xf32>
    %add3A_32 = arith.addf %add3A_27, %add3A_31 : vector<512x256xf32>
    %get3A_33 = arith.constant 0 : index
    %get3A_34 = arith.constant 0 : index
    %get3A_35 = vector.load %arg11[%get3A_33, %get3A_34] : memref<1x256xf32, #tpu.memory_space<vmem>>, vector<1x256xf32>
    %get3A_36 = arith.constant 0 : index
    %get3A_37 = arith.constant 0 : index
    %get3A_38 = vector.load %arg14[%get3A_36, %get3A_37] : memref<1x256xf32, #tpu.memory_space<vmem>>, vector<1x256xf32>
    %add3A_39 = arith.constant 9.99999974E-6 : f32
    %add3A_40 = vector.broadcast %add3A_39 : f32 to vector<1x256xf32>
    %add3A_41 = arith.addf %get3A_38, %add3A_40 : vector<1x256xf32>
    %rsqrt3A_42 = math.rsqrt %add3A_41 : vector<1x256xf32>
    %mul3A_43 = arith.mulf %get3A_35, %rsqrt3A_42 : vector<1x256xf32>
    %get3A_44 = arith.constant 0 : index
    %get3A_45 = arith.constant 0 : index
    %get3A_46 = vector.load %arg12[%get3A_44, %get3A_45] : memref<1x256xf32, #tpu.memory_space<vmem>>, vector<1x256xf32>
    %get3A_47 = arith.constant 0 : index
    %get3A_48 = arith.constant 0 : index
    %get3A_49 = vector.load %arg13[%get3A_47, %get3A_48] : memref<1x256xf32, #tpu.memory_space<vmem>>, vector<1x256xf32>
    %mul3A_50 = arith.mulf %get3A_49, %mul3A_43 : vector<1x256xf32>
    %sub3A = arith.subf %get3A_46, %mul3A_50 : vector<1x256xf32>
    %mul3A_51 = vector.broadcast %mul3A_43 : vector<1x256xf32> to vector<512x256xf32>
    %mul3A_52 = arith.mulf %add3A_32, %mul3A_51 : vector<512x256xf32>
    %add3A_53 = vector.broadcast %sub3A : vector<1x256xf32> to vector<512x256xf32>
    %add3A_54 = arith.addf %mul3A_52, %add3A_53 : vector<512x256xf32>
    %max3A = arith.constant 0.000000e+00 : f32
    %max3A_55 = vector.broadcast %max3A : f32 to vector<512x256xf32>
    %max3A_56 = arith.maximumf %add3A_54, %max3A_55 : vector<512x256xf32>
    %swap3A = arith.constant 0 : index
    %swap3A_57 = arith.constant 0 : index
    %swap3A_58 = vector.load %arg15[%swap3A, %swap3A_57] : memref<512x256xf32, #tpu.memory_space<vmem>>, vector<512x256xf32>
    tpu.vector_store %arg15[%swap3A, %swap3A_57], %max3A_56 {strides = array<i32>} : memref<512x256xf32, #tpu.memory_space<vmem>>, vector<512x256xf32>,
    %get3A_59 = arith.constant 0 : index
    %get3A_60 = arith.constant 0 : index
    %get3A_61 = vector.load %arg6[%get3A_59, %get3A_60] : memref<256x256xf32, #tpu.memory_space<vmem>>, vector<256x256xf32>
    %dot_general3A_62 = arith.constant dense<0.000000e+00> : vector<512x256xf32>
    %dot_general3A_63 = tpu.matmul %max3A_56, %get3A_61, %dot_general3A_62 {dimension_numbers = #tpu.dot_dimension_numbers<[1], [0], [0], [1], [0, 0, 1, 1], [], []>, transpose_lhs_hint = false} : vector<512x256xf32>, vector<256x256xf32>, vector<512x256xf32> -> vector<512x256xf32>
    %mul3A_64 = vector.broadcast %rsqrt3A : vector<512x1xf32> to vector<512x256xf32>
    %mul3A_65 = arith.mulf %mul3A_64, %dot_general3A_63 : vector<512x256xf32>
    %slice3A = vector.extract_strided_slice %mul3A_65 {offsets = [0, 0], sizes = [512, 128], strides = [1, 1]} : vector<512x256xf32> to vector<512x128xf32>
    %swap3A_66 = arith.constant 0 : index
    %swap3A_67 = arith.constant 0 : index
    %swap3A_68 = vector.load %arg16[%swap3A_66, %swap3A_67] : memref<512x128xf32, #tpu.memory_space<vmem>>, vector<512x128xf32>
    tpu.vector_store %arg16[%swap3A_66, %swap3A_67], %slice3A {strides = array<i32>} : memref<512x128xf32, #tpu.memory_space<vmem>>, vector<512x128xf32>,
    %slice3A_69 = vector.extract_strided_slice %mul3A_65 {offsets = [0, 128], sizes = [512, 128], strides = [1, 1]} : vector<512x256xf32> to vector<512x128xf32>
    %swap3A_70 = arith.constant 0 : index
    %swap3A_71 = arith.constant 0 : index
    %swap3A_72 = vector.load %arg17[%swap3A_70, %swap3A_71] : memref<512x128xf32, #tpu.memory_space<vmem>>, vector<512x128xf32>
    tpu.vector_store %arg17[%swap3A_70, %swap3A_71], %slice3A_69 {strides = array<i32>} : memref<512x128xf32, #tpu.memory_space<vmem>>, vector<512x128xf32>,
    return
  }
  func.func @transform_0(%arg0: i32) -> (i32, i32) {
    %c0_i32 = arith.constant 0 : i32
    %c0_i32_0 = arith.constant 0 : i32
    return %arg0, %c0_i32 : i32, i32
  }
  func.func @transform_1(%arg0: i32) -> (i32, i32) {
    %c0_i32 = arith.constant 0 : i32
    %c0_i32_0 = arith.constant 0 : i32
    return %arg0, %c0_i32 : i32, i32
  }
  func.func @transform_2(%arg0: i32) -> (i32, i32) {
    %c0_i32 = arith.constant 0 : i32
    %c0_i32_0 = arith.constant 0 : i32
    return %arg0, %c0_i32 : i32, i32
  }
  func.func @transform_3(%arg0: i32) -> (i32, i32) {
    %c0_i32 = arith.constant 0 : i32
    %c0_i32_0 = arith.constant 0 : i32
    return %arg0, %c0_i32 : i32, i32
  }
  func.func @transform_4(%arg0: i32) -> (i32, i32) {
    %c0_i32 = arith.constant 0 : i32
    %c0_i32_0 = arith.constant 0 : i32
    return %arg0, %c0_i32 : i32, i32
  }
  func.func @transform_5(%arg0: i32) -> (i32, i32) {
    %c0_i32 = arith.constant 0 : i32
    %c0_i32_0 = arith.constant 0 : i32
    %c0_i32_1 = arith.constant 0 : i32
    return %c0_i32, %c0_i32_0 : i32, i32
  }
  func.func @transform_6(%arg0: i32) -> (i32, i32) {
    %c0_i32 = arith.constant 0 : i32
    %c0_i32_0 = arith.constant 0 : i32
    %c0_i32_1 = arith.constant 0 : i32
    return %c0_i32, %c0_i32_0 : i32, i32
  }
  func.func @transform_7(%arg0: i32) -> (i32, i32) {
    %c0_i32 = arith.constant 0 : i32
    %c0_i32_0 = arith.constant 0 : i32
    %c0_i32_1 = arith.constant 0 : i32
    return %c0_i32, %c0_i32_0 : i32, i32
  }
  func.func @transform_8(%arg0: i32) -> (i32, i32) {
    %c0_i32 = arith.constant 0 : i32
    %c0_i32_0 = arith.constant 0 : i32
    %c0_i32_1 = arith.constant 0 : i32
    return %c0_i32, %c0_i32_0 : i32, i32
  }
  func.func @transform_9(%arg0: i32) -> (i32, i32) {
    %c0_i32 = arith.constant 0 : i32
    %c0_i32_0 = arith.constant 0 : i32
    %c0_i32_1 = arith.constant 0 : i32
    return %c0_i32, %c0_i32_0 : i32, i32
  }
  func.func @transform_10(%arg0: i32) -> (i32, i32) {
    %c0_i32 = arith.constant 0 : i32
    %c0_i32_0 = arith.constant 0 : i32
    %c0_i32_1 = arith.constant 0 : i32
    return %c0_i32, %c0_i32_0 : i32, i32
  }
  func.func @transform_11(%arg0: i32) -> (i32, i32) {
    %c0_i32 = arith.constant 0 : i32
    %c0_i32_0 = arith.constant 0 : i32
    %c0_i32_1 = arith.constant 0 : i32
    return %c0_i32, %c0_i32_0 : i32, i32
  }
  func.func @transform_12(%arg0: i32) -> (i32, i32) {
    %c0_i32 = arith.constant 0 : i32
    %c0_i32_0 = arith.constant 0 : i32
    %c0_i32_1 = arith.constant 0 : i32
    return %c0_i32, %c0_i32_0 : i32, i32
  }
  func.func @transform_13(%arg0: i32) -> (i32, i32) {
    %c0_i32 = arith.constant 0 : i32
    %c0_i32_0 = arith.constant 0 : i32
    %c0_i32_1 = arith.constant 0 : i32
    return %c0_i32, %c0_i32_0 : i32, i32
  }
  func.func @transform_14(%arg0: i32) -> (i32, i32) {
    %c0_i32 = arith.constant 0 : i32
    %c0_i32_0 = arith.constant 0 : i32
    return %arg0, %c0_i32 : i32, i32
  }
  func.func @transform_15(%arg0: i32) -> (i32, i32) {
    %c0_i32 = arith.constant 0 : i32
    %c0_i32_0 = arith.constant 0 : i32
    return %arg0, %c0_i32 : i32, i32
  }
  func.func @transform_16(%arg0: i32) -> (i32, i32) {
    %c0_i32 = arith.constant 0 : i32
    %c0_i32_0 = arith.constant 0 : i32
    return %arg0, %c0_i32 : i32, i32
  }
}

module attributes {stable_mosaic.version = 14 : i64} {
  func.func @_t3_body(%arg0: i32, %arg1: memref<400x256xf32, #tpu.memory_space<vmem>>, %arg2: memref<400x128xf32, #tpu.memory_space<vmem>>, %arg3: memref<400x128xf32, #tpu.memory_space<vmem>>, %arg4: memref<256x256xf32, #tpu.memory_space<vmem>>, %arg5: memref<400x16xf32, #tpu.memory_space<vmem>>, %arg6: memref<400x16xf32, #tpu.memory_space<vmem>>, %arg7: memref<1x256xf32, #tpu.memory_space<vmem>>, %arg8: memref<1x256xf32, #tpu.memory_space<vmem>>, %arg9: memref<1x256xf32, #tpu.memory_space<vmem>>, %arg10: memref<1x256xf32, #tpu.memory_space<vmem>>, %arg11: memref<1x256xf32, #tpu.memory_space<vmem>>, %arg12: memref<1x256xf32, #tpu.memory_space<vmem>>, %arg13: memref<400x256xf32, #tpu.memory_space<vmem>>) attributes {dimension_semantics = [#tpu.dimension_semantics<arbitrary>], iteration_bounds = array<i64: 25>, scalar_prefetch = 0 : i64, scratch_operands = 0 : i64, tpu.core_type = #tpu.core_type<tc>, window_params = [{transform_indices = @transform_0, window_bounds = array<i64: 400, 256>}, {transform_indices = @transform_1, window_bounds = array<i64: 400, 128>}, {transform_indices = @transform_2, window_bounds = array<i64: 400, 128>}, {pipeline_mode = #tpu.pipeline_mode<synchronous>, transform_indices = @transform_3, window_bounds = array<i64: 256, 256>}, {transform_indices = @transform_4, window_bounds = array<i64: 400, 16>}, {transform_indices = @transform_5, window_bounds = array<i64: 400, 16>}, {pipeline_mode = #tpu.pipeline_mode<synchronous>, transform_indices = @transform_6, window_bounds = array<i64: 1, 256>}, {pipeline_mode = #tpu.pipeline_mode<synchronous>, transform_indices = @transform_7, window_bounds = array<i64: 1, 256>}, {pipeline_mode = #tpu.pipeline_mode<synchronous>, transform_indices = @transform_8, window_bounds = array<i64: 1, 256>}, {pipeline_mode = #tpu.pipeline_mode<synchronous>, transform_indices = @transform_9, window_bounds = array<i64: 1, 256>}, {pipeline_mode = #tpu.pipeline_mode<synchronous>, transform_indices = @transform_10, window_bounds = array<i64: 1, 256>}, {pipeline_mode = #tpu.pipeline_mode<synchronous>, transform_indices = @transform_11, window_bounds = array<i64: 1, 256>}, {transform_indices = @transform_12, window_bounds = array<i64: 400, 256>}]} {
    %get3A = arith.constant 0 : index
    %get3A_0 = arith.constant 0 : index
    %get3A_1 = vector.load %arg5[%get3A, %get3A_0] : memref<400x16xf32, #tpu.memory_space<vmem>>, vector<400x1xf32>
    %get3A_2 = arith.constant 0 : index
    %get3A_3 = arith.constant 0 : index
    %get3A_4 = vector.load %arg6[%get3A_2, %get3A_3] : memref<400x16xf32, #tpu.memory_space<vmem>>, vector<400x1xf32>
    %add3A = arith.addf %get3A_1, %get3A_4 : vector<400x1xf32>
    %add3A_5 = arith.constant 1.000000e+00 : f32
    %add3A_6 = vector.broadcast %add3A_5 : f32 to vector<400x1xf32>
    %add3A_7 = arith.addf %add3A, %add3A_6 : vector<400x1xf32>
    %rsqrt3A = math.rsqrt %add3A_7 : vector<400x1xf32>
    %get3A_8 = arith.constant 0 : index
    %get3A_9 = arith.constant 0 : index
    %get3A_10 = vector.load %arg2[%get3A_8, %get3A_9] : memref<400x128xf32, #tpu.memory_space<vmem>>, vector<400x128xf32>
    %get3A_11 = arith.constant 0 : index
    %get3A_12 = arith.constant 0 : index
    %get3A_13 = vector.load %arg3[%get3A_11, %get3A_12] : memref<400x128xf32, #tpu.memory_space<vmem>>, vector<400x128xf32>
    %concatenate3A = tpu.concatenate %get3A_10, %get3A_13 in 1 : vector<400x128xf32>, vector<400x128xf32> -> vector<400x256xf32>
    %mul3A = vector.broadcast %rsqrt3A : vector<400x1xf32> to vector<400x256xf32>
    %mul3A_14 = arith.mulf %mul3A, %concatenate3A : vector<400x256xf32>
    %get3A_15 = arith.constant 0 : index
    %get3A_16 = arith.constant 0 : index
    %get3A_17 = vector.load %arg7[%get3A_15, %get3A_16] : memref<1x256xf32, #tpu.memory_space<vmem>>, vector<1x256xf32>
    %add3A_18 = vector.broadcast %get3A_17 : vector<1x256xf32> to vector<400x256xf32>
    %add3A_19 = arith.addf %mul3A_14, %add3A_18 : vector<400x256xf32>
    %get3A_20 = arith.constant 0 : index
    %get3A_21 = arith.constant 0 : index
    %get3A_22 = vector.load %arg1[%get3A_20, %get3A_21] : memref<400x256xf32, #tpu.memory_space<vmem>>, vector<400x256xf32>
    %get3A_23 = arith.constant 0 : index
    %get3A_24 = arith.constant 0 : index
    %get3A_25 = vector.load %arg4[%get3A_23, %get3A_24] : memref<256x256xf32, #tpu.memory_space<vmem>>, vector<256x256xf32>
    %dot_general3A = arith.constant dense<0.000000e+00> : vector<400x256xf32>
    %dot_general3A_26 = tpu.matmul %get3A_22, %get3A_25, %dot_general3A {dimension_numbers = #tpu.dot_dimension_numbers<[1], [0], [0], [1], [0, 0, 1, 1], [], []>, transpose_lhs_hint = false} : vector<400x256xf32>, vector<256x256xf32>, vector<400x256xf32> -> vector<400x256xf32>
    %add3A_27 = arith.addf %add3A_19, %dot_general3A_26 : vector<400x256xf32>
    %get3A_28 = arith.constant 0 : index
    %get3A_29 = arith.constant 0 : index
    %get3A_30 = vector.load %arg8[%get3A_28, %get3A_29] : memref<1x256xf32, #tpu.memory_space<vmem>>, vector<1x256xf32>
    %add3A_31 = vector.broadcast %get3A_30 : vector<1x256xf32> to vector<400x256xf32>
    %add3A_32 = arith.addf %add3A_27, %add3A_31 : vector<400x256xf32>
    %get3A_33 = arith.constant 0 : index
    %get3A_34 = arith.constant 0 : index
    %get3A_35 = vector.load %arg9[%get3A_33, %get3A_34] : memref<1x256xf32, #tpu.memory_space<vmem>>, vector<1x256xf32>
    %get3A_36 = arith.constant 0 : index
    %get3A_37 = arith.constant 0 : index
    %get3A_38 = vector.load %arg12[%get3A_36, %get3A_37] : memref<1x256xf32, #tpu.memory_space<vmem>>, vector<1x256xf32>
    %add3A_39 = arith.constant 9.99999974E-6 : f32
    %add3A_40 = vector.broadcast %add3A_39 : f32 to vector<1x256xf32>
    %add3A_41 = arith.addf %get3A_38, %add3A_40 : vector<1x256xf32>
    %rsqrt3A_42 = math.rsqrt %add3A_41 : vector<1x256xf32>
    %mul3A_43 = arith.mulf %get3A_35, %rsqrt3A_42 : vector<1x256xf32>
    %get3A_44 = arith.constant 0 : index
    %get3A_45 = arith.constant 0 : index
    %get3A_46 = vector.load %arg10[%get3A_44, %get3A_45] : memref<1x256xf32, #tpu.memory_space<vmem>>, vector<1x256xf32>
    %get3A_47 = arith.constant 0 : index
    %get3A_48 = arith.constant 0 : index
    %get3A_49 = vector.load %arg11[%get3A_47, %get3A_48] : memref<1x256xf32, #tpu.memory_space<vmem>>, vector<1x256xf32>
    %mul3A_50 = arith.mulf %get3A_49, %mul3A_43 : vector<1x256xf32>
    %sub3A = arith.subf %get3A_46, %mul3A_50 : vector<1x256xf32>
    %get3A_51 = arith.constant 0 : index
    %get3A_52 = arith.constant 0 : index
    %get3A_53 = vector.load %arg1[%get3A_51, %get3A_52] : memref<400x256xf32, #tpu.memory_space<vmem>>, vector<400x256xf32>
    %mul3A_54 = vector.broadcast %mul3A_43 : vector<1x256xf32> to vector<400x256xf32>
    %mul3A_55 = arith.mulf %add3A_32, %mul3A_54 : vector<400x256xf32>
    %add3A_56 = vector.broadcast %sub3A : vector<1x256xf32> to vector<400x256xf32>
    %add3A_57 = arith.addf %mul3A_55, %add3A_56 : vector<400x256xf32>
    %max3A = arith.constant 0.000000e+00 : f32
    %max3A_58 = vector.broadcast %max3A : f32 to vector<400x256xf32>
    %max3A_59 = arith.maximumf %add3A_57, %max3A_58 : vector<400x256xf32>
    %add3A_60 = arith.addf %get3A_53, %max3A_59 : vector<400x256xf32>
    %swap3A = arith.constant 0 : index
    %swap3A_61 = arith.constant 0 : index
    %swap3A_62 = vector.load %arg13[%swap3A, %swap3A_61] : memref<400x256xf32, #tpu.memory_space<vmem>>, vector<400x256xf32>
    tpu.vector_store %arg13[%swap3A, %swap3A_61], %add3A_60 {strides = array<i32>} : memref<400x256xf32, #tpu.memory_space<vmem>>, vector<400x256xf32>,
    return
  }
  func.func @transform_0(%arg0: i32) -> (i32, i32) {
    %c0_i32 = arith.constant 0 : i32
    %c0_i32_0 = arith.constant 0 : i32
    return %arg0, %c0_i32 : i32, i32
  }
  func.func @transform_1(%arg0: i32) -> (i32, i32) {
    %c0_i32 = arith.constant 0 : i32
    %c0_i32_0 = arith.constant 0 : i32
    return %arg0, %c0_i32 : i32, i32
  }
  func.func @transform_2(%arg0: i32) -> (i32, i32) {
    %c0_i32 = arith.constant 0 : i32
    %c0_i32_0 = arith.constant 0 : i32
    return %arg0, %c0_i32 : i32, i32
  }
  func.func @transform_3(%arg0: i32) -> (i32, i32) {
    %c0_i32 = arith.constant 0 : i32
    %c0_i32_0 = arith.constant 0 : i32
    %c0_i32_1 = arith.constant 0 : i32
    return %c0_i32, %c0_i32_0 : i32, i32
  }
  func.func @transform_4(%arg0: i32) -> (i32, i32) {
    %c0_i32 = arith.constant 0 : i32
    %c0_i32_0 = arith.constant 0 : i32
    return %arg0, %c0_i32 : i32, i32
  }
  func.func @transform_5(%arg0: i32) -> (i32, i32) {
    %c0_i32 = arith.constant 0 : i32
    %c0_i32_0 = arith.constant 0 : i32
    return %arg0, %c0_i32 : i32, i32
  }
  func.func @transform_6(%arg0: i32) -> (i32, i32) {
    %c0_i32 = arith.constant 0 : i32
    %c0_i32_0 = arith.constant 0 : i32
    %c0_i32_1 = arith.constant 0 : i32
    return %c0_i32, %c0_i32_0 : i32, i32
  }
  func.func @transform_7(%arg0: i32) -> (i32, i32) {
    %c0_i32 = arith.constant 0 : i32
    %c0_i32_0 = arith.constant 0 : i32
    %c0_i32_1 = arith.constant 0 : i32
    return %c0_i32, %c0_i32_0 : i32, i32
  }
  func.func @transform_8(%arg0: i32) -> (i32, i32) {
    %c0_i32 = arith.constant 0 : i32
    %c0_i32_0 = arith.constant 0 : i32
    %c0_i32_1 = arith.constant 0 : i32
    return %c0_i32, %c0_i32_0 : i32, i32
  }
  func.func @transform_9(%arg0: i32) -> (i32, i32) {
    %c0_i32 = arith.constant 0 : i32
    %c0_i32_0 = arith.constant 0 : i32
    %c0_i32_1 = arith.constant 0 : i32
    return %c0_i32, %c0_i32_0 : i32, i32
  }
  func.func @transform_10(%arg0: i32) -> (i32, i32) {
    %c0_i32 = arith.constant 0 : i32
    %c0_i32_0 = arith.constant 0 : i32
    %c0_i32_1 = arith.constant 0 : i32
    return %c0_i32, %c0_i32_0 : i32, i32
  }
  func.func @transform_11(%arg0: i32) -> (i32, i32) {
    %c0_i32 = arith.constant 0 : i32
    %c0_i32_0 = arith.constant 0 : i32
    %c0_i32_1 = arith.constant 0 : i32
    return %c0_i32, %c0_i32_0 : i32, i32
  }
  func.func @transform_12(%arg0: i32) -> (i32, i32) {
    %c0_i32 = arith.constant 0 : i32
    %c0_i32_0 = arith.constant 0 : i32
    return %arg0, %c0_i32 : i32, i32
  }
}

</mosaic_0001>

<sc_bundles>
// kernel: kernel.11.cloned.1.call-start
scs
__scs_entry_jumppad:
0x0: {  	(pc) =	sbr.rel $0x88, $3  }
0x1: {  	(tag) =	ssettag $0x0;
	lr =	simm.s32 $0x1  }
0x2: {  	[smem:$0x3F8F] =	sst lr;
	_ =	strace $0xD0000000  }
0x3: {  	_ = 	snop  }
0x4: {  	_ = 	snop  }
0x5: {  	_ = 	snop  }
0x6: {  	_ = 	snop  }
0x7: {  	_ = 	snop  }
__scs_overlays_trampoline_lowered:
0x8: {  	[smem:$0x3F9E] =	sst s0  }
0x9: {  	[smem:$0x3F9F] =	sst s1  }
0xa: {  	[smem:$0x3FA0] =	sst s2  }
0xb: {  	[smem:$0x3FA1] =	sst s3  }
0xc: {  	[smem:$0x3FA2] =	sst s4  }
0xd: {  	[smem:$0x3FA3] =	sst s5  }
0xe: {  	[smem:$0x3FA4] =	sst s6  }
0xf: {  	[smem:$0x3FA5] =	sst s7  }
0x10: {  	[smem:$0x3FA6] =	sst s8  }
0x11: {  	[smem:$0x3FA7] =	sst s9;
	s0 =	simm.s32 @!p0 $0x0  }
0x12: {  	s1 =	sld [smem:$0x3F8D];
	s0 =	simm.s32 @p0 $0x1  }
0x13: {  	[smem:$0x3FA8] =	sst s0;
	s0 =	simm.s32 @!p1 $0x0  }
0x14: {  	s2 =	sld [smem:$0x3F8C];
	s0 =	simm.s32 @p1 $0x1  }
0x15: {  	[smem:$0x3FA9] =	sst s0;
	s0 =	simm.s32 @!p2 $0x0  }
0x16: {  	s3 =	sld [smem:$0x3FDB];
	s0 =	simm.s32 @p2 $0x1  }
0x17: {  	s4 =	simm.s32 $0x1BF5;
	[smem:$0x3FAB] =	sst s0  }
0x18: {  	s0 =	sld [smem:$0x3F8E];
	_ =	swait.ge [sflag:s4], $0x0  }
0x19: {  	s7 =	sld [smem:$0x3F8F]  }
0x1a: {  	s8 =	sadd.s32 $0xFFFFE003, lr  }
0x1b: {  	s9 =	sadd.s32 $0xFFFFFEF7, lr;
	s5 =	simm.s32 $0xFFFFFFFF;
	p2 =	slt.u32 s8, $0xFFFFF086  }
0x1c: {  	p1 =	slt.u32 s9, $0xF7A;
	s5 =	simm.s32 @!p2 $0x0  }
0x1d: {  	s5 =	simm.s32 @p1 $0x1;
	p0 =	seq.s32 s7, s2  }
0x1e: {  	s7 =	smul.u32 @!p0 $0xF7A, s2;
	p2 =	seq.s32 @!p0 s5, $0x0  }
0x1f: {  	s9 =	smul.u32 $0xF7A, s1;
	s8 =	simm.s32 @!p0 $0x1BF5;
	p2 =	por !p2, p0  }
0x20: {  	[sflag:s8] =	ssyncset.s32 @!p0 $0xFFFFF086;
	s6 =	sadd.s32 @!p0 s3, s7;
	s7 =	simm.s32 @!p0 $0x108  }
0x21: {  	s3 =	sadd.s32 s3, s9;
	s6 =	sadd.s32 @!p0 $0x88, s6;
	s7 =	simm.s32 @p2 $0x1082  }
0x22: {  	[simem:s7], [sflag:s8] =	dma.local @!p0 [hbm:s6], $0xF7A  }
0x23: {  	s9 =	sor.u32 $0xD0000000, s2;
	s6 =	simm.s32 $0x108;
	_ =	swait.ge @!p0 [sflag:s8], $0x0  }
0x24: {  	s3 =	sadd.s32 $0x88, s3;
	s6 =	simm.s32 @!p1 $0x1082;
	[sflag:s4] =	ssyncset.s32 $0xFFFFF086  }
0x25: {  	[simem:s6], [sflag:s4] =	dma.local [hbm:s3], $0xF7A  }
0x26: {  	[smem:$0x3F8F] =	sst s1;
	(tag) =	ssettag s2;
	_ =	strace s9  }
0x27: {  	s1 =	sld [smem:$0x3F9F]  }
0x28: {  	s2 =	sld [smem:$0x3FA0]  }
0x29: {  	s4 =	sld [smem:$0x3FA2]  }
0x2a: {  	p0 =	seq.s32 s5, $0x0;
	s5 =	sld [smem:$0x3FA3]  }
0x2b: {  	s6 =	sld [smem:$0x3FA4]  }
0x2c: {  	s7 =	sld [smem:$0x3FA5]  }
0x2d: {  	s3 =	simm.s32 $0x108;
	s8 =	sld [smem:$0x3FA6]  }
0x2e: {  	s3 =	simm.s32 @!p0 $0x1082;
	s9 =	sld [smem:$0x3FA7]  }
0x2f: {  	lr =	sadd.s32 s0, s3;
	s0 =	sld [smem:$0x3F9E]  }
0x30: {  	s3 =	sld [smem:$0x3FA1]  }
0x31: {  	[smem:$0x3FAA] =	sst s10  }
0x32: {  	s10 =	sld [smem:$0x3FA8];
	_ =	sdelay $0x3  }
0x33: {  	p0 =	seq.s32 s10, $0x1;
	s10 =	sld [smem:$0x3FAA];
	_ =	sdelay $0x3  }
0x34: {  	[smem:$0x3FAA] =	sst s10  }
0x35: {  	s10 =	sld [smem:$0x3FA9];
	_ =	sdelay $0x3  }
0x36: {  	p1 =	seq.s32 s10, $0x1;
	s10 =	sld [smem:$0x3FAA];
	_ =	sdelay $0x3  }
0x37: {  	[smem:$0x3FAA] =	sst s10  }
0x38: {  	s10 =	sld [smem:$0x3FAB]  }
0x39: {  	_ = 	snop;
	(pc) =	sbr.ind lr, $3  }
0x3a: {  	_ = 	snop  }
0x3b: {  	_ = 	snop  }
0x3c: {  	p2 =	seq.s32 s10, $0x1;
	s10 =	sld [smem:$0x3FAA]  }
0x3d: {  	_ =	shalt  }
0x3e: {  	_ =	shalt  }
0x3f: {  	_ =	shalt  }
0x40: {  	_ =	shalt  }
0x41: {  	_ =	shalt  }
0x42: {  	_ =	shalt  }
0x43: {  	_ =	shalt  }
0x44: {  	_ =	shalt  }
0x45: {  	_ =	shalt  }
0x46: {  	_ =	shalt  }
0x47: {  	_ =	shalt  }
0x48: {  	_ =	shalt  }
0x49: {  	_ =	shalt  }
0x4a: {  	_ =	shalt  }
0x4b: {  	_ =	shalt  }
0x4c: {  	_ =	shalt  }
0x4d: {  	_ =	shalt  }
0x4e: {  	_ =	shalt  }
0x4f: {  	_ =	shalt  }
0x50: {  	_ =	shalt  }
0x51: {  	_ =	shalt  }
0x52: {  	_ =	shalt  }
0x53: {  	_ =	shalt  }
0x54: {  	_ =	shalt  }
0x55: {  	_ =	shalt  }
0x56: {  	_ =	shalt  }
0x57: {  	_ =	shalt  }
0x58: {  	_ =	shalt  }
0x59: {  	_ =	shalt  }
0x5a: {  	_ =	shalt  }
0x5b: {  	_ =	shalt  }
0x5c: {  	_ =	shalt  }
0x5d: {  	_ =	shalt  }
0x5e: {  	_ =	shalt  }
0x5f: {  	_ =	shalt  }
0x60: {  	_ =	shalt  }
0x61: {  	_ =	shalt  }
0x62: {  	_ =	shalt  }
0x63: {  	_ =	shalt  }
0x64: {  	_ =	shalt  }
0x65: {  	_ =	shalt  }
0x66: {  	_ =	shalt  }
0x67: {  	_ =	shalt  }
0x68: {  	_ =	shalt  }
0x69: {  	_ =	shalt  }
0x6a: {  	_ =	shalt  }
0x6b: {  	_ =	shalt  }
0x6c: {  	_ =	shalt  }
0x6d: {  	_ =	shalt  }
0x6e: {  	_ =	shalt  }
0x6f: {  	_ =	shalt  }
0x70: {  	_ =	shalt  }
0x71: {  	_ =	shalt  }
0x72: {  	_ =	shalt  }
0x73: {  	_ =	shalt  }
0x74: {  	_ =	shalt  }
0x75: {  	_ =	shalt  }
0x76: {  	_ =	shalt  }
0x77: {  	_ =	shalt  }
0x78: {  	_ =	shalt  }
0x79: {  	_ =	shalt  }
0x7a: {  	_ =	shalt  }
0x7b: {  	_ =	shalt  }
0x7c: {  	_ =	shalt  }
0x7d: {  	_ =	shalt  }
0x7e: {  	_ =	shalt  }
0x7f: {  	_ =	shalt  }
0x80: {  	_ =	shalt  }
0x81: {  	_ =	shalt  }
0x82: {  	_ =	shalt  }
0x83: {  	_ =	shalt  }
0x84: {  	_ =	shalt  }
0x85: {  	_ =	shalt  }
0x86: {  	_ =	shalt  }
0x87: {  	_ =	shalt  }
.Lfunc_end0:
.L_simem_size_0:
called_computation.1_lowered:
.L_overlay_start_0:
0x88: {  	s2 =	sld [smem:$0x3FD9]  }
0x89: {  	s3 =	sld [smem:$0x3FFE];
	_ =	sdelay $0x1  }
0x8a: {  	s1 =	srdreg.scid  }
0x8b: {  	s0 =	sand.u32 $0x1, s1  }
0x8c: {  	s16 =	sshll.u32 s0, $0xA;
	s2 =	sadd.s32 s3, s2  }
0x8d: {  	s2 =	sadd.s32 s2, s16  }
0x8e: {  	[smem:$0x3FB6] =	sst s2  }
0x8f: {  	_ = 	snop  }
0x90: {  	(tm) =	ssettm $0x1  }
0x91: {  	s17 =	sld [smem:$0x3FFB];
	_ =	sdelay $0x3  }
0x92: {  	_ =	strace s17  }
0x93: {  	s2 =	sld [smem:$0x3FFC];
	_ =	sdelay $0x3  }
0x94: {  	_ =	strace s2  }
0x95: {  	s2 =	sld [smem:$0x3FFD];
	_ =	sdelay $0x3  }
0x96: {  	_ =	strace s2  }
0x97: {  	_ =	strace $0x8FFFFFFF  }
0x98: {  	s18 =	sld [smem:$0x3FDB];
	_ =	sdelay $0x1  }
0x99: {  	s19 =	simm.s32 $_scs_section_size  }
0x9a: {  	s4 =	simm.s32 $_size__tile_overlayer_lowered;
	s5 =	simm.s32 $_tile_overlayer_lowered  }
0x9b: {  	s22 =	simm.s32 $0x1BFF;
	s21 =	sshll.u32 s5, $0x1;
	s2 =	sadd.s32 s19, s18  }
0x9c: {  	s6 =	simm.s32 $0x0;
	s20 =	sshll.u32 s4, $0x1;
	s4 =	sadd.s32 s21, s2  }
0x9d: {  	[timem:s6], [sflag:s22] =	dma.local [hbm:s4], s20  }
0x9e: {  	_ =	swait.ge [sflag:s22], s20  }
0x9f: {  	s3 =	ssub.s32 $0x0, s20;
	[sflag:s22] =	ssyncset.done $0x0  }
0xa0: {  	[sflag:s22] =	ssyncadd.s32 s3;
	_ =	sdelay $0x1  }
0xa1: {  	s23 =	simm.s32 $0x1B8B  }
0xa2: {  	_ =	swait.ge [sflag:s23], $0x1  }
0xa3: {  	[sflag:s23] =	ssyncset.done $0x0  }
0xa4: {  	s25 =	simm.s32 $0x1B8E;
	s24 =	sld [smem:$0x3FFE];
	[sflag:s23] =	ssyncadd.s32 $0xFFFFFFFF  }
0xa5: {  	s26 =	simm.s32 $execute0_lowered;
	[smem:$0x3FD2] =	sst s25  }
0xa6: {  	s4 =	sshll.u32 s26, $0x1;
	_ =	strace $0x80000049;
	[dreg:$0x1] =	wrdreg $0xFFFFFFFF  }
0xa7: {  	s28 =	simm.s32 $_size_execute0_lowered;
	s2 =	sadd.s32 s2, s4;
	[dreg:$0x0] =	wrdreg $0x0  }
0xa8: {  	s4 =	sshll.u32 s28, $0x1;
	[dreg:$0x2] =	wrdreg s2  }
0xa9: {  	[dreg:$0x3] =	wrdreg s4  }
0xaa: {  	[dreg:$0x4] =	wrdreg $0xC0  }
0xab: {  	_ =	task [dreg:s6], $0x5FFFF  }
0xac: {  	[dreg:$0x1] =	wrdreg $0xFFFFFFFF  }
0xad: {  	[dreg:$0x0] =	wrdreg $0x60  }
0xae: {  	[dreg:$0x2] =	wrdreg s24  }
0xaf: {  	[dreg:$0x3] =	wrdreg $0xA0000  }
0xb0: {  	[dreg:$0x4] =	wrdreg $0x9  }
0xb1: {  	_ =	task.clear_ibuf [dreg:s6], $0x5FFFF;
	_ =	strace $0x90000049  }
0xb2: {  	s29 =	simm.s32 $0x9;
	_ =	strace $0x8000004B  }
0xb3: {  	_ =	swait.ge [sflag:s29], $0x1  }
0xb4: {  	[sflag:s29] =	ssyncadd.s32 $0xFFFFFFFF  }
0xb5: {  	_ =	strace $0x9000004B  }
0xb6: {  	_ =	sfence  }
0xb7: {  	s30 =	sld [smem:$0x0];
	_ =	sdelay $0x2  }
0xb8: {  	s31 =	sshll.u32 s1, $0xD;
	s1 =	sshrl.u32 s1, $0x2  }
0xb9: {  	s3 =	sand.u32 $0x4000, s31;
	s1 =	sadd.s32 s1, s30  }
0xba: {  	s0 =	sor.u32 s3, s0;
	s1 =	sshll.u32 s1, $0x11  }
0xbb: {  	s0 =	sor.u32 s1, s0  }
0xbc: {  	s0 =	sadd.s32 $0x8F2B, s0  }
0xbd: {  	[sflag:s0] =	ssyncadd.remote.s32 $0x1  }
0xbe: {  	_ =	sfence.sel $0xFFFF  }
0xbf: {  	[dreg:$0x0] =	wrdreg $0xFFFFFFFF;
	(pc) =	sbr.abs _section_cstart, $3  }
0xc0: {  	[dreg:$0x1] =	wrdreg $0xFFFFFFFF  }
0xc1: {  	_ =	task.clear_ibuf [dreg:s6], $0x2FFFF;
	_ =	strace $0x9FFFFFFF  }
0xc2: {  	(tm) =	ssettm $0x7FFFFFFF  }
0xc3: {  	_ =	shalt  }
tec
execute0_lowered:
.L_overlay_start_1:
0x0: {  	(tag) =	ssettag $0x1  }
0x1: {  	s0 =	rddreg [dreg:$0x0]  }
0x2: {  	s2 =	rddreg [dreg:$0x1];
	s3 =	simm.s32 $0x0;
	s11 =	stileid.u32  }
0x3: {  	s5 =	srdreg.scid;
	s14 =	simm.s32 $0x4;
	s16 =	simm.s32 $0x7D  }
0x4: {  	s17 =	simm.s32 $0x2000;
	s28 =	simm.s32 $0x2;
	s15 =	simm.s32 $0x3  }
0x5: {  	s18 =	simm.s32 $0x1C80;
	s29 =	simm.s32 $0x1D00;
	s30 =	simm.s32 $0x1600  }
0x6: {  	s31 =	simm.s32 $0x1D80;
	s12 =	simm.s32 $0x1F80;
	[smem:$0x7FF] =	sst s3  }
0x7: {  	s1 =	smul.u32 $0xA00, s11;
	s4 =	sadd.s32 $0x83600, s0;
	s6 =	sand.u32 $0x1, s5  }
0x8: {  	s5 =	sadd.s32 $0xAB600, s0;
	s8 =	sadd.s32 $0xD3600, s0;
	s10 =	smul.u32 $0x50000, s11  }
0x9: {  	s21 =	smul.u32 $0x2800, s11;
	s26 =	sshll.u32 s11, $0x6;
	s11 =	simm.s32 $0x1780  }
0xa: {  	_ =	strace $0x8000004A;
	s7 =	ssub.s32 $0x2, s6;
	[dreg:$0x3] =	wrdreg s8  }
0xb: {  	p0 =	seq.s32 s6, $0x1;
	[dreg:$0x9] =	wrdreg s26;
	s6 =	simm.s32 $0x1700  }
0xc: {  	s1 =	sadd.s32 s1, s0;
	s19 =	sshrl.u32 s7, $0x1;
	s0 =	sadd.s32 $0xFB600, s0  }
0xd: {  	s22 =	sshrl.u32 s10, $0x2;
	s24 =	sadd.s32 s4, s21;
	[dreg:$0x5] =	wrdreg s21  }
0xe: {  	s25 =	sadd.s32 s5, s21;
	s21 =	simm.s32 $0x0;
	[dreg:$0x4] =	wrdreg s0  }
0xf: {  	s20 =	ssub.s32 s7, s19;
	s9 =	sadd.s32 $0x29600, s1;
	[dreg:$0x6] =	wrdreg s24  }
0x10: {  	s10 =	sadd.s32 $0x6400, s1;
	s23 =	sadd.s32 s22, s2;
	[dreg:$0x7] =	wrdreg s25  }
.Ltmp0:
0x11: {  	s19 =	simm.s32 $0x6000;
	s24 =	simm.s32 $0x1800;
	(pc) =	sbr.rel .LBB2_1-.Ltmp0, $4  }
0x12: {  	s25 =	simm.s32 $0x1;
	s1 =	simm.s32 $0x1E00;
	s0 =	smax.u32 s20, $0x1  }
0x13: {  	s7 =	simm.s32 $0x1E80;
	s20 =	sshrl.u32 s23, $0x3;
	[dreg:$0x8] =	wrdreg s0  }
0x14: {  	s23 =	simm.s32 $0x1000;
	s0 =	sor.u32 $0x1C04, s26;
	[dreg:$0xb] =	wrdreg s20  }
0x15: {  	s26 =	simm.s32 $0x1580;
	[dreg:$0xa] =	wrdreg s0;
	s0 =	simm.s32 $0x1680  }
.LBB2_8:
0x16: {  	s13 =	rddreg [dreg:$0x4]  }
0x17: {  	s22 =	rddreg [dreg:$0xa]  }
0x18: {  	s21 =	rddreg [dreg:$0xc]  }
.LBB2_9:
0x19: {  	s8 =	rddreg [dreg:$0x5];
	[bflag:$0x0] =	sbarrier.arrive $0xFFFF  }
0x1a: {  	s8 =	sadd.s32 s13, s8;
	s20 =	rddreg [dreg:$0xb]  }
0x1b: {  	[hbm:s8], [sflag:s22] =	dma.local [spmem:s20], $0x2800  }
0x1c: {  	_ =	swait.ge [sflag:s14], $0x2800  }
0x1d: {  	s21 =	sadd.s32 $0x1, s21;
	s22 =	rddreg [dreg:$0x8]  }
0x1e: {  	p1 =	sne.s32 s21, s22  }
.Ltmp1:
0x1f: {  	_ = 	snop;
	(pc) =	sbr.rel @!p1 .LBB2_10-.Ltmp1, $3  }
0x20: {  	_ =	sdelay $0x1  }
0x21: {  	[sflag:s14] =	ssyncset.done $0x0  }
0x22: {  	[sflag:s14] =	ssyncadd.s32 $0xFFFFD800  }
.LBB2_1:
0x23: {  	[dreg:$0xc] =	wrdreg s21  }
0x24: {  	[tilespmem:s3], [sflag:$0x4] =	stream.linear.gather [hbm4b:s9+s3], $0x800, $0x38;
	[tilespmem:$0x1E000] =	vst v63  }
0x25: {  	_ =	swait.ge [sflag:s14], $0x800  }
0x26: {  	[sflag:s14] =	ssyncset.done $0x0  }
.Ltmp2:
0x27: {  	s8 =	simm.s32 $0x800;
	[sflag:s14] =	ssyncadd.s32 $0xFFFFF800;
	(pc) =	sbr.rel @!p0 .LBB2_2-.Ltmp2, $4  }
0x28: {  	[tilespmem:s8], [sflag:$0x4] =	stream.linear.gather [hbm4b:s10+s3], $0x800, $0x38;
	[tilespmem:$0x1E000] =	vst v63  }
0x29: {  	_ =	swait.ge [sflag:s14], $0x800  }
0x2a: {  	[sflag:s14] =	ssyncset.done $0x0  }
0x2b: {  	[sflag:s14] =	ssyncadd.s32 $0xFFFFF800  }
0x2c: {  	[tilespmem:s17], [sflag:$0x1] =	stream.indirect.gather [hbm4b:s5+s16], $0x80, s3, s16, $0xb8;
	[tilespmem:$0x1E000] =	vst v63  }
0x2d: {  	s22 =	rddreg [dreg:$0x7]  }
0x2e: {  	s8 =	simm.s32 $0x80;
	s13 =	rddreg [dreg:$0xa]  }
0x2f: {  	[tilespmem:s19], [sflag:$0x2] =	stream.indirect.gather [hbm4b:s5+s16], $0x80, s8, s16, $0xb8;
	[tilespmem:$0x1E000] =	vst v63  }
0x30: {  	[spmem:s20], [sflag:s13] =	dma.local [hbm:s22], $0x2800  }
0x31: {  	_ =	swait.ge [sflag:s14], $0x2800  }
0x32: {  	[sflag:s14] =	ssyncset.done $0x0  }
0x33: {  	[sflag:s14] =	ssyncadd.s32 $0xFFFFD800  }
0x34: {  	s20 =	simm.s32 $0xFFFFF800;
	[bflag:$0x0] =	sbarrier.arrive $0xFFFF  }
.LBB2_7:
0x35: {  	s8 =	sadd.s32 s20, s9  }
0x36: {  	s13 =	sadd.s32 s20, s10;
	s8 =	sadd.s32 $0x900, s8  }
0x37: {  	[tilespmem:s23], [sflag:$0x3] =	stream.linear.gather [hbm4b:s8+s3], $0x800, $0x38;
	[tilespmem:$0x1E000] =	vst v63  }
0x38: {  	s8 =	sadd.s32 $0x900, s13  }
0x39: {  	[tilespmem:s24], [sflag:$0x3] =	stream.linear.gather [hbm4b:s8+s3], $0x800, $0x38;
	[tilespmem:$0x1E000] =	vst v63  }
0x3a: {  	_ =	swait.ge [sflag:s25], $0x3E80  }
0x3b: {  	[sflag:s25] =	ssyncset.done $0x0  }
0x3c: {  	s21 =	simm.s32 $0x800;
	[sflag:s25] =	ssyncadd.s32 $0xFFFFC180  }
0x3d: {  	[spmem:s2] =	stream.indirect.scatter.add.f32 [tilespmem:s17], [sflag:$0x4], $0x80, s21, s16, $0xb8;
	[tilespmem:$0x1E000] =	vst v63  }
0x3e: {  	_ =	swait.ge [sflag:s14], $0x3E80  }
0x3f: {  	[sflag:s14] =	ssyncset.done $0x0  }
0x40: {  	s22 =	simm.s32 $0x100;
	[sflag:s14] =	ssyncadd.s32 $0xFFFFC180  }
0x41: {  	[tilespmem:s17], [sflag:$0x1] =	stream.indirect.gather [hbm4b:s5+s16], $0x80, s22, s16, $0xb8;
	[tilespmem:$0x1E000] =	vst v63  }
0x42: {  	_ =	swait.ge [sflag:s28], $0x3E80  }
0x43: {  	[sflag:s28] =	ssyncset.done $0x0  }
0x44: {  	s13 =	simm.s32 $0x880;
	[sflag:s28] =	ssyncadd.s32 $0xFFFFC180  }
0x45: {  	[spmem:s2] =	stream.indirect.scatter.add.f32 [tilespmem:s19], [sflag:$0x4], $0x80, s13, s16, $0xb8;
	[tilespmem:$0x1E000] =	vst v63  }
0x46: {  	_ =	swait.ge [sflag:s14], $0x3E80  }
0x47: {  	[sflag:s14] =	ssyncset.done $0x0  }
0x48: {  	s21 =	simm.s32 $0x180;
	[sflag:s14] =	ssyncadd.s32 $0xFFFFC180  }
0x49: {  	[tilespmem:s19], [sflag:$0x2] =	stream.indirect.gather [hbm4b:s5+s16], $0x80, s21, s16, $0xb8;
	[tilespmem:$0x1E000] =	vst v63  }
0x4a: {  	_ =	swait.ge [sflag:s25], $0x3E80  }
0x4b: {  	[sflag:s25] =	ssyncset.done $0x0  }
0x4c: {  	s22 =	simm.s32 $0x900;
	[sflag:s25] =	ssyncadd.s32 $0xFFFFC180  }
0x4d: {  	[spmem:s2] =	stream.indirect.scatter.add.f32 [tilespmem:s17], [sflag:$0x4], $0x80, s22, s16, $0xb8;
	[tilespmem:$0x1E000] =	vst v63  }
0x4e: {  	_ =	swait.ge [sflag:s14], $0x3E80  }
0x4f: {  	[sflag:s14] =	ssyncset.done $0x0  }
0x50: {  	s13 =	simm.s32 $0x200;
	[sflag:s14] =	ssyncadd.s32 $0xFFFFC180  }
0x51: {  	[tilespmem:s17], [sflag:$0x1] =	stream.indirect.gather [hbm4b:s5+s16], $0x80, s13, s16, $0xb8;
	[tilespmem:$0x1E000] =	vst v63  }
0x52: {  	_ =	swait.ge [sflag:s28], $0x3E80  }
0x53: {  	[sflag:s28] =	ssyncset.done $0x0  }
0x54: {  	s21 =	simm.s32 $0x980;
	[sflag:s28] =	ssyncadd.s32 $0xFFFFC180  }
0x55: {  	[spmem:s2] =	stream.indirect.scatter.add.f32 [tilespmem:s19], [sflag:$0x4], $0x80, s21, s16, $0xb8;
	[tilespmem:$0x1E000] =	vst v63  }
0x56: {  	_ =	swait.ge [sflag:s14], $0x3E80  }
0x57: {  	[sflag:s14] =	ssyncset.done $0x0  }
0x58: {  	s22 =	simm.s32 $0x280;
	[sflag:s14] =	ssyncadd.s32 $0xFFFFC180  }
0x59: {  	[tilespmem:s19], [sflag:$0x2] =	stream.indirect.gather [hbm4b:s5+s16], $0x80, s22, s16, $0xb8;
	[tilespmem:$0x1E000] =	vst v63  }
0x5a: {  	_ =	swait.ge [sflag:s25], $0x3E80  }
0x5b: {  	[sflag:s25] =	ssyncset.done $0x0  }
0x5c: {  	s13 =	simm.s32 $0xA00;
	[sflag:s25] =	ssyncadd.s32 $0xFFFFC180  }
0x5d: {  	[spmem:s2] =	stream.indirect.scatter.add.f32 [tilespmem:s17], [sflag:$0x4], $0x80, s13, s16, $0xb8;
	[tilespmem:$0x1E000] =	vst v63  }
0x5e: {  	_ =	swait.ge [sflag:s14], $0x3E80  }
0x5f: {  	[sflag:s14] =	ssyncset.done $0x0  }
0x60: {  	s21 =	simm.s32 $0x300;
	[sflag:s14] =	ssyncadd.s32 $0xFFFFC180  }
0x61: {  	[tilespmem:s17], [sflag:$0x1] =	stream.indirect.gather [hbm4b:s5+s16], $0x80, s21, s16, $0xb8;
	[tilespmem:$0x1E000] =	vst v63  }
0x62: {  	_ =	swait.ge [sflag:s28], $0x3E80  }
0x63: {  	[sflag:s28] =	ssyncset.done $0x0  }
0x64: {  	s22 =	simm.s32 $0xA80;
	[sflag:s28] =	ssyncadd.s32 $0xFFFFC180  }
0x65: {  	[spmem:s2] =	stream.indirect.scatter.add.f32 [tilespmem:s19], [sflag:$0x4], $0x80, s22, s16, $0xb8;
	[tilespmem:$0x1E000] =	vst v63  }
0x66: {  	_ =	swait.ge [sflag:s14], $0x3E80  }
0x67: {  	[sflag:s14] =	ssyncset.done $0x0  }
0x68: {  	s13 =	simm.s32 $0x380;
	[sflag:s14] =	ssyncadd.s32 $0xFFFFC180  }
0x69: {  	[tilespmem:s19], [sflag:$0x2] =	stream.indirect.gather [hbm4b:s5+s16], $0x80, s13, s16, $0xb8;
	[tilespmem:$0x1E000] =	vst v63  }
0x6a: {  	_ =	swait.ge [sflag:s25], $0x3E80  }
0x6b: {  	[sflag:s25] =	ssyncset.done $0x0  }
0x6c: {  	s21 =	simm.s32 $0xB00;
	[sflag:s25] =	ssyncadd.s32 $0xFFFFC180  }
0x6d: {  	[spmem:s2] =	stream.indirect.scatter.add.f32 [tilespmem:s17], [sflag:$0x4], $0x80, s21, s16, $0xb8;
	[tilespmem:$0x1E000] =	vst v63  }
0x6e: {  	_ =	swait.ge [sflag:s14], $0x3E80  }
0x6f: {  	[sflag:s14] =	ssyncset.done $0x0  }
0x70: {  	s22 =	simm.s32 $0x400;
	[sflag:s14] =	ssyncadd.s32 $0xFFFFC180  }
0x71: {  	[tilespmem:s17], [sflag:$0x1] =	stream.indirect.gather [hbm4b:s5+s16], $0x80, s22, s16, $0xb8;
	[tilespmem:$0x1E000] =	vst v63  }
0x72: {  	_ =	swait.ge [sflag:s28], $0x3E80  }
0x73: {  	[sflag:s28] =	ssyncset.done $0x0  }
0x74: {  	s13 =	simm.s32 $0xB80;
	[sflag:s28] =	ssyncadd.s32 $0xFFFFC180  }
0x75: {  	[spmem:s2] =	stream.indirect.scatter.add.f32 [tilespmem:s19], [sflag:$0x4], $0x80, s13, s16, $0xb8;
	[tilespmem:$0x1E000] =	vst v63  }
0x76: {  	_ =	swait.ge [sflag:s14], $0x3E80  }
0x77: {  	[sflag:s14] =	ssyncset.done $0x0  }
0x78: {  	s21 =	simm.s32 $0x480;
	[sflag:s14] =	ssyncadd.s32 $0xFFFFC180  }
0x79: {  	[tilespmem:s19], [sflag:$0x2] =	stream.indirect.gather [hbm4b:s5+s16], $0x80, s21, s16, $0xb8;
	[tilespmem:$0x1E000] =	vst v63  }
0x7a: {  	_ =	swait.ge [sflag:s25], $0x3E80  }
0x7b: {  	[sflag:s25] =	ssyncset.done $0x0  }
0x7c: {  	s22 =	simm.s32 $0xC00;
	[sflag:s25] =	ssyncadd.s32 $0xFFFFC180  }
0x7d: {  	[spmem:s2] =	stream.indirect.scatter.add.f32 [tilespmem:s17], [sflag:$0x4], $0x80, s22, s16, $0xb8;
	[tilespmem:$0x1E000] =	vst v63  }
0x7e: {  	_ =	swait.ge [sflag:s14], $0x3E80  }
0x7f: {  	[sflag:s14] =	ssyncset.done $0x0  }
0x80: {  	s13 =	simm.s32 $0x500;
	[sflag:s14] =	ssyncadd.s32 $0xFFFFC180  }
0x81: {  	[tilespmem:s17], [sflag:$0x1] =	stream.indirect.gather [hbm4b:s5+s16], $0x80, s13, s16, $0xb8;
	[tilespmem:$0x1E000] =	vst v63  }
0x82: {  	_ =	swait.ge [sflag:s28], $0x3E80  }
0x83: {  	[sflag:s28] =	ssyncset.done $0x0  }
0x84: {  	s21 =	simm.s32 $0xC80;
	[sflag:s28] =	ssyncadd.s32 $0xFFFFC180  }
0x85: {  	[spmem:s2] =	stream.indirect.scatter.add.f32 [tilespmem:s19], [sflag:$0x4], $0x80, s21, s16, $0xb8;
	[tilespmem:$0x1E000] =	vst v63  }
0x86: {  	_ =	swait.ge [sflag:s14], $0x3E80  }
0x87: {  	[sflag:s14] =	ssyncset.done $0x0  }
0x88: {  	s22 =	simm.s32 $0x580;
	[sflag:s14] =	ssyncadd.s32 $0xFFFFC180  }
0x89: {  	[tilespmem:s19], [sflag:$0x2] =	stream.indirect.gather [hbm4b:s5+s16], $0x80, s22, s16, $0xb8;
	[tilespmem:$0x1E000] =	vst v63  }
0x8a: {  	_ =	swait.ge [sflag:s25], $0x3E80  }
0x8b: {  	[sflag:s25] =	ssyncset.done $0x0  }
0x8c: {  	s13 =	simm.s32 $0xD00;
	[sflag:s25] =	ssyncadd.s32 $0xFFFFC180  }
0x8d: {  	[spmem:s2] =	stream.indirect.scatter.add.f32 [tilespmem:s17], [sflag:$0x4], $0x80, s13, s16, $0xb8;
	[tilespmem:$0x1E000] =	vst v63  }
0x8e: {  	_ =	swait.ge [sflag:s14], $0x3E80  }
0x8f: {  	[sflag:s14] =	ssyncset.done $0x0  }
0x90: {  	s21 =	simm.s32 $0x600;
	[sflag:s14] =	ssyncadd.s32 $0xFFFFC180  }
0x91: {  	[tilespmem:s17], [sflag:$0x1] =	stream.indirect.gather [hbm4b:s5+s16], $0x80, s21, s16, $0xb8;
	[tilespmem:$0x1E000] =	vst v63  }
0x92: {  	_ =	swait.ge [sflag:s28], $0x3E80  }
0x93: {  	[sflag:s28] =	ssyncset.done $0x0  }
0x94: {  	s22 =	simm.s32 $0xD80;
	[sflag:s28] =	ssyncadd.s32 $0xFFFFC180  }
0x95: {  	[spmem:s2] =	stream.indirect.scatter.add.f32 [tilespmem:s19], [sflag:$0x4], $0x80, s22, s16, $0xb8;
	[tilespmem:$0x1E000] =	vst v63  }
0x96: {  	_ =	swait.ge [sflag:s14], $0x3E80  }
0x97: {  	[sflag:s14] =	ssyncset.done $0x0  }
0x98: {  	s13 =	simm.s32 $0x680;
	[sflag:s14] =	ssyncadd.s32 $0xFFFFC180  }
0x99: {  	[tilespmem:s19], [sflag:$0x2] =	stream.indirect.gather [hbm4b:s5+s16], $0x80, s13, s16, $0xb8;
	[tilespmem:$0x1E000] =	vst v63  }
0x9a: {  	_ =	swait.ge [sflag:s25], $0x3E80  }
0x9b: {  	[sflag:s25] =	ssyncset.done $0x0  }
0x9c: {  	s21 =	simm.s32 $0xE00;
	[sflag:s25] =	ssyncadd.s32 $0xFFFFC180  }
0x9d: {  	[spmem:s2] =	stream.indirect.scatter.add.f32 [tilespmem:s17], [sflag:$0x4], $0x80, s21, s16, $0xb8;
	[tilespmem:$0x1E000] =	vst v63  }
0x9e: {  	_ =	swait.ge [sflag:s14], $0x3E80  }
0x9f: {  	[sflag:s14] =	ssyncset.done $0x0  }
0xa0: {  	s22 =	simm.s32 $0x700;
	[sflag:s14] =	ssyncadd.s32 $0xFFFFC180  }
0xa1: {  	[tilespmem:s17], [sflag:$0x1] =	stream.indirect.gather [hbm4b:s5+s16], $0x80, s22, s16, $0xb8;
	[tilespmem:$0x1E000] =	vst v63  }
0xa2: {  	_ =	swait.ge [sflag:s28], $0x3E80  }
0xa3: {  	[sflag:s28] =	ssyncset.done $0x0  }
0xa4: {  	s13 =	simm.s32 $0xE80;
	[sflag:s28] =	ssyncadd.s32 $0xFFFFC180  }
0xa5: {  	[spmem:s2] =	stream.indirect.scatter.add.f32 [tilespmem:s19], [sflag:$0x4], $0x80, s13, s16, $0xb8;
	[tilespmem:$0x1E000] =	vst v63  }
0xa6: {  	_ =	swait.ge [sflag:s14], $0x3E80  }
0xa7: {  	[sflag:s14] =	ssyncset.done $0x0  }
0xa8: {  	s21 =	simm.s32 $0x780;
	[sflag:s14] =	ssyncadd.s32 $0xFFFFC180  }
0xa9: {  	[tilespmem:s19], [sflag:$0x2] =	stream.indirect.gather [hbm4b:s5+s16], $0x80, s21, s16, $0xb8;
	[tilespmem:$0x1E000] =	vst v63  }
0xaa: {  	_ =	swait.ge [sflag:s15], $0x800  }
0xab: {  	[sflag:s15] =	ssyncset.done $0x0  }
0xac: {  	[sflag:s15] =	ssyncadd.s32 $0xFFFFF800  }
0xad: {  	_ =	swait.ge [sflag:s15], $0x800  }
0xae: {  	[sflag:s15] =	ssyncset.done $0x0  }
0xaf: {  	[sflag:s15] =	ssyncadd.s32 $0xFFFFF800  }
0xb0: {  	_ =	swait.ge [sflag:s25], $0x3E80  }
0xb1: {  	[sflag:s25] =	ssyncset.done $0x0  }
0xb2: {  	s22 =	simm.s32 $0xF00;
	[sflag:s25] =	ssyncadd.s32 $0xFFFFC180  }
0xb3: {  	[spmem:s2] =	stream.indirect.scatter.add.f32 [tilespmem:s17], [sflag:$0x4], $0x80, s22, s16, $0xb8;
	[tilespmem:$0x1E000] =	vst v63  }
0xb4: {  	_ =	swait.ge [sflag:s14], $0x3E80  }
0xb5: {  	[sflag:s14] =	ssyncset.done $0x0  }
0xb6: {  	[sflag:s14] =	ssyncadd.s32 $0xFFFFC180  }
0xb7: {  	[tilespmem:s17], [sflag:$0x1] =	stream.indirect.gather [hbm4b:s5+s16], $0x80, s23, s16, $0xb8;
	[tilespmem:$0x1E000] =	vst v63  }
0xb8: {  	_ =	swait.ge [sflag:s28], $0x3E80  }
0xb9: {  	[sflag:s28] =	ssyncset.done $0x0  }
0xba: {  	s13 =	simm.s32 $0xF80;
	[sflag:s28] =	ssyncadd.s32 $0xFFFFC180  }
0xbb: {  	[spmem:s2] =	stream.indirect.scatter.add.f32 [tilespmem:s19], [sflag:$0x4], $0x80, s13, s16, $0xb8;
	[tilespmem:$0x1E000] =	vst v63  }
0xbc: {  	_ =	swait.ge [sflag:s14], $0x3E80  }
0xbd: {  	p1 =	seq.s32 s20, $0x0;
	[sflag:s14] =	ssyncset.done $0x0  }
0xbe: {  	s8 =	sadd.s32 @!p1 s20, s9;
	s21 =	simm.s32 $0x1080;
	[sflag:s14] =	ssyncadd.s32 $0xFFFFC180  }
0xbf: {  	[tilespmem:s19], [sflag:$0x2] =	stream.indirect.gather [hbm4b:s5+s16], $0x80, s21, s16, $0xb8;
	[tilespmem:$0x1E000] =	vst v63  }
0xc0: {  	s8 =	sadd.s32 @!p1 $0xA00, s8;
	s13 =	simm.s32 @!p1 $0x0  }
0xc1: {  	[tilespmem:s13], [sflag:$0x3] =	stream.linear.gather @!p1 [hbm4b:s8+s13], $0x800, $0x38;
	[tilespmem:$0x1E000] =	vst v63  }
0xc2: {  	s8 =	sadd.s32 @!p1 s20, s10  }
0xc3: {  	s21 =	simm.s32 @!p1 $0x800;
	s8 =	sadd.s32 @!p1 $0xA00, s8  }
0xc4: {  	[tilespmem:s21], [sflag:$0x3] =	stream.linear.gather @!p1 [hbm4b:s8+s13], $0x800, $0x38;
	[tilespmem:$0x1E000] =	vst v63  }
0xc5: {  	_ =	swait.ge [sflag:s25], $0x3E80  }
0xc6: {  	[sflag:s25] =	ssyncset.done $0x0  }
0xc7: {  	[sflag:s25] =	ssyncadd.s32 $0xFFFFC180  }
0xc8: {  	[spmem:s2] =	stream.indirect.scatter.add.f32 [tilespmem:s17], [sflag:$0x4], $0x80, s24, s16, $0xb8;
	[tilespmem:$0x1E000] =	vst v63  }
0xc9: {  	_ =	swait.ge [sflag:s14], $0x3E80  }
0xca: {  	[sflag:s14] =	ssyncset.done $0x0  }
0xcb: {  	s22 =	simm.s32 $0x1100;
	[sflag:s14] =	ssyncadd.s32 $0xFFFFC180  }
0xcc: {  	[tilespmem:s17], [sflag:$0x1] =	stream.indirect.gather [hbm4b:s5+s16], $0x80, s22, s16, $0xb8;
	[tilespmem:$0x1E000] =	vst v63  }
0xcd: {  	_ =	swait.ge [sflag:s28], $0x3E80  }
0xce: {  	[sflag:s28] =	ssyncset.done $0x0  }
0xcf: {  	s21 =	simm.s32 $0x1880;
	[sflag:s28] =	ssyncadd.s32 $0xFFFFC180  }
0xd0: {  	[spmem:s2] =	stream.indirect.scatter.add.f32 [tilespmem:s19], [sflag:$0x4], $0x80, s21, s16, $0xb8;
	[tilespmem:$0x1E000] =	vst v63  }
0xd1: {  	_ =	swait.ge [sflag:s14], $0x3E80  }
0xd2: {  	[sflag:s14] =	ssyncset.done $0x0  }
0xd3: {  	s22 =	simm.s32 $0x1180;
	[sflag:s14] =	ssyncadd.s32 $0xFFFFC180  }
0xd4: {  	[tilespmem:s19], [sflag:$0x2] =	stream.indirect.gather [hbm4b:s5+s16], $0x80, s22, s16, $0xb8;
	[tilespmem:$0x1E000] =	vst v63  }
0xd5: {  	_ =	swait.ge [sflag:s25], $0x3E80  }
0xd6: {  	[sflag:s25] =	ssyncset.done $0x0  }
0xd7: {  	s21 =	simm.s32 $0x1900;
	[sflag:s25] =	ssyncadd.s32 $0xFFFFC180  }
0xd8: {  	[spmem:s2] =	stream.indirect.scatter.add.f32 [tilespmem:s17], [sflag:$0x4], $0x80, s21, s16, $0xb8;
	[tilespmem:$0x1E000] =	vst v63  }
0xd9: {  	_ =	swait.ge [sflag:s14], $0x3E80  }
0xda: {  	[sflag:s14] =	ssyncset.done $0x0  }
0xdb: {  	s22 =	simm.s32 $0x1200;
	[sflag:s14] =	ssyncadd.s32 $0xFFFFC180  }
0xdc: {  	[tilespmem:s17], [sflag:$0x1] =	stream.indirect.gather [hbm4b:s5+s16], $0x80, s22, s16, $0xb8;
	[tilespmem:$0x1E000] =	vst v63  }
0xdd: {  	_ =	swait.ge [sflag:s28], $0x3E80  }
0xde: {  	[sflag:s28] =	ssyncset.done $0x0  }
0xdf: {  	s21 =	simm.s32 $0x1980;
	[sflag:s28] =	ssyncadd.s32 $0xFFFFC180  }
0xe0: {  	[spmem:s2] =	stream.indirect.scatter.add.f32 [tilespmem:s19], [sflag:$0x4], $0x80, s21, s16, $0xb8;
	[tilespmem:$0x1E000] =	vst v63  }
0xe1: {  	_ =	swait.ge [sflag:s14], $0x3E80  }
0xe2: {  	[sflag:s14] =	ssyncset.done $0x0  }
0xe3: {  	s22 =	simm.s32 $0x1280;
	[sflag:s14] =	ssyncadd.s32 $0xFFFFC180  }
0xe4: {  	[tilespmem:s19], [sflag:$0x2] =	stream.indirect.gather [hbm4b:s5+s16], $0x80, s22, s16, $0xb8;
	[tilespmem:$0x1E000] =	vst v63  }
0xe5: {  	_ =	swait.ge [sflag:s25], $0x3E80  }
0xe6: {  	[sflag:s25] =	ssyncset.done $0x0  }
0xe7: {  	s21 =	simm.s32 $0x1A00;
	[sflag:s25] =	ssyncadd.s32 $0xFFFFC180  }
0xe8: {  	[spmem:s2] =	stream.indirect.scatter.add.f32 [tilespmem:s17], [sflag:$0x4], $0x80, s21, s16, $0xb8;
	[tilespmem:$0x1E000] =	vst v63  }
0xe9: {  	_ =	swait.ge [sflag:s14], $0x3E80  }
0xea: {  	[sflag:s14] =	ssyncset.done $0x0  }
0xeb: {  	s22 =	simm.s32 $0x1300;
	[sflag:s14] =	ssyncadd.s32 $0xFFFFC180  }
0xec: {  	[tilespmem:s17], [sflag:$0x1] =	stream.indirect.gather [hbm4b:s5+s16], $0x80, s22, s16, $0xb8;
	[tilespmem:$0x1E000] =	vst v63  }
0xed: {  	_ =	swait.ge [sflag:s28], $0x3E80  }
0xee: {  	[sflag:s28] =	ssyncset.done $0x0  }
0xef: {  	s21 =	simm.s32 $0x1A80;
	[sflag:s28] =	ssyncadd.s32 $0xFFFFC180  }
0xf0: {  	[spmem:s2] =	stream.indirect.scatter.add.f32 [tilespmem:s19], [sflag:$0x4], $0x80, s21, s16, $0xb8;
	[tilespmem:$0x1E000] =	vst v63  }
0xf1: {  	_ =	swait.ge [sflag:s14], $0x3E80  }
0xf2: {  	[sflag:s14] =	ssyncset.done $0x0  }
0xf3: {  	s22 =	simm.s32 $0x1380;
	[sflag:s14] =	ssyncadd.s32 $0xFFFFC180  }
0xf4: {  	[tilespmem:s19], [sflag:$0x2] =	stream.indirect.gather [hbm4b:s5+s16], $0x80, s22, s16, $0xb8;
	[tilespmem:$0x1E000] =	vst v63  }
0xf5: {  	_ =	swait.ge [sflag:s25], $0x3E80  }
0xf6: {  	[sflag:s25] =	ssyncset.done $0x0  }
0xf7: {  	s21 =	simm.s32 $0x1B00;
	[sflag:s25] =	ssyncadd.s32 $0xFFFFC180  }
0xf8: {  	[spmem:s2] =	stream.indirect.scatter.add.f32 [tilespmem:s17], [sflag:$0x4], $0x80, s21, s16, $0xb8;
	[tilespmem:$0x1E000] =	vst v63  }
0xf9: {  	_ =	swait.ge [sflag:s14], $0x3E80  }
0xfa: {  	[sflag:s14] =	ssyncset.done $0x0  }
0xfb: {  	s22 =	simm.s32 $0x1400;
	[sflag:s14] =	ssyncadd.s32 $0xFFFFC180  }
0xfc: {  	[tilespmem:s17], [sflag:$0x1] =	stream.indirect.gather [hbm4b:s5+s16], $0x80, s22, s16, $0xb8;
	[tilespmem:$0x1E000] =	vst v63  }
0xfd: {  	_ =	swait.ge [sflag:s28], $0x3E80  }
0xfe: {  	[sflag:s28] =	ssyncset.done $0x0  }
0xff: {  	s21 =	simm.s32 $0x1B80;
	[sflag:s28] =	ssyncadd.s32 $0xFFFFC180  }
0x100: {  	[spmem:s2] =	stream.indirect.scatter.add.f32 [tilespmem:s19], [sflag:$0x4], $0x80, s21, s16, $0xb8;
	[tilespmem:$0x1E000] =	vst v63  }
0x101: {  	_ =	swait.ge [sflag:s14], $0x3E80  }
0x102: {  	[sflag:s14] =	ssyncset.done $0x0  }
0x103: {  	s22 =	simm.s32 $0x1480;
	[sflag:s14] =	ssyncadd.s32 $0xFFFFC180  }
0x104: {  	[tilespmem:s19], [sflag:$0x2] =	stream.indirect.gather [hbm4b:s5+s16], $0x80, s22, s16, $0xb8;
	[tilespmem:$0x1E000] =	vst v63  }
0x105: {  	_ =	swait.ge [sflag:s25], $0x3E80  }
0x106: {  	[sflag:s25] =	ssyncset.done $0x0  }
0x107: {  	s21 =	simm.s32 $0x1C00;
	[sflag:s25] =	ssyncadd.s32 $0xFFFFC180  }
0x108: {  	[spmem:s2] =	stream.indirect.scatter.add.f32 [tilespmem:s17], [sflag:$0x4], $0x80, s21, s16, $0xb8;
	[tilespmem:$0x1E000] =	vst v63  }
0x109: {  	_ =	swait.ge [sflag:s14], $0x3E80  }
0x10a: {  	[sflag:s14] =	ssyncset.done $0x0  }
0x10b: {  	s22 =	simm.s32 $0x1500;
	[sflag:s14] =	ssyncadd.s32 $0xFFFFC180  }
0x10c: {  	[tilespmem:s17], [sflag:$0x1] =	stream.indirect.gather [hbm4b:s5+s16], $0x80, s22, s16, $0xb8;
	[tilespmem:$0x1E000] =	vst v63  }
0x10d: {  	_ =	swait.ge [sflag:s28], $0x3E80  }
0x10e: {  	[sflag:s28] =	ssyncset.done $0x0  }
0x10f: {  	[sflag:s28] =	ssyncadd.s32 $0xFFFFC180  }
0x110: {  	[spmem:s2] =	stream.indirect.scatter.add.f32 [tilespmem:s19], [sflag:$0x4], $0x80, s18, s16, $0xb8;
	[tilespmem:$0x1E000] =	vst v63  }
0x111: {  	_ =	swait.ge [sflag:s14], $0x3E80  }
0x112: {  	[sflag:s14] =	ssyncset.done $0x0  }
0x113: {  	[sflag:s14] =	ssyncadd.s32 $0xFFFFC180  }
0x114: {  	[tilespmem:s19], [sflag:$0x2] =	stream.indirect.gather [hbm4b:s5+s16], $0x80, s26, s16, $0xb8;
	[tilespmem:$0x1E000] =	vst v63  }
0x115: {  	_ =	swait.ge [sflag:s25], $0x3E80  }
0x116: {  	[sflag:s25] =	ssyncset.done $0x0  }
0x117: {  	[sflag:s25] =	ssyncadd.s32 $0xFFFFC180  }
0x118: {  	[spmem:s2] =	stream.indirect.scatter.add.f32 [tilespmem:s17], [sflag:$0x4], $0x80, s29, s16, $0xb8;
	[tilespmem:$0x1E000] =	vst v63  }
0x119: {  	_ =	swait.ge [sflag:s14], $0x3E80  }
0x11a: {  	[sflag:s14] =	ssyncset.done $0x0  }
0x11b: {  	[sflag:s14] =	ssyncadd.s32 $0xFFFFC180  }
0x11c: {  	[tilespmem:s17], [sflag:$0x1] =	stream.indirect.gather [hbm4b:s5+s16], $0x80, s30, s16, $0xb8;
	[tilespmem:$0x1E000] =	vst v63  }
0x11d: {  	_ =	swait.ge [sflag:s28], $0x3E80  }
0x11e: {  	[sflag:s28] =	ssyncset.done $0x0  }
0x11f: {  	[sflag:s28] =	ssyncadd.s32 $0xFFFFC180  }
0x120: {  	[spmem:s2] =	stream.indirect.scatter.add.f32 [tilespmem:s19], [sflag:$0x4], $0x80, s31, s16, $0xb8;
	[tilespmem:$0x1E000] =	vst v63  }
0x121: {  	_ =	swait.ge [sflag:s14], $0x3E80  }
0x122: {  	[sflag:s14] =	ssyncset.done $0x0  }
0x123: {  	[sflag:s14] =	ssyncadd.s32 $0xFFFFC180  }
0x124: {  	[tilespmem:s19], [sflag:$0x2] =	stream.indirect.gather [hbm4b:s5+s16], $0x80, s0, s16, $0xb8;
	[tilespmem:$0x1E000] =	vst v63  }
0x125: {  	_ =	swait.ge [sflag:s25], $0x3E80  }
0x126: {  	[sflag:s25] =	ssyncset.done $0x0  }
0x127: {  	[sflag:s25] =	ssyncadd.s32 $0xFFFFC180  }
0x128: {  	[spmem:s2] =	stream.indirect.scatter.add.f32 [tilespmem:s17], [sflag:$0x4], $0x80, s1, s16, $0xb8;
	[tilespmem:$0x1E000] =	vst v63  }
0x129: {  	_ =	swait.ge [sflag:s14], $0x3E80  }
0x12a: {  	[sflag:s14] =	ssyncset.done $0x0  }
0x12b: {  	[sflag:s14] =	ssyncadd.s32 $0xFFFFC180  }
0x12c: {  	[tilespmem:s17], [sflag:$0x1] =	stream.indirect.gather [hbm4b:s5+s16], $0x80, s6, s16, $0xb8;
	[tilespmem:$0x1E000] =	vst v63  }
0x12d: {  	_ =	swait.ge [sflag:s28], $0x3E80  }
0x12e: {  	[sflag:s28] =	ssyncset.done $0x0  }
0x12f: {  	[sflag:s28] =	ssyncadd.s32 $0xFFFFC180  }
0x130: {  	[spmem:s2] =	stream.indirect.scatter.add.f32 [tilespmem:s19], [sflag:$0x4], $0x80, s7, s16, $0xb8;
	[tilespmem:$0x1E000] =	vst v63  }
0x131: {  	_ =	swait.ge [sflag:s14], $0x3E80  }
0x132: {  	[sflag:s14] =	ssyncset.done $0x0  }
0x133: {  	s8 =	simm.s32 @p1 $0x1;
	[sflag:s14] =	ssyncadd.s32 $0xFFFFC180  }
0x134: {  	[tilespmem:s19], [sflag:$0x2] =	stream.indirect.gather [hbm4b:s5+s16], $0x80, s11, s16, $0xb8;
	[tilespmem:$0x1E000] =	vst v63  }
0x135: {  	_ =	swait.ge @p1 [sflag:s8], $0x3E80  }
0x136: {  	s21 =	simm.s32 @p1 $0x1F00;
	[sflag:s8] =	ssyncset.done @p1 $0x0  }
0x137: {  	s22 =	simm.s32 @p1 $0x2000;
	[sflag:s8] =	ssyncadd.s32 @p1 $0xFFFFC180;
	s8 =	simm.s32 @p1 $0x7D  }
0x138: {  	[spmem:s2] =	stream.indirect.scatter.add.f32 @p1 [tilespmem:s22], [sflag:$0x4], $0x80, s21, s8, $0xb8;
	[tilespmem:$0x1E000] =	vst v63  }
0x139: {  	s8 =	simm.s32 @p1 $0x4  }
0x13a: {  	_ =	swait.ge @p1 [sflag:s8], $0x3E80  }
0x13b: {  	[sflag:s8] =	ssyncset.done @p1 $0x0  }
0x13c: {  	[sflag:s8] =	ssyncadd.s32 @p1 $0xFFFFC180;
	s8 =	simm.s32 @!p1 $0x3  }
0x13d: {  	_ =	swait.ge @!p1 [sflag:s8], $0x800  }
0x13e: {  	[sflag:s8] =	ssyncset.done @!p1 $0x0  }
0x13f: {  	[sflag:s8] =	ssyncadd.s32 @!p1 $0xFFFFF800  }
0x140: {  	_ =	swait.ge @!p1 [sflag:s8], $0x800  }
0x141: {  	[sflag:s8] =	ssyncset.done @!p1 $0x0  }
0x142: {  	[sflag:s8] =	ssyncadd.s32 @!p1 $0xFFFFF800;
	s8 =	simm.s32 @!p1 $0x1  }
0x143: {  	_ =	swait.ge @!p1 [sflag:s8], $0x3E80  }
0x144: {  	s21 =	simm.s32 @!p1 $0x1F00;
	[sflag:s8] =	ssyncset.done @!p1 $0x0  }
0x145: {  	s22 =	simm.s32 @!p1 $0x2000;
	[sflag:s8] =	ssyncadd.s32 @!p1 $0xFFFFC180;
	s8 =	simm.s32 @!p1 $0x7D  }
0x146: {  	[spmem:s2] =	stream.indirect.scatter.add.f32 @!p1 [tilespmem:s22], [sflag:$0x4], $0x80, s21, s8, $0xb8;
	[tilespmem:$0x1E000] =	vst v63  }
0x147: {  	s21 =	simm.s32 @!p1 $0x4  }
0x148: {  	_ =	swait.ge @!p1 [sflag:s21], $0x3E80  }
0x149: {  	[sflag:s21] =	ssyncset.done @!p1 $0x0  }
0x14a: {  	[sflag:s21] =	ssyncadd.s32 @!p1 $0xFFFFC180  }
0x14b: {  	[tilespmem:s22], [sflag:$0x1] =	stream.indirect.gather @!p1 [hbm4b:s5+s8], $0x80, s13, s8, $0xb8;
	[tilespmem:$0x1E000] =	vst v63  }
0x14c: {  	_ =	swait.ge [sflag:s28], $0x3E80  }
0x14d: {  	[sflag:s28] =	ssyncset.done $0x0  }
.Ltmp3:
0x14e: {  	[sflag:s28] =	ssyncadd.s32 $0xFFFFC180;
	(pc) =	sbr.rel @p1 .LBB2_8-.Ltmp3, $4  }
0x14f: {  	[spmem:s2] =	stream.indirect.scatter.add.f32 [tilespmem:s19], [sflag:$0x4], $0x80, s12, s16, $0xb8;
	[tilespmem:$0x1E000] =	vst v63  }
0x150: {  	_ =	swait.ge [sflag:s14], $0x3E80  }
0x151: {  	[sflag:s14] =	ssyncset.done $0x0  }
0x152: {  	[sflag:s14] =	ssyncadd.s32 $0xFFFFC180  }
.Ltmp4:
0x153: {  	(pc) =	sbr.rel .LBB2_7-.Ltmp4, $3  }
0x154: {  	_ =	sdelay $0x1  }
0x155: {  	s8 =	simm.s32 $0x80;
	s20 =	sadd.s32 $0x200, s20  }
0x156: {  	[tilespmem:s19], [sflag:$0x2] =	stream.indirect.gather [hbm4b:s5+s16], $0x80, s8, s16, $0xb8;
	[tilespmem:$0x1E000] =	vst v63  }
.LBB2_2:
0x157: {  	[tilespmem:s17], [sflag:$0x1] =	stream.indirect.gather [hbm4b:s4+s16], $0x80, s3, s16, $0xb8;
	[tilespmem:$0x1E000] =	vst v63  }
0x158: {  	s21 =	rddreg [dreg:$0x9]  }
0x159: {  	s8 =	simm.s32 $0x80;
	s22 =	rddreg [dreg:$0x6];
	s13 =	sor.u32 $0x1C04, s21  }
0x15a: {  	[tilespmem:s19], [sflag:$0x2] =	stream.indirect.gather [hbm4b:s4+s16], $0x80, s8, s16, $0xb8;
	[tilespmem:$0x1E000] =	vst v63  }
0x15b: {  	[dreg:$0xd] =	wrdreg s13  }
0x15c: {  	[spmem:s20], [sflag:s13] =	dma.local [hbm:s22], $0x2800  }
0x15d: {  	_ =	swait.ge [sflag:s14], $0x2800  }
0x15e: {  	[sflag:s14] =	ssyncset.done $0x0  }
0x15f: {  	[sflag:s14] =	ssyncadd.s32 $0xFFFFD800  }
0x160: {  	s20 =	simm.s32 $0xFFFFF800;
	[bflag:$0x0] =	sbarrier.arrive $0xFFFF  }
.LBB2_3:
0x161: {  	s13 =	sadd.s32 s20, s9  }
0x162: {  	s21 =	sadd.s32 s20, s10;
	s13 =	sadd.s32 $0x900, s13  }
0x163: {  	[tilespmem:s23], [sflag:$0x3] =	stream.linear.gather [hbm4b:s13+s3], $0x800, $0x38;
	[tilespmem:$0x1E000] =	vst v63  }
0x164: {  	s13 =	sadd.s32 $0x900, s21  }
0x165: {  	[tilespmem:s24], [sflag:$0x3] =	stream.linear.gather [hbm4b:s13+s3], $0x800, $0x38;
	[tilespmem:$0x1E000] =	vst v63  }
0x166: {  	_ =	swait.ge [sflag:s25], $0x3E80  }
0x167: {  	[sflag:s25] =	ssyncset.done $0x0  }
0x168: {  	s8 =	simm.s32 $0x800;
	[sflag:s25] =	ssyncadd.s32 $0xFFFFC180  }
0x169: {  	[spmem:s2] =	stream.indirect.scatter.add.f32 [tilespmem:s17], [sflag:$0x4], $0x80, s8, s16, $0xb8;
	[tilespmem:$0x1E000] =	vst v63  }
0x16a: {  	_ =	swait.ge [sflag:s14], $0x3E80  }
0x16b: {  	[sflag:s14] =	ssyncset.done $0x0  }
0x16c: {  	s22 =	simm.s32 $0x100;
	[sflag:s14] =	ssyncadd.s32 $0xFFFFC180  }
0x16d: {  	[tilespmem:s17], [sflag:$0x1] =	stream.indirect.gather [hbm4b:s4+s16], $0x80, s22, s16, $0xb8;
	[tilespmem:$0x1E000] =	vst v63  }
0x16e: {  	_ =	swait.ge [sflag:s28], $0x3E80  }
0x16f: {  	[sflag:s28] =	ssyncset.done $0x0  }
0x170: {  	s13 =	simm.s32 $0x880;
	[sflag:s28] =	ssyncadd.s32 $0xFFFFC180  }
0x171: {  	[spmem:s2] =	stream.indirect.scatter.add.f32 [tilespmem:s19], [sflag:$0x4], $0x80, s13, s16, $0xb8;
	[tilespmem:$0x1E000] =	vst v63  }
0x172: {  	_ =	swait.ge [sflag:s14], $0x3E80  }
0x173: {  	[sflag:s14] =	ssyncset.done $0x0  }
0x174: {  	s21 =	simm.s32 $0x180;
	[sflag:s14] =	ssyncadd.s32 $0xFFFFC180  }
0x175: {  	[tilespmem:s19], [sflag:$0x2] =	stream.indirect.gather [hbm4b:s4+s16], $0x80, s21, s16, $0xb8;
	[tilespmem:$0x1E000] =	vst v63  }
0x176: {  	_ =	swait.ge [sflag:s25], $0x3E80  }
0x177: {  	[sflag:s25] =	ssyncset.done $0x0  }
0x178: {  	s22 =	simm.s32 $0x900;
	[sflag:s25] =	ssyncadd.s32 $0xFFFFC180  }
0x179: {  	[spmem:s2] =	stream.indirect.scatter.add.f32 [tilespmem:s17], [sflag:$0x4], $0x80, s22, s16, $0xb8;
	[tilespmem:$0x1E000] =	vst v63  }
0x17a: {  	_ =	swait.ge [sflag:s14], $0x3E80  }
0x17b: {  	[sflag:s14] =	ssyncset.done $0x0  }
0x17c: {  	s13 =	simm.s32 $0x200;
	[sflag:s14] =	ssyncadd.s32 $0xFFFFC180  }
0x17d: {  	[tilespmem:s17], [sflag:$0x1] =	stream.indirect.gather [hbm4b:s4+s16], $0x80, s13, s16, $0xb8;
	[tilespmem:$0x1E000] =	vst v63  }
0x17e: {  	_ =	swait.ge [sflag:s28], $0x3E80  }
0x17f: {  	[sflag:s28] =	ssyncset.done $0x0  }
0x180: {  	s21 =	simm.s32 $0x980;
	[sflag:s28] =	ssyncadd.s32 $0xFFFFC180  }
0x181: {  	[spmem:s2] =	stream.indirect.scatter.add.f32 [tilespmem:s19], [sflag:$0x4], $0x80, s21, s16, $0xb8;
	[tilespmem:$0x1E000] =	vst v63  }
0x182: {  	_ =	swait.ge [sflag:s14], $0x3E80  }
0x183: {  	[sflag:s14] =	ssyncset.done $0x0  }
0x184: {  	s22 =	simm.s32 $0x280;
	[sflag:s14] =	ssyncadd.s32 $0xFFFFC180  }
0x185: {  	[tilespmem:s19], [sflag:$0x2] =	stream.indirect.gather [hbm4b:s4+s16], $0x80, s22, s16, $0xb8;
	[tilespmem:$0x1E000] =	vst v63  }
0x186: {  	_ =	swait.ge [sflag:s25], $0x3E80  }
0x187: {  	[sflag:s25] =	ssyncset.done $0x0  }
0x188: {  	s13 =	simm.s32 $0xA00;
	[sflag:s25] =	ssyncadd.s32 $0xFFFFC180  }
0x189: {  	[spmem:s2] =	stream.indirect.scatter.add.f32 [tilespmem:s17], [sflag:$0x4], $0x80, s13, s16, $0xb8;
	[tilespmem:$0x1E000] =	vst v63  }
0x18a: {  	_ =	swait.ge [sflag:s14], $0x3E80  }
0x18b: {  	[sflag:s14] =	ssyncset.done $0x0  }
0x18c: {  	s21 =	simm.s32 $0x300;
	[sflag:s14] =	ssyncadd.s32 $0xFFFFC180  }
0x18d: {  	[tilespmem:s17], [sflag:$0x1] =	stream.indirect.gather [hbm4b:s4+s16], $0x80, s21, s16, $0xb8;
	[tilespmem:$0x1E000] =	vst v63  }
0x18e: {  	_ =	swait.ge [sflag:s28], $0x3E80  }
0x18f: {  	[sflag:s28] =	ssyncset.done $0x0  }
0x190: {  	s22 =	simm.s32 $0xA80;
	[sflag:s28] =	ssyncadd.s32 $0xFFFFC180  }
0x191: {  	[spmem:s2] =	stream.indirect.scatter.add.f32 [tilespmem:s19], [sflag:$0x4], $0x80, s22, s16, $0xb8;
	[tilespmem:$0x1E000] =	vst v63  }
0x192: {  	_ =	swait.ge [sflag:s14], $0x3E80  }
0x193: {  	[sflag:s14] =	ssyncset.done $0x0  }
0x194: {  	s13 =	simm.s32 $0x380;
	[sflag:s14] =	ssyncadd.s32 $0xFFFFC180  }
0x195: {  	[tilespmem:s19], [sflag:$0x2] =	stream.indirect.gather [hbm4b:s4+s16], $0x80, s13, s16, $0xb8;
	[tilespmem:$0x1E000] =	vst v63  }
0x196: {  	_ =	swait.ge [sflag:s25], $0x3E80  }
0x197: {  	[sflag:s25] =	ssyncset.done $0x0  }
0x198: {  	s21 =	simm.s32 $0xB00;
	[sflag:s25] =	ssyncadd.s32 $0xFFFFC180  }
0x199: {  	[spmem:s2] =	stream.indirect.scatter.add.f32 [tilespmem:s17], [sflag:$0x4], $0x80, s21, s16, $0xb8;
	[tilespmem:$0x1E000] =	vst v63  }
0x19a: {  	_ =	swait.ge [sflag:s14], $0x3E80  }
0x19b: {  	[sflag:s14] =	ssyncset.done $0x0  }
0x19c: {  	s22 =	simm.s32 $0x400;
	[sflag:s14] =	ssyncadd.s32 $0xFFFFC180  }
0x19d: {  	[tilespmem:s17], [sflag:$0x1] =	stream.indirect.gather [hbm4b:s4+s16], $0x80, s22, s16, $0xb8;
	[tilespmem:$0x1E000] =	vst v63  }
0x19e: {  	_ =	swait.ge [sflag:s28], $0x3E80  }
0x19f: {  	[sflag:s28] =	ssyncset.done $0x0  }
0x1a0: {  	s13 =	simm.s32 $0xB80;
	[sflag:s28] =	ssyncadd.s32 $0xFFFFC180  }
0x1a1: {  	[spmem:s2] =	stream.indirect.scatter.add.f32 [tilespmem:s19], [sflag:$0x4], $0x80, s13, s16, $0xb8;
	[tilespmem:$0x1E000] =	vst v63  }
0x1a2: {  	_ =	swait.ge [sflag:s14], $0x3E80  }
0x1a3: {  	[sflag:s14] =	ssyncset.done $0x0  }
0x1a4: {  	s21 =	simm.s32 $0x480;
	[sflag:s14] =	ssyncadd.s32 $0xFFFFC180  }
0x1a5: {  	[tilespmem:s19], [sflag:$0x2] =	stream.indirect.gather [hbm4b:s4+s16], $0x80, s21, s16, $0xb8;
	[tilespmem:$0x1E000] =	vst v63  }
0x1a6: {  	_ =	swait.ge [sflag:s25], $0x3E80  }
0x1a7: {  	[sflag:s25] =	ssyncset.done $0x0  }
0x1a8: {  	s22 =	simm.s32 $0xC00;
	[sflag:s25] =	ssyncadd.s32 $0xFFFFC180  }
0x1a9: {  	[spmem:s2] =	stream.indirect.scatter.add.f32 [tilespmem:s17], [sflag:$0x4], $0x80, s22, s16, $0xb8;
	[tilespmem:$0x1E000] =	vst v63  }
0x1aa: {  	_ =	swait.ge [sflag:s14], $0x3E80  }
0x1ab: {  	[sflag:s14] =	ssyncset.done $0x0  }
0x1ac: {  	s13 =	simm.s32 $0x500;
	[sflag:s14] =	ssyncadd.s32 $0xFFFFC180  }
0x1ad: {  	[tilespmem:s17], [sflag:$0x1] =	stream.indirect.gather [hbm4b:s4+s16], $0x80, s13, s16, $0xb8;
	[tilespmem:$0x1E000] =	vst v63  }
0x1ae: {  	_ =	swait.ge [sflag:s28], $0x3E80  }
0x1af: {  	[sflag:s28] =	ssyncset.done $0x0  }
0x1b0: {  	s21 =	simm.s32 $0xC80;
	[sflag:s28] =	ssyncadd.s32 $0xFFFFC180  }
0x1b1: {  	[spmem:s2] =	stream.indirect.scatter.add.f32 [tilespmem:s19], [sflag:$0x4], $0x80, s21, s16, $0xb8;
	[tilespmem:$0x1E000] =	vst v63  }
0x1b2: {  	_ =	swait.ge [sflag:s14], $0x3E80  }
0x1b3: {  	[sflag:s14] =	ssyncset.done $0x0  }
0x1b4: {  	s22 =	simm.s32 $0x580;
	[sflag:s14] =	ssyncadd.s32 $0xFFFFC180  }
0x1b5: {  	[tilespmem:s19], [sflag:$0x2] =	stream.indirect.gather [hbm4b:s4+s16], $0x80, s22, s16, $0xb8;
	[tilespmem:$0x1E000] =	vst v63  }
0x1b6: {  	_ =	swait.ge [sflag:s25], $0x3E80  }
0x1b7: {  	[sflag:s25] =	ssyncset.done $0x0  }
0x1b8: {  	s13 =	simm.s32 $0xD00;
	[sflag:s25] =	ssyncadd.s32 $0xFFFFC180  }
0x1b9: {  	[spmem:s2] =	stream.indirect.scatter.add.f32 [tilespmem:s17], [sflag:$0x4], $0x80, s13, s16, $0xb8;
	[tilespmem:$0x1E000] =	vst v63  }
0x1ba: {  	_ =	swait.ge [sflag:s14], $0x3E80  }
0x1bb: {  	[sflag:s14] =	ssyncset.done $0x0  }
0x1bc: {  	s21 =	simm.s32 $0x600;
	[sflag:s14] =	ssyncadd.s32 $0xFFFFC180  }
0x1bd: {  	[tilespmem:s17], [sflag:$0x1] =	stream.indirect.gather [hbm4b:s4+s16], $0x80, s21, s16, $0xb8;
	[tilespmem:$0x1E000] =	vst v63  }
0x1be: {  	_ =	swait.ge [sflag:s28], $0x3E80  }
0x1bf: {  	[sflag:s28] =	ssyncset.done $0x0  }
0x1c0: {  	s22 =	simm.s32 $0xD80;
	[sflag:s28] =	ssyncadd.s32 $0xFFFFC180  }
0x1c1: {  	[spmem:s2] =	stream.indirect.scatter.add.f32 [tilespmem:s19], [sflag:$0x4], $0x80, s22, s16, $0xb8;
	[tilespmem:$0x1E000] =	vst v63  }
0x1c2: {  	_ =	swait.ge [sflag:s14], $0x3E80  }
0x1c3: {  	[sflag:s14] =	ssyncset.done $0x0  }
0x1c4: {  	s13 =	simm.s32 $0x680;
	[sflag:s14] =	ssyncadd.s32 $0xFFFFC180  }
0x1c5: {  	[tilespmem:s19], [sflag:$0x2] =	stream.indirect.gather [hbm4b:s4+s16], $0x80, s13, s16, $0xb8;
	[tilespmem:$0x1E000] =	vst v63  }
0x1c6: {  	_ =	swait.ge [sflag:s25], $0x3E80  }
0x1c7: {  	[sflag:s25] =	ssyncset.done $0x0  }
0x1c8: {  	s21 =	simm.s32 $0xE00;
	[sflag:s25] =	ssyncadd.s32 $0xFFFFC180  }
0x1c9: {  	[spmem:s2] =	stream.indirect.scatter.add.f32 [tilespmem:s17], [sflag:$0x4], $0x80, s21, s16, $0xb8;
	[tilespmem:$0x1E000] =	vst v63  }
0x1ca: {  	_ =	swait.ge [sflag:s14], $0x3E80  }
0x1cb: {  	[sflag:s14] =	ssyncset.done $0x0  }
0x1cc: {  	s22 =	simm.s32 $0x700;
	[sflag:s14] =	ssyncadd.s32 $0xFFFFC180  }
0x1cd: {  	[tilespmem:s17], [sflag:$0x1] =	stream.indirect.gather [hbm4b:s4+s16], $0x80, s22, s16, $0xb8;
	[tilespmem:$0x1E000] =	vst v63  }
0x1ce: {  	_ =	swait.ge [sflag:s28], $0x3E80  }
0x1cf: {  	[sflag:s28] =	ssyncset.done $0x0  }
0x1d0: {  	s13 =	simm.s32 $0xE80;
	[sflag:s28] =	ssyncadd.s32 $0xFFFFC180  }
0x1d1: {  	[spmem:s2] =	stream.indirect.scatter.add.f32 [tilespmem:s19], [sflag:$0x4], $0x80, s13, s16, $0xb8;
	[tilespmem:$0x1E000] =	vst v63  }
0x1d2: {  	_ =	swait.ge [sflag:s14], $0x3E80  }
0x1d3: {  	[sflag:s14] =	ssyncset.done $0x0  }
0x1d4: {  	s21 =	simm.s32 $0x780;
	[sflag:s14] =	ssyncadd.s32 $0xFFFFC180  }
0x1d5: {  	[tilespmem:s19], [sflag:$0x2] =	stream.indirect.gather [hbm4b:s4+s16], $0x80, s21, s16, $0xb8;
	[tilespmem:$0x1E000] =	vst v63  }
0x1d6: {  	_ =	swait.ge [sflag:s15], $0x800  }
0x1d7: {  	[sflag:s15] =	ssyncset.done $0x0  }
0x1d8: {  	[sflag:s15] =	ssyncadd.s32 $0xFFFFF800  }
0x1d9: {  	_ =	swait.ge [sflag:s15], $0x800  }
0x1da: {  	[sflag:s15] =	ssyncset.done $0x0  }
0x1db: {  	[sflag:s15] =	ssyncadd.s32 $0xFFFFF800  }
0x1dc: {  	_ =	swait.ge [sflag:s25], $0x3E80  }
0x1dd: {  	[sflag:s25] =	ssyncset.done $0x0  }
0x1de: {  	s22 =	simm.s32 $0xF00;
	[sflag:s25] =	ssyncadd.s32 $0xFFFFC180  }
0x1df: {  	[spmem:s2] =	stream.indirect.scatter.add.f32 [tilespmem:s17], [sflag:$0x4], $0x80, s22, s16, $0xb8;
	[tilespmem:$0x1E000] =	vst v63  }
0x1e0: {  	_ =	swait.ge [sflag:s14], $0x3E80  }
0x1e1: {  	[sflag:s14] =	ssyncset.done $0x0  }
0x1e2: {  	[sflag:s14] =	ssyncadd.s32 $0xFFFFC180  }
0x1e3: {  	[tilespmem:s17], [sflag:$0x1] =	stream.indirect.gather [hbm4b:s4+s16], $0x80, s23, s16, $0xb8;
	[tilespmem:$0x1E000] =	vst v63  }
0x1e4: {  	_ =	swait.ge [sflag:s28], $0x3E80  }
0x1e5: {  	[sflag:s28] =	ssyncset.done $0x0  }
0x1e6: {  	s13 =	simm.s32 $0xF80;
	[sflag:s28] =	ssyncadd.s32 $0xFFFFC180  }
0x1e7: {  	[spmem:s2] =	stream.indirect.scatter.add.f32 [tilespmem:s19], [sflag:$0x4], $0x80, s13, s16, $0xb8;
	[tilespmem:$0x1E000] =	vst v63  }
0x1e8: {  	_ =	swait.ge [sflag:s14], $0x3E80  }
0x1e9: {  	p1 =	seq.s32 s20, $0x0;
	[sflag:s14] =	ssyncset.done $0x0  }
0x1ea: {  	s21 =	simm.s32 $0x1080;
	s13 =	sadd.s32 @!p1 s20, s9;
	[sflag:s14] =	ssyncadd.s32 $0xFFFFC180  }
0x1eb: {  	[tilespmem:s19], [sflag:$0x2] =	stream.indirect.gather [hbm4b:s4+s16], $0x80, s21, s16, $0xb8;
	[tilespmem:$0x1E000] =	vst v63  }
0x1ec: {  	s21 =	sadd.s32 @!p1 $0xA00, s13;
	s13 =	simm.s32 @!p1 $0x0  }
0x1ed: {  	[tilespmem:s13], [sflag:$0x3] =	stream.linear.gather @!p1 [hbm4b:s21+s13], $0x800, $0x38;
	[tilespmem:$0x1E000] =	vst v63  }
0x1ee: {  	s21 =	sadd.s32 @!p1 s20, s10  }
0x1ef: {  	s8 =	simm.s32 @!p1 $0x800;
	s21 =	sadd.s32 @!p1 $0xA00, s21  }
0x1f0: {  	[tilespmem:s8], [sflag:$0x3] =	stream.linear.gather @!p1 [hbm4b:s21+s13], $0x800, $0x38;
	[tilespmem:$0x1E000] =	vst v63  }
0x1f1: {  	_ =	swait.ge [sflag:s25], $0x3E80  }
0x1f2: {  	[sflag:s25] =	ssyncset.done $0x0  }
0x1f3: {  	[sflag:s25] =	ssyncadd.s32 $0xFFFFC180  }
0x1f4: {  	[spmem:s2] =	stream.indirect.scatter.add.f32 [tilespmem:s17], [sflag:$0x4], $0x80, s24, s16, $0xb8;
	[tilespmem:$0x1E000] =	vst v63  }
0x1f5: {  	_ =	swait.ge [sflag:s14], $0x3E80  }
0x1f6: {  	[sflag:s14] =	ssyncset.done $0x0  }
0x1f7: {  	s22 =	simm.s32 $0x1100;
	[sflag:s14] =	ssyncadd.s32 $0xFFFFC180  }
0x1f8: {  	[tilespmem:s17], [sflag:$0x1] =	stream.indirect.gather [hbm4b:s4+s16], $0x80, s22, s16, $0xb8;
	[tilespmem:$0x1E000] =	vst v63  }
0x1f9: {  	_ =	swait.ge [sflag:s28], $0x3E80  }
0x1fa: {  	[sflag:s28] =	ssyncset.done $0x0  }
0x1fb: {  	s21 =	simm.s32 $0x1880;
	[sflag:s28] =	ssyncadd.s32 $0xFFFFC180  }
0x1fc: {  	[spmem:s2] =	stream.indirect.scatter.add.f32 [tilespmem:s19], [sflag:$0x4], $0x80, s21, s16, $0xb8;
	[tilespmem:$0x1E000] =	vst v63  }
0x1fd: {  	_ =	swait.ge [sflag:s14], $0x3E80  }
0x1fe: {  	[sflag:s14] =	ssyncset.done $0x0  }
0x1ff: {  	s22 =	simm.s32 $0x1180;
	[sflag:s14] =	ssyncadd.s32 $0xFFFFC180  }
0x200: {  	[tilespmem:s19], [sflag:$0x2] =	stream.indirect.gather [hbm4b:s4+s16], $0x80, s22, s16, $0xb8;
	[tilespmem:$0x1E000] =	vst v63  }
0x201: {  	_ =	swait.ge [sflag:s25], $0x3E80  }
0x202: {  	[sflag:s25] =	ssyncset.done $0x0  }
0x203: {  	s21 =	simm.s32 $0x1900;
	[sflag:s25] =	ssyncadd.s32 $0xFFFFC180  }
0x204: {  	[spmem:s2] =	stream.indirect.scatter.add.f32 [tilespmem:s17], [sflag:$0x4], $0x80, s21, s16, $0xb8;
	[tilespmem:$0x1E000] =	vst v63  }
0x205: {  	_ =	swait.ge [sflag:s14], $0x3E80  }
0x206: {  	[sflag:s14] =	ssyncset.done $0x0  }
0x207: {  	s22 =	simm.s32 $0x1200;
	[sflag:s14] =	ssyncadd.s32 $0xFFFFC180  }
0x208: {  	[tilespmem:s17], [sflag:$0x1] =	stream.indirect.gather [hbm4b:s4+s16], $0x80, s22, s16, $0xb8;
	[tilespmem:$0x1E000] =	vst v63  }
0x209: {  	_ =	swait.ge [sflag:s28], $0x3E80  }
0x20a: {  	[sflag:s28] =	ssyncset.done $0x0  }
0x20b: {  	s21 =	simm.s32 $0x1980;
	[sflag:s28] =	ssyncadd.s32 $0xFFFFC180  }
0x20c: {  	[spmem:s2] =	stream.indirect.scatter.add.f32 [tilespmem:s19], [sflag:$0x4], $0x80, s21, s16, $0xb8;
	[tilespmem:$0x1E000] =	vst v63  }
0x20d: {  	_ =	swait.ge [sflag:s14], $0x3E80  }
0x20e: {  	[sflag:s14] =	ssyncset.done $0x0  }
0x20f: {  	s22 =	simm.s32 $0x1280;
	[sflag:s14] =	ssyncadd.s32 $0xFFFFC180  }
0x210: {  	[tilespmem:s19], [sflag:$0x2] =	stream.indirect.gather [hbm4b:s4+s16], $0x80, s22, s16, $0xb8;
	[tilespmem:$0x1E000] =	vst v63  }
0x211: {  	_ =	swait.ge [sflag:s25], $0x3E80  }
0x212: {  	[sflag:s25] =	ssyncset.done $0x0  }
0x213: {  	s21 =	simm.s32 $0x1A00;
	[sflag:s25] =	ssyncadd.s32 $0xFFFFC180  }
0x214: {  	[spmem:s2] =	stream.indirect.scatter.add.f32 [tilespmem:s17], [sflag:$0x4], $0x80, s21, s16, $0xb8;
	[tilespmem:$0x1E000] =	vst v63  }
0x215: {  	_ =	swait.ge [sflag:s14], $0x3E80  }
0x216: {  	[sflag:s14] =	ssyncset.done $0x0  }
0x217: {  	s22 =	simm.s32 $0x1300;
	[sflag:s14] =	ssyncadd.s32 $0xFFFFC180  }
0x218: {  	[tilespmem:s17], [sflag:$0x1] =	stream.indirect.gather [hbm4b:s4+s16], $0x80, s22, s16, $0xb8;
	[tilespmem:$0x1E000] =	vst v63  }
0x219: {  	_ =	swait.ge [sflag:s28], $0x3E80  }
0x21a: {  	[sflag:s28] =	ssyncset.done $0x0  }
0x21b: {  	s21 =	simm.s32 $0x1A80;
	[sflag:s28] =	ssyncadd.s32 $0xFFFFC180  }
0x21c: {  	[spmem:s2] =	stream.indirect.scatter.add.f32 [tilespmem:s19], [sflag:$0x4], $0x80, s21, s16, $0xb8;
	[tilespmem:$0x1E000] =	vst v63  }
0x21d: {  	_ =	swait.ge [sflag:s14], $0x3E80  }
0x21e: {  	[sflag:s14] =	ssyncset.done $0x0  }
0x21f: {  	s22 =	simm.s32 $0x1380;
	[sflag:s14] =	ssyncadd.s32 $0xFFFFC180  }
0x220: {  	[tilespmem:s19], [sflag:$0x2] =	stream.indirect.gather [hbm4b:s4+s16], $0x80, s22, s16, $0xb8;
	[tilespmem:$0x1E000] =	vst v63  }
0x221: {  	_ =	swait.ge [sflag:s25], $0x3E80  }
0x222: {  	[sflag:s25] =	ssyncset.done $0x0  }
0x223: {  	s21 =	simm.s32 $0x1B00;
	[sflag:s25] =	ssyncadd.s32 $0xFFFFC180  }
0x224: {  	[spmem:s2] =	stream.indirect.scatter.add.f32 [tilespmem:s17], [sflag:$0x4], $0x80, s21, s16, $0xb8;
	[tilespmem:$0x1E000] =	vst v63  }
0x225: {  	_ =	swait.ge [sflag:s14], $0x3E80  }
0x226: {  	[sflag:s14] =	ssyncset.done $0x0  }
0x227: {  	s22 =	simm.s32 $0x1400;
	[sflag:s14] =	ssyncadd.s32 $0xFFFFC180  }
0x228: {  	[tilespmem:s17], [sflag:$0x1] =	stream.indirect.gather [hbm4b:s4+s16], $0x80, s22, s16, $0xb8;
	[tilespmem:$0x1E000] =	vst v63  }
0x229: {  	_ =	swait.ge [sflag:s28], $0x3E80  }
0x22a: {  	[sflag:s28] =	ssyncset.done $0x0  }
0x22b: {  	s21 =	simm.s32 $0x1B80;
	[sflag:s28] =	ssyncadd.s32 $0xFFFFC180  }
0x22c: {  	[spmem:s2] =	stream.indirect.scatter.add.f32 [tilespmem:s19], [sflag:$0x4], $0x80, s21, s16, $0xb8;
	[tilespmem:$0x1E000] =	vst v63  }
0x22d: {  	_ =	swait.ge [sflag:s14], $0x3E80  }
0x22e: {  	[sflag:s14] =	ssyncset.done $0x0  }
0x22f: {  	s22 =	simm.s32 $0x1480;
	[sflag:s14] =	ssyncadd.s32 $0xFFFFC180  }
0x230: {  	[tilespmem:s19], [sflag:$0x2] =	stream.indirect.gather [hbm4b:s4+s16], $0x80, s22, s16, $0xb8;
	[tilespmem:$0x1E000] =	vst v63  }
0x231: {  	_ =	swait.ge [sflag:s25], $0x3E80  }
0x232: {  	[sflag:s25] =	ssyncset.done $0x0  }
0x233: {  	s21 =	simm.s32 $0x1C00;
	[sflag:s25] =	ssyncadd.s32 $0xFFFFC180  }
0x234: {  	[spmem:s2] =	stream.indirect.scatter.add.f32 [tilespmem:s17], [sflag:$0x4], $0x80, s21, s16, $0xb8;
	[tilespmem:$0x1E000] =	vst v63  }
0x235: {  	_ =	swait.ge [sflag:s14], $0x3E80  }
0x236: {  	[sflag:s14] =	ssyncset.done $0x0  }
0x237: {  	s22 =	simm.s32 $0x1500;
	[sflag:s14] =	ssyncadd.s32 $0xFFFFC180  }
0x238: {  	[tilespmem:s17], [sflag:$0x1] =	stream.indirect.gather [hbm4b:s4+s16], $0x80, s22, s16, $0xb8;
	[tilespmem:$0x1E000] =	vst v63  }
0x239: {  	_ =	swait.ge [sflag:s28], $0x3E80  }
0x23a: {  	[sflag:s28] =	ssyncset.done $0x0  }
0x23b: {  	[sflag:s28] =	ssyncadd.s32 $0xFFFFC180  }
0x23c: {  	[spmem:s2] =	stream.indirect.scatter.add.f32 [tilespmem:s19], [sflag:$0x4], $0x80, s18, s16, $0xb8;
	[tilespmem:$0x1E000] =	vst v63  }
0x23d: {  	_ =	swait.ge [sflag:s14], $0x3E80  }
0x23e: {  	[sflag:s14] =	ssyncset.done $0x0  }
0x23f: {  	[sflag:s14] =	ssyncadd.s32 $0xFFFFC180  }
0x240: {  	[tilespmem:s19], [sflag:$0x2] =	stream.indirect.gather [hbm4b:s4+s16], $0x80, s26, s16, $0xb8;
	[tilespmem:$0x1E000] =	vst v63  }
0x241: {  	_ =	swait.ge [sflag:s25], $0x3E80  }
0x242: {  	[sflag:s25] =	ssyncset.done $0x0  }
0x243: {  	[sflag:s25] =	ssyncadd.s32 $0xFFFFC180  }
0x244: {  	[spmem:s2] =	stream.indirect.scatter.add.f32 [tilespmem:s17], [sflag:$0x4], $0x80, s29, s16, $0xb8;
	[tilespmem:$0x1E000] =	vst v63  }
0x245: {  	_ =	swait.ge [sflag:s14], $0x3E80  }
0x246: {  	[sflag:s14] =	ssyncset.done $0x0  }
0x247: {  	[sflag:s14] =	ssyncadd.s32 $0xFFFFC180  }
0x248: {  	[tilespmem:s17], [sflag:$0x1] =	stream.indirect.gather [hbm4b:s4+s16], $0x80, s30, s16, $0xb8;
	[tilespmem:$0x1E000] =	vst v63  }
0x249: {  	_ =	swait.ge [sflag:s28], $0x3E80  }
0x24a: {  	[sflag:s28] =	ssyncset.done $0x0  }
0x24b: {  	[sflag:s28] =	ssyncadd.s32 $0xFFFFC180  }
0x24c: {  	[spmem:s2] =	stream.indirect.scatter.add.f32 [tilespmem:s19], [sflag:$0x4], $0x80, s31, s16, $0xb8;
	[tilespmem:$0x1E000] =	vst v63  }
0x24d: {  	_ =	swait.ge [sflag:s14], $0x3E80  }
0x24e: {  	[sflag:s14] =	ssyncset.done $0x0  }
0x24f: {  	[sflag:s14] =	ssyncadd.s32 $0xFFFFC180  }
0x250: {  	[tilespmem:s19], [sflag:$0x2] =	stream.indirect.gather [hbm4b:s4+s16], $0x80, s0, s16, $0xb8;
	[tilespmem:$0x1E000] =	vst v63  }
0x251: {  	_ =	swait.ge [sflag:s25], $0x3E80  }
0x252: {  	[sflag:s25] =	ssyncset.done $0x0  }
0x253: {  	[sflag:s25] =	ssyncadd.s32 $0xFFFFC180  }
0x254: {  	[spmem:s2] =	stream.indirect.scatter.add.f32 [tilespmem:s17], [sflag:$0x4], $0x80, s1, s16, $0xb8;
	[tilespmem:$0x1E000] =	vst v63  }
0x255: {  	_ =	swait.ge [sflag:s14], $0x3E80  }
0x256: {  	[sflag:s14] =	ssyncset.done $0x0  }
0x257: {  	[sflag:s14] =	ssyncadd.s32 $0xFFFFC180  }
0x258: {  	[tilespmem:s17], [sflag:$0x1] =	stream.indirect.gather [hbm4b:s4+s16], $0x80, s6, s16, $0xb8;
	[tilespmem:$0x1E000] =	vst v63  }
0x259: {  	_ =	swait.ge [sflag:s28], $0x3E80  }
0x25a: {  	[sflag:s28] =	ssyncset.done $0x0  }
0x25b: {  	[sflag:s28] =	ssyncadd.s32 $0xFFFFC180  }
0x25c: {  	[spmem:s2] =	stream.indirect.scatter.add.f32 [tilespmem:s19], [sflag:$0x4], $0x80, s7, s16, $0xb8;
	[tilespmem:$0x1E000] =	vst v63  }
0x25d: {  	_ =	swait.ge [sflag:s14], $0x3E80  }
0x25e: {  	[sflag:s14] =	ssyncset.done $0x0  }
0x25f: {  	s8 =	simm.s32 @p1 $0x1;
	[sflag:s14] =	ssyncadd.s32 $0xFFFFC180  }
0x260: {  	[tilespmem:s19], [sflag:$0x2] =	stream.indirect.gather [hbm4b:s4+s16], $0x80, s11, s16, $0xb8;
	[tilespmem:$0x1E000] =	vst v63  }
0x261: {  	_ =	swait.ge @p1 [sflag:s8], $0x3E80  }
0x262: {  	s21 =	simm.s32 @p1 $0x1F00;
	[sflag:s8] =	ssyncset.done @p1 $0x0  }
0x263: {  	s22 =	simm.s32 @p1 $0x2000;
	[sflag:s8] =	ssyncadd.s32 @p1 $0xFFFFC180;
	s8 =	simm.s32 @p1 $0x7D  }
0x264: {  	[spmem:s2] =	stream.indirect.scatter.add.f32 @p1 [tilespmem:s22], [sflag:$0x4], $0x80, s21, s8, $0xb8;
	[tilespmem:$0x1E000] =	vst v63  }
0x265: {  	s8 =	simm.s32 @p1 $0x4  }
0x266: {  	_ =	swait.ge @p1 [sflag:s8], $0x3E80  }
0x267: {  	[sflag:s8] =	ssyncset.done @p1 $0x0  }
0x268: {  	[sflag:s8] =	ssyncadd.s32 @p1 $0xFFFFC180;
	s8 =	simm.s32 @!p1 $0x3  }
0x269: {  	_ =	swait.ge @!p1 [sflag:s8], $0x800  }
0x26a: {  	[sflag:s8] =	ssyncset.done @!p1 $0x0  }
0x26b: {  	[sflag:s8] =	ssyncadd.s32 @!p1 $0xFFFFF800  }
0x26c: {  	_ =	swait.ge @!p1 [sflag:s8], $0x800  }
0x26d: {  	[sflag:s8] =	ssyncset.done @!p1 $0x0  }
0x26e: {  	[sflag:s8] =	ssyncadd.s32 @!p1 $0xFFFFF800;
	s8 =	simm.s32 @!p1 $0x1  }
0x26f: {  	_ =	swait.ge @!p1 [sflag:s8], $0x3E80  }
0x270: {  	s21 =	simm.s32 @!p1 $0x1F00;
	[sflag:s8] =	ssyncset.done @!p1 $0x0  }
0x271: {  	s22 =	simm.s32 @!p1 $0x2000;
	[sflag:s8] =	ssyncadd.s32 @!p1 $0xFFFFC180;
	s8 =	simm.s32 @!p1 $0x7D  }
0x272: {  	[spmem:s2] =	stream.indirect.scatter.add.f32 @!p1 [tilespmem:s22], [sflag:$0x4], $0x80, s21, s8, $0xb8;
	[tilespmem:$0x1E000] =	vst v63  }
0x273: {  	s21 =	simm.s32 @!p1 $0x4  }
0x274: {  	_ =	swait.ge @!p1 [sflag:s21], $0x3E80  }
0x275: {  	[sflag:s21] =	ssyncset.done @!p1 $0x0  }
0x276: {  	[sflag:s21] =	ssyncadd.s32 @!p1 $0xFFFFC180  }
0x277: {  	[tilespmem:s22], [sflag:$0x1] =	stream.indirect.gather @!p1 [hbm4b:s4+s8], $0x80, s13, s8, $0xb8;
	[tilespmem:$0x1E000] =	vst v63  }
0x278: {  	_ =	swait.ge [sflag:s28], $0x3E80  }
0x279: {  	[sflag:s28] =	ssyncset.done $0x0  }
.Ltmp5:
0x27a: {  	[sflag:s28] =	ssyncadd.s32 $0xFFFFC180;
	(pc) =	sbr.rel @p1 .LBB2_4-.Ltmp5, $4  }
0x27b: {  	[spmem:s2] =	stream.indirect.scatter.add.f32 [tilespmem:s19], [sflag:$0x4], $0x80, s12, s16, $0xb8;
	[tilespmem:$0x1E000] =	vst v63  }
0x27c: {  	_ =	swait.ge [sflag:s14], $0x3E80  }
0x27d: {  	[sflag:s14] =	ssyncset.done $0x0  }
0x27e: {  	[sflag:s14] =	ssyncadd.s32 $0xFFFFC180  }
.Ltmp6:
0x27f: {  	(pc) =	sbr.rel .LBB2_3-.Ltmp6, $3  }
0x280: {  	_ =	sdelay $0x1  }
0x281: {  	s8 =	simm.s32 $0x80;
	s20 =	sadd.s32 $0x200, s20  }
0x282: {  	[tilespmem:s19], [sflag:$0x2] =	stream.indirect.gather [hbm4b:s4+s16], $0x80, s8, s16, $0xb8;
	[tilespmem:$0x1E000] =	vst v63  }
.LBB2_4:
.Ltmp7:
0x283: {  	(pc) =	sbr.rel .LBB2_9-.Ltmp7, $4  }
0x284: {  	_ = 	snop  }
0x285: {  	s13 =	rddreg [dreg:$0x3]  }
0x286: {  	s21 =	rddreg [dreg:$0xc]  }
0x287: {  	s22 =	rddreg [dreg:$0xd]  }
.LBB2_10:
0x288: {  	_ =	sfence.sel $0x180000  }
0x289: {  	[bflag:$0x0] =	sbarrier.arrive $0xFFFF  }
0x28a: {  	_ =	strace $0x9000004A  }
0x28b: {  	s0 =	stileid.u32;
	[bflag:$0x2] =	sbarrier.arrive $0xFFFF  }
0x28c: {  	p0 =	sne.s32 s0, $0x0;
	s0 =	rddreg [dreg:$0x2]  }
0x28d: {  	s0 =	sadd.s32 @!p0 $0x100000, s0  }
0x28e: {  	[sflag:s0] =	ssyncadd.tile.s32 @!p0 $0x1;
	_ =	shalt  }
.Lfunc_end2:
_tile_overlayer_lowered:
.L_overlay_start_2:
0x28f: {  	(tag) =	ssettag $0x2  }
0x290: {  	s0 =	rddreg [dreg:$0x0];
	s2 =	stileid.u32  }
0x291: {  	s1 =	rddreg [dreg:$0x1];
	p0 =	sne.s32 s2, $0x0  }
0x292: {  	s3 =	rddreg [dreg:$0x2];
	[bflag:$0x3] =	sbarrier.arrive $0xFFFF;
	s2 =	simm.s32 @!p0 $0x1C04  }
0x293: {  	[timem:s3], [sflag:s2] =	dma.local @!p0 [hbm:s0], s1  }
0x294: {  	s0 =	simm.s32 @!p0 $0x4  }
0x295: {  	_ =	swait.ge @!p0 [sflag:s0], s1  }
0x296: {  	s1 =	ssub.s32 @!p0 $0x0, s1;
	[sflag:s0] =	ssyncset.done @!p0 $0x0  }
0x297: {  	[sflag:s0] =	ssyncadd.s32 @!p0 s1  }
0x298: {  	[bflag:$0x3] =	sbarrier.arrive $0xFFFF  }
0x299: {  	_ =	shalt  }

// kernel: kernel.14.cloned.1.call-start
scs
__scs_entry_jumppad:
0x0: {  	(pc) =	sbr.rel $0x88, $3  }
0x1: {  	(tag) =	ssettag $0x0;
	lr =	simm.s32 $0x1  }
0x2: {  	[smem:$0x3F8F] =	sst lr;
	_ =	strace $0xD0000000  }
0x3: {  	_ = 	snop  }
0x4: {  	_ = 	snop  }
0x5: {  	_ = 	snop  }
0x6: {  	_ = 	snop  }
0x7: {  	_ = 	snop  }
__scs_overlays_trampoline_lowered:
0x8: {  	[smem:$0x3F9E] =	sst s0  }
0x9: {  	[smem:$0x3F9F] =	sst s1  }
0xa: {  	[smem:$0x3FA0] =	sst s2  }
0xb: {  	[smem:$0x3FA1] =	sst s3  }
0xc: {  	[smem:$0x3FA2] =	sst s4  }
0xd: {  	[smem:$0x3FA3] =	sst s5  }
0xe: {  	[smem:$0x3FA4] =	sst s6  }
0xf: {  	[smem:$0x3FA5] =	sst s7  }
0x10: {  	[smem:$0x3FA6] =	sst s8  }
0x11: {  	[smem:$0x3FA7] =	sst s9;
	s0 =	simm.s32 @!p0 $0x0  }
0x12: {  	s1 =	sld [smem:$0x3F8D];
	s0 =	simm.s32 @p0 $0x1  }
0x13: {  	[smem:$0x3FA8] =	sst s0;
	s0 =	simm.s32 @!p1 $0x0  }
0x14: {  	s2 =	sld [smem:$0x3F8C];
	s0 =	simm.s32 @p1 $0x1  }
0x15: {  	[smem:$0x3FA9] =	sst s0;
	s0 =	simm.s32 @!p2 $0x0  }
0x16: {  	s3 =	sld [smem:$0x3FDB];
	s0 =	simm.s32 @p2 $0x1  }
0x17: {  	s4 =	simm.s32 $0x1BF5;
	[smem:$0x3FAB] =	sst s0  }
0x18: {  	s0 =	sld [smem:$0x3F8E];
	_ =	swait.ge [sflag:s4], $0x0  }
0x19: {  	s7 =	sld [smem:$0x3F8F]  }
0x1a: {  	s8 =	sadd.s32 $0xFFFFE003, lr  }
0x1b: {  	s9 =	sadd.s32 $0xFFFFFEF7, lr;
	s5 =	simm.s32 $0xFFFFFFFF;
	p2 =	slt.u32 s8, $0xFFFFF086  }
0x1c: {  	p1 =	slt.u32 s9, $0xF7A;
	s5 =	simm.s32 @!p2 $0x0  }
0x1d: {  	s5 =	simm.s32 @p1 $0x1;
	p0 =	seq.s32 s7, s2  }
0x1e: {  	s7 =	smul.u32 @!p0 $0xF7A, s2;
	p2 =	seq.s32 @!p0 s5, $0x0  }
0x1f: {  	s9 =	smul.u32 $0xF7A, s1;
	s8 =	simm.s32 @!p0 $0x1BF5;
	p2 =	por !p2, p0  }
0x20: {  	[sflag:s8] =	ssyncset.s32 @!p0 $0xFFFFF086;
	s6 =	sadd.s32 @!p0 s3, s7;
	s7 =	simm.s32 @!p0 $0x108  }
0x21: {  	s3 =	sadd.s32 s3, s9;
	s6 =	sadd.s32 @!p0 $0x88, s6;
	s7 =	simm.s32 @p2 $0x1082  }
0x22: {  	[simem:s7], [sflag:s8] =	dma.local @!p0 [hbm:s6], $0xF7A  }
0x23: {  	s9 =	sor.u32 $0xD0000000, s2;
	s6 =	simm.s32 $0x108;
	_ =	swait.ge @!p0 [sflag:s8], $0x0  }
0x24: {  	s3 =	sadd.s32 $0x88, s3;
	s6 =	simm.s32 @!p1 $0x1082;
	[sflag:s4] =	ssyncset.s32 $0xFFFFF086  }
0x25: {  	[simem:s6], [sflag:s4] =	dma.local [hbm:s3], $0xF7A  }
0x26: {  	[smem:$0x3F8F] =	sst s1;
	(tag) =	ssettag s2;
	_ =	strace s9  }
0x27: {  	s1 =	sld [smem:$0x3F9F]  }
0x28: {  	s2 =	sld [smem:$0x3FA0]  }
0x29: {  	s4 =	sld [smem:$0x3FA2]  }
0x2a: {  	p0 =	seq.s32 s5, $0x0;
	s5 =	sld [smem:$0x3FA3]  }
0x2b: {  	s6 =	sld [smem:$0x3FA4]  }
0x2c: {  	s7 =	sld [smem:$0x3FA5]  }
0x2d: {  	s3 =	simm.s32 $0x108;
	s8 =	sld [smem:$0x3FA6]  }
0x2e: {  	s3 =	simm.s32 @!p0 $0x1082;
	s9 =	sld [smem:$0x3FA7]  }
0x2f: {  	lr =	sadd.s32 s0, s3;
	s0 =	sld [smem:$0x3F9E]  }
0x30: {  	s3 =	sld [smem:$0x3FA1]  }
0x31: {  	[smem:$0x3FAA] =	sst s10  }
0x32: {  	s10 =	sld [smem:$0x3FA8];
	_ =	sdelay $0x3  }
0x33: {  	p0 =	seq.s32 s10, $0x1;
	s10 =	sld [smem:$0x3FAA];
	_ =	sdelay $0x3  }
0x34: {  	[smem:$0x3FAA] =	sst s10  }
0x35: {  	s10 =	sld [smem:$0x3FA9];
	_ =	sdelay $0x3  }
0x36: {  	p1 =	seq.s32 s10, $0x1;
	s10 =	sld [smem:$0x3FAA];
	_ =	sdelay $0x3  }
0x37: {  	[smem:$0x3FAA] =	sst s10  }
0x38: {  	s10 =	sld [smem:$0x3FAB]  }
0x39: {  	_ = 	snop;
	(pc) =	sbr.ind lr, $3  }
0x3a: {  	_ = 	snop  }
0x3b: {  	_ = 	snop  }
0x3c: {  	p2 =	seq.s32 s10, $0x1;
	s10 =	sld [smem:$0x3FAA]  }
0x3d: {  	_ =	shalt  }
0x3e: {  	_ =	shalt  }
0x3f: {  	_ =	shalt  }
0x40: {  	_ =	shalt  }
0x41: {  	_ =	shalt  }
0x42: {  	_ =	shalt  }
0x43: {  	_ =	shalt  }
0x44: {  	_ =	shalt  }
0x45: {  	_ =	shalt  }
0x46: {  	_ =	shalt  }
0x47: {  	_ =	shalt  }
0x48: {  	_ =	shalt  }
0x49: {  	_ =	shalt  }
0x4a: {  	_ =	shalt  }
0x4b: {  	_ =	shalt  }
0x4c: {  	_ =	shalt  }
0x4d: {  	_ =	shalt  }
0x4e: {  	_ =	shalt  }
0x4f: {  	_ =	shalt  }
0x50: {  	_ =	shalt  }
0x51: {  	_ =	shalt  }
0x52: {  	_ =	shalt  }
0x53: {  	_ =	shalt  }
0x54: {  	_ =	shalt  }
0x55: {  	_ =	shalt  }
0x56: {  	_ =	shalt  }
0x57: {  	_ =	shalt  }
0x58: {  	_ =	shalt  }
0x59: {  	_ =	shalt  }
0x5a: {  	_ =	shalt  }
0x5b: {  	_ =	shalt  }
0x5c: {  	_ =	shalt  }
0x5d: {  	_ =	shalt  }
0x5e: {  	_ =	shalt  }
0x5f: {  	_ =	shalt  }
0x60: {  	_ =	shalt  }
0x61: {  	_ =	shalt  }
0x62: {  	_ =	shalt  }
0x63: {  	_ =	shalt  }
0x64: {  	_ =	shalt  }
0x65: {  	_ =	shalt  }
0x66: {  	_ =	shalt  }
0x67: {  	_ =	shalt  }
0x68: {  	_ =	shalt  }
0x69: {  	_ =	shalt  }
0x6a: {  	_ =	shalt  }
0x6b: {  	_ =	shalt  }
0x6c: {  	_ =	shalt  }
0x6d: {  	_ =	shalt  }
0x6e: {  	_ =	shalt  }
0x6f: {  	_ =	shalt  }
0x70: {  	_ =	shalt  }
0x71: {  	_ =	shalt  }
0x72: {  	_ =	shalt  }
0x73: {  	_ =	shalt  }
0x74: {  	_ =	shalt  }
0x75: {  	_ =	shalt  }
0x76: {  	_ =	shalt  }
0x77: {  	_ =	shalt  }
0x78: {  	_ =	shalt  }
0x79: {  	_ =	shalt  }
0x7a: {  	_ =	shalt  }
0x7b: {  	_ =	shalt  }
0x7c: {  	_ =	shalt  }
0x7d: {  	_ =	shalt  }
0x7e: {  	_ =	shalt  }
0x7f: {  	_ =	shalt  }
0x80: {  	_ =	shalt  }
0x81: {  	_ =	shalt  }
0x82: {  	_ =	shalt  }
0x83: {  	_ =	shalt  }
0x84: {  	_ =	shalt  }
0x85: {  	_ =	shalt  }
0x86: {  	_ =	shalt  }
0x87: {  	_ =	shalt  }
.Lfunc_end0:
.L_simem_size_0:
called_computation.2_lowered:
.L_overlay_start_0:
0x88: {  	s2 =	sld [smem:$0x3FD9]  }
0x89: {  	s3 =	sld [smem:$0x3FFE];
	_ =	sdelay $0x1  }
0x8a: {  	s1 =	srdreg.scid  }
0x8b: {  	s0 =	sand.u32 $0x1, s1  }
0x8c: {  	s17 =	sshll.u32 s0, $0xA;
	s2 =	sadd.s32 s3, s2  }
0x8d: {  	s2 =	sadd.s32 s2, s17  }
0x8e: {  	[smem:$0x3FB6] =	sst s2  }
0x8f: {  	_ = 	snop  }
0x90: {  	s2 =	sld [smem:$0x3FD0];
	(tm) =	ssettm $0x1  }
0x91: {  	s18 =	sld [smem:$0x3FFB];
	_ =	sdelay $0x3  }
0x92: {  	_ =	strace s18  }
0x93: {  	s3 =	sld [smem:$0x3FFC];
	_ =	sdelay $0x3  }
0x94: {  	_ =	strace s3  }
0x95: {  	s3 =	sld [smem:$0x3FFD];
	_ =	sdelay $0x3  }
0x96: {  	_ =	strace s3  }
0x97: {  	_ =	strace $0x8FFFFFFF  }
0x98: {  	s19 =	sld [smem:$0x3FDB];
	_ =	sdelay $0x1  }
0x99: {  	s4 =	simm.s32 $_scs_section_size  }
0x9a: {  	s5 =	simm.s32 $_size__tile_overlayer_lowered;
	s6 =	simm.s32 $_tile_overlayer_lowered  }
0x9b: {  	s22 =	simm.s32 $0x1BFF;
	s21 =	sshll.u32 s6, $0x1;
	s3 =	sadd.s32 s4, s19  }
0x9c: {  	s7 =	simm.s32 $0x0;
	s20 =	sshll.u32 s5, $0x1;
	s5 =	sadd.s32 s21, s3  }
0x9d: {  	[timem:s7], [sflag:s22] =	dma.local [hbm:s5], s20  }
0x9e: {  	_ =	swait.ge [sflag:s22], s20  }
0x9f: {  	s4 =	ssub.s32 $0x0, s20;
	[sflag:s22] =	ssyncset.done $0x0  }
0xa0: {  	[sflag:s22] =	ssyncadd.s32 s4;
	_ =	sdelay $0x1  }
0xa1: {  	s23 =	simm.s32 $0x1B8B  }
0xa2: {  	_ =	swait.ge [sflag:s23], $0x1  }
0xa3: {  	[sflag:s23] =	ssyncset.done $0x0  }
0xa4: {  	s25 =	simm.s32 $0x1B8E;
	s24 =	sld [smem:$0x3FFE];
	[sflag:s23] =	ssyncadd.s32 $0xFFFFFFFF  }
0xa5: {  	s26 =	simm.s32 $execute0_lowered;
	[smem:$0x3FD2] =	sst s25  }
0xa6: {  	s5 =	sshll.u32 s26, $0x1;
	_ =	strace $0x8000004C;
	[dreg:$0x1] =	wrdreg $0xFFFFFFFF  }
0xa7: {  	s28 =	simm.s32 $_size_execute0_lowered;
	s3 =	sadd.s32 s3, s5;
	[dreg:$0x0] =	wrdreg $0x0  }
0xa8: {  	s5 =	sshll.u32 s28, $0x1;
	[dreg:$0x2] =	wrdreg s3  }
0xa9: {  	[dreg:$0x3] =	wrdreg s5  }
0xaa: {  	[dreg:$0x4] =	wrdreg $0xC0  }
0xab: {  	_ =	task [dreg:s7], $0x5FFFF  }
0xac: {  	[dreg:$0x1] =	wrdreg $0xFFFFFFFF  }
0xad: {  	[dreg:$0x0] =	wrdreg $0x60  }
0xae: {  	[dreg:$0x2] =	wrdreg s2  }
0xaf: {  	[dreg:$0x3] =	wrdreg s24  }
0xb0: {  	[dreg:$0x4] =	wrdreg $0xA0000  }
0xb1: {  	[dreg:$0x5] =	wrdreg $0x9  }
0xb2: {  	_ =	task.clear_ibuf [dreg:s7], $0x6FFFF;
	_ =	strace $0x9000004C  }
0xb3: {  	s29 =	simm.s32 $0x9;
	_ =	strace $0x8000004E  }
0xb4: {  	_ =	swait.ge [sflag:s29], $0x1  }
0xb5: {  	[sflag:s29] =	ssyncadd.s32 $0xFFFFFFFF  }
0xb6: {  	_ =	strace $0x9000004E  }
0xb7: {  	_ =	sfence  }
0xb8: {  	s30 =	sld [smem:$0x0];
	_ =	sdelay $0x2  }
0xb9: {  	s31 =	sshll.u32 s1, $0xD;
	s1 =	sshrl.u32 s1, $0x2  }
0xba: {  	s3 =	sand.u32 $0x4000, s31;
	s1 =	sadd.s32 s1, s30  }
0xbb: {  	s0 =	sor.u32 s3, s0;
	s1 =	sshll.u32 s1, $0x11  }
0xbc: {  	s0 =	sor.u32 s1, s0  }
0xbd: {  	s0 =	sadd.s32 $0x8F2B, s0  }
0xbe: {  	[sflag:s0] =	ssyncadd.remote.s32 $0x1  }
0xbf: {  	_ =	sfence.sel $0xFFFF  }
0xc0: {  	[dreg:$0x0] =	wrdreg $0xFFFFFFFF;
	(pc) =	sbr.abs _section_cstart, $3  }
0xc1: {  	[dreg:$0x1] =	wrdreg $0xFFFFFFFF  }
0xc2: {  	_ =	task.clear_ibuf [dreg:s7], $0x2FFFF;
	_ =	strace $0x9FFFFFFF  }
0xc3: {  	(tm) =	ssettm $0x7FFFFFFF  }
tec
execute0_lowered:
.L_overlay_start_1:
0x0: {  	(tag) =	ssettag $0x1  }
0x1: {  	s1 =	rddreg [dreg:$0x0]  }
0x2: {  	s0 =	rddreg [dreg:$0x1]  }
0x3: {  	s3 =	rddreg [dreg:$0x2];
	s4 =	simm.s32 $0x0  }
0x4: {  	s11 =	stileid.u32;
	s5 =	srdreg.scid;
	s14 =	simm.s32 $0x4  }
0x5: {  	s16 =	simm.s32 $0x7D;
	s17 =	simm.s32 $0x2000;
	s28 =	simm.s32 $0x2  }
0x6: {  	s15 =	simm.s32 $0x3;
	s18 =	simm.s32 $0x1C80;
	s29 =	simm.s32 $0x1D00  }
0x7: {  	s30 =	simm.s32 $0x1600;
	s31 =	simm.s32 $0x1D80;
	s12 =	simm.s32 $0x1F80  }
0x8: {  	[smem:$0x7FF] =	sst s4;
	s2 =	smul.u32 $0xA00, s11;
	s6 =	sand.u32 $0x1, s5  }
0x9: {  	s5 =	sadd.s32 $0xD3600, s0;
	s8 =	sadd.s32 $0xFB600, s0;
	s10 =	smul.u32 $0x50000, s11  }
0xa: {  	s21 =	smul.u32 $0x2800, s11;
	s26 =	sshll.u32 s11, $0x6;
	s11 =	simm.s32 $0x1780  }
0xb: {  	_ =	strace $0x8000004D;
	s7 =	ssub.s32 $0x2, s6;
	[dreg:$0x4] =	wrdreg s8  }
0xc: {  	p0 =	seq.s32 s6, $0x1;
	[dreg:$0xa] =	wrdreg s26;
	s6 =	simm.s32 $0x1700  }
0xd: {  	s2 =	sadd.s32 s2, s0;
	s19 =	sshrl.u32 s7, $0x1;
	s0 =	sadd.s32 $0x123600, s0  }
0xe: {  	s22 =	sshrl.u32 s10, $0x2;
	s24 =	sadd.s32 s1, s21;
	[dreg:$0x6] =	wrdreg s21  }
0xf: {  	s25 =	sadd.s32 s5, s21;
	s21 =	simm.s32 $0x0;
	[dreg:$0x5] =	wrdreg s0  }
0x10: {  	s20 =	ssub.s32 s7, s19;
	s9 =	sadd.s32 $0x29600, s2;
	[dreg:$0x7] =	wrdreg s24  }
0x11: {  	s10 =	sadd.s32 $0x6400, s2;
	s23 =	sadd.s32 s22, s3;
	[dreg:$0x8] =	wrdreg s25  }
.Ltmp0:
0x12: {  	s19 =	simm.s32 $0x6000;
	s24 =	simm.s32 $0x1800;
	(pc) =	sbr.rel .LBB2_1-.Ltmp0, $4  }
0x13: {  	s25 =	simm.s32 $0x1;
	s2 =	simm.s32 $0x1E00;
	s0 =	smax.u32 s20, $0x1  }
0x14: {  	s7 =	simm.s32 $0x1E80;
	s20 =	sshrl.u32 s23, $0x3;
	[dreg:$0x9] =	wrdreg s0  }
0x15: {  	s23 =	simm.s32 $0x1000;
	s0 =	sor.u32 $0x1C04, s26;
	[dreg:$0xc] =	wrdreg s20  }
0x16: {  	s26 =	simm.s32 $0x1580;
	[dreg:$0xb] =	wrdreg s0;
	s0 =	simm.s32 $0x1680  }
.LBB2_8:
0x17: {  	s13 =	rddreg [dreg:$0x5]  }
0x18: {  	s22 =	rddreg [dreg:$0xb]  }
0x19: {  	s21 =	rddreg [dreg:$0xd]  }
.LBB2_9:
0x1a: {  	s8 =	rddreg [dreg:$0x6];
	[bflag:$0x0] =	sbarrier.arrive $0xFFFF  }
0x1b: {  	s8 =	sadd.s32 s13, s8;
	s20 =	rddreg [dreg:$0xc]  }
0x1c: {  	[hbm:s8], [sflag:s22] =	dma.local [spmem:s20], $0x2800  }
0x1d: {  	_ =	swait.ge [sflag:s14], $0x2800  }
0x1e: {  	s21 =	sadd.s32 $0x1, s21;
	s22 =	rddreg [dreg:$0x9]  }
0x1f: {  	p1 =	sne.s32 s21, s22  }
.Ltmp1:
0x20: {  	_ = 	snop;
	(pc) =	sbr.rel @!p1 .LBB2_10-.Ltmp1, $3  }
0x21: {  	_ =	sdelay $0x1  }
0x22: {  	[sflag:s14] =	ssyncset.done $0x0  }
0x23: {  	[sflag:s14] =	ssyncadd.s32 $0xFFFFD800  }
.LBB2_1:
0x24: {  	[dreg:$0xd] =	wrdreg s21  }
0x25: {  	[tilespmem:s4], [sflag:$0x4] =	stream.linear.gather [hbm4b:s9+s4], $0x800, $0x38;
	[tilespmem:$0x1E000] =	vst v63  }
0x26: {  	_ =	swait.ge [sflag:s14], $0x800  }
0x27: {  	[sflag:s14] =	ssyncset.done $0x0  }
.Ltmp2:
0x28: {  	s8 =	simm.s32 $0x800;
	[sflag:s14] =	ssyncadd.s32 $0xFFFFF800;
	(pc) =	sbr.rel @!p0 .LBB2_2-.Ltmp2, $4  }
0x29: {  	[tilespmem:s8], [sflag:$0x4] =	stream.linear.gather [hbm4b:s10+s4], $0x800, $0x38;
	[tilespmem:$0x1E000] =	vst v63  }
0x2a: {  	_ =	swait.ge [sflag:s14], $0x800  }
0x2b: {  	[sflag:s14] =	ssyncset.done $0x0  }
0x2c: {  	[sflag:s14] =	ssyncadd.s32 $0xFFFFF800  }
0x2d: {  	[tilespmem:s17], [sflag:$0x1] =	stream.indirect.gather [hbm4b:s5+s16], $0x80, s4, s16, $0xb8;
	[tilespmem:$0x1E000] =	vst v63  }
0x2e: {  	s22 =	rddreg [dreg:$0x8]  }
0x2f: {  	s8 =	simm.s32 $0x80;
	s13 =	rddreg [dreg:$0xb]  }
0x30: {  	[tilespmem:s19], [sflag:$0x2] =	stream.indirect.gather [hbm4b:s5+s16], $0x80, s8, s16, $0xb8;
	[tilespmem:$0x1E000] =	vst v63  }
0x31: {  	[spmem:s20], [sflag:s13] =	dma.local [hbm:s22], $0x2800  }
0x32: {  	_ =	swait.ge [sflag:s14], $0x2800  }
0x33: {  	[sflag:s14] =	ssyncset.done $0x0  }
0x34: {  	[sflag:s14] =	ssyncadd.s32 $0xFFFFD800  }
0x35: {  	s20 =	simm.s32 $0xFFFFF800;
	[bflag:$0x0] =	sbarrier.arrive $0xFFFF  }
.LBB2_7:
0x36: {  	s8 =	sadd.s32 s20, s9  }
0x37: {  	s13 =	sadd.s32 s20, s10;
	s8 =	sadd.s32 $0x900, s8  }
0x38: {  	[tilespmem:s23], [sflag:$0x3] =	stream.linear.gather [hbm4b:s8+s4], $0x800, $0x38;
	[tilespmem:$0x1E000] =	vst v63  }
0x39: {  	s8 =	sadd.s32 $0x900, s13  }
0x3a: {  	[tilespmem:s24], [sflag:$0x3] =	stream.linear.gather [hbm4b:s8+s4], $0x800, $0x38;
	[tilespmem:$0x1E000] =	vst v63  }
0x3b: {  	_ =	swait.ge [sflag:s25], $0x3E80  }
0x3c: {  	[sflag:s25] =	ssyncset.done $0x0  }
0x3d: {  	s21 =	simm.s32 $0x800;
	[sflag:s25] =	ssyncadd.s32 $0xFFFFC180  }
0x3e: {  	[spmem:s3] =	stream.indirect.scatter.add.f32 [tilespmem:s17], [sflag:$0x4], $0x80, s21, s16, $0xb8;
	[tilespmem:$0x1E000] =	vst v63  }
0x3f: {  	_ =	swait.ge [sflag:s14], $0x3E80  }
0x40: {  	[sflag:s14] =	ssyncset.done $0x0  }
0x41: {  	s22 =	simm.s32 $0x100;
	[sflag:s14] =	ssyncadd.s32 $0xFFFFC180  }
0x42: {  	[tilespmem:s17], [sflag:$0x1] =	stream.indirect.gather [hbm4b:s5+s16], $0x80, s22, s16, $0xb8;
	[tilespmem:$0x1E000] =	vst v63  }
0x43: {  	_ =	swait.ge [sflag:s28], $0x3E80  }
0x44: {  	[sflag:s28] =	ssyncset.done $0x0  }
0x45: {  	s13 =	simm.s32 $0x880;
	[sflag:s28] =	ssyncadd.s32 $0xFFFFC180  }
0x46: {  	[spmem:s3] =	stream.indirect.scatter.add.f32 [tilespmem:s19], [sflag:$0x4], $0x80, s13, s16, $0xb8;
	[tilespmem:$0x1E000] =	vst v63  }
0x47: {  	_ =	swait.ge [sflag:s14], $0x3E80  }
0x48: {  	[sflag:s14] =	ssyncset.done $0x0  }
0x49: {  	s21 =	simm.s32 $0x180;
	[sflag:s14] =	ssyncadd.s32 $0xFFFFC180  }
0x4a: {  	[tilespmem:s19], [sflag:$0x2] =	stream.indirect.gather [hbm4b:s5+s16], $0x80, s21, s16, $0xb8;
	[tilespmem:$0x1E000] =	vst v63  }
0x4b: {  	_ =	swait.ge [sflag:s25], $0x3E80  }
0x4c: {  	[sflag:s25] =	ssyncset.done $0x0  }
0x4d: {  	s22 =	simm.s32 $0x900;
	[sflag:s25] =	ssyncadd.s32 $0xFFFFC180  }
0x4e: {  	[spmem:s3] =	stream.indirect.scatter.add.f32 [tilespmem:s17], [sflag:$0x4], $0x80, s22, s16, $0xb8;
	[tilespmem:$0x1E000] =	vst v63  }
0x4f: {  	_ =	swait.ge [sflag:s14], $0x3E80  }
0x50: {  	[sflag:s14] =	ssyncset.done $0x0  }
0x51: {  	s13 =	simm.s32 $0x200;
	[sflag:s14] =	ssyncadd.s32 $0xFFFFC180  }
0x52: {  	[tilespmem:s17], [sflag:$0x1] =	stream.indirect.gather [hbm4b:s5+s16], $0x80, s13, s16, $0xb8;
	[tilespmem:$0x1E000] =	vst v63  }
0x53: {  	_ =	swait.ge [sflag:s28], $0x3E80  }
0x54: {  	[sflag:s28] =	ssyncset.done $0x0  }
0x55: {  	s21 =	simm.s32 $0x980;
	[sflag:s28] =	ssyncadd.s32 $0xFFFFC180  }
0x56: {  	[spmem:s3] =	stream.indirect.scatter.add.f32 [tilespmem:s19], [sflag:$0x4], $0x80, s21, s16, $0xb8;
	[tilespmem:$0x1E000] =	vst v63  }
0x57: {  	_ =	swait.ge [sflag:s14], $0x3E80  }
0x58: {  	[sflag:s14] =	ssyncset.done $0x0  }
0x59: {  	s22 =	simm.s32 $0x280;
	[sflag:s14] =	ssyncadd.s32 $0xFFFFC180  }
0x5a: {  	[tilespmem:s19], [sflag:$0x2] =	stream.indirect.gather [hbm4b:s5+s16], $0x80, s22, s16, $0xb8;
	[tilespmem:$0x1E000] =	vst v63  }
0x5b: {  	_ =	swait.ge [sflag:s25], $0x3E80  }
0x5c: {  	[sflag:s25] =	ssyncset.done $0x0  }
0x5d: {  	s13 =	simm.s32 $0xA00;
	[sflag:s25] =	ssyncadd.s32 $0xFFFFC180  }
0x5e: {  	[spmem:s3] =	stream.indirect.scatter.add.f32 [tilespmem:s17], [sflag:$0x4], $0x80, s13, s16, $0xb8;
	[tilespmem:$0x1E000] =	vst v63  }
0x5f: {  	_ =	swait.ge [sflag:s14], $0x3E80  }
0x60: {  	[sflag:s14] =	ssyncset.done $0x0  }
0x61: {  	s21 =	simm.s32 $0x300;
	[sflag:s14] =	ssyncadd.s32 $0xFFFFC180  }
0x62: {  	[tilespmem:s17], [sflag:$0x1] =	stream.indirect.gather [hbm4b:s5+s16], $0x80, s21, s16, $0xb8;
	[tilespmem:$0x1E000] =	vst v63  }
0x63: {  	_ =	swait.ge [sflag:s28], $0x3E80  }
0x64: {  	[sflag:s28] =	ssyncset.done $0x0  }
0x65: {  	s22 =	simm.s32 $0xA80;
	[sflag:s28] =	ssyncadd.s32 $0xFFFFC180  }
0x66: {  	[spmem:s3] =	stream.indirect.scatter.add.f32 [tilespmem:s19], [sflag:$0x4], $0x80, s22, s16, $0xb8;
	[tilespmem:$0x1E000] =	vst v63  }
0x67: {  	_ =	swait.ge [sflag:s14], $0x3E80  }
0x68: {  	[sflag:s14] =	ssyncset.done $0x0  }
0x69: {  	s13 =	simm.s32 $0x380;
	[sflag:s14] =	ssyncadd.s32 $0xFFFFC180  }
0x6a: {  	[tilespmem:s19], [sflag:$0x2] =	stream.indirect.gather [hbm4b:s5+s16], $0x80, s13, s16, $0xb8;
	[tilespmem:$0x1E000] =	vst v63  }
0x6b: {  	_ =	swait.ge [sflag:s25], $0x3E80  }
0x6c: {  	[sflag:s25] =	ssyncset.done $0x0  }
0x6d: {  	s21 =	simm.s32 $0xB00;
	[sflag:s25] =	ssyncadd.s32 $0xFFFFC180  }
0x6e: {  	[spmem:s3] =	stream.indirect.scatter.add.f32 [tilespmem:s17], [sflag:$0x4], $0x80, s21, s16, $0xb8;
	[tilespmem:$0x1E000] =	vst v63  }
0x6f: {  	_ =	swait.ge [sflag:s14], $0x3E80  }
0x70: {  	[sflag:s14] =	ssyncset.done $0x0  }
0x71: {  	s22 =	simm.s32 $0x400;
	[sflag:s14] =	ssyncadd.s32 $0xFFFFC180  }
0x72: {  	[tilespmem:s17], [sflag:$0x1] =	stream.indirect.gather [hbm4b:s5+s16], $0x80, s22, s16, $0xb8;
	[tilespmem:$0x1E000] =	vst v63  }
0x73: {  	_ =	swait.ge [sflag:s28], $0x3E80  }
0x74: {  	[sflag:s28] =	ssyncset.done $0x0  }
0x75: {  	s13 =	simm.s32 $0xB80;
	[sflag:s28] =	ssyncadd.s32 $0xFFFFC180  }
0x76: {  	[spmem:s3] =	stream.indirect.scatter.add.f32 [tilespmem:s19], [sflag:$0x4], $0x80, s13, s16, $0xb8;
	[tilespmem:$0x1E000] =	vst v63  }
0x77: {  	_ =	swait.ge [sflag:s14], $0x3E80  }
0x78: {  	[sflag:s14] =	ssyncset.done $0x0  }
0x79: {  	s21 =	simm.s32 $0x480;
	[sflag:s14] =	ssyncadd.s32 $0xFFFFC180  }
0x7a: {  	[tilespmem:s19], [sflag:$0x2] =	stream.indirect.gather [hbm4b:s5+s16], $0x80, s21, s16, $0xb8;
	[tilespmem:$0x1E000] =	vst v63  }
0x7b: {  	_ =	swait.ge [sflag:s25], $0x3E80  }
0x7c: {  	[sflag:s25] =	ssyncset.done $0x0  }
0x7d: {  	s22 =	simm.s32 $0xC00;
	[sflag:s25] =	ssyncadd.s32 $0xFFFFC180  }
0x7e: {  	[spmem:s3] =	stream.indirect.scatter.add.f32 [tilespmem:s17], [sflag:$0x4], $0x80, s22, s16, $0xb8;
	[tilespmem:$0x1E000] =	vst v63  }
0x7f: {  	_ =	swait.ge [sflag:s14], $0x3E80  }
0x80: {  	[sflag:s14] =	ssyncset.done $0x0  }
0x81: {  	s13 =	simm.s32 $0x500;
	[sflag:s14] =	ssyncadd.s32 $0xFFFFC180  }
0x82: {  	[tilespmem:s17], [sflag:$0x1] =	stream.indirect.gather [hbm4b:s5+s16], $0x80, s13, s16, $0xb8;
	[tilespmem:$0x1E000] =	vst v63  }
0x83: {  	_ =	swait.ge [sflag:s28], $0x3E80  }
0x84: {  	[sflag:s28] =	ssyncset.done $0x0  }
0x85: {  	s21 =	simm.s32 $0xC80;
	[sflag:s28] =	ssyncadd.s32 $0xFFFFC180  }
0x86: {  	[spmem:s3] =	stream.indirect.scatter.add.f32 [tilespmem:s19], [sflag:$0x4], $0x80, s21, s16, $0xb8;
	[tilespmem:$0x1E000] =	vst v63  }
0x87: {  	_ =	swait.ge [sflag:s14], $0x3E80  }
0x88: {  	[sflag:s14] =	ssyncset.done $0x0  }
0x89: {  	s22 =	simm.s32 $0x580;
	[sflag:s14] =	ssyncadd.s32 $0xFFFFC180  }
0x8a: {  	[tilespmem:s19], [sflag:$0x2] =	stream.indirect.gather [hbm4b:s5+s16], $0x80, s22, s16, $0xb8;
	[tilespmem:$0x1E000] =	vst v63  }
0x8b: {  	_ =	swait.ge [sflag:s25], $0x3E80  }
0x8c: {  	[sflag:s25] =	ssyncset.done $0x0  }
0x8d: {  	s13 =	simm.s32 $0xD00;
	[sflag:s25] =	ssyncadd.s32 $0xFFFFC180  }
0x8e: {  	[spmem:s3] =	stream.indirect.scatter.add.f32 [tilespmem:s17], [sflag:$0x4], $0x80, s13, s16, $0xb8;
	[tilespmem:$0x1E000] =	vst v63  }
0x8f: {  	_ =	swait.ge [sflag:s14], $0x3E80  }
0x90: {  	[sflag:s14] =	ssyncset.done $0x0  }
0x91: {  	s21 =	simm.s32 $0x600;
	[sflag:s14] =	ssyncadd.s32 $0xFFFFC180  }
0x92: {  	[tilespmem:s17], [sflag:$0x1] =	stream.indirect.gather [hbm4b:s5+s16], $0x80, s21, s16, $0xb8;
	[tilespmem:$0x1E000] =	vst v63  }
0x93: {  	_ =	swait.ge [sflag:s28], $0x3E80  }
0x94: {  	[sflag:s28] =	ssyncset.done $0x0  }
0x95: {  	s22 =	simm.s32 $0xD80;
	[sflag:s28] =	ssyncadd.s32 $0xFFFFC180  }
0x96: {  	[spmem:s3] =	stream.indirect.scatter.add.f32 [tilespmem:s19], [sflag:$0x4], $0x80, s22, s16, $0xb8;
	[tilespmem:$0x1E000] =	vst v63  }
0x97: {  	_ =	swait.ge [sflag:s14], $0x3E80  }
0x98: {  	[sflag:s14] =	ssyncset.done $0x0  }
0x99: {  	s13 =	simm.s32 $0x680;
	[sflag:s14] =	ssyncadd.s32 $0xFFFFC180  }
0x9a: {  	[tilespmem:s19], [sflag:$0x2] =	stream.indirect.gather [hbm4b:s5+s16], $0x80, s13, s16, $0xb8;
	[tilespmem:$0x1E000] =	vst v63  }
0x9b: {  	_ =	swait.ge [sflag:s25], $0x3E80  }
0x9c: {  	[sflag:s25] =	ssyncset.done $0x0  }
0x9d: {  	s21 =	simm.s32 $0xE00;
	[sflag:s25] =	ssyncadd.s32 $0xFFFFC180  }
0x9e: {  	[spmem:s3] =	stream.indirect.scatter.add.f32 [tilespmem:s17], [sflag:$0x4], $0x80, s21, s16, $0xb8;
	[tilespmem:$0x1E000] =	vst v63  }
0x9f: {  	_ =	swait.ge [sflag:s14], $0x3E80  }
0xa0: {  	[sflag:s14] =	ssyncset.done $0x0  }
0xa1: {  	s22 =	simm.s32 $0x700;
	[sflag:s14] =	ssyncadd.s32 $0xFFFFC180  }
0xa2: {  	[tilespmem:s17], [sflag:$0x1] =	stream.indirect.gather [hbm4b:s5+s16], $0x80, s22, s16, $0xb8;
	[tilespmem:$0x1E000] =	vst v63  }
0xa3: {  	_ =	swait.ge [sflag:s28], $0x3E80  }
0xa4: {  	[sflag:s28] =	ssyncset.done $0x0  }
0xa5: {  	s13 =	simm.s32 $0xE80;
	[sflag:s28] =	ssyncadd.s32 $0xFFFFC180  }
0xa6: {  	[spmem:s3] =	stream.indirect.scatter.add.f32 [tilespmem:s19], [sflag:$0x4], $0x80, s13, s16, $0xb8;
	[tilespmem:$0x1E000] =	vst v63  }
0xa7: {  	_ =	swait.ge [sflag:s14], $0x3E80  }
0xa8: {  	[sflag:s14] =	ssyncset.done $0x0  }
0xa9: {  	s21 =	simm.s32 $0x780;
	[sflag:s14] =	ssyncadd.s32 $0xFFFFC180  }
0xaa: {  	[tilespmem:s19], [sflag:$0x2] =	stream.indirect.gather [hbm4b:s5+s16], $0x80, s21, s16, $0xb8;
	[tilespmem:$0x1E000] =	vst v63  }
0xab: {  	_ =	swait.ge [sflag:s15], $0x800  }
0xac: {  	[sflag:s15] =	ssyncset.done $0x0  }
0xad: {  	[sflag:s15] =	ssyncadd.s32 $0xFFFFF800  }
0xae: {  	_ =	swait.ge [sflag:s15], $0x800  }
0xaf: {  	[sflag:s15] =	ssyncset.done $0x0  }
0xb0: {  	[sflag:s15] =	ssyncadd.s32 $0xFFFFF800  }
0xb1: {  	_ =	swait.ge [sflag:s25], $0x3E80  }
0xb2: {  	[sflag:s25] =	ssyncset.done $0x0  }
0xb3: {  	s22 =	simm.s32 $0xF00;
	[sflag:s25] =	ssyncadd.s32 $0xFFFFC180  }
0xb4: {  	[spmem:s3] =	stream.indirect.scatter.add.f32 [tilespmem:s17], [sflag:$0x4], $0x80, s22, s16, $0xb8;
	[tilespmem:$0x1E000] =	vst v63  }
0xb5: {  	_ =	swait.ge [sflag:s14], $0x3E80  }
0xb6: {  	[sflag:s14] =	ssyncset.done $0x0  }
0xb7: {  	[sflag:s14] =	ssyncadd.s32 $0xFFFFC180  }
0xb8: {  	[tilespmem:s17], [sflag:$0x1] =	stream.indirect.gather [hbm4b:s5+s16], $0x80, s23, s16, $0xb8;
	[tilespmem:$0x1E000] =	vst v63  }
0xb9: {  	_ =	swait.ge [sflag:s28], $0x3E80  }
0xba: {  	[sflag:s28] =	ssyncset.done $0x0  }
0xbb: {  	s13 =	simm.s32 $0xF80;
	[sflag:s28] =	ssyncadd.s32 $0xFFFFC180  }
0xbc: {  	[spmem:s3] =	stream.indirect.scatter.add.f32 [tilespmem:s19], [sflag:$0x4], $0x80, s13, s16, $0xb8;
	[tilespmem:$0x1E000] =	vst v63  }
0xbd: {  	_ =	swait.ge [sflag:s14], $0x3E80  }
0xbe: {  	p1 =	seq.s32 s20, $0x0;
	[sflag:s14] =	ssyncset.done $0x0  }
0xbf: {  	s8 =	sadd.s32 @!p1 s20, s9;
	s21 =	simm.s32 $0x1080;
	[sflag:s14] =	ssyncadd.s32 $0xFFFFC180  }
0xc0: {  	[tilespmem:s19], [sflag:$0x2] =	stream.indirect.gather [hbm4b:s5+s16], $0x80, s21, s16, $0xb8;
	[tilespmem:$0x1E000] =	vst v63  }
0xc1: {  	s8 =	sadd.s32 @!p1 $0xA00, s8;
	s13 =	simm.s32 @!p1 $0x0  }
0xc2: {  	[tilespmem:s13], [sflag:$0x3] =	stream.linear.gather @!p1 [hbm4b:s8+s13], $0x800, $0x38;
	[tilespmem:$0x1E000] =	vst v63  }
0xc3: {  	s8 =	sadd.s32 @!p1 s20, s10  }
0xc4: {  	s21 =	simm.s32 @!p1 $0x800;
	s8 =	sadd.s32 @!p1 $0xA00, s8  }
0xc5: {  	[tilespmem:s21], [sflag:$0x3] =	stream.linear.gather @!p1 [hbm4b:s8+s13], $0x800, $0x38;
	[tilespmem:$0x1E000] =	vst v63  }
0xc6: {  	_ =	swait.ge [sflag:s25], $0x3E80  }
0xc7: {  	[sflag:s25] =	ssyncset.done $0x0  }
0xc8: {  	[sflag:s25] =	ssyncadd.s32 $0xFFFFC180  }
0xc9: {  	[spmem:s3] =	stream.indirect.scatter.add.f32 [tilespmem:s17], [sflag:$0x4], $0x80, s24, s16, $0xb8;
	[tilespmem:$0x1E000] =	vst v63  }
0xca: {  	_ =	swait.ge [sflag:s14], $0x3E80  }
0xcb: {  	[sflag:s14] =	ssyncset.done $0x0  }
0xcc: {  	s22 =	simm.s32 $0x1100;
	[sflag:s14] =	ssyncadd.s32 $0xFFFFC180  }
0xcd: {  	[tilespmem:s17], [sflag:$0x1] =	stream.indirect.gather [hbm4b:s5+s16], $0x80, s22, s16, $0xb8;
	[tilespmem:$0x1E000] =	vst v63  }
0xce: {  	_ =	swait.ge [sflag:s28], $0x3E80  }
0xcf: {  	[sflag:s28] =	ssyncset.done $0x0  }
0xd0: {  	s21 =	simm.s32 $0x1880;
	[sflag:s28] =	ssyncadd.s32 $0xFFFFC180  }
0xd1: {  	[spmem:s3] =	stream.indirect.scatter.add.f32 [tilespmem:s19], [sflag:$0x4], $0x80, s21, s16, $0xb8;
	[tilespmem:$0x1E000] =	vst v63  }
0xd2: {  	_ =	swait.ge [sflag:s14], $0x3E80  }
0xd3: {  	[sflag:s14] =	ssyncset.done $0x0  }
0xd4: {  	s22 =	simm.s32 $0x1180;
	[sflag:s14] =	ssyncadd.s32 $0xFFFFC180  }
0xd5: {  	[tilespmem:s19], [sflag:$0x2] =	stream.indirect.gather [hbm4b:s5+s16], $0x80, s22, s16, $0xb8;
	[tilespmem:$0x1E000] =	vst v63  }
0xd6: {  	_ =	swait.ge [sflag:s25], $0x3E80  }
0xd7: {  	[sflag:s25] =	ssyncset.done $0x0  }
0xd8: {  	s21 =	simm.s32 $0x1900;
	[sflag:s25] =	ssyncadd.s32 $0xFFFFC180  }
0xd9: {  	[spmem:s3] =	stream.indirect.scatter.add.f32 [tilespmem:s17], [sflag:$0x4], $0x80, s21, s16, $0xb8;
	[tilespmem:$0x1E000] =	vst v63  }
0xda: {  	_ =	swait.ge [sflag:s14], $0x3E80  }
0xdb: {  	[sflag:s14] =	ssyncset.done $0x0  }
0xdc: {  	s22 =	simm.s32 $0x1200;
	[sflag:s14] =	ssyncadd.s32 $0xFFFFC180  }
0xdd: {  	[tilespmem:s17], [sflag:$0x1] =	stream.indirect.gather [hbm4b:s5+s16], $0x80, s22, s16, $0xb8;
	[tilespmem:$0x1E000] =	vst v63  }
0xde: {  	_ =	swait.ge [sflag:s28], $0x3E80  }
0xdf: {  	[sflag:s28] =	ssyncset.done $0x0  }
0xe0: {  	s21 =	simm.s32 $0x1980;
	[sflag:s28] =	ssyncadd.s32 $0xFFFFC180  }
0xe1: {  	[spmem:s3] =	stream.indirect.scatter.add.f32 [tilespmem:s19], [sflag:$0x4], $0x80, s21, s16, $0xb8;
	[tilespmem:$0x1E000] =	vst v63  }
0xe2: {  	_ =	swait.ge [sflag:s14], $0x3E80  }
0xe3: {  	[sflag:s14] =	ssyncset.done $0x0  }
0xe4: {  	s22 =	simm.s32 $0x1280;
	[sflag:s14] =	ssyncadd.s32 $0xFFFFC180  }
0xe5: {  	[tilespmem:s19], [sflag:$0x2] =	stream.indirect.gather [hbm4b:s5+s16], $0x80, s22, s16, $0xb8;
	[tilespmem:$0x1E000] =	vst v63  }
0xe6: {  	_ =	swait.ge [sflag:s25], $0x3E80  }
0xe7: {  	[sflag:s25] =	ssyncset.done $0x0  }
0xe8: {  	s21 =	simm.s32 $0x1A00;
	[sflag:s25] =	ssyncadd.s32 $0xFFFFC180  }
0xe9: {  	[spmem:s3] =	stream.indirect.scatter.add.f32 [tilespmem:s17], [sflag:$0x4], $0x80, s21, s16, $0xb8;
	[tilespmem:$0x1E000] =	vst v63  }
0xea: {  	_ =	swait.ge [sflag:s14], $0x3E80  }
0xeb: {  	[sflag:s14] =	ssyncset.done $0x0  }
0xec: {  	s22 =	simm.s32 $0x1300;
	[sflag:s14] =	ssyncadd.s32 $0xFFFFC180  }
0xed: {  	[tilespmem:s17], [sflag:$0x1] =	stream.indirect.gather [hbm4b:s5+s16], $0x80, s22, s16, $0xb8;
	[tilespmem:$0x1E000] =	vst v63  }
0xee: {  	_ =	swait.ge [sflag:s28], $0x3E80  }
0xef: {  	[sflag:s28] =	ssyncset.done $0x0  }
0xf0: {  	s21 =	simm.s32 $0x1A80;
	[sflag:s28] =	ssyncadd.s32 $0xFFFFC180  }
0xf1: {  	[spmem:s3] =	stream.indirect.scatter.add.f32 [tilespmem:s19], [sflag:$0x4], $0x80, s21, s16, $0xb8;
	[tilespmem:$0x1E000] =	vst v63  }
0xf2: {  	_ =	swait.ge [sflag:s14], $0x3E80  }
0xf3: {  	[sflag:s14] =	ssyncset.done $0x0  }
0xf4: {  	s22 =	simm.s32 $0x1380;
	[sflag:s14] =	ssyncadd.s32 $0xFFFFC180  }
0xf5: {  	[tilespmem:s19], [sflag:$0x2] =	stream.indirect.gather [hbm4b:s5+s16], $0x80, s22, s16, $0xb8;
	[tilespmem:$0x1E000] =	vst v63  }
0xf6: {  	_ =	swait.ge [sflag:s25], $0x3E80  }
0xf7: {  	[sflag:s25] =	ssyncset.done $0x0  }
0xf8: {  	s21 =	simm.s32 $0x1B00;
	[sflag:s25] =	ssyncadd.s32 $0xFFFFC180  }
0xf9: {  	[spmem:s3] =	stream.indirect.scatter.add.f32 [tilespmem:s17], [sflag:$0x4], $0x80, s21, s16, $0xb8;
	[tilespmem:$0x1E000] =	vst v63  }
0xfa: {  	_ =	swait.ge [sflag:s14], $0x3E80  }
0xfb: {  	[sflag:s14] =	ssyncset.done $0x0  }
0xfc: {  	s22 =	simm.s32 $0x1400;
	[sflag:s14] =	ssyncadd.s32 $0xFFFFC180  }
0xfd: {  	[tilespmem:s17], [sflag:$0x1] =	stream.indirect.gather [hbm4b:s5+s16], $0x80, s22, s16, $0xb8;
	[tilespmem:$0x1E000] =	vst v63  }
0xfe: {  	_ =	swait.ge [sflag:s28], $0x3E80  }
0xff: {  	[sflag:s28] =	ssyncset.done $0x0  }
0x100: {  	s21 =	simm.s32 $0x1B80;
	[sflag:s28] =	ssyncadd.s32 $0xFFFFC180  }
0x101: {  	[spmem:s3] =	stream.indirect.scatter.add.f32 [tilespmem:s19], [sflag:$0x4], $0x80, s21, s16, $0xb8;
	[tilespmem:$0x1E000] =	vst v63  }
0x102: {  	_ =	swait.ge [sflag:s14], $0x3E80  }
0x103: {  	[sflag:s14] =	ssyncset.done $0x0  }
0x104: {  	s22 =	simm.s32 $0x1480;
	[sflag:s14] =	ssyncadd.s32 $0xFFFFC180  }
0x105: {  	[tilespmem:s19], [sflag:$0x2] =	stream.indirect.gather [hbm4b:s5+s16], $0x80, s22, s16, $0xb8;
	[tilespmem:$0x1E000] =	vst v63  }
0x106: {  	_ =	swait.ge [sflag:s25], $0x3E80  }
0x107: {  	[sflag:s25] =	ssyncset.done $0x0  }
0x108: {  	s21 =	simm.s32 $0x1C00;
	[sflag:s25] =	ssyncadd.s32 $0xFFFFC180  }
0x109: {  	[spmem:s3] =	stream.indirect.scatter.add.f32 [tilespmem:s17], [sflag:$0x4], $0x80, s21, s16, $0xb8;
	[tilespmem:$0x1E000] =	vst v63  }
0x10a: {  	_ =	swait.ge [sflag:s14], $0x3E80  }
0x10b: {  	[sflag:s14] =	ssyncset.done $0x0  }
0x10c: {  	s22 =	simm.s32 $0x1500;
	[sflag:s14] =	ssyncadd.s32 $0xFFFFC180  }
0x10d: {  	[tilespmem:s17], [sflag:$0x1] =	stream.indirect.gather [hbm4b:s5+s16], $0x80, s22, s16, $0xb8;
	[tilespmem:$0x1E000] =	vst v63  }
0x10e: {  	_ =	swait.ge [sflag:s28], $0x3E80  }
0x10f: {  	[sflag:s28] =	ssyncset.done $0x0  }
0x110: {  	[sflag:s28] =	ssyncadd.s32 $0xFFFFC180  }
0x111: {  	[spmem:s3] =	stream.indirect.scatter.add.f32 [tilespmem:s19], [sflag:$0x4], $0x80, s18, s16, $0xb8;
	[tilespmem:$0x1E000] =	vst v63  }
0x112: {  	_ =	swait.ge [sflag:s14], $0x3E80  }
0x113: {  	[sflag:s14] =	ssyncset.done $0x0  }
0x114: {  	[sflag:s14] =	ssyncadd.s32 $0xFFFFC180  }
0x115: {  	[tilespmem:s19], [sflag:$0x2] =	stream.indirect.gather [hbm4b:s5+s16], $0x80, s26, s16, $0xb8;
	[tilespmem:$0x1E000] =	vst v63  }
0x116: {  	_ =	swait.ge [sflag:s25], $0x3E80  }
0x117: {  	[sflag:s25] =	ssyncset.done $0x0  }
0x118: {  	[sflag:s25] =	ssyncadd.s32 $0xFFFFC180  }
0x119: {  	[spmem:s3] =	stream.indirect.scatter.add.f32 [tilespmem:s17], [sflag:$0x4], $0x80, s29, s16, $0xb8;
	[tilespmem:$0x1E000] =	vst v63  }
0x11a: {  	_ =	swait.ge [sflag:s14], $0x3E80  }
0x11b: {  	[sflag:s14] =	ssyncset.done $0x0  }
0x11c: {  	[sflag:s14] =	ssyncadd.s32 $0xFFFFC180  }
0x11d: {  	[tilespmem:s17], [sflag:$0x1] =	stream.indirect.gather [hbm4b:s5+s16], $0x80, s30, s16, $0xb8;
	[tilespmem:$0x1E000] =	vst v63  }
0x11e: {  	_ =	swait.ge [sflag:s28], $0x3E80  }
0x11f: {  	[sflag:s28] =	ssyncset.done $0x0  }
0x120: {  	[sflag:s28] =	ssyncadd.s32 $0xFFFFC180  }
0x121: {  	[spmem:s3] =	stream.indirect.scatter.add.f32 [tilespmem:s19], [sflag:$0x4], $0x80, s31, s16, $0xb8;
	[tilespmem:$0x1E000] =	vst v63  }
0x122: {  	_ =	swait.ge [sflag:s14], $0x3E80  }
0x123: {  	[sflag:s14] =	ssyncset.done $0x0  }
0x124: {  	[sflag:s14] =	ssyncadd.s32 $0xFFFFC180  }
0x125: {  	[tilespmem:s19], [sflag:$0x2] =	stream.indirect.gather [hbm4b:s5+s16], $0x80, s0, s16, $0xb8;
	[tilespmem:$0x1E000] =	vst v63  }
0x126: {  	_ =	swait.ge [sflag:s25], $0x3E80  }
0x127: {  	[sflag:s25] =	ssyncset.done $0x0  }
0x128: {  	[sflag:s25] =	ssyncadd.s32 $0xFFFFC180  }
0x129: {  	[spmem:s3] =	stream.indirect.scatter.add.f32 [tilespmem:s17], [sflag:$0x4], $0x80, s2, s16, $0xb8;
	[tilespmem:$0x1E000] =	vst v63  }
0x12a: {  	_ =	swait.ge [sflag:s14], $0x3E80  }
0x12b: {  	[sflag:s14] =	ssyncset.done $0x0  }
0x12c: {  	[sflag:s14] =	ssyncadd.s32 $0xFFFFC180  }
0x12d: {  	[tilespmem:s17], [sflag:$0x1] =	stream.indirect.gather [hbm4b:s5+s16], $0x80, s6, s16, $0xb8;
	[tilespmem:$0x1E000] =	vst v63  }
0x12e: {  	_ =	swait.ge [sflag:s28], $0x3E80  }
0x12f: {  	[sflag:s28] =	ssyncset.done $0x0  }
0x130: {  	[sflag:s28] =	ssyncadd.s32 $0xFFFFC180  }
0x131: {  	[spmem:s3] =	stream.indirect.scatter.add.f32 [tilespmem:s19], [sflag:$0x4], $0x80, s7, s16, $0xb8;
	[tilespmem:$0x1E000] =	vst v63  }
0x132: {  	_ =	swait.ge [sflag:s14], $0x3E80  }
0x133: {  	[sflag:s14] =	ssyncset.done $0x0  }
0x134: {  	s8 =	simm.s32 @p1 $0x1;
	[sflag:s14] =	ssyncadd.s32 $0xFFFFC180  }
0x135: {  	[tilespmem:s19], [sflag:$0x2] =	stream.indirect.gather [hbm4b:s5+s16], $0x80, s11, s16, $0xb8;
	[tilespmem:$0x1E000] =	vst v63  }
0x136: {  	_ =	swait.ge @p1 [sflag:s8], $0x3E80  }
0x137: {  	s21 =	simm.s32 @p1 $0x1F00;
	[sflag:s8] =	ssyncset.done @p1 $0x0  }
0x138: {  	s22 =	simm.s32 @p1 $0x2000;
	[sflag:s8] =	ssyncadd.s32 @p1 $0xFFFFC180;
	s8 =	simm.s32 @p1 $0x7D  }
0x139: {  	[spmem:s3] =	stream.indirect.scatter.add.f32 @p1 [tilespmem:s22], [sflag:$0x4], $0x80, s21, s8, $0xb8;
	[tilespmem:$0x1E000] =	vst v63  }
0x13a: {  	s8 =	simm.s32 @p1 $0x4  }
0x13b: {  	_ =	swait.ge @p1 [sflag:s8], $0x3E80  }
0x13c: {  	[sflag:s8] =	ssyncset.done @p1 $0x0  }
0x13d: {  	[sflag:s8] =	ssyncadd.s32 @p1 $0xFFFFC180;
	s8 =	simm.s32 @!p1 $0x3  }
0x13e: {  	_ =	swait.ge @!p1 [sflag:s8], $0x800  }
0x13f: {  	[sflag:s8] =	ssyncset.done @!p1 $0x0  }
0x140: {  	[sflag:s8] =	ssyncadd.s32 @!p1 $0xFFFFF800  }
0x141: {  	_ =	swait.ge @!p1 [sflag:s8], $0x800  }
0x142: {  	[sflag:s8] =	ssyncset.done @!p1 $0x0  }
0x143: {  	[sflag:s8] =	ssyncadd.s32 @!p1 $0xFFFFF800;
	s8 =	simm.s32 @!p1 $0x1  }
0x144: {  	_ =	swait.ge @!p1 [sflag:s8], $0x3E80  }
0x145: {  	s21 =	simm.s32 @!p1 $0x1F00;
	[sflag:s8] =	ssyncset.done @!p1 $0x0  }
0x146: {  	s22 =	simm.s32 @!p1 $0x2000;
	[sflag:s8] =	ssyncadd.s32 @!p1 $0xFFFFC180;
	s8 =	simm.s32 @!p1 $0x7D  }
0x147: {  	[spmem:s3] =	stream.indirect.scatter.add.f32 @!p1 [tilespmem:s22], [sflag:$0x4], $0x80, s21, s8, $0xb8;
	[tilespmem:$0x1E000] =	vst v63  }
0x148: {  	s21 =	simm.s32 @!p1 $0x4  }
0x149: {  	_ =	swait.ge @!p1 [sflag:s21], $0x3E80  }
0x14a: {  	[sflag:s21] =	ssyncset.done @!p1 $0x0  }
0x14b: {  	[sflag:s21] =	ssyncadd.s32 @!p1 $0xFFFFC180  }
0x14c: {  	[tilespmem:s22], [sflag:$0x1] =	stream.indirect.gather @!p1 [hbm4b:s5+s8], $0x80, s13, s8, $0xb8;
	[tilespmem:$0x1E000] =	vst v63  }
0x14d: {  	_ =	swait.ge [sflag:s28], $0x3E80  }
0x14e: {  	[sflag:s28] =	ssyncset.done $0x0  }
.Ltmp3:
0x14f: {  	[sflag:s28] =	ssyncadd.s32 $0xFFFFC180;
	(pc) =	sbr.rel @p1 .LBB2_8-.Ltmp3, $4  }
0x150: {  	[spmem:s3] =	stream.indirect.scatter.add.f32 [tilespmem:s19], [sflag:$0x4], $0x80, s12, s16, $0xb8;
	[tilespmem:$0x1E000] =	vst v63  }
0x151: {  	_ =	swait.ge [sflag:s14], $0x3E80  }
0x152: {  	[sflag:s14] =	ssyncset.done $0x0  }
0x153: {  	[sflag:s14] =	ssyncadd.s32 $0xFFFFC180  }
.Ltmp4:
0x154: {  	(pc) =	sbr.rel .LBB2_7-.Ltmp4, $3  }
0x155: {  	_ =	sdelay $0x1  }
0x156: {  	s8 =	simm.s32 $0x80;
	s20 =	sadd.s32 $0x200, s20  }
0x157: {  	[tilespmem:s19], [sflag:$0x2] =	stream.indirect.gather [hbm4b:s5+s16], $0x80, s8, s16, $0xb8;
	[tilespmem:$0x1E000] =	vst v63  }
.LBB2_2:
0x158: {  	[tilespmem:s17], [sflag:$0x1] =	stream.indirect.gather [hbm4b:s1+s16], $0x80, s4, s16, $0xb8;
	[tilespmem:$0x1E000] =	vst v63  }
0x159: {  	s21 =	rddreg [dreg:$0xa]  }
0x15a: {  	s8 =	simm.s32 $0x80;
	s22 =	rddreg [dreg:$0x7];
	s13 =	sor.u32 $0x1C04, s21  }
0x15b: {  	[tilespmem:s19], [sflag:$0x2] =	stream.indirect.gather [hbm4b:s1+s16], $0x80, s8, s16, $0xb8;
	[tilespmem:$0x1E000] =	vst v63  }
0x15c: {  	[dreg:$0xe] =	wrdreg s13  }
0x15d: {  	[spmem:s20], [sflag:s13] =	dma.local [hbm:s22], $0x2800  }
0x15e: {  	_ =	swait.ge [sflag:s14], $0x2800  }
0x15f: {  	[sflag:s14] =	ssyncset.done $0x0  }
0x160: {  	[sflag:s14] =	ssyncadd.s32 $0xFFFFD800  }
0x161: {  	s20 =	simm.s32 $0xFFFFF800;
	[bflag:$0x0] =	sbarrier.arrive $0xFFFF  }
.LBB2_3:
0x162: {  	s13 =	sadd.s32 s20, s9  }
0x163: {  	s21 =	sadd.s32 s20, s10;
	s13 =	sadd.s32 $0x900, s13  }
0x164: {  	[tilespmem:s23], [sflag:$0x3] =	stream.linear.gather [hbm4b:s13+s4], $0x800, $0x38;
	[tilespmem:$0x1E000] =	vst v63  }
0x165: {  	s13 =	sadd.s32 $0x900, s21  }
0x166: {  	[tilespmem:s24], [sflag:$0x3] =	stream.linear.gather [hbm4b:s13+s4], $0x800, $0x38;
	[tilespmem:$0x1E000] =	vst v63  }
0x167: {  	_ =	swait.ge [sflag:s25], $0x3E80  }
0x168: {  	[sflag:s25] =	ssyncset.done $0x0  }
0x169: {  	s8 =	simm.s32 $0x800;
	[sflag:s25] =	ssyncadd.s32 $0xFFFFC180  }
0x16a: {  	[spmem:s3] =	stream.indirect.scatter.add.f32 [tilespmem:s17], [sflag:$0x4], $0x80, s8, s16, $0xb8;
	[tilespmem:$0x1E000] =	vst v63  }
0x16b: {  	_ =	swait.ge [sflag:s14], $0x3E80  }
0x16c: {  	[sflag:s14] =	ssyncset.done $0x0  }
0x16d: {  	s22 =	simm.s32 $0x100;
	[sflag:s14] =	ssyncadd.s32 $0xFFFFC180  }
0x16e: {  	[tilespmem:s17], [sflag:$0x1] =	stream.indirect.gather [hbm4b:s1+s16], $0x80, s22, s16, $0xb8;
	[tilespmem:$0x1E000] =	vst v63  }
0x16f: {  	_ =	swait.ge [sflag:s28], $0x3E80  }
0x170: {  	[sflag:s28] =	ssyncset.done $0x0  }
0x171: {  	s13 =	simm.s32 $0x880;
	[sflag:s28] =	ssyncadd.s32 $0xFFFFC180  }
0x172: {  	[spmem:s3] =	stream.indirect.scatter.add.f32 [tilespmem:s19], [sflag:$0x4], $0x80, s13, s16, $0xb8;
	[tilespmem:$0x1E000] =	vst v63  }
0x173: {  	_ =	swait.ge [sflag:s14], $0x3E80  }
0x174: {  	[sflag:s14] =	ssyncset.done $0x0  }
0x175: {  	s21 =	simm.s32 $0x180;
	[sflag:s14] =	ssyncadd.s32 $0xFFFFC180  }
0x176: {  	[tilespmem:s19], [sflag:$0x2] =	stream.indirect.gather [hbm4b:s1+s16], $0x80, s21, s16, $0xb8;
	[tilespmem:$0x1E000] =	vst v63  }
0x177: {  	_ =	swait.ge [sflag:s25], $0x3E80  }
0x178: {  	[sflag:s25] =	ssyncset.done $0x0  }
0x179: {  	s22 =	simm.s32 $0x900;
	[sflag:s25] =	ssyncadd.s32 $0xFFFFC180  }
0x17a: {  	[spmem:s3] =	stream.indirect.scatter.add.f32 [tilespmem:s17], [sflag:$0x4], $0x80, s22, s16, $0xb8;
	[tilespmem:$0x1E000] =	vst v63  }
0x17b: {  	_ =	swait.ge [sflag:s14], $0x3E80  }
0x17c: {  	[sflag:s14] =	ssyncset.done $0x0  }
0x17d: {  	s13 =	simm.s32 $0x200;
	[sflag:s14] =	ssyncadd.s32 $0xFFFFC180  }
0x17e: {  	[tilespmem:s17], [sflag:$0x1] =	stream.indirect.gather [hbm4b:s1+s16], $0x80, s13, s16, $0xb8;
	[tilespmem:$0x1E000] =	vst v63  }
0x17f: {  	_ =	swait.ge [sflag:s28], $0x3E80  }
0x180: {  	[sflag:s28] =	ssyncset.done $0x0  }
0x181: {  	s21 =	simm.s32 $0x980;
	[sflag:s28] =	ssyncadd.s32 $0xFFFFC180  }
0x182: {  	[spmem:s3] =	stream.indirect.scatter.add.f32 [tilespmem:s19], [sflag:$0x4], $0x80, s21, s16, $0xb8;
	[tilespmem:$0x1E000] =	vst v63  }
0x183: {  	_ =	swait.ge [sflag:s14], $0x3E80  }
0x184: {  	[sflag:s14] =	ssyncset.done $0x0  }
0x185: {  	s22 =	simm.s32 $0x280;
	[sflag:s14] =	ssyncadd.s32 $0xFFFFC180  }
0x186: {  	[tilespmem:s19], [sflag:$0x2] =	stream.indirect.gather [hbm4b:s1+s16], $0x80, s22, s16, $0xb8;
	[tilespmem:$0x1E000] =	vst v63  }
0x187: {  	_ =	swait.ge [sflag:s25], $0x3E80  }
0x188: {  	[sflag:s25] =	ssyncset.done $0x0  }
0x189: {  	s13 =	simm.s32 $0xA00;
	[sflag:s25] =	ssyncadd.s32 $0xFFFFC180  }
0x18a: {  	[spmem:s3] =	stream.indirect.scatter.add.f32 [tilespmem:s17], [sflag:$0x4], $0x80, s13, s16, $0xb8;
	[tilespmem:$0x1E000] =	vst v63  }
0x18b: {  	_ =	swait.ge [sflag:s14], $0x3E80  }
0x18c: {  	[sflag:s14] =	ssyncset.done $0x0  }
0x18d: {  	s21 =	simm.s32 $0x300;
	[sflag:s14] =	ssyncadd.s32 $0xFFFFC180  }
0x18e: {  	[tilespmem:s17], [sflag:$0x1] =	stream.indirect.gather [hbm4b:s1+s16], $0x80, s21, s16, $0xb8;
	[tilespmem:$0x1E000] =	vst v63  }
0x18f: {  	_ =	swait.ge [sflag:s28], $0x3E80  }
0x190: {  	[sflag:s28] =	ssyncset.done $0x0  }
0x191: {  	s22 =	simm.s32 $0xA80;
	[sflag:s28] =	ssyncadd.s32 $0xFFFFC180  }
0x192: {  	[spmem:s3] =	stream.indirect.scatter.add.f32 [tilespmem:s19], [sflag:$0x4], $0x80, s22, s16, $0xb8;
	[tilespmem:$0x1E000] =	vst v63  }
0x193: {  	_ =	swait.ge [sflag:s14], $0x3E80  }
0x194: {  	[sflag:s14] =	ssyncset.done $0x0  }
0x195: {  	s13 =	simm.s32 $0x380;
	[sflag:s14] =	ssyncadd.s32 $0xFFFFC180  }
0x196: {  	[tilespmem:s19], [sflag:$0x2] =	stream.indirect.gather [hbm4b:s1+s16], $0x80, s13, s16, $0xb8;
	[tilespmem:$0x1E000] =	vst v63  }
0x197: {  	_ =	swait.ge [sflag:s25], $0x3E80  }
0x198: {  	[sflag:s25] =	ssyncset.done $0x0  }
0x199: {  	s21 =	simm.s32 $0xB00;
	[sflag:s25] =	ssyncadd.s32 $0xFFFFC180  }
0x19a: {  	[spmem:s3] =	stream.indirect.scatter.add.f32 [tilespmem:s17], [sflag:$0x4], $0x80, s21, s16, $0xb8;
	[tilespmem:$0x1E000] =	vst v63  }
0x19b: {  	_ =	swait.ge [sflag:s14], $0x3E80  }
0x19c: {  	[sflag:s14] =	ssyncset.done $0x0  }
0x19d: {  	s22 =	simm.s32 $0x400;
	[sflag:s14] =	ssyncadd.s32 $0xFFFFC180  }
0x19e: {  	[tilespmem:s17], [sflag:$0x1] =	stream.indirect.gather [hbm4b:s1+s16], $0x80, s22, s16, $0xb8;
	[tilespmem:$0x1E000] =	vst v63  }
0x19f: {  	_ =	swait.ge [sflag:s28], $0x3E80  }
0x1a0: {  	[sflag:s28] =	ssyncset.done $0x0  }
0x1a1: {  	s13 =	simm.s32 $0xB80;
	[sflag:s28] =	ssyncadd.s32 $0xFFFFC180  }
0x1a2: {  	[spmem:s3] =	stream.indirect.scatter.add.f32 [tilespmem:s19], [sflag:$0x4], $0x80, s13, s16, $0xb8;
	[tilespmem:$0x1E000] =	vst v63  }
0x1a3: {  	_ =	swait.ge [sflag:s14], $0x3E80  }
0x1a4: {  	[sflag:s14] =	ssyncset.done $0x0  }
0x1a5: {  	s21 =	simm.s32 $0x480;
	[sflag:s14] =	ssyncadd.s32 $0xFFFFC180  }
0x1a6: {  	[tilespmem:s19], [sflag:$0x2] =	stream.indirect.gather [hbm4b:s1+s16], $0x80, s21, s16, $0xb8;
	[tilespmem:$0x1E000] =	vst v63  }
0x1a7: {  	_ =	swait.ge [sflag:s25], $0x3E80  }
0x1a8: {  	[sflag:s25] =	ssyncset.done $0x0  }
0x1a9: {  	s22 =	simm.s32 $0xC00;
	[sflag:s25] =	ssyncadd.s32 $0xFFFFC180  }
0x1aa: {  	[spmem:s3] =	stream.indirect.scatter.add.f32 [tilespmem:s17], [sflag:$0x4], $0x80, s22, s16, $0xb8;
	[tilespmem:$0x1E000] =	vst v63  }
0x1ab: {  	_ =	swait.ge [sflag:s14], $0x3E80  }
0x1ac: {  	[sflag:s14] =	ssyncset.done $0x0  }
0x1ad: {  	s13 =	simm.s32 $0x500;
	[sflag:s14] =	ssyncadd.s32 $0xFFFFC180  }
0x1ae: {  	[tilespmem:s17], [sflag:$0x1] =	stream.indirect.gather [hbm4b:s1+s16], $0x80, s13, s16, $0xb8;
	[tilespmem:$0x1E000] =	vst v63  }
0x1af: {  	_ =	swait.ge [sflag:s28], $0x3E80  }
0x1b0: {  	[sflag:s28] =	ssyncset.done $0x0  }
0x1b1: {  	s21 =	simm.s32 $0xC80;
	[sflag:s28] =	ssyncadd.s32 $0xFFFFC180  }
0x1b2: {  	[spmem:s3] =	stream.indirect.scatter.add.f32 [tilespmem:s19], [sflag:$0x4], $0x80, s21, s16, $0xb8;
	[tilespmem:$0x1E000] =	vst v63  }
0x1b3: {  	_ =	swait.ge [sflag:s14], $0x3E80  }
0x1b4: {  	[sflag:s14] =	ssyncset.done $0x0  }
0x1b5: {  	s22 =	simm.s32 $0x580;
	[sflag:s14] =	ssyncadd.s32 $0xFFFFC180  }
0x1b6: {  	[tilespmem:s19], [sflag:$0x2] =	stream.indirect.gather [hbm4b:s1+s16], $0x80, s22, s16, $0xb8;
	[tilespmem:$0x1E000] =	vst v63  }
0x1b7: {  	_ =	swait.ge [sflag:s25], $0x3E80  }
0x1b8: {  	[sflag:s25] =	ssyncset.done $0x0  }
0x1b9: {  	s13 =	simm.s32 $0xD00;
	[sflag:s25] =	ssyncadd.s32 $0xFFFFC180  }
0x1ba: {  	[spmem:s3] =	stream.indirect.scatter.add.f32 [tilespmem:s17], [sflag:$0x4], $0x80, s13, s16, $0xb8;
	[tilespmem:$0x1E000] =	vst v63  }
0x1bb: {  	_ =	swait.ge [sflag:s14], $0x3E80  }
0x1bc: {  	[sflag:s14] =	ssyncset.done $0x0  }
0x1bd: {  	s21 =	simm.s32 $0x600;
	[sflag:s14] =	ssyncadd.s32 $0xFFFFC180  }
0x1be: {  	[tilespmem:s17], [sflag:$0x1] =	stream.indirect.gather [hbm4b:s1+s16], $0x80, s21, s16, $0xb8;
	[tilespmem:$0x1E000] =	vst v63  }
0x1bf: {  	_ =	swait.ge [sflag:s28], $0x3E80  }
0x1c0: {  	[sflag:s28] =	ssyncset.done $0x0  }
0x1c1: {  	s22 =	simm.s32 $0xD80;
	[sflag:s28] =	ssyncadd.s32 $0xFFFFC180  }
0x1c2: {  	[spmem:s3] =	stream.indirect.scatter.add.f32 [tilespmem:s19], [sflag:$0x4], $0x80, s22, s16, $0xb8;
	[tilespmem:$0x1E000] =	vst v63  }
0x1c3: {  	_ =	swait.ge [sflag:s14], $0x3E80  }
0x1c4: {  	[sflag:s14] =	ssyncset.done $0x0  }
0x1c5: {  	s13 =	simm.s32 $0x680;
	[sflag:s14] =	ssyncadd.s32 $0xFFFFC180  }
0x1c6: {  	[tilespmem:s19], [sflag:$0x2] =	stream.indirect.gather [hbm4b:s1+s16], $0x80, s13, s16, $0xb8;
	[tilespmem:$0x1E000] =	vst v63  }
0x1c7: {  	_ =	swait.ge [sflag:s25], $0x3E80  }
0x1c8: {  	[sflag:s25] =	ssyncset.done $0x0  }
0x1c9: {  	s21 =	simm.s32 $0xE00;
	[sflag:s25] =	ssyncadd.s32 $0xFFFFC180  }
0x1ca: {  	[spmem:s3] =	stream.indirect.scatter.add.f32 [tilespmem:s17], [sflag:$0x4], $0x80, s21, s16, $0xb8;
	[tilespmem:$0x1E000] =	vst v63  }
0x1cb: {  	_ =	swait.ge [sflag:s14], $0x3E80  }
0x1cc: {  	[sflag:s14] =	ssyncset.done $0x0  }
0x1cd: {  	s22 =	simm.s32 $0x700;
	[sflag:s14] =	ssyncadd.s32 $0xFFFFC180  }
0x1ce: {  	[tilespmem:s17], [sflag:$0x1] =	stream.indirect.gather [hbm4b:s1+s16], $0x80, s22, s16, $0xb8;
	[tilespmem:$0x1E000] =	vst v63  }
0x1cf: {  	_ =	swait.ge [sflag:s28], $0x3E80  }
0x1d0: {  	[sflag:s28] =	ssyncset.done $0x0  }
0x1d1: {  	s13 =	simm.s32 $0xE80;
	[sflag:s28] =	ssyncadd.s32 $0xFFFFC180  }
0x1d2: {  	[spmem:s3] =	stream.indirect.scatter.add.f32 [tilespmem:s19], [sflag:$0x4], $0x80, s13, s16, $0xb8;
	[tilespmem:$0x1E000] =	vst v63  }
0x1d3: {  	_ =	swait.ge [sflag:s14], $0x3E80  }
0x1d4: {  	[sflag:s14] =	ssyncset.done $0x0  }
0x1d5: {  	s21 =	simm.s32 $0x780;
	[sflag:s14] =	ssyncadd.s32 $0xFFFFC180  }
0x1d6: {  	[tilespmem:s19], [sflag:$0x2] =	stream.indirect.gather [hbm4b:s1+s16], $0x80, s21, s16, $0xb8;
	[tilespmem:$0x1E000] =	vst v63  }
0x1d7: {  	_ =	swait.ge [sflag:s15], $0x800  }
0x1d8: {  	[sflag:s15] =	ssyncset.done $0x0  }
0x1d9: {  	[sflag:s15] =	ssyncadd.s32 $0xFFFFF800  }
0x1da: {  	_ =	swait.ge [sflag:s15], $0x800  }
0x1db: {  	[sflag:s15] =	ssyncset.done $0x0  }
0x1dc: {  	[sflag:s15] =	ssyncadd.s32 $0xFFFFF800  }
0x1dd: {  	_ =	swait.ge [sflag:s25], $0x3E80  }
0x1de: {  	[sflag:s25] =	ssyncset.done $0x0  }
0x1df: {  	s22 =	simm.s32 $0xF00;
	[sflag:s25] =	ssyncadd.s32 $0xFFFFC180  }
0x1e0: {  	[spmem:s3] =	stream.indirect.scatter.add.f32 [tilespmem:s17], [sflag:$0x4], $0x80, s22, s16, $0xb8;
	[tilespmem:$0x1E000] =	vst v63  }
0x1e1: {  	_ =	swait.ge [sflag:s14], $0x3E80  }
0x1e2: {  	[sflag:s14] =	ssyncset.done $0x0  }
0x1e3: {  	[sflag:s14] =	ssyncadd.s32 $0xFFFFC180  }
0x1e4: {  	[tilespmem:s17], [sflag:$0x1] =	stream.indirect.gather [hbm4b:s1+s16], $0x80, s23, s16, $0xb8;
	[tilespmem:$0x1E000] =	vst v63  }
0x1e5: {  	_ =	swait.ge [sflag:s28], $0x3E80  }
0x1e6: {  	[sflag:s28] =	ssyncset.done $0x0  }
0x1e7: {  	s13 =	simm.s32 $0xF80;
	[sflag:s28] =	ssyncadd.s32 $0xFFFFC180  }
0x1e8: {  	[spmem:s3] =	stream.indirect.scatter.add.f32 [tilespmem:s19], [sflag:$0x4], $0x80, s13, s16, $0xb8;
	[tilespmem:$0x1E000] =	vst v63  }
0x1e9: {  	_ =	swait.ge [sflag:s14], $0x3E80  }
0x1ea: {  	p1 =	seq.s32 s20, $0x0;
	[sflag:s14] =	ssyncset.done $0x0  }
0x1eb: {  	s21 =	simm.s32 $0x1080;
	s13 =	sadd.s32 @!p1 s20, s9;
	[sflag:s14] =	ssyncadd.s32 $0xFFFFC180  }
0x1ec: {  	[tilespmem:s19], [sflag:$0x2] =	stream.indirect.gather [hbm4b:s1+s16], $0x80, s21, s16, $0xb8;
	[tilespmem:$0x1E000] =	vst v63  }
0x1ed: {  	s21 =	sadd.s32 @!p1 $0xA00, s13;
	s13 =	simm.s32 @!p1 $0x0  }
0x1ee: {  	[tilespmem:s13], [sflag:$0x3] =	stream.linear.gather @!p1 [hbm4b:s21+s13], $0x800, $0x38;
	[tilespmem:$0x1E000] =	vst v63  }
0x1ef: {  	s21 =	sadd.s32 @!p1 s20, s10  }
0x1f0: {  	s8 =	simm.s32 @!p1 $0x800;
	s21 =	sadd.s32 @!p1 $0xA00, s21  }
0x1f1: {  	[tilespmem:s8], [sflag:$0x3] =	stream.linear.gather @!p1 [hbm4b:s21+s13], $0x800, $0x38;
	[tilespmem:$0x1E000] =	vst v63  }
0x1f2: {  	_ =	swait.ge [sflag:s25], $0x3E80  }
0x1f3: {  	[sflag:s25] =	ssyncset.done $0x0  }
0x1f4: {  	[sflag:s25] =	ssyncadd.s32 $0xFFFFC180  }
0x1f5: {  	[spmem:s3] =	stream.indirect.scatter.add.f32 [tilespmem:s17], [sflag:$0x4], $0x80, s24, s16, $0xb8;
	[tilespmem:$0x1E000] =	vst v63  }
0x1f6: {  	_ =	swait.ge [sflag:s14], $0x3E80  }
0x1f7: {  	[sflag:s14] =	ssyncset.done $0x0  }
0x1f8: {  	s22 =	simm.s32 $0x1100;
	[sflag:s14] =	ssyncadd.s32 $0xFFFFC180  }
0x1f9: {  	[tilespmem:s17], [sflag:$0x1] =	stream.indirect.gather [hbm4b:s1+s16], $0x80, s22, s16, $0xb8;
	[tilespmem:$0x1E000] =	vst v63  }
0x1fa: {  	_ =	swait.ge [sflag:s28], $0x3E80  }
0x1fb: {  	[sflag:s28] =	ssyncset.done $0x0  }
0x1fc: {  	s21 =	simm.s32 $0x1880;
	[sflag:s28] =	ssyncadd.s32 $0xFFFFC180  }
0x1fd: {  	[spmem:s3] =	stream.indirect.scatter.add.f32 [tilespmem:s19], [sflag:$0x4], $0x80, s21, s16, $0xb8;
	[tilespmem:$0x1E000] =	vst v63  }
0x1fe: {  	_ =	swait.ge [sflag:s14], $0x3E80  }
0x1ff: {  	[sflag:s14] =	ssyncset.done $0x0  }
0x200: {  	s22 =	simm.s32 $0x1180;
	[sflag:s14] =	ssyncadd.s32 $0xFFFFC180  }
0x201: {  	[tilespmem:s19], [sflag:$0x2] =	stream.indirect.gather [hbm4b:s1+s16], $0x80, s22, s16, $0xb8;
	[tilespmem:$0x1E000] =	vst v63  }
0x202: {  	_ =	swait.ge [sflag:s25], $0x3E80  }
0x203: {  	[sflag:s25] =	ssyncset.done $0x0  }
0x204: {  	s21 =	simm.s32 $0x1900;
	[sflag:s25] =	ssyncadd.s32 $0xFFFFC180  }
0x205: {  	[spmem:s3] =	stream.indirect.scatter.add.f32 [tilespmem:s17], [sflag:$0x4], $0x80, s21, s16, $0xb8;
	[tilespmem:$0x1E000] =	vst v63  }
0x206: {  	_ =	swait.ge [sflag:s14], $0x3E80  }
0x207: {  	[sflag:s14] =	ssyncset.done $0x0  }
0x208: {  	s22 =	simm.s32 $0x1200;
	[sflag:s14] =	ssyncadd.s32 $0xFFFFC180  }
0x209: {  	[tilespmem:s17], [sflag:$0x1] =	stream.indirect.gather [hbm4b:s1+s16], $0x80, s22, s16, $0xb8;
	[tilespmem:$0x1E000] =	vst v63  }
0x20a: {  	_ =	swait.ge [sflag:s28], $0x3E80  }
0x20b: {  	[sflag:s28] =	ssyncset.done $0x0  }
0x20c: {  	s21 =	simm.s32 $0x1980;
	[sflag:s28] =	ssyncadd.s32 $0xFFFFC180  }
0x20d: {  	[spmem:s3] =	stream.indirect.scatter.add.f32 [tilespmem:s19], [sflag:$0x4], $0x80, s21, s16, $0xb8;
	[tilespmem:$0x1E000] =	vst v63  }
0x20e: {  	_ =	swait.ge [sflag:s14], $0x3E80  }
0x20f: {  	[sflag:s14] =	ssyncset.done $0x0  }
0x210: {  	s22 =	simm.s32 $0x1280;
	[sflag:s14] =	ssyncadd.s32 $0xFFFFC180  }
0x211: {  	[tilespmem:s19], [sflag:$0x2] =	stream.indirect.gather [hbm4b:s1+s16], $0x80, s22, s16, $0xb8;
	[tilespmem:$0x1E000] =	vst v63  }
0x212: {  	_ =	swait.ge [sflag:s25], $0x3E80  }
0x213: {  	[sflag:s25] =	ssyncset.done $0x0  }
0x214: {  	s21 =	simm.s32 $0x1A00;
	[sflag:s25] =	ssyncadd.s32 $0xFFFFC180  }
0x215: {  	[spmem:s3] =	stream.indirect.scatter.add.f32 [tilespmem:s17], [sflag:$0x4], $0x80, s21, s16, $0xb8;
	[tilespmem:$0x1E000] =	vst v63  }
0x216: {  	_ =	swait.ge [sflag:s14], $0x3E80  }
0x217: {  	[sflag:s14] =	ssyncset.done $0x0  }
0x218: {  	s22 =	simm.s32 $0x1300;
	[sflag:s14] =	ssyncadd.s32 $0xFFFFC180  }
0x219: {  	[tilespmem:s17], [sflag:$0x1] =	stream.indirect.gather [hbm4b:s1+s16], $0x80, s22, s16, $0xb8;
	[tilespmem:$0x1E000] =	vst v63  }
0x21a: {  	_ =	swait.ge [sflag:s28], $0x3E80  }
0x21b: {  	[sflag:s28] =	ssyncset.done $0x0  }
0x21c: {  	s21 =	simm.s32 $0x1A80;
	[sflag:s28] =	ssyncadd.s32 $0xFFFFC180  }
0x21d: {  	[spmem:s3] =	stream.indirect.scatter.add.f32 [tilespmem:s19], [sflag:$0x4], $0x80, s21, s16, $0xb8;
	[tilespmem:$0x1E000] =	vst v63  }
0x21e: {  	_ =	swait.ge [sflag:s14], $0x3E80  }
0x21f: {  	[sflag:s14] =	ssyncset.done $0x0  }
0x220: {  	s22 =	simm.s32 $0x1380;
	[sflag:s14] =	ssyncadd.s32 $0xFFFFC180  }
0x221: {  	[tilespmem:s19], [sflag:$0x2] =	stream.indirect.gather [hbm4b:s1+s16], $0x80, s22, s16, $0xb8;
	[tilespmem:$0x1E000] =	vst v63  }
0x222: {  	_ =	swait.ge [sflag:s25], $0x3E80  }
0x223: {  	[sflag:s25] =	ssyncset.done $0x0  }
0x224: {  	s21 =	simm.s32 $0x1B00;
	[sflag:s25] =	ssyncadd.s32 $0xFFFFC180  }
0x225: {  	[spmem:s3] =	stream.indirect.scatter.add.f32 [tilespmem:s17], [sflag:$0x4], $0x80, s21, s16, $0xb8;
	[tilespmem:$0x1E000] =	vst v63  }
0x226: {  	_ =	swait.ge [sflag:s14], $0x3E80  }
0x227: {  	[sflag:s14] =	ssyncset.done $0x0  }
0x228: {  	s22 =	simm.s32 $0x1400;
	[sflag:s14] =	ssyncadd.s32 $0xFFFFC180  }
0x229: {  	[tilespmem:s17], [sflag:$0x1] =	stream.indirect.gather [hbm4b:s1+s16], $0x80, s22, s16, $0xb8;
	[tilespmem:$0x1E000] =	vst v63  }
0x22a: {  	_ =	swait.ge [sflag:s28], $0x3E80  }
0x22b: {  	[sflag:s28] =	ssyncset.done $0x0  }
0x22c: {  	s21 =	simm.s32 $0x1B80;
	[sflag:s28] =	ssyncadd.s32 $0xFFFFC180  }
0x22d: {  	[spmem:s3] =	stream.indirect.scatter.add.f32 [tilespmem:s19], [sflag:$0x4], $0x80, s21, s16, $0xb8;
	[tilespmem:$0x1E000] =	vst v63  }
0x22e: {  	_ =	swait.ge [sflag:s14], $0x3E80  }
0x22f: {  	[sflag:s14] =	ssyncset.done $0x0  }
0x230: {  	s22 =	simm.s32 $0x1480;
	[sflag:s14] =	ssyncadd.s32 $0xFFFFC180  }
0x231: {  	[tilespmem:s19], [sflag:$0x2] =	stream.indirect.gather [hbm4b:s1+s16], $0x80, s22, s16, $0xb8;
	[tilespmem:$0x1E000] =	vst v63  }
0x232: {  	_ =	swait.ge [sflag:s25], $0x3E80  }
0x233: {  	[sflag:s25] =	ssyncset.done $0x0  }
0x234: {  	s21 =	simm.s32 $0x1C00;
	[sflag:s25] =	ssyncadd.s32 $0xFFFFC180  }
0x235: {  	[spmem:s3] =	stream.indirect.scatter.add.f32 [tilespmem:s17], [sflag:$0x4], $0x80, s21, s16, $0xb8;
	[tilespmem:$0x1E000] =	vst v63  }
0x236: {  	_ =	swait.ge [sflag:s14], $0x3E80  }
0x237: {  	[sflag:s14] =	ssyncset.done $0x0  }
0x238: {  	s22 =	simm.s32 $0x1500;
	[sflag:s14] =	ssyncadd.s32 $0xFFFFC180  }
0x239: {  	[tilespmem:s17], [sflag:$0x1] =	stream.indirect.gather [hbm4b:s1+s16], $0x80, s22, s16, $0xb8;
	[tilespmem:$0x1E000] =	vst v63  }
0x23a: {  	_ =	swait.ge [sflag:s28], $0x3E80  }
0x23b: {  	[sflag:s28] =	ssyncset.done $0x0  }
0x23c: {  	[sflag:s28] =	ssyncadd.s32 $0xFFFFC180  }
0x23d: {  	[spmem:s3] =	stream.indirect.scatter.add.f32 [tilespmem:s19], [sflag:$0x4], $0x80, s18, s16, $0xb8;
	[tilespmem:$0x1E000] =	vst v63  }
0x23e: {  	_ =	swait.ge [sflag:s14], $0x3E80  }
0x23f: {  	[sflag:s14] =	ssyncset.done $0x0  }
0x240: {  	[sflag:s14] =	ssyncadd.s32 $0xFFFFC180  }
0x241: {  	[tilespmem:s19], [sflag:$0x2] =	stream.indirect.gather [hbm4b:s1+s16], $0x80, s26, s16, $0xb8;
	[tilespmem:$0x1E000] =	vst v63  }
0x242: {  	_ =	swait.ge [sflag:s25], $0x3E80  }
0x243: {  	[sflag:s25] =	ssyncset.done $0x0  }
0x244: {  	[sflag:s25] =	ssyncadd.s32 $0xFFFFC180  }
0x245: {  	[spmem:s3] =	stream.indirect.scatter.add.f32 [tilespmem:s17], [sflag:$0x4], $0x80, s29, s16, $0xb8;
	[tilespmem:$0x1E000] =	vst v63  }
0x246: {  	_ =	swait.ge [sflag:s14], $0x3E80  }
0x247: {  	[sflag:s14] =	ssyncset.done $0x0  }
0x248: {  	[sflag:s14] =	ssyncadd.s32 $0xFFFFC180  }
0x249: {  	[tilespmem:s17], [sflag:$0x1] =	stream.indirect.gather [hbm4b:s1+s16], $0x80, s30, s16, $0xb8;
	[tilespmem:$0x1E000] =	vst v63  }
0x24a: {  	_ =	swait.ge [sflag:s28], $0x3E80  }
0x24b: {  	[sflag:s28] =	ssyncset.done $0x0  }
0x24c: {  	[sflag:s28] =	ssyncadd.s32 $0xFFFFC180  }
0x24d: {  	[spmem:s3] =	stream.indirect.scatter.add.f32 [tilespmem:s19], [sflag:$0x4], $0x80, s31, s16, $0xb8;
	[tilespmem:$0x1E000] =	vst v63  }
0x24e: {  	_ =	swait.ge [sflag:s14], $0x3E80  }
0x24f: {  	[sflag:s14] =	ssyncset.done $0x0  }
0x250: {  	[sflag:s14] =	ssyncadd.s32 $0xFFFFC180  }
0x251: {  	[tilespmem:s19], [sflag:$0x2] =	stream.indirect.gather [hbm4b:s1+s16], $0x80, s0, s16, $0xb8;
	[tilespmem:$0x1E000] =	vst v63  }
0x252: {  	_ =	swait.ge [sflag:s25], $0x3E80  }
0x253: {  	[sflag:s25] =	ssyncset.done $0x0  }
0x254: {  	[sflag:s25] =	ssyncadd.s32 $0xFFFFC180  }
0x255: {  	[spmem:s3] =	stream.indirect.scatter.add.f32 [tilespmem:s17], [sflag:$0x4], $0x80, s2, s16, $0xb8;
	[tilespmem:$0x1E000] =	vst v63  }
0x256: {  	_ =	swait.ge [sflag:s14], $0x3E80  }
0x257: {  	[sflag:s14] =	ssyncset.done $0x0  }
0x258: {  	[sflag:s14] =	ssyncadd.s32 $0xFFFFC180  }
0x259: {  	[tilespmem:s17], [sflag:$0x1] =	stream.indirect.gather [hbm4b:s1+s16], $0x80, s6, s16, $0xb8;
	[tilespmem:$0x1E000] =	vst v63  }
0x25a: {  	_ =	swait.ge [sflag:s28], $0x3E80  }
0x25b: {  	[sflag:s28] =	ssyncset.done $0x0  }
0x25c: {  	[sflag:s28] =	ssyncadd.s32 $0xFFFFC180  }
0x25d: {  	[spmem:s3] =	stream.indirect.scatter.add.f32 [tilespmem:s19], [sflag:$0x4], $0x80, s7, s16, $0xb8;
	[tilespmem:$0x1E000] =	vst v63  }
0x25e: {  	_ =	swait.ge [sflag:s14], $0x3E80  }
0x25f: {  	[sflag:s14] =	ssyncset.done $0x0  }
0x260: {  	s8 =	simm.s32 @p1 $0x1;
	[sflag:s14] =	ssyncadd.s32 $0xFFFFC180  }
0x261: {  	[tilespmem:s19], [sflag:$0x2] =	stream.indirect.gather [hbm4b:s1+s16], $0x80, s11, s16, $0xb8;
	[tilespmem:$0x1E000] =	vst v63  }
0x262: {  	_ =	swait.ge @p1 [sflag:s8], $0x3E80  }
0x263: {  	s21 =	simm.s32 @p1 $0x1F00;
	[sflag:s8] =	ssyncset.done @p1 $0x0  }
0x264: {  	s22 =	simm.s32 @p1 $0x2000;
	[sflag:s8] =	ssyncadd.s32 @p1 $0xFFFFC180;
	s8 =	simm.s32 @p1 $0x7D  }
0x265: {  	[spmem:s3] =	stream.indirect.scatter.add.f32 @p1 [tilespmem:s22], [sflag:$0x4], $0x80, s21, s8, $0xb8;
	[tilespmem:$0x1E000] =	vst v63  }
0x266: {  	s8 =	simm.s32 @p1 $0x4  }
0x267: {  	_ =	swait.ge @p1 [sflag:s8], $0x3E80  }
0x268: {  	[sflag:s8] =	ssyncset.done @p1 $0x0  }
0x269: {  	[sflag:s8] =	ssyncadd.s32 @p1 $0xFFFFC180;
	s8 =	simm.s32 @!p1 $0x3  }
0x26a: {  	_ =	swait.ge @!p1 [sflag:s8], $0x800  }
0x26b: {  	[sflag:s8] =	ssyncset.done @!p1 $0x0  }
0x26c: {  	[sflag:s8] =	ssyncadd.s32 @!p1 $0xFFFFF800  }
0x26d: {  	_ =	swait.ge @!p1 [sflag:s8], $0x800  }
0x26e: {  	[sflag:s8] =	ssyncset.done @!p1 $0x0  }
0x26f: {  	[sflag:s8] =	ssyncadd.s32 @!p1 $0xFFFFF800;
	s8 =	simm.s32 @!p1 $0x1  }
0x270: {  	_ =	swait.ge @!p1 [sflag:s8], $0x3E80  }
0x271: {  	s21 =	simm.s32 @!p1 $0x1F00;
	[sflag:s8] =	ssyncset.done @!p1 $0x0  }
0x272: {  	s22 =	simm.s32 @!p1 $0x2000;
	[sflag:s8] =	ssyncadd.s32 @!p1 $0xFFFFC180;
	s8 =	simm.s32 @!p1 $0x7D  }
0x273: {  	[spmem:s3] =	stream.indirect.scatter.add.f32 @!p1 [tilespmem:s22], [sflag:$0x4], $0x80, s21, s8, $0xb8;
	[tilespmem:$0x1E000] =	vst v63  }
0x274: {  	s21 =	simm.s32 @!p1 $0x4  }
0x275: {  	_ =	swait.ge @!p1 [sflag:s21], $0x3E80  }
0x276: {  	[sflag:s21] =	ssyncset.done @!p1 $0x0  }
0x277: {  	[sflag:s21] =	ssyncadd.s32 @!p1 $0xFFFFC180  }
0x278: {  	[tilespmem:s22], [sflag:$0x1] =	stream.indirect.gather @!p1 [hbm4b:s1+s8], $0x80, s13, s8, $0xb8;
	[tilespmem:$0x1E000] =	vst v63  }
0x279: {  	_ =	swait.ge [sflag:s28], $0x3E80  }
0x27a: {  	[sflag:s28] =	ssyncset.done $0x0  }
.Ltmp5:
0x27b: {  	[sflag:s28] =	ssyncadd.s32 $0xFFFFC180;
	(pc) =	sbr.rel @p1 .LBB2_4-.Ltmp5, $4  }
0x27c: {  	[spmem:s3] =	stream.indirect.scatter.add.f32 [tilespmem:s19], [sflag:$0x4], $0x80, s12, s16, $0xb8;
	[tilespmem:$0x1E000] =	vst v63  }
0x27d: {  	_ =	swait.ge [sflag:s14], $0x3E80  }
0x27e: {  	[sflag:s14] =	ssyncset.done $0x0  }
0x27f: {  	[sflag:s14] =	ssyncadd.s32 $0xFFFFC180  }
.Ltmp6:
0x280: {  	(pc) =	sbr.rel .LBB2_3-.Ltmp6, $3  }
0x281: {  	_ =	sdelay $0x1  }
0x282: {  	s8 =	simm.s32 $0x80;
	s20 =	sadd.s32 $0x200, s20  }
0x283: {  	[tilespmem:s19], [sflag:$0x2] =	stream.indirect.gather [hbm4b:s1+s16], $0x80, s8, s16, $0xb8;
	[tilespmem:$0x1E000] =	vst v63  }
.LBB2_4:
.Ltmp7:
0x284: {  	(pc) =	sbr.rel .LBB2_9-.Ltmp7, $4  }
0x285: {  	_ = 	snop  }
0x286: {  	s13 =	rddreg [dreg:$0x4]  }
0x287: {  	s21 =	rddreg [dreg:$0xd]  }
0x288: {  	s22 =	rddreg [dreg:$0xe]  }
.LBB2_10:
0x289: {  	_ =	sfence.sel $0x180000  }
0x28a: {  	[bflag:$0x0] =	sbarrier.arrive $0xFFFF  }
0x28b: {  	_ =	strace $0x9000004D  }
0x28c: {  	s0 =	stileid.u32;
	[bflag:$0x2] =	sbarrier.arrive $0xFFFF  }
0x28d: {  	p0 =	sne.s32 s0, $0x0;
	s0 =	rddreg [dreg:$0x3]  }
0x28e: {  	s0 =	sadd.s32 @!p0 $0x100000, s0  }
0x28f: {  	[sflag:s0] =	ssyncadd.tile.s32 @!p0 $0x1;
	_ =	shalt  }
.Lfunc_end2:
_tile_overlayer_lowered:
.L_overlay_start_2:
0x290: {  	(tag) =	ssettag $0x2  }
0x291: {  	s0 =	rddreg [dreg:$0x0];
	s2 =	stileid.u32  }
0x292: {  	s1 =	rddreg [dreg:$0x1];
	p0 =	sne.s32 s2, $0x0  }
0x293: {  	s3 =	rddreg [dreg:$0x2];
	[bflag:$0x3] =	sbarrier.arrive $0xFFFF;
	s2 =	simm.s32 @!p0 $0x1C04  }
0x294: {  	[timem:s3], [sflag:s2] =	dma.local @!p0 [hbm:s0], s1  }
0x295: {  	s0 =	simm.s32 @!p0 $0x4  }
0x296: {  	_ =	swait.ge @!p0 [sflag:s0], s1  }
0x297: {  	s1 =	ssub.s32 @!p0 $0x0, s1;
	[sflag:s0] =	ssyncset.done @!p0 $0x0  }
0x298: {  	[sflag:s0] =	ssyncadd.s32 @!p0 s1  }
0x299: {  	[bflag:$0x3] =	sbarrier.arrive $0xFFFF  }
0x29a: {  	_ =	shalt  }

// kernel: kernel.8.cloned.1.call-start
scs
__scs_entry_jumppad:
0x0: {  	(pc) =	sbr.rel $0x88, $3  }
0x1: {  	(tag) =	ssettag $0x0;
	lr =	simm.s32 $0x1  }
0x2: {  	[smem:$0x3F8F] =	sst lr;
	_ =	strace $0xD0000000  }
0x3: {  	_ = 	snop  }
0x4: {  	_ = 	snop  }
0x5: {  	_ = 	snop  }
0x6: {  	_ = 	snop  }
0x7: {  	_ = 	snop  }
__scs_overlays_trampoline_lowered:
0x8: {  	[smem:$0x3F9E] =	sst s0  }
0x9: {  	[smem:$0x3F9F] =	sst s1  }
0xa: {  	[smem:$0x3FA0] =	sst s2  }
0xb: {  	[smem:$0x3FA1] =	sst s3  }
0xc: {  	[smem:$0x3FA2] =	sst s4  }
0xd: {  	[smem:$0x3FA3] =	sst s5  }
0xe: {  	[smem:$0x3FA4] =	sst s6  }
0xf: {  	[smem:$0x3FA5] =	sst s7  }
0x10: {  	[smem:$0x3FA6] =	sst s8  }
0x11: {  	[smem:$0x3FA7] =	sst s9;
	s0 =	simm.s32 @!p0 $0x0  }
0x12: {  	s1 =	sld [smem:$0x3F8D];
	s0 =	simm.s32 @p0 $0x1  }
0x13: {  	[smem:$0x3FA8] =	sst s0;
	s0 =	simm.s32 @!p1 $0x0  }
0x14: {  	s2 =	sld [smem:$0x3F8C];
	s0 =	simm.s32 @p1 $0x1  }
0x15: {  	[smem:$0x3FA9] =	sst s0;
	s0 =	simm.s32 @!p2 $0x0  }
0x16: {  	s3 =	sld [smem:$0x3FDB];
	s0 =	simm.s32 @p2 $0x1  }
0x17: {  	s4 =	simm.s32 $0x1BF5;
	[smem:$0x3FAB] =	sst s0  }
0x18: {  	s0 =	sld [smem:$0x3F8E];
	_ =	swait.ge [sflag:s4], $0x0  }
0x19: {  	s7 =	sld [smem:$0x3F8F]  }
0x1a: {  	s8 =	sadd.s32 $0xFFFFE003, lr  }
0x1b: {  	s9 =	sadd.s32 $0xFFFFFEF7, lr;
	s5 =	simm.s32 $0xFFFFFFFF;
	p2 =	slt.u32 s8, $0xFFFFF086  }
0x1c: {  	p1 =	slt.u32 s9, $0xF7A;
	s5 =	simm.s32 @!p2 $0x0  }
0x1d: {  	s5 =	simm.s32 @p1 $0x1;
	p0 =	seq.s32 s7, s2  }
0x1e: {  	s7 =	smul.u32 @!p0 $0xF7A, s2;
	p2 =	seq.s32 @!p0 s5, $0x0  }
0x1f: {  	s9 =	smul.u32 $0xF7A, s1;
	s8 =	simm.s32 @!p0 $0x1BF5;
	p2 =	por !p2, p0  }
0x20: {  	[sflag:s8] =	ssyncset.s32 @!p0 $0xFFFFF086;
	s6 =	sadd.s32 @!p0 s3, s7;
	s7 =	simm.s32 @!p0 $0x108  }
0x21: {  	s3 =	sadd.s32 s3, s9;
	s6 =	sadd.s32 @!p0 $0x88, s6;
	s7 =	simm.s32 @p2 $0x1082  }
0x22: {  	[simem:s7], [sflag:s8] =	dma.local @!p0 [hbm:s6], $0xF7A  }
0x23: {  	s9 =	sor.u32 $0xD0000000, s2;
	s6 =	simm.s32 $0x108;
	_ =	swait.ge @!p0 [sflag:s8], $0x0  }
0x24: {  	s3 =	sadd.s32 $0x88, s3;
	s6 =	simm.s32 @!p1 $0x1082;
	[sflag:s4] =	ssyncset.s32 $0xFFFFF086  }
0x25: {  	[simem:s6], [sflag:s4] =	dma.local [hbm:s3], $0xF7A  }
0x26: {  	[smem:$0x3F8F] =	sst s1;
	(tag) =	ssettag s2;
	_ =	strace s9  }
0x27: {  	s1 =	sld [smem:$0x3F9F]  }
0x28: {  	s2 =	sld [smem:$0x3FA0]  }
0x29: {  	s4 =	sld [smem:$0x3FA2]  }
0x2a: {  	p0 =	seq.s32 s5, $0x0;
	s5 =	sld [smem:$0x3FA3]  }
0x2b: {  	s6 =	sld [smem:$0x3FA4]  }
0x2c: {  	s7 =	sld [smem:$0x3FA5]  }
0x2d: {  	s3 =	simm.s32 $0x108;
	s8 =	sld [smem:$0x3FA6]  }
0x2e: {  	s3 =	simm.s32 @!p0 $0x1082;
	s9 =	sld [smem:$0x3FA7]  }
0x2f: {  	lr =	sadd.s32 s0, s3;
	s0 =	sld [smem:$0x3F9E]  }
0x30: {  	s3 =	sld [smem:$0x3FA1]  }
0x31: {  	[smem:$0x3FAA] =	sst s10  }
0x32: {  	s10 =	sld [smem:$0x3FA8];
	_ =	sdelay $0x3  }
0x33: {  	p0 =	seq.s32 s10, $0x1;
	s10 =	sld [smem:$0x3FAA];
	_ =	sdelay $0x3  }
0x34: {  	[smem:$0x3FAA] =	sst s10  }
0x35: {  	s10 =	sld [smem:$0x3FA9];
	_ =	sdelay $0x3  }
0x36: {  	p1 =	seq.s32 s10, $0x1;
	s10 =	sld [smem:$0x3FAA];
	_ =	sdelay $0x3  }
0x37: {  	[smem:$0x3FAA] =	sst s10  }
0x38: {  	s10 =	sld [smem:$0x3FAB]  }
0x39: {  	_ = 	snop;
	(pc) =	sbr.ind lr, $3  }
0x3a: {  	_ = 	snop  }
0x3b: {  	_ = 	snop  }
0x3c: {  	p2 =	seq.s32 s10, $0x1;
	s10 =	sld [smem:$0x3FAA]  }
0x3d: {  	_ =	shalt  }
0x3e: {  	_ =	shalt  }
0x3f: {  	_ =	shalt  }
0x40: {  	_ =	shalt  }
0x41: {  	_ =	shalt  }
0x42: {  	_ =	shalt  }
0x43: {  	_ =	shalt  }
0x44: {  	_ =	shalt  }
0x45: {  	_ =	shalt  }
0x46: {  	_ =	shalt  }
0x47: {  	_ =	shalt  }
0x48: {  	_ =	shalt  }
0x49: {  	_ =	shalt  }
0x4a: {  	_ =	shalt  }
0x4b: {  	_ =	shalt  }
0x4c: {  	_ =	shalt  }
0x4d: {  	_ =	shalt  }
0x4e: {  	_ =	shalt  }
0x4f: {  	_ =	shalt  }
0x50: {  	_ =	shalt  }
0x51: {  	_ =	shalt  }
0x52: {  	_ =	shalt  }
0x53: {  	_ =	shalt  }
0x54: {  	_ =	shalt  }
0x55: {  	_ =	shalt  }
0x56: {  	_ =	shalt  }
0x57: {  	_ =	shalt  }
0x58: {  	_ =	shalt  }
0x59: {  	_ =	shalt  }
0x5a: {  	_ =	shalt  }
0x5b: {  	_ =	shalt  }
0x5c: {  	_ =	shalt  }
0x5d: {  	_ =	shalt  }
0x5e: {  	_ =	shalt  }
0x5f: {  	_ =	shalt  }
0x60: {  	_ =	shalt  }
0x61: {  	_ =	shalt  }
0x62: {  	_ =	shalt  }
0x63: {  	_ =	shalt  }
0x64: {  	_ =	shalt  }
0x65: {  	_ =	shalt  }
0x66: {  	_ =	shalt  }
0x67: {  	_ =	shalt  }
0x68: {  	_ =	shalt  }
0x69: {  	_ =	shalt  }
0x6a: {  	_ =	shalt  }
0x6b: {  	_ =	shalt  }
0x6c: {  	_ =	shalt  }
0x6d: {  	_ =	shalt  }
0x6e: {  	_ =	shalt  }
0x6f: {  	_ =	shalt  }
0x70: {  	_ =	shalt  }
0x71: {  	_ =	shalt  }
0x72: {  	_ =	shalt  }
0x73: {  	_ =	shalt  }
0x74: {  	_ =	shalt  }
0x75: {  	_ =	shalt  }
0x76: {  	_ =	shalt  }
0x77: {  	_ =	shalt  }
0x78: {  	_ =	shalt  }
0x79: {  	_ =	shalt  }
0x7a: {  	_ =	shalt  }
0x7b: {  	_ =	shalt  }
0x7c: {  	_ =	shalt  }
0x7d: {  	_ =	shalt  }
0x7e: {  	_ =	shalt  }
0x7f: {  	_ =	shalt  }
0x80: {  	_ =	shalt  }
0x81: {  	_ =	shalt  }
0x82: {  	_ =	shalt  }
0x83: {  	_ =	shalt  }
0x84: {  	_ =	shalt  }
0x85: {  	_ =	shalt  }
0x86: {  	_ =	shalt  }
0x87: {  	_ =	shalt  }
.Lfunc_end0:
.L_simem_size_0:
called_computation_lowered:
.L_overlay_start_0:
0x88: {  	s2 =	sld [smem:$0x3FD9]  }
0x89: {  	s3 =	sld [smem:$0x3FFE];
	_ =	sdelay $0x1  }
0x8a: {  	s1 =	srdreg.scid  }
0x8b: {  	s0 =	sand.u32 $0x1, s1  }
0x8c: {  	s16 =	sshll.u32 s0, $0xA;
	s2 =	sadd.s32 s3, s2  }
0x8d: {  	s2 =	sadd.s32 s2, s16  }
0x8e: {  	[smem:$0x3FB6] =	sst s2  }
0x8f: {  	_ = 	snop  }
0x90: {  	(tm) =	ssettm $0x1  }
0x91: {  	s17 =	sld [smem:$0x3FFB];
	_ =	sdelay $0x3  }
0x92: {  	_ =	strace s17  }
0x93: {  	s2 =	sld [smem:$0x3FFC];
	_ =	sdelay $0x3  }
0x94: {  	_ =	strace s2  }
0x95: {  	s2 =	sld [smem:$0x3FFD];
	_ =	sdelay $0x3  }
0x96: {  	_ =	strace s2  }
0x97: {  	_ =	strace $0x8FFFFFFF  }
0x98: {  	s18 =	sld [smem:$0x3FDB];
	_ =	sdelay $0x1  }
0x99: {  	s19 =	simm.s32 $_scs_section_size  }
0x9a: {  	s4 =	simm.s32 $_size__tile_overlayer_lowered;
	s5 =	simm.s32 $_tile_overlayer_lowered  }
0x9b: {  	s22 =	simm.s32 $0x1BFF;
	s21 =	sshll.u32 s5, $0x1;
	s2 =	sadd.s32 s19, s18  }
0x9c: {  	s6 =	simm.s32 $0x0;
	s20 =	sshll.u32 s4, $0x1;
	s4 =	sadd.s32 s21, s2  }
0x9d: {  	[timem:s6], [sflag:s22] =	dma.local [hbm:s4], s20  }
0x9e: {  	_ =	swait.ge [sflag:s22], s20  }
0x9f: {  	s3 =	ssub.s32 $0x0, s20;
	[sflag:s22] =	ssyncset.done $0x0  }
0xa0: {  	[sflag:s22] =	ssyncadd.s32 s3;
	_ =	sdelay $0x1  }
0xa1: {  	s23 =	simm.s32 $0x1B8B  }
0xa2: {  	_ =	swait.ge [sflag:s23], $0x1  }
0xa3: {  	[sflag:s23] =	ssyncset.done $0x0  }
0xa4: {  	s25 =	simm.s32 $0x1B8E;
	s24 =	sld [smem:$0x3FFE];
	[sflag:s23] =	ssyncadd.s32 $0xFFFFFFFF  }
0xa5: {  	s26 =	simm.s32 $execute0_lowered;
	[smem:$0x3FD2] =	sst s25  }
0xa6: {  	s4 =	sshll.u32 s26, $0x1;
	_ =	strace $0x80000046;
	[dreg:$0x1] =	wrdreg $0xFFFFFFFF  }
0xa7: {  	s28 =	simm.s32 $_size_execute0_lowered;
	s2 =	sadd.s32 s2, s4;
	[dreg:$0x0] =	wrdreg $0x0  }
0xa8: {  	s4 =	sshll.u32 s28, $0x1;
	[dreg:$0x2] =	wrdreg s2  }
0xa9: {  	[dreg:$0x3] =	wrdreg s4  }
0xaa: {  	[dreg:$0x4] =	wrdreg $0xC0  }
0xab: {  	_ =	task [dreg:s6], $0x5FFFF  }
0xac: {  	[dreg:$0x1] =	wrdreg $0xFFFFFFFF  }
0xad: {  	[dreg:$0x0] =	wrdreg $0x60  }
0xae: {  	[dreg:$0x2] =	wrdreg s24  }
0xaf: {  	[dreg:$0x3] =	wrdreg $0x2FD00  }
0xb0: {  	[dreg:$0x4] =	wrdreg $0x9  }
0xb1: {  	_ =	task.clear_ibuf [dreg:s6], $0x5FFFF;
	_ =	strace $0x90000046  }
0xb2: {  	s29 =	simm.s32 $0x9;
	_ =	strace $0x80000048  }
0xb3: {  	_ =	swait.ge [sflag:s29], $0x1  }
0xb4: {  	[sflag:s29] =	ssyncadd.s32 $0xFFFFFFFF  }
0xb5: {  	_ =	strace $0x90000048  }
0xb6: {  	_ =	sfence  }
0xb7: {  	s30 =	sld [smem:$0x0];
	_ =	sdelay $0x2  }
0xb8: {  	s31 =	sshll.u32 s1, $0xD;
	s1 =	sshrl.u32 s1, $0x2  }
0xb9: {  	s3 =	sand.u32 $0x4000, s31;
	s1 =	sadd.s32 s1, s30  }
0xba: {  	s0 =	sor.u32 s3, s0;
	s1 =	sshll.u32 s1, $0x11  }
0xbb: {  	s0 =	sor.u32 s1, s0  }
0xbc: {  	s0 =	sadd.s32 $0x8F2B, s0  }
0xbd: {  	[sflag:s0] =	ssyncadd.remote.s32 $0x1  }
0xbe: {  	_ =	sfence.sel $0xFFFF  }
0xbf: {  	[dreg:$0x0] =	wrdreg $0xFFFFFFFF;
	(pc) =	sbr.abs _section_cstart, $3  }
0xc0: {  	[dreg:$0x1] =	wrdreg $0xFFFFFFFF  }
0xc1: {  	_ =	task.clear_ibuf [dreg:s6], $0x2FFFF;
	_ =	strace $0x9FFFFFFF  }
0xc2: {  	(tm) =	ssettm $0x7FFFFFFF  }
0xc3: {  	_ =	shalt  }
tec
execute0_lowered:
.L_overlay_start_1:
0x0: {  	(tag) =	ssettag $0x1  }
0x1: {  	s5 =	rddreg [dreg:$0x0];
	s0 =	srdreg.scid  }
0x2: {  	s2 =	rddreg [dreg:$0x1];
	s1 =	stileid.u32;
	s3 =	simm.s32 $0x0  }
0x3: {  	s13 =	simm.s32 $0x7D;
	s14 =	simm.s32 $0x0;
	s7 =	smul.u32 $0x500, s1  }
0x4: {  	s6 =	sand.u32 $0x1, s0;
	s0 =	rddreg [dreg:$0x2];
	s8 =	smul.u32 $0x2800, s1  }
0x5: {  	[smem:$0x7FF] =	sst s3;
	s31 =	sshll.u32 s1, $0x6;
	s4 =	smul.u32 $0x5000, s6  }
0x6: {  	_ =	strace $0x80000047;
	s30 =	ssub.s32 $0x2, s6;
	p0 =	seq.s32 s6, $0x1  }
0x7: {  	s10 =	sshrl.u32 s8, $0x3;
	s11 =	sshrl.u32 s30, $0x1;
	s12 =	sadd.s32 s8, s2  }
0x8: {  	s4 =	sadd.s32 s7, s4;
	s10 =	sadd.s32 s10, s5;
	s7 =	ssub.s32 s30, s11  }
0x9: {  	s11 =	sor.u32 $0x1C01, s31;
	s12 =	sshrl.u32 s12, $0x3;
	s9 =	sadd.s32 s4, s5  }
0xa: {  	s4 =	sadd.s32 $0x1A400, s5;
	s5 =	sadd.s32 $0x10400, s9;
	s9 =	simm.s32 $0x1F600  }
0xb: {  	s6 =	sadd.s32 $0x1A600, s10;
	s7 =	smax.u32 s7, $0x1;
	s9 =	simm.s32 @!p0 $0x24600  }
0xc: {  	s8 =	sadd.s32 s9, s10;
	s9 =	simm.s32 $0x2800;
	s10 =	simm.s32 $0x1  }
.LBB2_1:
0xd: {  	[tilespmem:s9], [sflag:$0x1] =	stream.linear.gather [hbm4b:s4+s3], $0x7D0, $0x38;
	[tilespmem:$0x57D0] =	vst v63  }
0xe: {  	_ =	swait.ge [sflag:s10], $0x7D0  }
0xf: {  	[sflag:s10] =	ssyncset.done $0x0  }
0x10: {  	[sflag:s10] =	ssyncadd.s32 $0xFFFFF830  }
0x11: {  	[tilespmem:s3], [sflag:$0x1] =	stream.linear.gather [hbm4b:s5+s3], $0x2800, $0x38;
	[tilespmem:$0x57D0] =	vst v63  }
0x12: {  	_ =	swait.ge [sflag:s10], $0x2800  }
0x13: {  	[sflag:s10] =	ssyncset.done $0x0  }
0x14: {  	[sflag:s10] =	ssyncadd.s32 $0xFFFFD800  }
0x15: {  	[spmem:s12], [sflag:s11] =	dma.local [hbm:s6], $0x500  }
0x16: {  	_ =	swait.ge [sflag:s10], $0x500  }
0x17: {  	[sflag:s10] =	ssyncset.done $0x0  }
0x18: {  	[sflag:s10] =	ssyncadd.s32 $0xFFFFFB00  }
0x19: {  	s15 =	simm.s32 $0x0;
	[bflag:$0x0] =	sbarrier.arrive $0xFFFF  }
0x1a: {  	[spmem:s2] =	stream.indirect.scatter.add.f32 [tilespmem:s9], [sflag:$0x1], $0x10, s15, s13, $0xb8;
	[tilespmem:$0x57D0] =	vst v63  }
0x1b: {  	_ =	swait.ge [sflag:s10], $0x7D0  }
0x1c: {  	s15 =	simm.s32 $0x200;
	[sflag:s10] =	ssyncset.done $0x0  }
.LBB2_2:
0x1d: {  	s16 =	sshra.s32 s15, $0x2;
	[sflag:s10] =	ssyncadd.s32 $0xFFFFF830;
	p0 =	sne.s32 s15, $0x9E00  }
0x1e: {  	[spmem:s2] =	stream.indirect.scatter.add.f32 [tilespmem:s9], [sflag:$0x1], $0x10, s16, s13, $0xb8;
	[tilespmem:$0x57D0] =	vst v63  }
.Ltmp0:
0x1f: {  	_ = 	snop;
	(pc) =	sbr.rel @p0 .LBB2_2-.Ltmp0, $4  }
0x20: {  	_ = 	snop  }
0x21: {  	s15 =	sadd.s32 $0x200, s15  }
0x22: {  	_ =	swait.ge [sflag:s10], $0x7D0  }
0x23: {  	[sflag:s10] =	ssyncset.done $0x0  }
0x24: {  	s14 =	sadd.s32 $0x1, s14  }
0x25: {  	[sflag:s10] =	ssyncadd.s32 $0xFFFFF830;
	p0 =	sne.s32 s14, s7  }
.Ltmp1:
0x26: {  	[bflag:$0x0] =	sbarrier.arrive $0xFFFF;
	(pc) =	sbr.rel @p0 .LBB2_1-.Ltmp1, $4  }
0x27: {  	[hbm:s8], [sflag:s11] =	dma.local [spmem:s12], $0x500  }
0x28: {  	_ =	swait.ge [sflag:s10], $0x500  }
0x29: {  	[sflag:s10] =	ssyncset.done $0x0  }
0x2a: {  	[sflag:s10] =	ssyncadd.s32 $0xFFFFFB00  }
0x2b: {  	_ =	sfence.sel $0x180000  }
0x2c: {  	[bflag:$0x0] =	sbarrier.arrive $0xFFFF  }
0x2d: {  	p0 =	sne.s32 s1, $0x0;
	_ =	strace $0x90000047  }
0x2e: {  	s0 =	sadd.s32 @!p0 $0x100000, s0;
	[bflag:$0x2] =	sbarrier.arrive $0xFFFF  }
0x2f: {  	[sflag:s0] =	ssyncadd.tile.s32 @!p0 $0x1;
	_ =	shalt  }
.Lfunc_end2:
_tile_overlayer_lowered:
.L_overlay_start_2:
0x30: {  	(tag) =	ssettag $0x2  }
0x31: {  	s0 =	rddreg [dreg:$0x0];
	s2 =	stileid.u32  }
0x32: {  	s1 =	rddreg [dreg:$0x1];
	p0 =	sne.s32 s2, $0x0  }
0x33: {  	s3 =	rddreg [dreg:$0x2];
	[bflag:$0x3] =	sbarrier.arrive $0xFFFF;
	s2 =	simm.s32 @!p0 $0x1C01  }
0x34: {  	[timem:s3], [sflag:s2] =	dma.local @!p0 [hbm:s0], s1  }
0x35: {  	s0 =	simm.s32 @!p0 $0x1  }
0x36: {  	_ =	swait.ge @!p0 [sflag:s0], s1  }
0x37: {  	s1 =	ssub.s32 @!p0 $0x0, s1;
	[sflag:s0] =	ssyncset.done @!p0 $0x0  }
0x38: {  	[sflag:s0] =	ssyncadd.s32 @!p0 s1  }
0x39: {  	[bflag:$0x3] =	sbarrier.arrive $0xFFFF  }
0x3a: {  	_ =	shalt  }

</sc_bundles>
